<compile_context>
chip_gen: v7x
topology: tpu7x:2x2x1
jax: 0.10.2.dev20260603
libtpu: 0.0.44.dev20260713+nightly
codegen_flags: <defaults>
</compile_context>

<pallas_src>
import functools

import jax
import jax.numpy as jnp
from jax import lax
from jax.experimental import pallas as pl
from jax.experimental.pallas import tpu as pltpu
from jax.experimental.pallas import tpu_sc as plsc

K_NB = 16
_BIG = 1e9
_L = 16
_CHK = 64
_PAD = 128


def _prep_kernel(x_ref, xe_ref):
    x = x_ref[0]
    xt = jnp.transpose(x)
    nrm = jnp.sqrt(jnp.sum(xt * xt, axis=1, keepdims=True))
    xn = xt * (1.0 / jnp.maximum(nrm, 1e-12))
    sq = jnp.sum(xn * xn, axis=1, keepdims=True)
    g = lax.dot_general(xn, xn, (((1,), (1,)), ((), ())),
                        preferred_element_type=jnp.float32)
    d2 = sq + jnp.transpose(sq) - 2.0 * g
    d2 = jnp.maximum(d2, 0.0)
    N = d2.shape[0]
    rowid = lax.broadcasted_iota(jnp.int32, (N, N), 0)
    colid = lax.broadcasted_iota(jnp.int32, (N, N), 1)
    d2 = jnp.where(rowid == colid, _BIG, d2)
    rows = []
    for _ in range(K_NB):
        m = jnp.min(d2, axis=0, keepdims=True)
        cand = jnp.where(d2 == m, rowid, N)
        first = jnp.min(cand, axis=0, keepdims=True)
        rows.append(first)
        d2 = jnp.where(rowid == first, _BIG, d2)
    nnf = jnp.transpose(
        jnp.concatenate(rows, axis=0).astype(jnp.float32))
    pad = jnp.zeros((N, _PAD - K_NB), jnp.float32)
    xe_ref[0] = jnp.concatenate([xn, nnf, pad], axis=1)


def _knn_sc_kernel(xe_hbm, md_hbm, xnt_v, idx_v, md_v, *, n, c):
    nc = 2
    b = lax.axis_index("s") * nc + lax.axis_index("c")
    pltpu.sync_copy(xe_hbm.at[b, :, pl.ds(0, c)], xnt_v)
    pltpu.sync_copy(xe_hbm.at[b, :, pl.ds(c, K_NB)], idx_v)
    ncc = c // _L
    nh = ncc // 2

    def chunk_body(ch, carry0):
        def row_body(il, carry1):
            i = ch * _CHK + il
            idxv = idx_v[i, :].astype(jnp.int32)
            for h in range(2):
                lo = h * nh
                mx = [xnt_v[i, pl.ds((lo + cc) * _L, _L)] for cc in range(nh)]
                mn = list(mx)
                for t in range(K_NB):
                    jsc = idxv[t]
                    for cc in range(nh):
                        nb = xnt_v[jsc, pl.ds((lo + cc) * _L, _L)]
                        mx[cc] = jnp.maximum(mx[cc], nb)
                        mn[cc] = jnp.minimum(mn[cc], nb)
                for cc in range(nh):
                    xi = xnt_v[i, pl.ds((lo + cc) * _L, _L)]
                    md_v[il, pl.ds((lo + cc) * _L, _L)] = jnp.maximum(
                        mx[cc] - xi, xi - mn[cc])
            return carry1

        lax.fori_loop(0, _CHK, row_body, 0)
        pltpu.sync_copy(md_v, md_hbm.at[b, pl.ds(ch * _CHK, _CHK)])
        return carry0

    lax.fori_loop(0, n // _CHK, chunk_body, 0)


def _conv_kernel(we_ref, wo_ref, bias_ref, xe_ref, md_ref,
                 y_ref, s1_ref, s2_ref, *, c):
    b = pl.program_id(0)
    xnb = xe_ref[0][:, :c].astype(jnp.bfloat16)
    mdb = md_ref[0].astype(jnp.bfloat16)
    y = lax.dot_general(we_ref[...], xnb, (((1,), (1,)), ((), ())),
                        preferred_element_type=jnp.float32)
    y = y + lax.dot_general(wo_ref[...], mdb, (((1,), (1,)), ((), ())),
                            preferred_element_type=jnp.float32)
    y = y + bias_ref[...]
    y_ref[0] = y
    ps1 = jnp.sum(y, axis=1, keepdims=True)
    ps2 = jnp.sum(y * y, axis=1, keepdims=True)

    @pl.when(b == 0)
    def _():
        s1_ref[...] = ps1
        s2_ref[...] = ps2

    @pl.when(b != 0)
    def _():
        s1_ref[...] += ps1
        s2_ref[...] += ps2


def _bn_gelu_kernel(y_ref, s1_ref, s2_ref, gamma_ref, beta_ref, o_ref,
                    *, count):
    mean = s1_ref[...] * (1.0 / count)
    var = s2_ref[...] * (1.0 / count) - mean * mean
    scale = gamma_ref[...] * lax.rsqrt(var + 1e-5)
    shift = beta_ref[...] - mean * scale
    yn = y_ref[0] * scale + shift
    o_ref[0] = yn * 0.5 * (1.0 + lax.erf(yn * 0.7071067811865476))


def kernel(x, W, b, gamma, beta):
    B, C, N = x.shape
    O = W.shape[0]
    CE = C + _PAD
    we = W[:, 0::2].astype(jnp.bfloat16)
    wo = W[:, 1::2].astype(jnp.bfloat16)

    xe = pl.pallas_call(
        _prep_kernel,
        grid=(B,),
        in_specs=[pl.BlockSpec((1, C, N), lambda i: (i, 0, 0))],
        out_specs=pl.BlockSpec((1, N, CE), lambda i: (i, 0, 0)),
        out_shape=jax.ShapeDtypeStruct((B, N, CE), jnp.float32),
    )(x)

    md = pl.kernel(
        functools.partial(_knn_sc_kernel, n=N, c=C),
        mesh=plsc.VectorSubcoreMesh(core_axis_name="c", subcore_axis_name="s"),
        compiler_params=pltpu.CompilerParams(use_tc_tiling_on_sc=False),
        out_type=jax.ShapeDtypeStruct((B, N, C), jnp.float32),
        scratch_types=[
            pltpu.VMEM((N, C), jnp.float32),
            pltpu.VMEM((N, K_NB), jnp.float32),
            pltpu.VMEM((_CHK, C), jnp.float32),
        ],
    )(xe)

    y, s1, s2 = pl.pallas_call(
        functools.partial(_conv_kernel, c=C),
        grid=(B,),
        in_specs=[pl.BlockSpec((O, C), lambda i: (0, 0)),
                  pl.BlockSpec((O, C), lambda i: (0, 0)),
                  pl.BlockSpec((O, 1), lambda i: (0, 0)),
                  pl.BlockSpec((1, N, CE), lambda i: (i, 0, 0)),
                  pl.BlockSpec((1, N, C), lambda i: (i, 0, 0))],
        out_specs=[pl.BlockSpec((1, O, N), lambda i: (i, 0, 0)),
                   pl.BlockSpec((O, 1), lambda i: (0, 0)),
                   pl.BlockSpec((O, 1), lambda i: (0, 0))],
        out_shape=[jax.ShapeDtypeStruct((B, O, N), jnp.float32),
                   jax.ShapeDtypeStruct((O, 1), jnp.float32),
                   jax.ShapeDtypeStruct((O, 1), jnp.float32)],
    )(we, wo, b.reshape(O, 1), xe, md)

    out = pl.pallas_call(
        functools.partial(_bn_gelu_kernel, count=float(B * N)),
        grid=(B,),
        in_specs=[pl.BlockSpec((1, O, N), lambda i: (i, 0, 0)),
                  pl.BlockSpec((O, 1), lambda i: (0, 0)),
                  pl.BlockSpec((O, 1), lambda i: (0, 0)),
                  pl.BlockSpec((O, 1), lambda i: (0, 0)),
                  pl.BlockSpec((O, 1), lambda i: (0, 0))],
        out_specs=pl.BlockSpec((1, O, N), lambda i: (i, 0, 0)),
        out_shape=jax.ShapeDtypeStruct((B, O, N), jnp.float32),
    )(y, s1, s2, gamma.reshape(O, 1), beta.reshape(O, 1))

    return out.reshape(B, O, N, 1)

# --- scband reference (transcript-rebuilt; emitter-appended) ---
"""Pipeline reference for scband-max-graph-conv-14826227105921 (READ-ONLY COPY).

The authoritative reference and input builder live on the scoring server;
editing this copy changes nothing except your own understanding.
"""

import jax, jax.numpy as jnp
import numpy as np

K_G = 16

def setup_inputs(seed: int = 0) -> dict:
    key = jax.random.key(seed)
    ks = jax.random.split(key, 5)
    B, C, N = 32, 384, 256
    out_ch = 768
    x = jax.random.normal(ks[0], (B, C, N), dtype=jnp.float32)
    W = jax.random.normal(ks[1], (out_ch, 2 * C), dtype=jnp.float32) * 0.02
    b = jnp.zeros((out_ch,), dtype=jnp.float32)
    gamma = jnp.ones((out_ch,), dtype=jnp.float32)
    beta = jnp.zeros((out_ch,), dtype=jnp.float32)
    return {"x": x, "W": W, "b": b, "gamma": gamma, "beta": beta}

def _forward(x, W, b, gamma, beta):
    B, C, N = x.shape
    xt = jnp.transpose(x, (0, 2, 1))  # (B, N, C)
    norm = jnp.linalg.norm(xt, axis=-1, keepdims=True)
    xt = xt / jnp.maximum(norm, 1e-12)  # F.normalize(dim=-1)
    # torch.cdist (p=2) on stop-gradient copy (original wraps KNN in no_grad)
    xs = jax.lax.stop_gradient(xt)
    sq = jnp.sum(xs * xs, axis=-1)  # (B, N)
    d2 = sq[:, :, None] + sq[:, None, :] - 2.0 * jnp.einsum('bnc,bmc->bnm', xs, xs)
    dist = jnp.sqrt(jnp.maximum(d2, 0.0))
    eye = jnp.eye(N, dtype=dist.dtype)[None, :, :] * 1000000.0
    dist = dist + eye
    _, nn_idx = jax.lax.top_k(-dist, K_G)  # (B, N, k)
    batch_idx = jnp.arange(B)[:, None, None]
    nearest = xt[batch_idx, nn_idx, :]  # (B, N, k, C)
    diff = jnp.abs(xt[:, :, None, :] - nearest)  # (B, N, k, C)
    max_diff = jnp.max(diff, axis=2, keepdims=True)  # (B, N, 1, C)
    max_diff = jnp.transpose(max_diff, (0, 3, 1, 2))  # (B, C, N, 1)
    xr = jnp.transpose(xt, (0, 2, 1))[..., None]  # (B, C, N, 1)
    cat = jnp.concatenate([xr[:, :, None, :, :], max_diff[:, :, None, :, :]], axis=2)  # (B, C, 2, N, 1)
    feat = cat.reshape(B, 2 * C, N, 1)
    # BasicConv: Conv2d(2C, out, 1, bias=True) -> BatchNorm2d -> GELU
    y = jnp.einsum('oi,binw->bonw', W, feat) + b[None, :, None, None]
    mean = jnp.mean(y, axis=(0, 2, 3), keepdims=True)
    var = jnp.var(y, axis=(0, 2, 3), keepdims=True)  # biased var, matches torch BN train
    y = (y - mean) / jnp.sqrt(var + 1e-5)
    y = y * gamma[None, :, None, None] + beta[None, :, None, None]
    return jax.nn.gelu(y, approximate=False)

def reference(x, W, b, gamma, beta):
    return _forward(x, W, b, gamma, beta)

if __name__ == "__main__":
    import jax
    _d = setup_inputs()
    print(jax.jit(kernel)(*tuple(_d.values())))

</pallas_src>

<mosaic_0001>
#map = affine_map<(d0, d1) -> (0, 0, 0)>
module attributes {stable_mosaic.version = 14 : i64} {
  func.func @_knn_sc_kernel(%arg0: i32, %arg1: i32, %arg2: memref<32x256x512xf32, #tpu.memory_space<hbm>>, %arg3: memref<32x256x384xf32, #tpu.memory_space<hbm>>, %arg4: memref<256x384xf32, #tpu.memory_space<vmem>>, %arg5: memref<256x16xf32, #tpu.memory_space<vmem>>, %arg6: memref<64x384xf32, #tpu.memory_space<vmem>>) attributes {dimension_semantics = [#tpu.dimension_semantics<core_parallel>, #tpu.dimension_semantics<subcore_parallel>], iteration_bounds = array<i64: 2, 16>, scalar_prefetch = 0 : i64, scratch_operands = 3 : i64, tpu.core_type = #tpu.core_type<sc_vector_subcore>, window_params = [{transform_indices = #map}, {transform_indices = #map}]} {
    %mul3A = arith.constant 2 : i32
    %mul3A_0 = arith.muli %arg1, %mul3A : i32
    %add3A = arith.addi %mul3A_0, %arg0 : i32
    "tpu.region"() ({
      %run_scoped3A = tpu.sem_alloc : memref<!tpu.dma_semaphore, #tpu.memory_space<semaphore_mem>>
      %dma_start3A = arith.constant 0 : i32
      %dma_start3A_6 = arith.constant 0 : i32
      %dma_start3A_7 = tpu.memref_slice %arg2[%add3A, %dma_start3A, %dma_start3A_6] : memref<32x256x512xf32, #tpu.memory_space<hbm>> -> memref<1x256x384xf32, #tpu.memory_space<hbm>>
      %dma_start3A_8 = tpu.memref_squeeze %dma_start3A_7 : memref<1x256x384xf32, #tpu.memory_space<hbm>> -> memref<256x384xf32, #tpu.memory_space<hbm>>
      %dma_start3A_9 = arith.constant 0 : i32
      %dma_start3A_10 = arith.constant 0 : i32
      %dma_start3A_11 = tpu.memref_slice %arg2[%add3A, %dma_start3A_9, %dma_start3A_10] : memref<32x256x512xf32, #tpu.memory_space<hbm>> -> memref<1x256x384xf32, #tpu.memory_space<hbm>>
      %dma_start3A_12 = tpu.memref_squeeze %dma_start3A_11 : memref<1x256x384xf32, #tpu.memory_space<hbm>> -> memref<256x384xf32, #tpu.memory_space<hbm>>
      tpu.enqueue_dma source(%dma_start3A_12 : memref<256x384xf32, #tpu.memory_space<hbm>>) target(%arg4 : memref<256x384xf32, #tpu.memory_space<vmem>>) target_semaphore(%run_scoped3A : memref<!tpu.dma_semaphore, #tpu.memory_space<semaphore_mem>>)
      %dma_wait3A = arith.constant 0 : i32
      %dma_wait3A_13 = arith.constant 0 : i32
      %dma_wait3A_14 = tpu.memref_slice %arg2[%add3A, %dma_wait3A, %dma_wait3A_13] : memref<32x256x512xf32, #tpu.memory_space<hbm>> -> memref<1x256x384xf32, #tpu.memory_space<hbm>>
      %dma_wait3A_15 = tpu.memref_squeeze %dma_wait3A_14 : memref<1x256x384xf32, #tpu.memory_space<hbm>> -> memref<256x384xf32, #tpu.memory_space<hbm>>
      %dma_wait3A_16 = arith.constant 0 : i32
      %dma_wait3A_17 = arith.constant 0 : i32
      %dma_wait3A_18 = tpu.memref_slice %arg2[%add3A, %dma_wait3A_16, %dma_wait3A_17] : memref<32x256x512xf32, #tpu.memory_space<hbm>> -> memref<1x256x384xf32, #tpu.memory_space<hbm>>
      %dma_wait3A_19 = tpu.memref_squeeze %dma_wait3A_18 : memref<1x256x384xf32, #tpu.memory_space<hbm>> -> memref<256x384xf32, #tpu.memory_space<hbm>>
      tpu.wait_dma2 semaphore(%run_scoped3A : memref<!tpu.dma_semaphore, #tpu.memory_space<semaphore_mem>>) src(%dma_wait3A_19 : memref<256x384xf32, #tpu.memory_space<hbm>>) dst(%arg4 : memref<256x384xf32, #tpu.memory_space<vmem>>)
      tpu.yield
    }) : () -> ()
    "tpu.region"() ({
      %run_scoped3A = tpu.sem_alloc : memref<!tpu.dma_semaphore, #tpu.memory_space<semaphore_mem>>
      %dma_start3A = arith.constant 0 : i32
      %dma_start3A_6 = arith.constant 384 : i32
      %dma_start3A_7 = tpu.memref_slice %arg2[%add3A, %dma_start3A, %dma_start3A_6] : memref<32x256x512xf32, #tpu.memory_space<hbm>> -> memref<1x256x16xf32, #tpu.memory_space<hbm>>
      %dma_start3A_8 = tpu.memref_squeeze %dma_start3A_7 : memref<1x256x16xf32, #tpu.memory_space<hbm>> -> memref<256x16xf32, #tpu.memory_space<hbm>>
      %dma_start3A_9 = arith.constant 0 : i32
      %dma_start3A_10 = arith.constant 384 : i32
      %dma_start3A_11 = tpu.memref_slice %arg2[%add3A, %dma_start3A_9, %dma_start3A_10] : memref<32x256x512xf32, #tpu.memory_space<hbm>> -> memref<1x256x16xf32, #tpu.memory_space<hbm>>
      %dma_start3A_12 = tpu.memref_squeeze %dma_start3A_11 : memref<1x256x16xf32, #tpu.memory_space<hbm>> -> memref<256x16xf32, #tpu.memory_space<hbm>>
      tpu.enqueue_dma source(%dma_start3A_12 : memref<256x16xf32, #tpu.memory_space<hbm>>) target(%arg5 : memref<256x16xf32, #tpu.memory_space<vmem>>) target_semaphore(%run_scoped3A : memref<!tpu.dma_semaphore, #tpu.memory_space<semaphore_mem>>)
      %dma_wait3A = arith.constant 0 : i32
      %dma_wait3A_13 = arith.constant 384 : i32
      %dma_wait3A_14 = tpu.memref_slice %arg2[%add3A, %dma_wait3A, %dma_wait3A_13] : memref<32x256x512xf32, #tpu.memory_space<hbm>> -> memref<1x256x16xf32, #tpu.memory_space<hbm>>
      %dma_wait3A_15 = tpu.memref_squeeze %dma_wait3A_14 : memref<1x256x16xf32, #tpu.memory_space<hbm>> -> memref<256x16xf32, #tpu.memory_space<hbm>>
      %dma_wait3A_16 = arith.constant 0 : i32
      %dma_wait3A_17 = arith.constant 384 : i32
      %dma_wait3A_18 = tpu.memref_slice %arg2[%add3A, %dma_wait3A_16, %dma_wait3A_17] : memref<32x256x512xf32, #tpu.memory_space<hbm>> -> memref<1x256x16xf32, #tpu.memory_space<hbm>>
      %dma_wait3A_19 = tpu.memref_squeeze %dma_wait3A_18 : memref<1x256x16xf32, #tpu.memory_space<hbm>> -> memref<256x16xf32, #tpu.memory_space<hbm>>
      tpu.wait_dma2 semaphore(%run_scoped3A : memref<!tpu.dma_semaphore, #tpu.memory_space<semaphore_mem>>) src(%dma_wait3A_19 : memref<256x16xf32, #tpu.memory_space<hbm>>) dst(%arg5 : memref<256x16xf32, #tpu.memory_space<vmem>>)
      tpu.yield
    }) : () -> ()
    %scan3A = arith.constant 0 : i32
    %scan3A_1 = arith.constant 0 : i32
    %scan3A_2 = arith.constant 4 : i32
    %scan3A_3 = arith.addi %scan3A_1, %scan3A_2 : i32
    %scan3A_4 = arith.constant 1 : i32
    scf.for %scan3A_6 = %scan3A_1 to %scan3A_3 step %scan3A_4  : i32 {
      %scan3A_7 = arith.constant 0 : i32
      %scan3A_8 = arith.constant 0 : i32
      %scan3A_9 = arith.constant 64 : i32
      %scan3A_10 = arith.addi %scan3A_8, %scan3A_9 : i32
      %scan3A_11 = arith.constant 1 : i32
      scf.for %scan3A_15 = %scan3A_8 to %scan3A_10 step %scan3A_11  : i32 {
        %mul3A_16 = arith.constant 64 : i32
        %mul3A_17 = arith.muli %scan3A_6, %mul3A_16 : i32
        %add3A_18 = arith.addi %mul3A_17, %scan3A_15 : i32
        %get3A = arith.index_cast %add3A_18 : i32 to index
        %get3A_19 = arith.constant 0 : index
        %get3A_20 = tpu.vector_load %arg5[%get3A, %get3A_19] {strides = array<i32>} : memref<256x16xf32, #tpu.memory_space<vmem>>, vector<1x16xf32>,
        %get3A_21 = vector.shape_cast %get3A_20 : vector<1x16xf32> to vector<16xf32>
        %convert_element_type3A = arith.fptosi %get3A_21 : vector<16xf32> to vector<16xi32>
        %get3A_22 = arith.index_cast %add3A_18 : i32 to index
        %get3A_23 = arith.constant 0 : index
        %get3A_24 = tpu.vector_load %arg4[%get3A_22, %get3A_23] {strides = array<i32>} : memref<256x384xf32, #tpu.memory_space<vmem>>, vector<1x16xf32>,
        %get3A_25 = vector.shape_cast %get3A_24 : vector<1x16xf32> to vector<16xf32>
        %get3A_26 = arith.index_cast %add3A_18 : i32 to index
        %get3A_27 = arith.constant 16 : index
        %get3A_28 = tpu.vector_load %arg4[%get3A_26, %get3A_27] {strides = array<i32>} : memref<256x384xf32, #tpu.memory_space<vmem>>, vector<1x16xf32>,
        %get3A_29 = vector.shape_cast %get3A_28 : vector<1x16xf32> to vector<16xf32>
        %get3A_30 = arith.index_cast %add3A_18 : i32 to index
        %get3A_31 = arith.constant 32 : index
        %get3A_32 = tpu.vector_load %arg4[%get3A_30, %get3A_31] {strides = array<i32>} : memref<256x384xf32, #tpu.memory_space<vmem>>, vector<1x16xf32>,
        %get3A_33 = vector.shape_cast %get3A_32 : vector<1x16xf32> to vector<16xf32>
        %get3A_34 = arith.index_cast %add3A_18 : i32 to index
        %get3A_35 = arith.constant 48 : index
        %get3A_36 = tpu.vector_load %arg4[%get3A_34, %get3A_35] {strides = array<i32>} : memref<256x384xf32, #tpu.memory_space<vmem>>, vector<1x16xf32>,
        %get3A_37 = vector.shape_cast %get3A_36 : vector<1x16xf32> to vector<16xf32>
        %get3A_38 = arith.index_cast %add3A_18 : i32 to index
        %get3A_39 = arith.constant 64 : index
        %get3A_40 = tpu.vector_load %arg4[%get3A_38, %get3A_39] {strides = array<i32>} : memref<256x384xf32, #tpu.memory_space<vmem>>, vector<1x16xf32>,
        %get3A_41 = vector.shape_cast %get3A_40 : vector<1x16xf32> to vector<16xf32>
        %get3A_42 = arith.index_cast %add3A_18 : i32 to index
        %get3A_43 = arith.constant 80 : index
        %get3A_44 = tpu.vector_load %arg4[%get3A_42, %get3A_43] {strides = array<i32>} : memref<256x384xf32, #tpu.memory_space<vmem>>, vector<1x16xf32>,
        %get3A_45 = vector.shape_cast %get3A_44 : vector<1x16xf32> to vector<16xf32>
        %get3A_46 = arith.index_cast %add3A_18 : i32 to index
        %get3A_47 = arith.constant 96 : index
        %get3A_48 = tpu.vector_load %arg4[%get3A_46, %get3A_47] {strides = array<i32>} : memref<256x384xf32, #tpu.memory_space<vmem>>, vector<1x16xf32>,
        %get3A_49 = vector.shape_cast %get3A_48 : vector<1x16xf32> to vector<16xf32>
        %get3A_50 = arith.index_cast %add3A_18 : i32 to index
        %get3A_51 = arith.constant 112 : index
        %get3A_52 = tpu.vector_load %arg4[%get3A_50, %get3A_51] {strides = array<i32>} : memref<256x384xf32, #tpu.memory_space<vmem>>, vector<1x16xf32>,
        %get3A_53 = vector.shape_cast %get3A_52 : vector<1x16xf32> to vector<16xf32>
        %get3A_54 = arith.index_cast %add3A_18 : i32 to index
        %get3A_55 = arith.constant 128 : index
        %get3A_56 = tpu.vector_load %arg4[%get3A_54, %get3A_55] {strides = array<i32>} : memref<256x384xf32, #tpu.memory_space<vmem>>, vector<1x16xf32>,
        %get3A_57 = vector.shape_cast %get3A_56 : vector<1x16xf32> to vector<16xf32>
        %get3A_58 = arith.index_cast %add3A_18 : i32 to index
        %get3A_59 = arith.constant 144 : index
        %get3A_60 = tpu.vector_load %arg4[%get3A_58, %get3A_59] {strides = array<i32>} : memref<256x384xf32, #tpu.memory_space<vmem>>, vector<1x16xf32>,
        %get3A_61 = vector.shape_cast %get3A_60 : vector<1x16xf32> to vector<16xf32>
        %get3A_62 = arith.index_cast %add3A_18 : i32 to index
        %get3A_63 = arith.constant 160 : index
        %get3A_64 = tpu.vector_load %arg4[%get3A_62, %get3A_63] {strides = array<i32>} : memref<256x384xf32, #tpu.memory_space<vmem>>, vector<1x16xf32>,
        %get3A_65 = vector.shape_cast %get3A_64 : vector<1x16xf32> to vector<16xf32>
        %get3A_66 = arith.index_cast %add3A_18 : i32 to index
        %get3A_67 = arith.constant 176 : index
        %get3A_68 = tpu.vector_load %arg4[%get3A_66, %get3A_67] {strides = array<i32>} : memref<256x384xf32, #tpu.memory_space<vmem>>, vector<1x16xf32>,
        %get3A_69 = vector.shape_cast %get3A_68 : vector<1x16xf32> to vector<16xf32>
        %slice3A = vector.extract_strided_slice %convert_element_type3A {offsets = [0], sizes = [1], strides = [1]} : vector<16xi32> to vector<1xi32>
        %squeeze3A = vector.extract %slice3A[0] : i32 from vector<1xi32>
        %get3A_70 = arith.index_cast %squeeze3A : i32 to index
        %get3A_71 = arith.constant 0 : index
        %get3A_72 = tpu.vector_load %arg4[%get3A_70, %get3A_71] {strides = array<i32>} : memref<256x384xf32, #tpu.memory_space<vmem>>, vector<1x16xf32>,
        %get3A_73 = vector.shape_cast %get3A_72 : vector<1x16xf32> to vector<16xf32>
        %max3A = arith.maximumf %get3A_25, %get3A_73 : vector<16xf32>
        %min3A = arith.minimumf %get3A_25, %get3A_73 : vector<16xf32>
        %get3A_74 = arith.index_cast %squeeze3A : i32 to index
        %get3A_75 = arith.constant 16 : index
        %get3A_76 = tpu.vector_load %arg4[%get3A_74, %get3A_75] {strides = array<i32>} : memref<256x384xf32, #tpu.memory_space<vmem>>, vector<1x16xf32>,
        %get3A_77 = vector.shape_cast %get3A_76 : vector<1x16xf32> to vector<16xf32>
        %max3A_78 = arith.maximumf %get3A_29, %get3A_77 : vector<16xf32>
        %min3A_79 = arith.minimumf %get3A_29, %get3A_77 : vector<16xf32>
        %get3A_80 = arith.index_cast %squeeze3A : i32 to index
        %get3A_81 = arith.constant 32 : index
        %get3A_82 = tpu.vector_load %arg4[%get3A_80, %get3A_81] {strides = array<i32>} : memref<256x384xf32, #tpu.memory_space<vmem>>, vector<1x16xf32>,
        %get3A_83 = vector.shape_cast %get3A_82 : vector<1x16xf32> to vector<16xf32>
        %max3A_84 = arith.maximumf %get3A_33, %get3A_83 : vector<16xf32>
        %min3A_85 = arith.minimumf %get3A_33, %get3A_83 : vector<16xf32>
        %get3A_86 = arith.index_cast %squeeze3A : i32 to index
        %get3A_87 = arith.constant 48 : index
        %get3A_88 = tpu.vector_load %arg4[%get3A_86, %get3A_87] {strides = array<i32>} : memref<256x384xf32, #tpu.memory_space<vmem>>, vector<1x16xf32>,
        %get3A_89 = vector.shape_cast %get3A_88 : vector<1x16xf32> to vector<16xf32>
        %max3A_90 = arith.maximumf %get3A_37, %get3A_89 : vector<16xf32>
        %min3A_91 = arith.minimumf %get3A_37, %get3A_89 : vector<16xf32>
        %get3A_92 = arith.index_cast %squeeze3A : i32 to index
        %get3A_93 = arith.constant 64 : index
        %get3A_94 = tpu.vector_load %arg4[%get3A_92, %get3A_93] {strides = array<i32>} : memref<256x384xf32, #tpu.memory_space<vmem>>, vector<1x16xf32>,
        %get3A_95 = vector.shape_cast %get3A_94 : vector<1x16xf32> to vector<16xf32>
        %max3A_96 = arith.maximumf %get3A_41, %get3A_95 : vector<16xf32>
        %min3A_97 = arith.minimumf %get3A_41, %get3A_95 : vector<16xf32>
        %get3A_98 = arith.index_cast %squeeze3A : i32 to index
        %get3A_99 = arith.constant 80 : index
        %get3A_100 = tpu.vector_load %arg4[%get3A_98, %get3A_99] {strides = array<i32>} : memref<256x384xf32, #tpu.memory_space<vmem>>, vector<1x16xf32>,
        %get3A_101 = vector.shape_cast %get3A_100 : vector<1x16xf32> to vector<16xf32>
        %max3A_102 = arith.maximumf %get3A_45, %get3A_101 : vector<16xf32>
        %min3A_103 = arith.minimumf %get3A_45, %get3A_101 : vector<16xf32>
        %get3A_104 = arith.index_cast %squeeze3A : i32 to index
        %get3A_105 = arith.constant 96 : index
        %get3A_106 = tpu.vector_load %arg4[%get3A_104, %get3A_105] {strides = array<i32>} : memref<256x384xf32, #tpu.memory_space<vmem>>, vector<1x16xf32>,
        %get3A_107 = vector.shape_cast %get3A_106 : vector<1x16xf32> to vector<16xf32>
        %max3A_108 = arith.maximumf %get3A_49, %get3A_107 : vector<16xf32>
        %min3A_109 = arith.minimumf %get3A_49, %get3A_107 : vector<16xf32>
        %get3A_110 = arith.index_cast %squeeze3A : i32 to index
        %get3A_111 = arith.constant 112 : index
        %get3A_112 = tpu.vector_load %arg4[%get3A_110, %get3A_111] {strides = array<i32>} : memref<256x384xf32, #tpu.memory_space<vmem>>, vector<1x16xf32>,
        %get3A_113 = vector.shape_cast %get3A_112 : vector<1x16xf32> to vector<16xf32>
        %max3A_114 = arith.maximumf %get3A_53, %get3A_113 : vector<16xf32>
        %min3A_115 = arith.minimumf %get3A_53, %get3A_113 : vector<16xf32>
        %get3A_116 = arith.index_cast %squeeze3A : i32 to index
        %get3A_117 = arith.constant 128 : index
        %get3A_118 = tpu.vector_load %arg4[%get3A_116, %get3A_117] {strides = array<i32>} : memref<256x384xf32, #tpu.memory_space<vmem>>, vector<1x16xf32>,
        %get3A_119 = vector.shape_cast %get3A_118 : vector<1x16xf32> to vector<16xf32>
        %max3A_120 = arith.maximumf %get3A_57, %get3A_119 : vector<16xf32>
        %min3A_121 = arith.minimumf %get3A_57, %get3A_119 : vector<16xf32>
        %get3A_122 = arith.index_cast %squeeze3A : i32 to index
        %get3A_123 = arith.constant 144 : index
        %get3A_124 = tpu.vector_load %arg4[%get3A_122, %get3A_123] {strides = array<i32>} : memref<256x384xf32, #tpu.memory_space<vmem>>, vector<1x16xf32>,
        %get3A_125 = vector.shape_cast %get3A_124 : vector<1x16xf32> to vector<16xf32>
        %max3A_126 = arith.maximumf %get3A_61, %get3A_125 : vector<16xf32>
        %min3A_127 = arith.minimumf %get3A_61, %get3A_125 : vector<16xf32>
        %get3A_128 = arith.index_cast %squeeze3A : i32 to index
        %get3A_129 = arith.constant 160 : index
        %get3A_130 = tpu.vector_load %arg4[%get3A_128, %get3A_129] {strides = array<i32>} : memref<256x384xf32, #tpu.memory_space<vmem>>, vector<1x16xf32>,
        %get3A_131 = vector.shape_cast %get3A_130 : vector<1x16xf32> to vector<16xf32>
        %max3A_132 = arith.maximumf %get3A_65, %get3A_131 : vector<16xf32>
        %min3A_133 = arith.minimumf %get3A_65, %get3A_131 : vector<16xf32>
        %get3A_134 = arith.index_cast %squeeze3A : i32 to index
        %get3A_135 = arith.constant 176 : index
        %get3A_136 = tpu.vector_load %arg4[%get3A_134, %get3A_135] {strides = array<i32>} : memref<256x384xf32, #tpu.memory_space<vmem>>, vector<1x16xf32>,
        %get3A_137 = vector.shape_cast %get3A_136 : vector<1x16xf32> to vector<16xf32>
        %max3A_138 = arith.maximumf %get3A_69, %get3A_137 : vector<16xf32>
        %min3A_139 = arith.minimumf %get3A_69, %get3A_137 : vector<16xf32>
        %slice3A_140 = vector.extract_strided_slice %convert_element_type3A {offsets = [1], sizes = [1], strides = [1]} : vector<16xi32> to vector<1xi32>
        %squeeze3A_141 = vector.extract %slice3A_140[0] : i32 from vector<1xi32>
        %get3A_142 = arith.index_cast %squeeze3A_141 : i32 to index
        %get3A_143 = arith.constant 0 : index
        %get3A_144 = tpu.vector_load %arg4[%get3A_142, %get3A_143] {strides = array<i32>} : memref<256x384xf32, #tpu.memory_space<vmem>>, vector<1x16xf32>,
        %get3A_145 = vector.shape_cast %get3A_144 : vector<1x16xf32> to vector<16xf32>
        %max3A_146 = arith.maximumf %max3A, %get3A_145 : vector<16xf32>
        %min3A_147 = arith.minimumf %min3A, %get3A_145 : vector<16xf32>
        %get3A_148 = arith.index_cast %squeeze3A_141 : i32 to index
        %get3A_149 = arith.constant 16 : index
        %get3A_150 = tpu.vector_load %arg4[%get3A_148, %get3A_149] {strides = array<i32>} : memref<256x384xf32, #tpu.memory_space<vmem>>, vector<1x16xf32>,
        %get3A_151 = vector.shape_cast %get3A_150 : vector<1x16xf32> to vector<16xf32>
        %max3A_152 = arith.maximumf %max3A_78, %get3A_151 : vector<16xf32>
        %min3A_153 = arith.minimumf %min3A_79, %get3A_151 : vector<16xf32>
        %get3A_154 = arith.index_cast %squeeze3A_141 : i32 to index
        %get3A_155 = arith.constant 32 : index
        %get3A_156 = tpu.vector_load %arg4[%get3A_154, %get3A_155] {strides = array<i32>} : memref<256x384xf32, #tpu.memory_space<vmem>>, vector<1x16xf32>,
        %get3A_157 = vector.shape_cast %get3A_156 : vector<1x16xf32> to vector<16xf32>
        %max3A_158 = arith.maximumf %max3A_84, %get3A_157 : vector<16xf32>
        %min3A_159 = arith.minimumf %min3A_85, %get3A_157 : vector<16xf32>
        %get3A_160 = arith.index_cast %squeeze3A_141 : i32 to index
        %get3A_161 = arith.constant 48 : index
        %get3A_162 = tpu.vector_load %arg4[%get3A_160, %get3A_161] {strides = array<i32>} : memref<256x384xf32, #tpu.memory_space<vmem>>, vector<1x16xf32>,
        %get3A_163 = vector.shape_cast %get3A_162 : vector<1x16xf32> to vector<16xf32>
        %max3A_164 = arith.maximumf %max3A_90, %get3A_163 : vector<16xf32>
        %min3A_165 = arith.minimumf %min3A_91, %get3A_163 : vector<16xf32>
        %get3A_166 = arith.index_cast %squeeze3A_141 : i32 to index
        %get3A_167 = arith.constant 64 : index
        %get3A_168 = tpu.vector_load %arg4[%get3A_166, %get3A_167] {strides = array<i32>} : memref<256x384xf32, #tpu.memory_space<vmem>>, vector<1x16xf32>,
        %get3A_169 = vector.shape_cast %get3A_168 : vector<1x16xf32> to vector<16xf32>
        %max3A_170 = arith.maximumf %max3A_96, %get3A_169 : vector<16xf32>
        %min3A_171 = arith.minimumf %min3A_97, %get3A_169 : vector<16xf32>
        %get3A_172 = arith.index_cast %squeeze3A_141 : i32 to index
        %get3A_173 = arith.constant 80 : index
        %get3A_174 = tpu.vector_load %arg4[%get3A_172, %get3A_173] {strides = array<i32>} : memref<256x384xf32, #tpu.memory_space<vmem>>, vector<1x16xf32>,
        %get3A_175 = vector.shape_cast %get3A_174 : vector<1x16xf32> to vector<16xf32>
        %max3A_176 = arith.maximumf %max3A_102, %get3A_175 : vector<16xf32>
        %min3A_177 = arith.minimumf %min3A_103, %get3A_175 : vector<16xf32>
        %get3A_178 = arith.index_cast %squeeze3A_141 : i32 to index
        %get3A_179 = arith.constant 96 : index
        %get3A_180 = tpu.vector_load %arg4[%get3A_178, %get3A_179] {strides = array<i32>} : memref<256x384xf32, #tpu.memory_space<vmem>>, vector<1x16xf32>,
        %get3A_181 = vector.shape_cast %get3A_180 : vector<1x16xf32> to vector<16xf32>
        %max3A_182 = arith.maximumf %max3A_108, %get3A_181 : vector<16xf32>
        %min3A_183 = arith.minimumf %min3A_109, %get3A_181 : vector<16xf32>
        %get3A_184 = arith.index_cast %squeeze3A_141 : i32 to index
        %get3A_185 = arith.constant 112 : index
        %get3A_186 = tpu.vector_load %arg4[%get3A_184, %get3A_185] {strides = array<i32>} : memref<256x384xf32, #tpu.memory_space<vmem>>, vector<1x16xf32>,
        %get3A_187 = vector.shape_cast %get3A_186 : vector<1x16xf32> to vector<16xf32>
        %max3A_188 = arith.maximumf %max3A_114, %get3A_187 : vector<16xf32>
        %min3A_189 = arith.minimumf %min3A_115, %get3A_187 : vector<16xf32>
        %get3A_190 = arith.index_cast %squeeze3A_141 : i32 to index
        %get3A_191 = arith.constant 128 : index
        %get3A_192 = tpu.vector_load %arg4[%get3A_190, %get3A_191] {strides = array<i32>} : memref<256x384xf32, #tpu.memory_space<vmem>>, vector<1x16xf32>,
        %get3A_193 = vector.shape_cast %get3A_192 : vector<1x16xf32> to vector<16xf32>
        %max3A_194 = arith.maximumf %max3A_120, %get3A_193 : vector<16xf32>
        %min3A_195 = arith.minimumf %min3A_121, %get3A_193 : vector<16xf32>
        %get3A_196 = arith.index_cast %squeeze3A_141 : i32 to index
        %get3A_197 = arith.constant 144 : index
        %get3A_198 = tpu.vector_load %arg4[%get3A_196, %get3A_197] {strides = array<i32>} : memref<256x384xf32, #tpu.memory_space<vmem>>, vector<1x16xf32>,
        %get3A_199 = vector.shape_cast %get3A_198 : vector<1x16xf32> to vector<16xf32>
        %max3A_200 = arith.maximumf %max3A_126, %get3A_199 : vector<16xf32>
        %min3A_201 = arith.minimumf %min3A_127, %get3A_199 : vector<16xf32>
        %get3A_202 = arith.index_cast %squeeze3A_141 : i32 to index
        %get3A_203 = arith.constant 160 : index
        %get3A_204 = tpu.vector_load %arg4[%get3A_202, %get3A_203] {strides = array<i32>} : memref<256x384xf32, #tpu.memory_space<vmem>>, vector<1x16xf32>,
        %get3A_205 = vector.shape_cast %get3A_204 : vector<1x16xf32> to vector<16xf32>
        %max3A_206 = arith.maximumf %max3A_132, %get3A_205 : vector<16xf32>
        %min3A_207 = arith.minimumf %min3A_133, %get3A_205 : vector<16xf32>
        %get3A_208 = arith.index_cast %squeeze3A_141 : i32 to index
        %get3A_209 = arith.constant 176 : index
        %get3A_210 = tpu.vector_load %arg4[%get3A_208, %get3A_209] {strides = array<i32>} : memref<256x384xf32, #tpu.memory_space<vmem>>, vector<1x16xf32>,
        %get3A_211 = vector.shape_cast %get3A_210 : vector<1x16xf32> to vector<16xf32>
        %max3A_212 = arith.maximumf %max3A_138, %get3A_211 : vector<16xf32>
        %min3A_213 = arith.minimumf %min3A_139, %get3A_211 : vector<16xf32>
        %slice3A_214 = vector.extract_strided_slice %convert_element_type3A {offsets = [2], sizes = [1], strides = [1]} : vector<16xi32> to vector<1xi32>
        %squeeze3A_215 = vector.extract %slice3A_214[0] : i32 from vector<1xi32>
        %get3A_216 = arith.index_cast %squeeze3A_215 : i32 to index
        %get3A_217 = arith.constant 0 : index
        %get3A_218 = tpu.vector_load %arg4[%get3A_216, %get3A_217] {strides = array<i32>} : memref<256x384xf32, #tpu.memory_space<vmem>>, vector<1x16xf32>,
        %get3A_219 = vector.shape_cast %get3A_218 : vector<1x16xf32> to vector<16xf32>
        %max3A_220 = arith.maximumf %max3A_146, %get3A_219 : vector<16xf32>
        %min3A_221 = arith.minimumf %min3A_147, %get3A_219 : vector<16xf32>
        %get3A_222 = arith.index_cast %squeeze3A_215 : i32 to index
        %get3A_223 = arith.constant 16 : index
        %get3A_224 = tpu.vector_load %arg4[%get3A_222, %get3A_223] {strides = array<i32>} : memref<256x384xf32, #tpu.memory_space<vmem>>, vector<1x16xf32>,
        %get3A_225 = vector.shape_cast %get3A_224 : vector<1x16xf32> to vector<16xf32>
        %max3A_226 = arith.maximumf %max3A_152, %get3A_225 : vector<16xf32>
        %min3A_227 = arith.minimumf %min3A_153, %get3A_225 : vector<16xf32>
        %get3A_228 = arith.index_cast %squeeze3A_215 : i32 to index
        %get3A_229 = arith.constant 32 : index
        %get3A_230 = tpu.vector_load %arg4[%get3A_228, %get3A_229] {strides = array<i32>} : memref<256x384xf32, #tpu.memory_space<vmem>>, vector<1x16xf32>,
        %get3A_231 = vector.shape_cast %get3A_230 : vector<1x16xf32> to vector<16xf32>
        %max3A_232 = arith.maximumf %max3A_158, %get3A_231 : vector<16xf32>
        %min3A_233 = arith.minimumf %min3A_159, %get3A_231 : vector<16xf32>
        %get3A_234 = arith.index_cast %squeeze3A_215 : i32 to index
        %get3A_235 = arith.constant 48 : index
        %get3A_236 = tpu.vector_load %arg4[%get3A_234, %get3A_235] {strides = array<i32>} : memref<256x384xf32, #tpu.memory_space<vmem>>, vector<1x16xf32>,
        %get3A_237 = vector.shape_cast %get3A_236 : vector<1x16xf32> to vector<16xf32>
        %max3A_238 = arith.maximumf %max3A_164, %get3A_237 : vector<16xf32>
        %min3A_239 = arith.minimumf %min3A_165, %get3A_237 : vector<16xf32>
        %get3A_240 = arith.index_cast %squeeze3A_215 : i32 to index
        %get3A_241 = arith.constant 64 : index
        %get3A_242 = tpu.vector_load %arg4[%get3A_240, %get3A_241] {strides = array<i32>} : memref<256x384xf32, #tpu.memory_space<vmem>>, vector<1x16xf32>,
        %get3A_243 = vector.shape_cast %get3A_242 : vector<1x16xf32> to vector<16xf32>
        %max3A_244 = arith.maximumf %max3A_170, %get3A_243 : vector<16xf32>
        %min3A_245 = arith.minimumf %min3A_171, %get3A_243 : vector<16xf32>
        %get3A_246 = arith.index_cast %squeeze3A_215 : i32 to index
        %get3A_247 = arith.constant 80 : index
        %get3A_248 = tpu.vector_load %arg4[%get3A_246, %get3A_247] {strides = array<i32>} : memref<256x384xf32, #tpu.memory_space<vmem>>, vector<1x16xf32>,
        %get3A_249 = vector.shape_cast %get3A_248 : vector<1x16xf32> to vector<16xf32>
        %max3A_250 = arith.maximumf %max3A_176, %get3A_249 : vector<16xf32>
        %min3A_251 = arith.minimumf %min3A_177, %get3A_249 : vector<16xf32>
        %get3A_252 = arith.index_cast %squeeze3A_215 : i32 to index
        %get3A_253 = arith.constant 96 : index
        %get3A_254 = tpu.vector_load %arg4[%get3A_252, %get3A_253] {strides = array<i32>} : memref<256x384xf32, #tpu.memory_space<vmem>>, vector<1x16xf32>,
        %get3A_255 = vector.shape_cast %get3A_254 : vector<1x16xf32> to vector<16xf32>
        %max3A_256 = arith.maximumf %max3A_182, %get3A_255 : vector<16xf32>
        %min3A_257 = arith.minimumf %min3A_183, %get3A_255 : vector<16xf32>
        %get3A_258 = arith.index_cast %squeeze3A_215 : i32 to index
        %get3A_259 = arith.constant 112 : index
        %get3A_260 = tpu.vector_load %arg4[%get3A_258, %get3A_259] {strides = array<i32>} : memref<256x384xf32, #tpu.memory_space<vmem>>, vector<1x16xf32>,
        %get3A_261 = vector.shape_cast %get3A_260 : vector<1x16xf32> to vector<16xf32>
        %max3A_262 = arith.maximumf %max3A_188, %get3A_261 : vector<16xf32>
        %min3A_263 = arith.minimumf %min3A_189, %get3A_261 : vector<16xf32>
        %get3A_264 = arith.index_cast %squeeze3A_215 : i32 to index
        %get3A_265 = arith.constant 128 : index
        %get3A_266 = tpu.vector_load %arg4[%get3A_264, %get3A_265] {strides = array<i32>} : memref<256x384xf32, #tpu.memory_space<vmem>>, vector<1x16xf32>,
        %get3A_267 = vector.shape_cast %get3A_266 : vector<1x16xf32> to vector<16xf32>
        %max3A_268 = arith.maximumf %max3A_194, %get3A_267 : vector<16xf32>
        %min3A_269 = arith.minimumf %min3A_195, %get3A_267 : vector<16xf32>
        %get3A_270 = arith.index_cast %squeeze3A_215 : i32 to index
        %get3A_271 = arith.constant 144 : index
        %get3A_272 = tpu.vector_load %arg4[%get3A_270, %get3A_271] {strides = array<i32>} : memref<256x384xf32, #tpu.memory_space<vmem>>, vector<1x16xf32>,
        %get3A_273 = vector.shape_cast %get3A_272 : vector<1x16xf32> to vector<16xf32>
        %max3A_274 = arith.maximumf %max3A_200, %get3A_273 : vector<16xf32>
        %min3A_275 = arith.minimumf %min3A_201, %get3A_273 : vector<16xf32>
        %get3A_276 = arith.index_cast %squeeze3A_215 : i32 to index
        %get3A_277 = arith.constant 160 : index
        %get3A_278 = tpu.vector_load %arg4[%get3A_276, %get3A_277] {strides = array<i32>} : memref<256x384xf32, #tpu.memory_space<vmem>>, vector<1x16xf32>,
        %get3A_279 = vector.shape_cast %get3A_278 : vector<1x16xf32> to vector<16xf32>
        %max3A_280 = arith.maximumf %max3A_206, %get3A_279 : vector<16xf32>
        %min3A_281 = arith.minimumf %min3A_207, %get3A_279 : vector<16xf32>
        %get3A_282 = arith.index_cast %squeeze3A_215 : i32 to index
        %get3A_283 = arith.constant 176 : index
        %get3A_284 = tpu.vector_load %arg4[%get3A_282, %get3A_283] {strides = array<i32>} : memref<256x384xf32, #tpu.memory_space<vmem>>, vector<1x16xf32>,
        %get3A_285 = vector.shape_cast %get3A_284 : vector<1x16xf32> to vector<16xf32>
        %max3A_286 = arith.maximumf %max3A_212, %get3A_285 : vector<16xf32>
        %min3A_287 = arith.minimumf %min3A_213, %get3A_285 : vector<16xf32>
        %slice3A_288 = vector.extract_strided_slice %convert_element_type3A {offsets = [3], sizes = [1], strides = [1]} : vector<16xi32> to vector<1xi32>
        %squeeze3A_289 = vector.extract %slice3A_288[0] : i32 from vector<1xi32>
        %get3A_290 = arith.index_cast %squeeze3A_289 : i32 to index
        %get3A_291 = arith.constant 0 : index
        %get3A_292 = tpu.vector_load %arg4[%get3A_290, %get3A_291] {strides = array<i32>} : memref<256x384xf32, #tpu.memory_space<vmem>>, vector<1x16xf32>,
        %get3A_293 = vector.shape_cast %get3A_292 : vector<1x16xf32> to vector<16xf32>
        %max3A_294 = arith.maximumf %max3A_220, %get3A_293 : vector<16xf32>
        %min3A_295 = arith.minimumf %min3A_221, %get3A_293 : vector<16xf32>
        %get3A_296 = arith.index_cast %squeeze3A_289 : i32 to index
        %get3A_297 = arith.constant 16 : index
        %get3A_298 = tpu.vector_load %arg4[%get3A_296, %get3A_297] {strides = array<i32>} : memref<256x384xf32, #tpu.memory_space<vmem>>, vector<1x16xf32>,
        %get3A_299 = vector.shape_cast %get3A_298 : vector<1x16xf32> to vector<16xf32>
        %max3A_300 = arith.maximumf %max3A_226, %get3A_299 : vector<16xf32>
        %min3A_301 = arith.minimumf %min3A_227, %get3A_299 : vector<16xf32>
        %get3A_302 = arith.index_cast %squeeze3A_289 : i32 to index
        %get3A_303 = arith.constant 32 : index
        %get3A_304 = tpu.vector_load %arg4[%get3A_302, %get3A_303] {strides = array<i32>} : memref<256x384xf32, #tpu.memory_space<vmem>>, vector<1x16xf32>,
        %get3A_305 = vector.shape_cast %get3A_304 : vector<1x16xf32> to vector<16xf32>
        %max3A_306 = arith.maximumf %max3A_232, %get3A_305 : vector<16xf32>
        %min3A_307 = arith.minimumf %min3A_233, %get3A_305 : vector<16xf32>
        %get3A_308 = arith.index_cast %squeeze3A_289 : i32 to index
        %get3A_309 = arith.constant 48 : index
        %get3A_310 = tpu.vector_load %arg4[%get3A_308, %get3A_309] {strides = array<i32>} : memref<256x384xf32, #tpu.memory_space<vmem>>, vector<1x16xf32>,
        %get3A_311 = vector.shape_cast %get3A_310 : vector<1x16xf32> to vector<16xf32>
        %max3A_312 = arith.maximumf %max3A_238, %get3A_311 : vector<16xf32>
        %min3A_313 = arith.minimumf %min3A_239, %get3A_311 : vector<16xf32>
        %get3A_314 = arith.index_cast %squeeze3A_289 : i32 to index
        %get3A_315 = arith.constant 64 : index
        %get3A_316 = tpu.vector_load %arg4[%get3A_314, %get3A_315] {strides = array<i32>} : memref<256x384xf32, #tpu.memory_space<vmem>>, vector<1x16xf32>,
        %get3A_317 = vector.shape_cast %get3A_316 : vector<1x16xf32> to vector<16xf32>
        %max3A_318 = arith.maximumf %max3A_244, %get3A_317 : vector<16xf32>
        %min3A_319 = arith.minimumf %min3A_245, %get3A_317 : vector<16xf32>
        %get3A_320 = arith.index_cast %squeeze3A_289 : i32 to index
        %get3A_321 = arith.constant 80 : index
        %get3A_322 = tpu.vector_load %arg4[%get3A_320, %get3A_321] {strides = array<i32>} : memref<256x384xf32, #tpu.memory_space<vmem>>, vector<1x16xf32>,
        %get3A_323 = vector.shape_cast %get3A_322 : vector<1x16xf32> to vector<16xf32>
        %max3A_324 = arith.maximumf %max3A_250, %get3A_323 : vector<16xf32>
        %min3A_325 = arith.minimumf %min3A_251, %get3A_323 : vector<16xf32>
        %get3A_326 = arith.index_cast %squeeze3A_289 : i32 to index
        %get3A_327 = arith.constant 96 : index
        %get3A_328 = tpu.vector_load %arg4[%get3A_326, %get3A_327] {strides = array<i32>} : memref<256x384xf32, #tpu.memory_space<vmem>>, vector<1x16xf32>,
        %get3A_329 = vector.shape_cast %get3A_328 : vector<1x16xf32> to vector<16xf32>
        %max3A_330 = arith.maximumf %max3A_256, %get3A_329 : vector<16xf32>
        %min3A_331 = arith.minimumf %min3A_257, %get3A_329 : vector<16xf32>
        %get3A_332 = arith.index_cast %squeeze3A_289 : i32 to index
        %get3A_333 = arith.constant 112 : index
        %get3A_334 = tpu.vector_load %arg4[%get3A_332, %get3A_333] {strides = array<i32>} : memref<256x384xf32, #tpu.memory_space<vmem>>, vector<1x16xf32>,
        %get3A_335 = vector.shape_cast %get3A_334 : vector<1x16xf32> to vector<16xf32>
        %max3A_336 = arith.maximumf %max3A_262, %get3A_335 : vector<16xf32>
        %min3A_337 = arith.minimumf %min3A_263, %get3A_335 : vector<16xf32>
        %get3A_338 = arith.index_cast %squeeze3A_289 : i32 to index
        %get3A_339 = arith.constant 128 : index
        %get3A_340 = tpu.vector_load %arg4[%get3A_338, %get3A_339] {strides = array<i32>} : memref<256x384xf32, #tpu.memory_space<vmem>>, vector<1x16xf32>,
        %get3A_341 = vector.shape_cast %get3A_340 : vector<1x16xf32> to vector<16xf32>
        %max3A_342 = arith.maximumf %max3A_268, %get3A_341 : vector<16xf32>
        %min3A_343 = arith.minimumf %min3A_269, %get3A_341 : vector<16xf32>
        %get3A_344 = arith.index_cast %squeeze3A_289 : i32 to index
        %get3A_345 = arith.constant 144 : index
        %get3A_346 = tpu.vector_load %arg4[%get3A_344, %get3A_345] {strides = array<i32>} : memref<256x384xf32, #tpu.memory_space<vmem>>, vector<1x16xf32>,
        %get3A_347 = vector.shape_cast %get3A_346 : vector<1x16xf32> to vector<16xf32>
        %max3A_348 = arith.maximumf %max3A_274, %get3A_347 : vector<16xf32>
        %min3A_349 = arith.minimumf %min3A_275, %get3A_347 : vector<16xf32>
        %get3A_350 = arith.index_cast %squeeze3A_289 : i32 to index
        %get3A_351 = arith.constant 160 : index
        %get3A_352 = tpu.vector_load %arg4[%get3A_350, %get3A_351] {strides = array<i32>} : memref<256x384xf32, #tpu.memory_space<vmem>>, vector<1x16xf32>,
        %get3A_353 = vector.shape_cast %get3A_352 : vector<1x16xf32> to vector<16xf32>
        %max3A_354 = arith.maximumf %max3A_280, %get3A_353 : vector<16xf32>
        %min3A_355 = arith.minimumf %min3A_281, %get3A_353 : vector<16xf32>
        %get3A_356 = arith.index_cast %squeeze3A_289 : i32 to index
        %get3A_357 = arith.constant 176 : index
        %get3A_358 = tpu.vector_load %arg4[%get3A_356, %get3A_357] {strides = array<i32>} : memref<256x384xf32, #tpu.memory_space<vmem>>, vector<1x16xf32>,
        %get3A_359 = vector.shape_cast %get3A_358 : vector<1x16xf32> to vector<16xf32>
        %max3A_360 = arith.maximumf %max3A_286, %get3A_359 : vector<16xf32>
        %min3A_361 = arith.minimumf %min3A_287, %get3A_359 : vector<16xf32>
        %slice3A_362 = vector.extract_strided_slice %convert_element_type3A {offsets = [4], sizes = [1], strides = [1]} : vector<16xi32> to vector<1xi32>
        %squeeze3A_363 = vector.extract %slice3A_362[0] : i32 from vector<1xi32>
        %get3A_364 = arith.index_cast %squeeze3A_363 : i32 to index
        %get3A_365 = arith.constant 0 : index
        %get3A_366 = tpu.vector_load %arg4[%get3A_364, %get3A_365] {strides = array<i32>} : memref<256x384xf32, #tpu.memory_space<vmem>>, vector<1x16xf32>,
        %get3A_367 = vector.shape_cast %get3A_366 : vector<1x16xf32> to vector<16xf32>
        %max3A_368 = arith.maximumf %max3A_294, %get3A_367 : vector<16xf32>
        %min3A_369 = arith.minimumf %min3A_295, %get3A_367 : vector<16xf32>
        %get3A_370 = arith.index_cast %squeeze3A_363 : i32 to index
        %get3A_371 = arith.constant 16 : index
        %get3A_372 = tpu.vector_load %arg4[%get3A_370, %get3A_371] {strides = array<i32>} : memref<256x384xf32, #tpu.memory_space<vmem>>, vector<1x16xf32>,
        %get3A_373 = vector.shape_cast %get3A_372 : vector<1x16xf32> to vector<16xf32>
        %max3A_374 = arith.maximumf %max3A_300, %get3A_373 : vector<16xf32>
        %min3A_375 = arith.minimumf %min3A_301, %get3A_373 : vector<16xf32>
        %get3A_376 = arith.index_cast %squeeze3A_363 : i32 to index
        %get3A_377 = arith.constant 32 : index
        %get3A_378 = tpu.vector_load %arg4[%get3A_376, %get3A_377] {strides = array<i32>} : memref<256x384xf32, #tpu.memory_space<vmem>>, vector<1x16xf32>,
        %get3A_379 = vector.shape_cast %get3A_378 : vector<1x16xf32> to vector<16xf32>
        %max3A_380 = arith.maximumf %max3A_306, %get3A_379 : vector<16xf32>
        %min3A_381 = arith.minimumf %min3A_307, %get3A_379 : vector<16xf32>
        %get3A_382 = arith.index_cast %squeeze3A_363 : i32 to index
        %get3A_383 = arith.constant 48 : index
        %get3A_384 = tpu.vector_load %arg4[%get3A_382, %get3A_383] {strides = array<i32>} : memref<256x384xf32, #tpu.memory_space<vmem>>, vector<1x16xf32>,
        %get3A_385 = vector.shape_cast %get3A_384 : vector<1x16xf32> to vector<16xf32>
        %max3A_386 = arith.maximumf %max3A_312, %get3A_385 : vector<16xf32>
        %min3A_387 = arith.minimumf %min3A_313, %get3A_385 : vector<16xf32>
        %get3A_388 = arith.index_cast %squeeze3A_363 : i32 to index
        %get3A_389 = arith.constant 64 : index
        %get3A_390 = tpu.vector_load %arg4[%get3A_388, %get3A_389] {strides = array<i32>} : memref<256x384xf32, #tpu.memory_space<vmem>>, vector<1x16xf32>,
        %get3A_391 = vector.shape_cast %get3A_390 : vector<1x16xf32> to vector<16xf32>
        %max3A_392 = arith.maximumf %max3A_318, %get3A_391 : vector<16xf32>
        %min3A_393 = arith.minimumf %min3A_319, %get3A_391 : vector<16xf32>
        %get3A_394 = arith.index_cast %squeeze3A_363 : i32 to index
        %get3A_395 = arith.constant 80 : index
        %get3A_396 = tpu.vector_load %arg4[%get3A_394, %get3A_395] {strides = array<i32>} : memref<256x384xf32, #tpu.memory_space<vmem>>, vector<1x16xf32>,
        %get3A_397 = vector.shape_cast %get3A_396 : vector<1x16xf32> to vector<16xf32>
        %max3A_398 = arith.maximumf %max3A_324, %get3A_397 : vector<16xf32>
        %min3A_399 = arith.minimumf %min3A_325, %get3A_397 : vector<16xf32>
        %get3A_400 = arith.index_cast %squeeze3A_363 : i32 to index
        %get3A_401 = arith.constant 96 : index
        %get3A_402 = tpu.vector_load %arg4[%get3A_400, %get3A_401] {strides = array<i32>} : memref<256x384xf32, #tpu.memory_space<vmem>>, vector<1x16xf32>,
        %get3A_403 = vector.shape_cast %get3A_402 : vector<1x16xf32> to vector<16xf32>
        %max3A_404 = arith.maximumf %max3A_330, %get3A_403 : vector<16xf32>
        %min3A_405 = arith.minimumf %min3A_331, %get3A_403 : vector<16xf32>
        %get3A_406 = arith.index_cast %squeeze3A_363 : i32 to index
        %get3A_407 = arith.constant 112 : index
        %get3A_408 = tpu.vector_load %arg4[%get3A_406, %get3A_407] {strides = array<i32>} : memref<256x384xf32, #tpu.memory_space<vmem>>, vector<1x16xf32>,
        %get3A_409 = vector.shape_cast %get3A_408 : vector<1x16xf32> to vector<16xf32>
        %max3A_410 = arith.maximumf %max3A_336, %get3A_409 : vector<16xf32>
        %min3A_411 = arith.minimumf %min3A_337, %get3A_409 : vector<16xf32>
        %get3A_412 = arith.index_cast %squeeze3A_363 : i32 to index
        %get3A_413 = arith.constant 128 : index
        %get3A_414 = tpu.vector_load %arg4[%get3A_412, %get3A_413] {strides = array<i32>} : memref<256x384xf32, #tpu.memory_space<vmem>>, vector<1x16xf32>,
        %get3A_415 = vector.shape_cast %get3A_414 : vector<1x16xf32> to vector<16xf32>
        %max3A_416 = arith.maximumf %max3A_342, %get3A_415 : vector<16xf32>
        %min3A_417 = arith.minimumf %min3A_343, %get3A_415 : vector<16xf32>
        %get3A_418 = arith.index_cast %squeeze3A_363 : i32 to index
        %get3A_419 = arith.constant 144 : index
        %get3A_420 = tpu.vector_load %arg4[%get3A_418, %get3A_419] {strides = array<i32>} : memref<256x384xf32, #tpu.memory_space<vmem>>, vector<1x16xf32>,
        %get3A_421 = vector.shape_cast %get3A_420 : vector<1x16xf32> to vector<16xf32>
        %max3A_422 = arith.maximumf %max3A_348, %get3A_421 : vector<16xf32>
        %min3A_423 = arith.minimumf %min3A_349, %get3A_421 : vector<16xf32>
        %get3A_424 = arith.index_cast %squeeze3A_363 : i32 to index
        %get3A_425 = arith.constant 160 : index
        %get3A_426 = tpu.vector_load %arg4[%get3A_424, %get3A_425] {strides = array<i32>} : memref<256x384xf32, #tpu.memory_space<vmem>>, vector<1x16xf32>,
        %get3A_427 = vector.shape_cast %get3A_426 : vector<1x16xf32> to vector<16xf32>
        %max3A_428 = arith.maximumf %max3A_354, %get3A_427 : vector<16xf32>
        %min3A_429 = arith.minimumf %min3A_355, %get3A_427 : vector<16xf32>
        %get3A_430 = arith.index_cast %squeeze3A_363 : i32 to index
        %get3A_431 = arith.constant 176 : index
        %get3A_432 = tpu.vector_load %arg4[%get3A_430, %get3A_431] {strides = array<i32>} : memref<256x384xf32, #tpu.memory_space<vmem>>, vector<1x16xf32>,
        %get3A_433 = vector.shape_cast %get3A_432 : vector<1x16xf32> to vector<16xf32>
        %max3A_434 = arith.maximumf %max3A_360, %get3A_433 : vector<16xf32>
        %min3A_435 = arith.minimumf %min3A_361, %get3A_433 : vector<16xf32>
        %slice3A_436 = vector.extract_strided_slice %convert_element_type3A {offsets = [5], sizes = [1], strides = [1]} : vector<16xi32> to vector<1xi32>
        %squeeze3A_437 = vector.extract %slice3A_436[0] : i32 from vector<1xi32>
        %get3A_438 = arith.index_cast %squeeze3A_437 : i32 to index
        %get3A_439 = arith.constant 0 : index
        %get3A_440 = tpu.vector_load %arg4[%get3A_438, %get3A_439] {strides = array<i32>} : memref<256x384xf32, #tpu.memory_space<vmem>>, vector<1x16xf32>,
        %get3A_441 = vector.shape_cast %get3A_440 : vector<1x16xf32> to vector<16xf32>
        %max3A_442 = arith.maximumf %max3A_368, %get3A_441 : vector<16xf32>
        %min3A_443 = arith.minimumf %min3A_369, %get3A_441 : vector<16xf32>
        %get3A_444 = arith.index_cast %squeeze3A_437 : i32 to index
        %get3A_445 = arith.constant 16 : index
        %get3A_446 = tpu.vector_load %arg4[%get3A_444, %get3A_445] {strides = array<i32>} : memref<256x384xf32, #tpu.memory_space<vmem>>, vector<1x16xf32>,
        %get3A_447 = vector.shape_cast %get3A_446 : vector<1x16xf32> to vector<16xf32>
        %max3A_448 = arith.maximumf %max3A_374, %get3A_447 : vector<16xf32>
        %min3A_449 = arith.minimumf %min3A_375, %get3A_447 : vector<16xf32>
        %get3A_450 = arith.index_cast %squeeze3A_437 : i32 to index
        %get3A_451 = arith.constant 32 : index
        %get3A_452 = tpu.vector_load %arg4[%get3A_450, %get3A_451] {strides = array<i32>} : memref<256x384xf32, #tpu.memory_space<vmem>>, vector<1x16xf32>,
        %get3A_453 = vector.shape_cast %get3A_452 : vector<1x16xf32> to vector<16xf32>
        %max3A_454 = arith.maximumf %max3A_380, %get3A_453 : vector<16xf32>
        %min3A_455 = arith.minimumf %min3A_381, %get3A_453 : vector<16xf32>
        %get3A_456 = arith.index_cast %squeeze3A_437 : i32 to index
        %get3A_457 = arith.constant 48 : index
        %get3A_458 = tpu.vector_load %arg4[%get3A_456, %get3A_457] {strides = array<i32>} : memref<256x384xf32, #tpu.memory_space<vmem>>, vector<1x16xf32>,
        %get3A_459 = vector.shape_cast %get3A_458 : vector<1x16xf32> to vector<16xf32>
        %max3A_460 = arith.maximumf %max3A_386, %get3A_459 : vector<16xf32>
        %min3A_461 = arith.minimumf %min3A_387, %get3A_459 : vector<16xf32>
        %get3A_462 = arith.index_cast %squeeze3A_437 : i32 to index
        %get3A_463 = arith.constant 64 : index
        %get3A_464 = tpu.vector_load %arg4[%get3A_462, %get3A_463] {strides = array<i32>} : memref<256x384xf32, #tpu.memory_space<vmem>>, vector<1x16xf32>,
        %get3A_465 = vector.shape_cast %get3A_464 : vector<1x16xf32> to vector<16xf32>
        %max3A_466 = arith.maximumf %max3A_392, %get3A_465 : vector<16xf32>
        %min3A_467 = arith.minimumf %min3A_393, %get3A_465 : vector<16xf32>
        %get3A_468 = arith.index_cast %squeeze3A_437 : i32 to index
        %get3A_469 = arith.constant 80 : index
        %get3A_470 = tpu.vector_load %arg4[%get3A_468, %get3A_469] {strides = array<i32>} : memref<256x384xf32, #tpu.memory_space<vmem>>, vector<1x16xf32>,
        %get3A_471 = vector.shape_cast %get3A_470 : vector<1x16xf32> to vector<16xf32>
        %max3A_472 = arith.maximumf %max3A_398, %get3A_471 : vector<16xf32>
        %min3A_473 = arith.minimumf %min3A_399, %get3A_471 : vector<16xf32>
        %get3A_474 = arith.index_cast %squeeze3A_437 : i32 to index
        %get3A_475 = arith.constant 96 : index
        %get3A_476 = tpu.vector_load %arg4[%get3A_474, %get3A_475] {strides = array<i32>} : memref<256x384xf32, #tpu.memory_space<vmem>>, vector<1x16xf32>,
        %get3A_477 = vector.shape_cast %get3A_476 : vector<1x16xf32> to vector<16xf32>
        %max3A_478 = arith.maximumf %max3A_404, %get3A_477 : vector<16xf32>
        %min3A_479 = arith.minimumf %min3A_405, %get3A_477 : vector<16xf32>
        %get3A_480 = arith.index_cast %squeeze3A_437 : i32 to index
        %get3A_481 = arith.constant 112 : index
        %get3A_482 = tpu.vector_load %arg4[%get3A_480, %get3A_481] {strides = array<i32>} : memref<256x384xf32, #tpu.memory_space<vmem>>, vector<1x16xf32>,
        %get3A_483 = vector.shape_cast %get3A_482 : vector<1x16xf32> to vector<16xf32>
        %max3A_484 = arith.maximumf %max3A_410, %get3A_483 : vector<16xf32>
        %min3A_485 = arith.minimumf %min3A_411, %get3A_483 : vector<16xf32>
        %get3A_486 = arith.index_cast %squeeze3A_437 : i32 to index
        %get3A_487 = arith.constant 128 : index
        %get3A_488 = tpu.vector_load %arg4[%get3A_486, %get3A_487] {strides = array<i32>} : memref<256x384xf32, #tpu.memory_space<vmem>>, vector<1x16xf32>,
        %get3A_489 = vector.shape_cast %get3A_488 : vector<1x16xf32> to vector<16xf32>
        %max3A_490 = arith.maximumf %max3A_416, %get3A_489 : vector<16xf32>
        %min3A_491 = arith.minimumf %min3A_417, %get3A_489 : vector<16xf32>
        %get3A_492 = arith.index_cast %squeeze3A_437 : i32 to index
        %get3A_493 = arith.constant 144 : index
        %get3A_494 = tpu.vector_load %arg4[%get3A_492, %get3A_493] {strides = array<i32>} : memref<256x384xf32, #tpu.memory_space<vmem>>, vector<1x16xf32>,
        %get3A_495 = vector.shape_cast %get3A_494 : vector<1x16xf32> to vector<16xf32>
        %max3A_496 = arith.maximumf %max3A_422, %get3A_495 : vector<16xf32>
        %min3A_497 = arith.minimumf %min3A_423, %get3A_495 : vector<16xf32>
        %get3A_498 = arith.index_cast %squeeze3A_437 : i32 to index
        %get3A_499 = arith.constant 160 : index
        %get3A_500 = tpu.vector_load %arg4[%get3A_498, %get3A_499] {strides = array<i32>} : memref<256x384xf32, #tpu.memory_space<vmem>>, vector<1x16xf32>,
        %get3A_501 = vector.shape_cast %get3A_500 : vector<1x16xf32> to vector<16xf32>
        %max3A_502 = arith.maximumf %max3A_428, %get3A_501 : vector<16xf32>
        %min3A_503 = arith.minimumf %min3A_429, %get3A_501 : vector<16xf32>
        %get3A_504 = arith.index_cast %squeeze3A_437 : i32 to index
        %get3A_505 = arith.constant 176 : index
        %get3A_506 = tpu.vector_load %arg4[%get3A_504, %get3A_505] {strides = array<i32>} : memref<256x384xf32, #tpu.memory_space<vmem>>, vector<1x16xf32>,
        %get3A_507 = vector.shape_cast %get3A_506 : vector<1x16xf32> to vector<16xf32>
        %max3A_508 = arith.maximumf %max3A_434, %get3A_507 : vector<16xf32>
        %min3A_509 = arith.minimumf %min3A_435, %get3A_507 : vector<16xf32>
        %slice3A_510 = vector.extract_strided_slice %convert_element_type3A {offsets = [6], sizes = [1], strides = [1]} : vector<16xi32> to vector<1xi32>
        %squeeze3A_511 = vector.extract %slice3A_510[0] : i32 from vector<1xi32>
        %get3A_512 = arith.index_cast %squeeze3A_511 : i32 to index
        %get3A_513 = arith.constant 0 : index
        %get3A_514 = tpu.vector_load %arg4[%get3A_512, %get3A_513] {strides = array<i32>} : memref<256x384xf32, #tpu.memory_space<vmem>>, vector<1x16xf32>,
        %get3A_515 = vector.shape_cast %get3A_514 : vector<1x16xf32> to vector<16xf32>
        %max3A_516 = arith.maximumf %max3A_442, %get3A_515 : vector<16xf32>
        %min3A_517 = arith.minimumf %min3A_443, %get3A_515 : vector<16xf32>
        %get3A_518 = arith.index_cast %squeeze3A_511 : i32 to index
        %get3A_519 = arith.constant 16 : index
        %get3A_520 = tpu.vector_load %arg4[%get3A_518, %get3A_519] {strides = array<i32>} : memref<256x384xf32, #tpu.memory_space<vmem>>, vector<1x16xf32>,
        %get3A_521 = vector.shape_cast %get3A_520 : vector<1x16xf32> to vector<16xf32>
        %max3A_522 = arith.maximumf %max3A_448, %get3A_521 : vector<16xf32>
        %min3A_523 = arith.minimumf %min3A_449, %get3A_521 : vector<16xf32>
        %get3A_524 = arith.index_cast %squeeze3A_511 : i32 to index
        %get3A_525 = arith.constant 32 : index
        %get3A_526 = tpu.vector_load %arg4[%get3A_524, %get3A_525] {strides = array<i32>} : memref<256x384xf32, #tpu.memory_space<vmem>>, vector<1x16xf32>,
        %get3A_527 = vector.shape_cast %get3A_526 : vector<1x16xf32> to vector<16xf32>
        %max3A_528 = arith.maximumf %max3A_454, %get3A_527 : vector<16xf32>
        %min3A_529 = arith.minimumf %min3A_455, %get3A_527 : vector<16xf32>
        %get3A_530 = arith.index_cast %squeeze3A_511 : i32 to index
        %get3A_531 = arith.constant 48 : index
        %get3A_532 = tpu.vector_load %arg4[%get3A_530, %get3A_531] {strides = array<i32>} : memref<256x384xf32, #tpu.memory_space<vmem>>, vector<1x16xf32>,
        %get3A_533 = vector.shape_cast %get3A_532 : vector<1x16xf32> to vector<16xf32>
        %max3A_534 = arith.maximumf %max3A_460, %get3A_533 : vector<16xf32>
        %min3A_535 = arith.minimumf %min3A_461, %get3A_533 : vector<16xf32>
        %get3A_536 = arith.index_cast %squeeze3A_511 : i32 to index
        %get3A_537 = arith.constant 64 : index
        %get3A_538 = tpu.vector_load %arg4[%get3A_536, %get3A_537] {strides = array<i32>} : memref<256x384xf32, #tpu.memory_space<vmem>>, vector<1x16xf32>,
        %get3A_539 = vector.shape_cast %get3A_538 : vector<1x16xf32> to vector<16xf32>
        %max3A_540 = arith.maximumf %max3A_466, %get3A_539 : vector<16xf32>
        %min3A_541 = arith.minimumf %min3A_467, %get3A_539 : vector<16xf32>
        %get3A_542 = arith.index_cast %squeeze3A_511 : i32 to index
        %get3A_543 = arith.constant 80 : index
        %get3A_544 = tpu.vector_load %arg4[%get3A_542, %get3A_543] {strides = array<i32>} : memref<256x384xf32, #tpu.memory_space<vmem>>, vector<1x16xf32>,
        %get3A_545 = vector.shape_cast %get3A_544 : vector<1x16xf32> to vector<16xf32>
        %max3A_546 = arith.maximumf %max3A_472, %get3A_545 : vector<16xf32>
        %min3A_547 = arith.minimumf %min3A_473, %get3A_545 : vector<16xf32>
        %get3A_548 = arith.index_cast %squeeze3A_511 : i32 to index
        %get3A_549 = arith.constant 96 : index
        %get3A_550 = tpu.vector_load %arg4[%get3A_548, %get3A_549] {strides = array<i32>} : memref<256x384xf32, #tpu.memory_space<vmem>>, vector<1x16xf32>,
        %get3A_551 = vector.shape_cast %get3A_550 : vector<1x16xf32> to vector<16xf32>
        %max3A_552 = arith.maximumf %max3A_478, %get3A_551 : vector<16xf32>
        %min3A_553 = arith.minimumf %min3A_479, %get3A_551 : vector<16xf32>
        %get3A_554 = arith.index_cast %squeeze3A_511 : i32 to index
        %get3A_555 = arith.constant 112 : index
        %get3A_556 = tpu.vector_load %arg4[%get3A_554, %get3A_555] {strides = array<i32>} : memref<256x384xf32, #tpu.memory_space<vmem>>, vector<1x16xf32>,
        %get3A_557 = vector.shape_cast %get3A_556 : vector<1x16xf32> to vector<16xf32>
        %max3A_558 = arith.maximumf %max3A_484, %get3A_557 : vector<16xf32>
        %min3A_559 = arith.minimumf %min3A_485, %get3A_557 : vector<16xf32>
        %get3A_560 = arith.index_cast %squeeze3A_511 : i32 to index
        %get3A_561 = arith.constant 128 : index
        %get3A_562 = tpu.vector_load %arg4[%get3A_560, %get3A_561] {strides = array<i32>} : memref<256x384xf32, #tpu.memory_space<vmem>>, vector<1x16xf32>,
        %get3A_563 = vector.shape_cast %get3A_562 : vector<1x16xf32> to vector<16xf32>
        %max3A_564 = arith.maximumf %max3A_490, %get3A_563 : vector<16xf32>
        %min3A_565 = arith.minimumf %min3A_491, %get3A_563 : vector<16xf32>
        %get3A_566 = arith.index_cast %squeeze3A_511 : i32 to index
        %get3A_567 = arith.constant 144 : index
        %get3A_568 = tpu.vector_load %arg4[%get3A_566, %get3A_567] {strides = array<i32>} : memref<256x384xf32, #tpu.memory_space<vmem>>, vector<1x16xf32>,
        %get3A_569 = vector.shape_cast %get3A_568 : vector<1x16xf32> to vector<16xf32>
        %max3A_570 = arith.maximumf %max3A_496, %get3A_569 : vector<16xf32>
        %min3A_571 = arith.minimumf %min3A_497, %get3A_569 : vector<16xf32>
        %get3A_572 = arith.index_cast %squeeze3A_511 : i32 to index
        %get3A_573 = arith.constant 160 : index
        %get3A_574 = tpu.vector_load %arg4[%get3A_572, %get3A_573] {strides = array<i32>} : memref<256x384xf32, #tpu.memory_space<vmem>>, vector<1x16xf32>,
        %get3A_575 = vector.shape_cast %get3A_574 : vector<1x16xf32> to vector<16xf32>
        %max3A_576 = arith.maximumf %max3A_502, %get3A_575 : vector<16xf32>
        %min3A_577 = arith.minimumf %min3A_503, %get3A_575 : vector<16xf32>
        %get3A_578 = arith.index_cast %squeeze3A_511 : i32 to index
        %get3A_579 = arith.constant 176 : index
        %get3A_580 = tpu.vector_load %arg4[%get3A_578, %get3A_579] {strides = array<i32>} : memref<256x384xf32, #tpu.memory_space<vmem>>, vector<1x16xf32>,
        %get3A_581 = vector.shape_cast %get3A_580 : vector<1x16xf32> to vector<16xf32>
        %max3A_582 = arith.maximumf %max3A_508, %get3A_581 : vector<16xf32>
        %min3A_583 = arith.minimumf %min3A_509, %get3A_581 : vector<16xf32>
        %slice3A_584 = vector.extract_strided_slice %convert_element_type3A {offsets = [7], sizes = [1], strides = [1]} : vector<16xi32> to vector<1xi32>
        %squeeze3A_585 = vector.extract %slice3A_584[0] : i32 from vector<1xi32>
        %get3A_586 = arith.index_cast %squeeze3A_585 : i32 to index
        %get3A_587 = arith.constant 0 : index
        %get3A_588 = tpu.vector_load %arg4[%get3A_586, %get3A_587] {strides = array<i32>} : memref<256x384xf32, #tpu.memory_space<vmem>>, vector<1x16xf32>,
        %get3A_589 = vector.shape_cast %get3A_588 : vector<1x16xf32> to vector<16xf32>
        %max3A_590 = arith.maximumf %max3A_516, %get3A_589 : vector<16xf32>
        %min3A_591 = arith.minimumf %min3A_517, %get3A_589 : vector<16xf32>
        %get3A_592 = arith.index_cast %squeeze3A_585 : i32 to index
        %get3A_593 = arith.constant 16 : index
        %get3A_594 = tpu.vector_load %arg4[%get3A_592, %get3A_593] {strides = array<i32>} : memref<256x384xf32, #tpu.memory_space<vmem>>, vector<1x16xf32>,
        %get3A_595 = vector.shape_cast %get3A_594 : vector<1x16xf32> to vector<16xf32>
        %max3A_596 = arith.maximumf %max3A_522, %get3A_595 : vector<16xf32>
        %min3A_597 = arith.minimumf %min3A_523, %get3A_595 : vector<16xf32>
        %get3A_598 = arith.index_cast %squeeze3A_585 : i32 to index
        %get3A_599 = arith.constant 32 : index
        %get3A_600 = tpu.vector_load %arg4[%get3A_598, %get3A_599] {strides = array<i32>} : memref<256x384xf32, #tpu.memory_space<vmem>>, vector<1x16xf32>,
        %get3A_601 = vector.shape_cast %get3A_600 : vector<1x16xf32> to vector<16xf32>
        %max3A_602 = arith.maximumf %max3A_528, %get3A_601 : vector<16xf32>
        %min3A_603 = arith.minimumf %min3A_529, %get3A_601 : vector<16xf32>
        %get3A_604 = arith.index_cast %squeeze3A_585 : i32 to index
        %get3A_605 = arith.constant 48 : index
        %get3A_606 = tpu.vector_load %arg4[%get3A_604, %get3A_605] {strides = array<i32>} : memref<256x384xf32, #tpu.memory_space<vmem>>, vector<1x16xf32>,
        %get3A_607 = vector.shape_cast %get3A_606 : vector<1x16xf32> to vector<16xf32>
        %max3A_608 = arith.maximumf %max3A_534, %get3A_607 : vector<16xf32>
        %min3A_609 = arith.minimumf %min3A_535, %get3A_607 : vector<16xf32>
        %get3A_610 = arith.index_cast %squeeze3A_585 : i32 to index
        %get3A_611 = arith.constant 64 : index
        %get3A_612 = tpu.vector_load %arg4[%get3A_610, %get3A_611] {strides = array<i32>} : memref<256x384xf32, #tpu.memory_space<vmem>>, vector<1x16xf32>,
        %get3A_613 = vector.shape_cast %get3A_612 : vector<1x16xf32> to vector<16xf32>
        %max3A_614 = arith.maximumf %max3A_540, %get3A_613 : vector<16xf32>
        %min3A_615 = arith.minimumf %min3A_541, %get3A_613 : vector<16xf32>
        %get3A_616 = arith.index_cast %squeeze3A_585 : i32 to index
        %get3A_617 = arith.constant 80 : index
        %get3A_618 = tpu.vector_load %arg4[%get3A_616, %get3A_617] {strides = array<i32>} : memref<256x384xf32, #tpu.memory_space<vmem>>, vector<1x16xf32>,
        %get3A_619 = vector.shape_cast %get3A_618 : vector<1x16xf32> to vector<16xf32>
        %max3A_620 = arith.maximumf %max3A_546, %get3A_619 : vector<16xf32>
        %min3A_621 = arith.minimumf %min3A_547, %get3A_619 : vector<16xf32>
        %get3A_622 = arith.index_cast %squeeze3A_585 : i32 to index
        %get3A_623 = arith.constant 96 : index
        %get3A_624 = tpu.vector_load %arg4[%get3A_622, %get3A_623] {strides = array<i32>} : memref<256x384xf32, #tpu.memory_space<vmem>>, vector<1x16xf32>,
        %get3A_625 = vector.shape_cast %get3A_624 : vector<1x16xf32> to vector<16xf32>
        %max3A_626 = arith.maximumf %max3A_552, %get3A_625 : vector<16xf32>
        %min3A_627 = arith.minimumf %min3A_553, %get3A_625 : vector<16xf32>
        %get3A_628 = arith.index_cast %squeeze3A_585 : i32 to index
        %get3A_629 = arith.constant 112 : index
        %get3A_630 = tpu.vector_load %arg4[%get3A_628, %get3A_629] {strides = array<i32>} : memref<256x384xf32, #tpu.memory_space<vmem>>, vector<1x16xf32>,
        %get3A_631 = vector.shape_cast %get3A_630 : vector<1x16xf32> to vector<16xf32>
        %max3A_632 = arith.maximumf %max3A_558, %get3A_631 : vector<16xf32>
        %min3A_633 = arith.minimumf %min3A_559, %get3A_631 : vector<16xf32>
        %get3A_634 = arith.index_cast %squeeze3A_585 : i32 to index
        %get3A_635 = arith.constant 128 : index
        %get3A_636 = tpu.vector_load %arg4[%get3A_634, %get3A_635] {strides = array<i32>} : memref<256x384xf32, #tpu.memory_space<vmem>>, vector<1x16xf32>,
        %get3A_637 = vector.shape_cast %get3A_636 : vector<1x16xf32> to vector<16xf32>
        %max3A_638 = arith.maximumf %max3A_564, %get3A_637 : vector<16xf32>
        %min3A_639 = arith.minimumf %min3A_565, %get3A_637 : vector<16xf32>
        %get3A_640 = arith.index_cast %squeeze3A_585 : i32 to index
        %get3A_641 = arith.constant 144 : index
        %get3A_642 = tpu.vector_load %arg4[%get3A_640, %get3A_641] {strides = array<i32>} : memref<256x384xf32, #tpu.memory_space<vmem>>, vector<1x16xf32>,
        %get3A_643 = vector.shape_cast %get3A_642 : vector<1x16xf32> to vector<16xf32>
        %max3A_644 = arith.maximumf %max3A_570, %get3A_643 : vector<16xf32>
        %min3A_645 = arith.minimumf %min3A_571, %get3A_643 : vector<16xf32>
        %get3A_646 = arith.index_cast %squeeze3A_585 : i32 to index
        %get3A_647 = arith.constant 160 : index
        %get3A_648 = tpu.vector_load %arg4[%get3A_646, %get3A_647] {strides = array<i32>} : memref<256x384xf32, #tpu.memory_space<vmem>>, vector<1x16xf32>,
        %get3A_649 = vector.shape_cast %get3A_648 : vector<1x16xf32> to vector<16xf32>
        %max3A_650 = arith.maximumf %max3A_576, %get3A_649 : vector<16xf32>
        %min3A_651 = arith.minimumf %min3A_577, %get3A_649 : vector<16xf32>
        %get3A_652 = arith.index_cast %squeeze3A_585 : i32 to index
        %get3A_653 = arith.constant 176 : index
        %get3A_654 = tpu.vector_load %arg4[%get3A_652, %get3A_653] {strides = array<i32>} : memref<256x384xf32, #tpu.memory_space<vmem>>, vector<1x16xf32>,
        %get3A_655 = vector.shape_cast %get3A_654 : vector<1x16xf32> to vector<16xf32>
        %max3A_656 = arith.maximumf %max3A_582, %get3A_655 : vector<16xf32>
        %min3A_657 = arith.minimumf %min3A_583, %get3A_655 : vector<16xf32>
        %slice3A_658 = vector.extract_strided_slice %convert_element_type3A {offsets = [8], sizes = [1], strides = [1]} : vector<16xi32> to vector<1xi32>
        %squeeze3A_659 = vector.extract %slice3A_658[0] : i32 from vector<1xi32>
        %get3A_660 = arith.index_cast %squeeze3A_659 : i32 to index
        %get3A_661 = arith.constant 0 : index
        %get3A_662 = tpu.vector_load %arg4[%get3A_660, %get3A_661] {strides = array<i32>} : memref<256x384xf32, #tpu.memory_space<vmem>>, vector<1x16xf32>,
        %get3A_663 = vector.shape_cast %get3A_662 : vector<1x16xf32> to vector<16xf32>
        %max3A_664 = arith.maximumf %max3A_590, %get3A_663 : vector<16xf32>
        %min3A_665 = arith.minimumf %min3A_591, %get3A_663 : vector<16xf32>
        %get3A_666 = arith.index_cast %squeeze3A_659 : i32 to index
        %get3A_667 = arith.constant 16 : index
        %get3A_668 = tpu.vector_load %arg4[%get3A_666, %get3A_667] {strides = array<i32>} : memref<256x384xf32, #tpu.memory_space<vmem>>, vector<1x16xf32>,
        %get3A_669 = vector.shape_cast %get3A_668 : vector<1x16xf32> to vector<16xf32>
        %max3A_670 = arith.maximumf %max3A_596, %get3A_669 : vector<16xf32>
        %min3A_671 = arith.minimumf %min3A_597, %get3A_669 : vector<16xf32>
        %get3A_672 = arith.index_cast %squeeze3A_659 : i32 to index
        %get3A_673 = arith.constant 32 : index
        %get3A_674 = tpu.vector_load %arg4[%get3A_672, %get3A_673] {strides = array<i32>} : memref<256x384xf32, #tpu.memory_space<vmem>>, vector<1x16xf32>,
        %get3A_675 = vector.shape_cast %get3A_674 : vector<1x16xf32> to vector<16xf32>
        %max3A_676 = arith.maximumf %max3A_602, %get3A_675 : vector<16xf32>
        %min3A_677 = arith.minimumf %min3A_603, %get3A_675 : vector<16xf32>
        %get3A_678 = arith.index_cast %squeeze3A_659 : i32 to index
        %get3A_679 = arith.constant 48 : index
        %get3A_680 = tpu.vector_load %arg4[%get3A_678, %get3A_679] {strides = array<i32>} : memref<256x384xf32, #tpu.memory_space<vmem>>, vector<1x16xf32>,
        %get3A_681 = vector.shape_cast %get3A_680 : vector<1x16xf32> to vector<16xf32>
        %max3A_682 = arith.maximumf %max3A_608, %get3A_681 : vector<16xf32>
        %min3A_683 = arith.minimumf %min3A_609, %get3A_681 : vector<16xf32>
        %get3A_684 = arith.index_cast %squeeze3A_659 : i32 to index
        %get3A_685 = arith.constant 64 : index
        %get3A_686 = tpu.vector_load %arg4[%get3A_684, %get3A_685] {strides = array<i32>} : memref<256x384xf32, #tpu.memory_space<vmem>>, vector<1x16xf32>,
        %get3A_687 = vector.shape_cast %get3A_686 : vector<1x16xf32> to vector<16xf32>
        %max3A_688 = arith.maximumf %max3A_614, %get3A_687 : vector<16xf32>
        %min3A_689 = arith.minimumf %min3A_615, %get3A_687 : vector<16xf32>
        %get3A_690 = arith.index_cast %squeeze3A_659 : i32 to index
        %get3A_691 = arith.constant 80 : index
        %get3A_692 = tpu.vector_load %arg4[%get3A_690, %get3A_691] {strides = array<i32>} : memref<256x384xf32, #tpu.memory_space<vmem>>, vector<1x16xf32>,
        %get3A_693 = vector.shape_cast %get3A_692 : vector<1x16xf32> to vector<16xf32>
        %max3A_694 = arith.maximumf %max3A_620, %get3A_693 : vector<16xf32>
        %min3A_695 = arith.minimumf %min3A_621, %get3A_693 : vector<16xf32>
        %get3A_696 = arith.index_cast %squeeze3A_659 : i32 to index
        %get3A_697 = arith.constant 96 : index
        %get3A_698 = tpu.vector_load %arg4[%get3A_696, %get3A_697] {strides = array<i32>} : memref<256x384xf32, #tpu.memory_space<vmem>>, vector<1x16xf32>,
        %get3A_699 = vector.shape_cast %get3A_698 : vector<1x16xf32> to vector<16xf32>
        %max3A_700 = arith.maximumf %max3A_626, %get3A_699 : vector<16xf32>
        %min3A_701 = arith.minimumf %min3A_627, %get3A_699 : vector<16xf32>
        %get3A_702 = arith.index_cast %squeeze3A_659 : i32 to index
        %get3A_703 = arith.constant 112 : index
        %get3A_704 = tpu.vector_load %arg4[%get3A_702, %get3A_703] {strides = array<i32>} : memref<256x384xf32, #tpu.memory_space<vmem>>, vector<1x16xf32>,
        %get3A_705 = vector.shape_cast %get3A_704 : vector<1x16xf32> to vector<16xf32>
        %max3A_706 = arith.maximumf %max3A_632, %get3A_705 : vector<16xf32>
        %min3A_707 = arith.minimumf %min3A_633, %get3A_705 : vector<16xf32>
        %get3A_708 = arith.index_cast %squeeze3A_659 : i32 to index
        %get3A_709 = arith.constant 128 : index
        %get3A_710 = tpu.vector_load %arg4[%get3A_708, %get3A_709] {strides = array<i32>} : memref<256x384xf32, #tpu.memory_space<vmem>>, vector<1x16xf32>,
        %get3A_711 = vector.shape_cast %get3A_710 : vector<1x16xf32> to vector<16xf32>
        %max3A_712 = arith.maximumf %max3A_638, %get3A_711 : vector<16xf32>
        %min3A_713 = arith.minimumf %min3A_639, %get3A_711 : vector<16xf32>
        %get3A_714 = arith.index_cast %squeeze3A_659 : i32 to index
        %get3A_715 = arith.constant 144 : index
        %get3A_716 = tpu.vector_load %arg4[%get3A_714, %get3A_715] {strides = array<i32>} : memref<256x384xf32, #tpu.memory_space<vmem>>, vector<1x16xf32>,
        %get3A_717 = vector.shape_cast %get3A_716 : vector<1x16xf32> to vector<16xf32>
        %max3A_718 = arith.maximumf %max3A_644, %get3A_717 : vector<16xf32>
        %min3A_719 = arith.minimumf %min3A_645, %get3A_717 : vector<16xf32>
        %get3A_720 = arith.index_cast %squeeze3A_659 : i32 to index
        %get3A_721 = arith.constant 160 : index
        %get3A_722 = tpu.vector_load %arg4[%get3A_720, %get3A_721] {strides = array<i32>} : memref<256x384xf32, #tpu.memory_space<vmem>>, vector<1x16xf32>,
        %get3A_723 = vector.shape_cast %get3A_722 : vector<1x16xf32> to vector<16xf32>
        %max3A_724 = arith.maximumf %max3A_650, %get3A_723 : vector<16xf32>
        %min3A_725 = arith.minimumf %min3A_651, %get3A_723 : vector<16xf32>
        %get3A_726 = arith.index_cast %squeeze3A_659 : i32 to index
        %get3A_727 = arith.constant 176 : index
        %get3A_728 = tpu.vector_load %arg4[%get3A_726, %get3A_727] {strides = array<i32>} : memref<256x384xf32, #tpu.memory_space<vmem>>, vector<1x16xf32>,
        %get3A_729 = vector.shape_cast %get3A_728 : vector<1x16xf32> to vector<16xf32>
        %max3A_730 = arith.maximumf %max3A_656, %get3A_729 : vector<16xf32>
        %min3A_731 = arith.minimumf %min3A_657, %get3A_729 : vector<16xf32>
        %slice3A_732 = vector.extract_strided_slice %convert_element_type3A {offsets = [9], sizes = [1], strides = [1]} : vector<16xi32> to vector<1xi32>
        %squeeze3A_733 = vector.extract %slice3A_732[0] : i32 from vector<1xi32>
        %get3A_734 = arith.index_cast %squeeze3A_733 : i32 to index
        %get3A_735 = arith.constant 0 : index
        %get3A_736 = tpu.vector_load %arg4[%get3A_734, %get3A_735] {strides = array<i32>} : memref<256x384xf32, #tpu.memory_space<vmem>>, vector<1x16xf32>,
        %get3A_737 = vector.shape_cast %get3A_736 : vector<1x16xf32> to vector<16xf32>
        %max3A_738 = arith.maximumf %max3A_664, %get3A_737 : vector<16xf32>
        %min3A_739 = arith.minimumf %min3A_665, %get3A_737 : vector<16xf32>
        %get3A_740 = arith.index_cast %squeeze3A_733 : i32 to index
        %get3A_741 = arith.constant 16 : index
        %get3A_742 = tpu.vector_load %arg4[%get3A_740, %get3A_741] {strides = array<i32>} : memref<256x384xf32, #tpu.memory_space<vmem>>, vector<1x16xf32>,
        %get3A_743 = vector.shape_cast %get3A_742 : vector<1x16xf32> to vector<16xf32>
        %max3A_744 = arith.maximumf %max3A_670, %get3A_743 : vector<16xf32>
        %min3A_745 = arith.minimumf %min3A_671, %get3A_743 : vector<16xf32>
        %get3A_746 = arith.index_cast %squeeze3A_733 : i32 to index
        %get3A_747 = arith.constant 32 : index
        %get3A_748 = tpu.vector_load %arg4[%get3A_746, %get3A_747] {strides = array<i32>} : memref<256x384xf32, #tpu.memory_space<vmem>>, vector<1x16xf32>,
        %get3A_749 = vector.shape_cast %get3A_748 : vector<1x16xf32> to vector<16xf32>
        %max3A_750 = arith.maximumf %max3A_676, %get3A_749 : vector<16xf32>
        %min3A_751 = arith.minimumf %min3A_677, %get3A_749 : vector<16xf32>
        %get3A_752 = arith.index_cast %squeeze3A_733 : i32 to index
        %get3A_753 = arith.constant 48 : index
        %get3A_754 = tpu.vector_load %arg4[%get3A_752, %get3A_753] {strides = array<i32>} : memref<256x384xf32, #tpu.memory_space<vmem>>, vector<1x16xf32>,
        %get3A_755 = vector.shape_cast %get3A_754 : vector<1x16xf32> to vector<16xf32>
        %max3A_756 = arith.maximumf %max3A_682, %get3A_755 : vector<16xf32>
        %min3A_757 = arith.minimumf %min3A_683, %get3A_755 : vector<16xf32>
        %get3A_758 = arith.index_cast %squeeze3A_733 : i32 to index
        %get3A_759 = arith.constant 64 : index
        %get3A_760 = tpu.vector_load %arg4[%get3A_758, %get3A_759] {strides = array<i32>} : memref<256x384xf32, #tpu.memory_space<vmem>>, vector<1x16xf32>,
        %get3A_761 = vector.shape_cast %get3A_760 : vector<1x16xf32> to vector<16xf32>
        %max3A_762 = arith.maximumf %max3A_688, %get3A_761 : vector<16xf32>
        %min3A_763 = arith.minimumf %min3A_689, %get3A_761 : vector<16xf32>
        %get3A_764 = arith.index_cast %squeeze3A_733 : i32 to index
        %get3A_765 = arith.constant 80 : index
        %get3A_766 = tpu.vector_load %arg4[%get3A_764, %get3A_765] {strides = array<i32>} : memref<256x384xf32, #tpu.memory_space<vmem>>, vector<1x16xf32>,
        %get3A_767 = vector.shape_cast %get3A_766 : vector<1x16xf32> to vector<16xf32>
        %max3A_768 = arith.maximumf %max3A_694, %get3A_767 : vector<16xf32>
        %min3A_769 = arith.minimumf %min3A_695, %get3A_767 : vector<16xf32>
        %get3A_770 = arith.index_cast %squeeze3A_733 : i32 to index
        %get3A_771 = arith.constant 96 : index
        %get3A_772 = tpu.vector_load %arg4[%get3A_770, %get3A_771] {strides = array<i32>} : memref<256x384xf32, #tpu.memory_space<vmem>>, vector<1x16xf32>,
        %get3A_773 = vector.shape_cast %get3A_772 : vector<1x16xf32> to vector<16xf32>
        %max3A_774 = arith.maximumf %max3A_700, %get3A_773 : vector<16xf32>
        %min3A_775 = arith.minimumf %min3A_701, %get3A_773 : vector<16xf32>
        %get3A_776 = arith.index_cast %squeeze3A_733 : i32 to index
        %get3A_777 = arith.constant 112 : index
        %get3A_778 = tpu.vector_load %arg4[%get3A_776, %get3A_777] {strides = array<i32>} : memref<256x384xf32, #tpu.memory_space<vmem>>, vector<1x16xf32>,
        %get3A_779 = vector.shape_cast %get3A_778 : vector<1x16xf32> to vector<16xf32>
        %max3A_780 = arith.maximumf %max3A_706, %get3A_779 : vector<16xf32>
        %min3A_781 = arith.minimumf %min3A_707, %get3A_779 : vector<16xf32>
        %get3A_782 = arith.index_cast %squeeze3A_733 : i32 to index
        %get3A_783 = arith.constant 128 : index
        %get3A_784 = tpu.vector_load %arg4[%get3A_782, %get3A_783] {strides = array<i32>} : memref<256x384xf32, #tpu.memory_space<vmem>>, vector<1x16xf32>,
        %get3A_785 = vector.shape_cast %get3A_784 : vector<1x16xf32> to vector<16xf32>
        %max3A_786 = arith.maximumf %max3A_712, %get3A_785 : vector<16xf32>
        %min3A_787 = arith.minimumf %min3A_713, %get3A_785 : vector<16xf32>
        %get3A_788 = arith.index_cast %squeeze3A_733 : i32 to index
        %get3A_789 = arith.constant 144 : index
        %get3A_790 = tpu.vector_load %arg4[%get3A_788, %get3A_789] {strides = array<i32>} : memref<256x384xf32, #tpu.memory_space<vmem>>, vector<1x16xf32>,
        %get3A_791 = vector.shape_cast %get3A_790 : vector<1x16xf32> to vector<16xf32>
        %max3A_792 = arith.maximumf %max3A_718, %get3A_791 : vector<16xf32>
        %min3A_793 = arith.minimumf %min3A_719, %get3A_791 : vector<16xf32>
        %get3A_794 = arith.index_cast %squeeze3A_733 : i32 to index
        %get3A_795 = arith.constant 160 : index
        %get3A_796 = tpu.vector_load %arg4[%get3A_794, %get3A_795] {strides = array<i32>} : memref<256x384xf32, #tpu.memory_space<vmem>>, vector<1x16xf32>,
        %get3A_797 = vector.shape_cast %get3A_796 : vector<1x16xf32> to vector<16xf32>
        %max3A_798 = arith.maximumf %max3A_724, %get3A_797 : vector<16xf32>
        %min3A_799 = arith.minimumf %min3A_725, %get3A_797 : vector<16xf32>
        %get3A_800 = arith.index_cast %squeeze3A_733 : i32 to index
        %get3A_801 = arith.constant 176 : index
        %get3A_802 = tpu.vector_load %arg4[%get3A_800, %get3A_801] {strides = array<i32>} : memref<256x384xf32, #tpu.memory_space<vmem>>, vector<1x16xf32>,
        %get3A_803 = vector.shape_cast %get3A_802 : vector<1x16xf32> to vector<16xf32>
        %max3A_804 = arith.maximumf %max3A_730, %get3A_803 : vector<16xf32>
        %min3A_805 = arith.minimumf %min3A_731, %get3A_803 : vector<16xf32>
        %slice3A_806 = vector.extract_strided_slice %convert_element_type3A {offsets = [10], sizes = [1], strides = [1]} : vector<16xi32> to vector<1xi32>
        %squeeze3A_807 = vector.extract %slice3A_806[0] : i32 from vector<1xi32>
        %get3A_808 = arith.index_cast %squeeze3A_807 : i32 to index
        %get3A_809 = arith.constant 0 : index
        %get3A_810 = tpu.vector_load %arg4[%get3A_808, %get3A_809] {strides = array<i32>} : memref<256x384xf32, #tpu.memory_space<vmem>>, vector<1x16xf32>,
        %get3A_811 = vector.shape_cast %get3A_810 : vector<1x16xf32> to vector<16xf32>
        %max3A_812 = arith.maximumf %max3A_738, %get3A_811 : vector<16xf32>
        %min3A_813 = arith.minimumf %min3A_739, %get3A_811 : vector<16xf32>
        %get3A_814 = arith.index_cast %squeeze3A_807 : i32 to index
        %get3A_815 = arith.constant 16 : index
        %get3A_816 = tpu.vector_load %arg4[%get3A_814, %get3A_815] {strides = array<i32>} : memref<256x384xf32, #tpu.memory_space<vmem>>, vector<1x16xf32>,
        %get3A_817 = vector.shape_cast %get3A_816 : vector<1x16xf32> to vector<16xf32>
        %max3A_818 = arith.maximumf %max3A_744, %get3A_817 : vector<16xf32>
        %min3A_819 = arith.minimumf %min3A_745, %get3A_817 : vector<16xf32>
        %get3A_820 = arith.index_cast %squeeze3A_807 : i32 to index
        %get3A_821 = arith.constant 32 : index
        %get3A_822 = tpu.vector_load %arg4[%get3A_820, %get3A_821] {strides = array<i32>} : memref<256x384xf32, #tpu.memory_space<vmem>>, vector<1x16xf32>,
        %get3A_823 = vector.shape_cast %get3A_822 : vector<1x16xf32> to vector<16xf32>
        %max3A_824 = arith.maximumf %max3A_750, %get3A_823 : vector<16xf32>
        %min3A_825 = arith.minimumf %min3A_751, %get3A_823 : vector<16xf32>
        %get3A_826 = arith.index_cast %squeeze3A_807 : i32 to index
        %get3A_827 = arith.constant 48 : index
        %get3A_828 = tpu.vector_load %arg4[%get3A_826, %get3A_827] {strides = array<i32>} : memref<256x384xf32, #tpu.memory_space<vmem>>, vector<1x16xf32>,
        %get3A_829 = vector.shape_cast %get3A_828 : vector<1x16xf32> to vector<16xf32>
        %max3A_830 = arith.maximumf %max3A_756, %get3A_829 : vector<16xf32>
        %min3A_831 = arith.minimumf %min3A_757, %get3A_829 : vector<16xf32>
        %get3A_832 = arith.index_cast %squeeze3A_807 : i32 to index
        %get3A_833 = arith.constant 64 : index
        %get3A_834 = tpu.vector_load %arg4[%get3A_832, %get3A_833] {strides = array<i32>} : memref<256x384xf32, #tpu.memory_space<vmem>>, vector<1x16xf32>,
        %get3A_835 = vector.shape_cast %get3A_834 : vector<1x16xf32> to vector<16xf32>
        %max3A_836 = arith.maximumf %max3A_762, %get3A_835 : vector<16xf32>
        %min3A_837 = arith.minimumf %min3A_763, %get3A_835 : vector<16xf32>
        %get3A_838 = arith.index_cast %squeeze3A_807 : i32 to index
        %get3A_839 = arith.constant 80 : index
        %get3A_840 = tpu.vector_load %arg4[%get3A_838, %get3A_839] {strides = array<i32>} : memref<256x384xf32, #tpu.memory_space<vmem>>, vector<1x16xf32>,
        %get3A_841 = vector.shape_cast %get3A_840 : vector<1x16xf32> to vector<16xf32>
        %max3A_842 = arith.maximumf %max3A_768, %get3A_841 : vector<16xf32>
        %min3A_843 = arith.minimumf %min3A_769, %get3A_841 : vector<16xf32>
        %get3A_844 = arith.index_cast %squeeze3A_807 : i32 to index
        %get3A_845 = arith.constant 96 : index
        %get3A_846 = tpu.vector_load %arg4[%get3A_844, %get3A_845] {strides = array<i32>} : memref<256x384xf32, #tpu.memory_space<vmem>>, vector<1x16xf32>,
        %get3A_847 = vector.shape_cast %get3A_846 : vector<1x16xf32> to vector<16xf32>
        %max3A_848 = arith.maximumf %max3A_774, %get3A_847 : vector<16xf32>
        %min3A_849 = arith.minimumf %min3A_775, %get3A_847 : vector<16xf32>
        %get3A_850 = arith.index_cast %squeeze3A_807 : i32 to index
        %get3A_851 = arith.constant 112 : index
        %get3A_852 = tpu.vector_load %arg4[%get3A_850, %get3A_851] {strides = array<i32>} : memref<256x384xf32, #tpu.memory_space<vmem>>, vector<1x16xf32>,
        %get3A_853 = vector.shape_cast %get3A_852 : vector<1x16xf32> to vector<16xf32>
        %max3A_854 = arith.maximumf %max3A_780, %get3A_853 : vector<16xf32>
        %min3A_855 = arith.minimumf %min3A_781, %get3A_853 : vector<16xf32>
        %get3A_856 = arith.index_cast %squeeze3A_807 : i32 to index
        %get3A_857 = arith.constant 128 : index
        %get3A_858 = tpu.vector_load %arg4[%get3A_856, %get3A_857] {strides = array<i32>} : memref<256x384xf32, #tpu.memory_space<vmem>>, vector<1x16xf32>,
        %get3A_859 = vector.shape_cast %get3A_858 : vector<1x16xf32> to vector<16xf32>
        %max3A_860 = arith.maximumf %max3A_786, %get3A_859 : vector<16xf32>
        %min3A_861 = arith.minimumf %min3A_787, %get3A_859 : vector<16xf32>
        %get3A_862 = arith.index_cast %squeeze3A_807 : i32 to index
        %get3A_863 = arith.constant 144 : index
        %get3A_864 = tpu.vector_load %arg4[%get3A_862, %get3A_863] {strides = array<i32>} : memref<256x384xf32, #tpu.memory_space<vmem>>, vector<1x16xf32>,
        %get3A_865 = vector.shape_cast %get3A_864 : vector<1x16xf32> to vector<16xf32>
        %max3A_866 = arith.maximumf %max3A_792, %get3A_865 : vector<16xf32>
        %min3A_867 = arith.minimumf %min3A_793, %get3A_865 : vector<16xf32>
        %get3A_868 = arith.index_cast %squeeze3A_807 : i32 to index
        %get3A_869 = arith.constant 160 : index
        %get3A_870 = tpu.vector_load %arg4[%get3A_868, %get3A_869] {strides = array<i32>} : memref<256x384xf32, #tpu.memory_space<vmem>>, vector<1x16xf32>,
        %get3A_871 = vector.shape_cast %get3A_870 : vector<1x16xf32> to vector<16xf32>
        %max3A_872 = arith.maximumf %max3A_798, %get3A_871 : vector<16xf32>
        %min3A_873 = arith.minimumf %min3A_799, %get3A_871 : vector<16xf32>
        %get3A_874 = arith.index_cast %squeeze3A_807 : i32 to index
        %get3A_875 = arith.constant 176 : index
        %get3A_876 = tpu.vector_load %arg4[%get3A_874, %get3A_875] {strides = array<i32>} : memref<256x384xf32, #tpu.memory_space<vmem>>, vector<1x16xf32>,
        %get3A_877 = vector.shape_cast %get3A_876 : vector<1x16xf32> to vector<16xf32>
        %max3A_878 = arith.maximumf %max3A_804, %get3A_877 : vector<16xf32>
        %min3A_879 = arith.minimumf %min3A_805, %get3A_877 : vector<16xf32>
        %slice3A_880 = vector.extract_strided_slice %convert_element_type3A {offsets = [11], sizes = [1], strides = [1]} : vector<16xi32> to vector<1xi32>
        %squeeze3A_881 = vector.extract %slice3A_880[0] : i32 from vector<1xi32>
        %get3A_882 = arith.index_cast %squeeze3A_881 : i32 to index
        %get3A_883 = arith.constant 0 : index
        %get3A_884 = tpu.vector_load %arg4[%get3A_882, %get3A_883] {strides = array<i32>} : memref<256x384xf32, #tpu.memory_space<vmem>>, vector<1x16xf32>,
        %get3A_885 = vector.shape_cast %get3A_884 : vector<1x16xf32> to vector<16xf32>
        %max3A_886 = arith.maximumf %max3A_812, %get3A_885 : vector<16xf32>
        %min3A_887 = arith.minimumf %min3A_813, %get3A_885 : vector<16xf32>
        %get3A_888 = arith.index_cast %squeeze3A_881 : i32 to index
        %get3A_889 = arith.constant 16 : index
        %get3A_890 = tpu.vector_load %arg4[%get3A_888, %get3A_889] {strides = array<i32>} : memref<256x384xf32, #tpu.memory_space<vmem>>, vector<1x16xf32>,
        %get3A_891 = vector.shape_cast %get3A_890 : vector<1x16xf32> to vector<16xf32>
        %max3A_892 = arith.maximumf %max3A_818, %get3A_891 : vector<16xf32>
        %min3A_893 = arith.minimumf %min3A_819, %get3A_891 : vector<16xf32>
        %get3A_894 = arith.index_cast %squeeze3A_881 : i32 to index
        %get3A_895 = arith.constant 32 : index
        %get3A_896 = tpu.vector_load %arg4[%get3A_894, %get3A_895] {strides = array<i32>} : memref<256x384xf32, #tpu.memory_space<vmem>>, vector<1x16xf32>,
        %get3A_897 = vector.shape_cast %get3A_896 : vector<1x16xf32> to vector<16xf32>
        %max3A_898 = arith.maximumf %max3A_824, %get3A_897 : vector<16xf32>
        %min3A_899 = arith.minimumf %min3A_825, %get3A_897 : vector<16xf32>
        %get3A_900 = arith.index_cast %squeeze3A_881 : i32 to index
        %get3A_901 = arith.constant 48 : index
        %get3A_902 = tpu.vector_load %arg4[%get3A_900, %get3A_901] {strides = array<i32>} : memref<256x384xf32, #tpu.memory_space<vmem>>, vector<1x16xf32>,
        %get3A_903 = vector.shape_cast %get3A_902 : vector<1x16xf32> to vector<16xf32>
        %max3A_904 = arith.maximumf %max3A_830, %get3A_903 : vector<16xf32>
        %min3A_905 = arith.minimumf %min3A_831, %get3A_903 : vector<16xf32>
        %get3A_906 = arith.index_cast %squeeze3A_881 : i32 to index
        %get3A_907 = arith.constant 64 : index
        %get3A_908 = tpu.vector_load %arg4[%get3A_906, %get3A_907] {strides = array<i32>} : memref<256x384xf32, #tpu.memory_space<vmem>>, vector<1x16xf32>,
        %get3A_909 = vector.shape_cast %get3A_908 : vector<1x16xf32> to vector<16xf32>
        %max3A_910 = arith.maximumf %max3A_836, %get3A_909 : vector<16xf32>
        %min3A_911 = arith.minimumf %min3A_837, %get3A_909 : vector<16xf32>
        %get3A_912 = arith.index_cast %squeeze3A_881 : i32 to index
        %get3A_913 = arith.constant 80 : index
        %get3A_914 = tpu.vector_load %arg4[%get3A_912, %get3A_913] {strides = array<i32>} : memref<256x384xf32, #tpu.memory_space<vmem>>, vector<1x16xf32>,
        %get3A_915 = vector.shape_cast %get3A_914 : vector<1x16xf32> to vector<16xf32>
        %max3A_916 = arith.maximumf %max3A_842, %get3A_915 : vector<16xf32>
        %min3A_917 = arith.minimumf %min3A_843, %get3A_915 : vector<16xf32>
        %get3A_918 = arith.index_cast %squeeze3A_881 : i32 to index
        %get3A_919 = arith.constant 96 : index
        %get3A_920 = tpu.vector_load %arg4[%get3A_918, %get3A_919] {strides = array<i32>} : memref<256x384xf32, #tpu.memory_space<vmem>>, vector<1x16xf32>,
        %get3A_921 = vector.shape_cast %get3A_920 : vector<1x16xf32> to vector<16xf32>
        %max3A_922 = arith.maximumf %max3A_848, %get3A_921 : vector<16xf32>
        %min3A_923 = arith.minimumf %min3A_849, %get3A_921 : vector<16xf32>
        %get3A_924 = arith.index_cast %squeeze3A_881 : i32 to index
        %get3A_925 = arith.constant 112 : index
        %get3A_926 = tpu.vector_load %arg4[%get3A_924, %get3A_925] {strides = array<i32>} : memref<256x384xf32, #tpu.memory_space<vmem>>, vector<1x16xf32>,
        %get3A_927 = vector.shape_cast %get3A_926 : vector<1x16xf32> to vector<16xf32>
        %max3A_928 = arith.maximumf %max3A_854, %get3A_927 : vector<16xf32>
        %min3A_929 = arith.minimumf %min3A_855, %get3A_927 : vector<16xf32>
        %get3A_930 = arith.index_cast %squeeze3A_881 : i32 to index
        %get3A_931 = arith.constant 128 : index
        %get3A_932 = tpu.vector_load %arg4[%get3A_930, %get3A_931] {strides = array<i32>} : memref<256x384xf32, #tpu.memory_space<vmem>>, vector<1x16xf32>,
        %get3A_933 = vector.shape_cast %get3A_932 : vector<1x16xf32> to vector<16xf32>
        %max3A_934 = arith.maximumf %max3A_860, %get3A_933 : vector<16xf32>
        %min3A_935 = arith.minimumf %min3A_861, %get3A_933 : vector<16xf32>
        %get3A_936 = arith.index_cast %squeeze3A_881 : i32 to index
        %get3A_937 = arith.constant 144 : index
        %get3A_938 = tpu.vector_load %arg4[%get3A_936, %get3A_937] {strides = array<i32>} : memref<256x384xf32, #tpu.memory_space<vmem>>, vector<1x16xf32>,
        %get3A_939 = vector.shape_cast %get3A_938 : vector<1x16xf32> to vector<16xf32>
        %max3A_940 = arith.maximumf %max3A_866, %get3A_939 : vector<16xf32>
        %min3A_941 = arith.minimumf %min3A_867, %get3A_939 : vector<16xf32>
        %get3A_942 = arith.index_cast %squeeze3A_881 : i32 to index
        %get3A_943 = arith.constant 160 : index
        %get3A_944 = tpu.vector_load %arg4[%get3A_942, %get3A_943] {strides = array<i32>} : memref<256x384xf32, #tpu.memory_space<vmem>>, vector<1x16xf32>,
        %get3A_945 = vector.shape_cast %get3A_944 : vector<1x16xf32> to vector<16xf32>
        %max3A_946 = arith.maximumf %max3A_872, %get3A_945 : vector<16xf32>
        %min3A_947 = arith.minimumf %min3A_873, %get3A_945 : vector<16xf32>
        %get3A_948 = arith.index_cast %squeeze3A_881 : i32 to index
        %get3A_949 = arith.constant 176 : index
        %get3A_950 = tpu.vector_load %arg4[%get3A_948, %get3A_949] {strides = array<i32>} : memref<256x384xf32, #tpu.memory_space<vmem>>, vector<1x16xf32>,
        %get3A_951 = vector.shape_cast %get3A_950 : vector<1x16xf32> to vector<16xf32>
        %max3A_952 = arith.maximumf %max3A_878, %get3A_951 : vector<16xf32>
        %min3A_953 = arith.minimumf %min3A_879, %get3A_951 : vector<16xf32>
        %slice3A_954 = vector.extract_strided_slice %convert_element_type3A {offsets = [12], sizes = [1], strides = [1]} : vector<16xi32> to vector<1xi32>
        %squeeze3A_955 = vector.extract %slice3A_954[0] : i32 from vector<1xi32>
        %get3A_956 = arith.index_cast %squeeze3A_955 : i32 to index
        %get3A_957 = arith.constant 0 : index
        %get3A_958 = tpu.vector_load %arg4[%get3A_956, %get3A_957] {strides = array<i32>} : memref<256x384xf32, #tpu.memory_space<vmem>>, vector<1x16xf32>,
        %get3A_959 = vector.shape_cast %get3A_958 : vector<1x16xf32> to vector<16xf32>
        %max3A_960 = arith.maximumf %max3A_886, %get3A_959 : vector<16xf32>
        %min3A_961 = arith.minimumf %min3A_887, %get3A_959 : vector<16xf32>
        %get3A_962 = arith.index_cast %squeeze3A_955 : i32 to index
        %get3A_963 = arith.constant 16 : index
        %get3A_964 = tpu.vector_load %arg4[%get3A_962, %get3A_963] {strides = array<i32>} : memref<256x384xf32, #tpu.memory_space<vmem>>, vector<1x16xf32>,
        %get3A_965 = vector.shape_cast %get3A_964 : vector<1x16xf32> to vector<16xf32>
        %max3A_966 = arith.maximumf %max3A_892, %get3A_965 : vector<16xf32>
        %min3A_967 = arith.minimumf %min3A_893, %get3A_965 : vector<16xf32>
        %get3A_968 = arith.index_cast %squeeze3A_955 : i32 to index
        %get3A_969 = arith.constant 32 : index
        %get3A_970 = tpu.vector_load %arg4[%get3A_968, %get3A_969] {strides = array<i32>} : memref<256x384xf32, #tpu.memory_space<vmem>>, vector<1x16xf32>,
        %get3A_971 = vector.shape_cast %get3A_970 : vector<1x16xf32> to vector<16xf32>
        %max3A_972 = arith.maximumf %max3A_898, %get3A_971 : vector<16xf32>
        %min3A_973 = arith.minimumf %min3A_899, %get3A_971 : vector<16xf32>
        %get3A_974 = arith.index_cast %squeeze3A_955 : i32 to index
        %get3A_975 = arith.constant 48 : index
        %get3A_976 = tpu.vector_load %arg4[%get3A_974, %get3A_975] {strides = array<i32>} : memref<256x384xf32, #tpu.memory_space<vmem>>, vector<1x16xf32>,
        %get3A_977 = vector.shape_cast %get3A_976 : vector<1x16xf32> to vector<16xf32>
        %max3A_978 = arith.maximumf %max3A_904, %get3A_977 : vector<16xf32>
        %min3A_979 = arith.minimumf %min3A_905, %get3A_977 : vector<16xf32>
        %get3A_980 = arith.index_cast %squeeze3A_955 : i32 to index
        %get3A_981 = arith.constant 64 : index
        %get3A_982 = tpu.vector_load %arg4[%get3A_980, %get3A_981] {strides = array<i32>} : memref<256x384xf32, #tpu.memory_space<vmem>>, vector<1x16xf32>,
        %get3A_983 = vector.shape_cast %get3A_982 : vector<1x16xf32> to vector<16xf32>
        %max3A_984 = arith.maximumf %max3A_910, %get3A_983 : vector<16xf32>
        %min3A_985 = arith.minimumf %min3A_911, %get3A_983 : vector<16xf32>
        %get3A_986 = arith.index_cast %squeeze3A_955 : i32 to index
        %get3A_987 = arith.constant 80 : index
        %get3A_988 = tpu.vector_load %arg4[%get3A_986, %get3A_987] {strides = array<i32>} : memref<256x384xf32, #tpu.memory_space<vmem>>, vector<1x16xf32>,
        %get3A_989 = vector.shape_cast %get3A_988 : vector<1x16xf32> to vector<16xf32>
        %max3A_990 = arith.maximumf %max3A_916, %get3A_989 : vector<16xf32>
        %min3A_991 = arith.minimumf %min3A_917, %get3A_989 : vector<16xf32>
        %get3A_992 = arith.index_cast %squeeze3A_955 : i32 to index
        %get3A_993 = arith.constant 96 : index
        %get3A_994 = tpu.vector_load %arg4[%get3A_992, %get3A_993] {strides = array<i32>} : memref<256x384xf32, #tpu.memory_space<vmem>>, vector<1x16xf32>,
        %get3A_995 = vector.shape_cast %get3A_994 : vector<1x16xf32> to vector<16xf32>
        %max3A_996 = arith.maximumf %max3A_922, %get3A_995 : vector<16xf32>
        %min3A_997 = arith.minimumf %min3A_923, %get3A_995 : vector<16xf32>
        %get3A_998 = arith.index_cast %squeeze3A_955 : i32 to index
        %get3A_999 = arith.constant 112 : index
        %get3A_1000 = tpu.vector_load %arg4[%get3A_998, %get3A_999] {strides = array<i32>} : memref<256x384xf32, #tpu.memory_space<vmem>>, vector<1x16xf32>,
        %get3A_1001 = vector.shape_cast %get3A_1000 : vector<1x16xf32> to vector<16xf32>
        %max3A_1002 = arith.maximumf %max3A_928, %get3A_1001 : vector<16xf32>
        %min3A_1003 = arith.minimumf %min3A_929, %get3A_1001 : vector<16xf32>
        %get3A_1004 = arith.index_cast %squeeze3A_955 : i32 to index
        %get3A_1005 = arith.constant 128 : index
        %get3A_1006 = tpu.vector_load %arg4[%get3A_1004, %get3A_1005] {strides = array<i32>} : memref<256x384xf32, #tpu.memory_space<vmem>>, vector<1x16xf32>,
        %get3A_1007 = vector.shape_cast %get3A_1006 : vector<1x16xf32> to vector<16xf32>
        %max3A_1008 = arith.maximumf %max3A_934, %get3A_1007 : vector<16xf32>
        %min3A_1009 = arith.minimumf %min3A_935, %get3A_1007 : vector<16xf32>
        %get3A_1010 = arith.index_cast %squeeze3A_955 : i32 to index
        %get3A_1011 = arith.constant 144 : index
        %get3A_1012 = tpu.vector_load %arg4[%get3A_1010, %get3A_1011] {strides = array<i32>} : memref<256x384xf32, #tpu.memory_space<vmem>>, vector<1x16xf32>,
        %get3A_1013 = vector.shape_cast %get3A_1012 : vector<1x16xf32> to vector<16xf32>
        %max3A_1014 = arith.maximumf %max3A_940, %get3A_1013 : vector<16xf32>
        %min3A_1015 = arith.minimumf %min3A_941, %get3A_1013 : vector<16xf32>
        %get3A_1016 = arith.index_cast %squeeze3A_955 : i32 to index
        %get3A_1017 = arith.constant 160 : index
        %get3A_1018 = tpu.vector_load %arg4[%get3A_1016, %get3A_1017] {strides = array<i32>} : memref<256x384xf32, #tpu.memory_space<vmem>>, vector<1x16xf32>,
        %get3A_1019 = vector.shape_cast %get3A_1018 : vector<1x16xf32> to vector<16xf32>
        %max3A_1020 = arith.maximumf %max3A_946, %get3A_1019 : vector<16xf32>
        %min3A_1021 = arith.minimumf %min3A_947, %get3A_1019 : vector<16xf32>
        %get3A_1022 = arith.index_cast %squeeze3A_955 : i32 to index
        %get3A_1023 = arith.constant 176 : index
        %get3A_1024 = tpu.vector_load %arg4[%get3A_1022, %get3A_1023] {strides = array<i32>} : memref<256x384xf32, #tpu.memory_space<vmem>>, vector<1x16xf32>,
        %get3A_1025 = vector.shape_cast %get3A_1024 : vector<1x16xf32> to vector<16xf32>
        %max3A_1026 = arith.maximumf %max3A_952, %get3A_1025 : vector<16xf32>
        %min3A_1027 = arith.minimumf %min3A_953, %get3A_1025 : vector<16xf32>
        %slice3A_1028 = vector.extract_strided_slice %convert_element_type3A {offsets = [13], sizes = [1], strides = [1]} : vector<16xi32> to vector<1xi32>
        %squeeze3A_1029 = vector.extract %slice3A_1028[0] : i32 from vector<1xi32>
        %get3A_1030 = arith.index_cast %squeeze3A_1029 : i32 to index
        %get3A_1031 = arith.constant 0 : index
        %get3A_1032 = tpu.vector_load %arg4[%get3A_1030, %get3A_1031] {strides = array<i32>} : memref<256x384xf32, #tpu.memory_space<vmem>>, vector<1x16xf32>,
        %get3A_1033 = vector.shape_cast %get3A_1032 : vector<1x16xf32> to vector<16xf32>
        %max3A_1034 = arith.maximumf %max3A_960, %get3A_1033 : vector<16xf32>
        %min3A_1035 = arith.minimumf %min3A_961, %get3A_1033 : vector<16xf32>
        %get3A_1036 = arith.index_cast %squeeze3A_1029 : i32 to index
        %get3A_1037 = arith.constant 16 : index
        %get3A_1038 = tpu.vector_load %arg4[%get3A_1036, %get3A_1037] {strides = array<i32>} : memref<256x384xf32, #tpu.memory_space<vmem>>, vector<1x16xf32>,
        %get3A_1039 = vector.shape_cast %get3A_1038 : vector<1x16xf32> to vector<16xf32>
        %max3A_1040 = arith.maximumf %max3A_966, %get3A_1039 : vector<16xf32>
        %min3A_1041 = arith.minimumf %min3A_967, %get3A_1039 : vector<16xf32>
        %get3A_1042 = arith.index_cast %squeeze3A_1029 : i32 to index
        %get3A_1043 = arith.constant 32 : index
        %get3A_1044 = tpu.vector_load %arg4[%get3A_1042, %get3A_1043] {strides = array<i32>} : memref<256x384xf32, #tpu.memory_space<vmem>>, vector<1x16xf32>,
        %get3A_1045 = vector.shape_cast %get3A_1044 : vector<1x16xf32> to vector<16xf32>
        %max3A_1046 = arith.maximumf %max3A_972, %get3A_1045 : vector<16xf32>
        %min3A_1047 = arith.minimumf %min3A_973, %get3A_1045 : vector<16xf32>
        %get3A_1048 = arith.index_cast %squeeze3A_1029 : i32 to index
        %get3A_1049 = arith.constant 48 : index
        %get3A_1050 = tpu.vector_load %arg4[%get3A_1048, %get3A_1049] {strides = array<i32>} : memref<256x384xf32, #tpu.memory_space<vmem>>, vector<1x16xf32>,
        %get3A_1051 = vector.shape_cast %get3A_1050 : vector<1x16xf32> to vector<16xf32>
        %max3A_1052 = arith.maximumf %max3A_978, %get3A_1051 : vector<16xf32>
        %min3A_1053 = arith.minimumf %min3A_979, %get3A_1051 : vector<16xf32>
        %get3A_1054 = arith.index_cast %squeeze3A_1029 : i32 to index
        %get3A_1055 = arith.constant 64 : index
        %get3A_1056 = tpu.vector_load %arg4[%get3A_1054, %get3A_1055] {strides = array<i32>} : memref<256x384xf32, #tpu.memory_space<vmem>>, vector<1x16xf32>,
        %get3A_1057 = vector.shape_cast %get3A_1056 : vector<1x16xf32> to vector<16xf32>
        %max3A_1058 = arith.maximumf %max3A_984, %get3A_1057 : vector<16xf32>
        %min3A_1059 = arith.minimumf %min3A_985, %get3A_1057 : vector<16xf32>
        %get3A_1060 = arith.index_cast %squeeze3A_1029 : i32 to index
        %get3A_1061 = arith.constant 80 : index
        %get3A_1062 = tpu.vector_load %arg4[%get3A_1060, %get3A_1061] {strides = array<i32>} : memref<256x384xf32, #tpu.memory_space<vmem>>, vector<1x16xf32>,
        %get3A_1063 = vector.shape_cast %get3A_1062 : vector<1x16xf32> to vector<16xf32>
        %max3A_1064 = arith.maximumf %max3A_990, %get3A_1063 : vector<16xf32>
        %min3A_1065 = arith.minimumf %min3A_991, %get3A_1063 : vector<16xf32>
        %get3A_1066 = arith.index_cast %squeeze3A_1029 : i32 to index
        %get3A_1067 = arith.constant 96 : index
        %get3A_1068 = tpu.vector_load %arg4[%get3A_1066, %get3A_1067] {strides = array<i32>} : memref<256x384xf32, #tpu.memory_space<vmem>>, vector<1x16xf32>,
        %get3A_1069 = vector.shape_cast %get3A_1068 : vector<1x16xf32> to vector<16xf32>
        %max3A_1070 = arith.maximumf %max3A_996, %get3A_1069 : vector<16xf32>
        %min3A_1071 = arith.minimumf %min3A_997, %get3A_1069 : vector<16xf32>
        %get3A_1072 = arith.index_cast %squeeze3A_1029 : i32 to index
        %get3A_1073 = arith.constant 112 : index
        %get3A_1074 = tpu.vector_load %arg4[%get3A_1072, %get3A_1073] {strides = array<i32>} : memref<256x384xf32, #tpu.memory_space<vmem>>, vector<1x16xf32>,
        %get3A_1075 = vector.shape_cast %get3A_1074 : vector<1x16xf32> to vector<16xf32>
        %max3A_1076 = arith.maximumf %max3A_1002, %get3A_1075 : vector<16xf32>
        %min3A_1077 = arith.minimumf %min3A_1003, %get3A_1075 : vector<16xf32>
        %get3A_1078 = arith.index_cast %squeeze3A_1029 : i32 to index
        %get3A_1079 = arith.constant 128 : index
        %get3A_1080 = tpu.vector_load %arg4[%get3A_1078, %get3A_1079] {strides = array<i32>} : memref<256x384xf32, #tpu.memory_space<vmem>>, vector<1x16xf32>,
        %get3A_1081 = vector.shape_cast %get3A_1080 : vector<1x16xf32> to vector<16xf32>
        %max3A_1082 = arith.maximumf %max3A_1008, %get3A_1081 : vector<16xf32>
        %min3A_1083 = arith.minimumf %min3A_1009, %get3A_1081 : vector<16xf32>
        %get3A_1084 = arith.index_cast %squeeze3A_1029 : i32 to index
        %get3A_1085 = arith.constant 144 : index
        %get3A_1086 = tpu.vector_load %arg4[%get3A_1084, %get3A_1085] {strides = array<i32>} : memref<256x384xf32, #tpu.memory_space<vmem>>, vector<1x16xf32>,
        %get3A_1087 = vector.shape_cast %get3A_1086 : vector<1x16xf32> to vector<16xf32>
        %max3A_1088 = arith.maximumf %max3A_1014, %get3A_1087 : vector<16xf32>
        %min3A_1089 = arith.minimumf %min3A_1015, %get3A_1087 : vector<16xf32>
        %get3A_1090 = arith.index_cast %squeeze3A_1029 : i32 to index
        %get3A_1091 = arith.constant 160 : index
        %get3A_1092 = tpu.vector_load %arg4[%get3A_1090, %get3A_1091] {strides = array<i32>} : memref<256x384xf32, #tpu.memory_space<vmem>>, vector<1x16xf32>,
        %get3A_1093 = vector.shape_cast %get3A_1092 : vector<1x16xf32> to vector<16xf32>
        %max3A_1094 = arith.maximumf %max3A_1020, %get3A_1093 : vector<16xf32>
        %min3A_1095 = arith.minimumf %min3A_1021, %get3A_1093 : vector<16xf32>
        %get3A_1096 = arith.index_cast %squeeze3A_1029 : i32 to index
        %get3A_1097 = arith.constant 176 : index
        %get3A_1098 = tpu.vector_load %arg4[%get3A_1096, %get3A_1097] {strides = array<i32>} : memref<256x384xf32, #tpu.memory_space<vmem>>, vector<1x16xf32>,
        %get3A_1099 = vector.shape_cast %get3A_1098 : vector<1x16xf32> to vector<16xf32>
        %max3A_1100 = arith.maximumf %max3A_1026, %get3A_1099 : vector<16xf32>
        %min3A_1101 = arith.minimumf %min3A_1027, %get3A_1099 : vector<16xf32>
        %slice3A_1102 = vector.extract_strided_slice %convert_element_type3A {offsets = [14], sizes = [1], strides = [1]} : vector<16xi32> to vector<1xi32>
        %squeeze3A_1103 = vector.extract %slice3A_1102[0] : i32 from vector<1xi32>
        %get3A_1104 = arith.index_cast %squeeze3A_1103 : i32 to index
        %get3A_1105 = arith.constant 0 : index
        %get3A_1106 = tpu.vector_load %arg4[%get3A_1104, %get3A_1105] {strides = array<i32>} : memref<256x384xf32, #tpu.memory_space<vmem>>, vector<1x16xf32>,
        %get3A_1107 = vector.shape_cast %get3A_1106 : vector<1x16xf32> to vector<16xf32>
        %max3A_1108 = arith.maximumf %max3A_1034, %get3A_1107 : vector<16xf32>
        %min3A_1109 = arith.minimumf %min3A_1035, %get3A_1107 : vector<16xf32>
        %get3A_1110 = arith.index_cast %squeeze3A_1103 : i32 to index
        %get3A_1111 = arith.constant 16 : index
        %get3A_1112 = tpu.vector_load %arg4[%get3A_1110, %get3A_1111] {strides = array<i32>} : memref<256x384xf32, #tpu.memory_space<vmem>>, vector<1x16xf32>,
        %get3A_1113 = vector.shape_cast %get3A_1112 : vector<1x16xf32> to vector<16xf32>
        %max3A_1114 = arith.maximumf %max3A_1040, %get3A_1113 : vector<16xf32>
        %min3A_1115 = arith.minimumf %min3A_1041, %get3A_1113 : vector<16xf32>
        %get3A_1116 = arith.index_cast %squeeze3A_1103 : i32 to index
        %get3A_1117 = arith.constant 32 : index
        %get3A_1118 = tpu.vector_load %arg4[%get3A_1116, %get3A_1117] {strides = array<i32>} : memref<256x384xf32, #tpu.memory_space<vmem>>, vector<1x16xf32>,
        %get3A_1119 = vector.shape_cast %get3A_1118 : vector<1x16xf32> to vector<16xf32>
        %max3A_1120 = arith.maximumf %max3A_1046, %get3A_1119 : vector<16xf32>
        %min3A_1121 = arith.minimumf %min3A_1047, %get3A_1119 : vector<16xf32>
        %get3A_1122 = arith.index_cast %squeeze3A_1103 : i32 to index
        %get3A_1123 = arith.constant 48 : index
        %get3A_1124 = tpu.vector_load %arg4[%get3A_1122, %get3A_1123] {strides = array<i32>} : memref<256x384xf32, #tpu.memory_space<vmem>>, vector<1x16xf32>,
        %get3A_1125 = vector.shape_cast %get3A_1124 : vector<1x16xf32> to vector<16xf32>
        %max3A_1126 = arith.maximumf %max3A_1052, %get3A_1125 : vector<16xf32>
        %min3A_1127 = arith.minimumf %min3A_1053, %get3A_1125 : vector<16xf32>
        %get3A_1128 = arith.index_cast %squeeze3A_1103 : i32 to index
        %get3A_1129 = arith.constant 64 : index
        %get3A_1130 = tpu.vector_load %arg4[%get3A_1128, %get3A_1129] {strides = array<i32>} : memref<256x384xf32, #tpu.memory_space<vmem>>, vector<1x16xf32>,
        %get3A_1131 = vector.shape_cast %get3A_1130 : vector<1x16xf32> to vector<16xf32>
        %max3A_1132 = arith.maximumf %max3A_1058, %get3A_1131 : vector<16xf32>
        %min3A_1133 = arith.minimumf %min3A_1059, %get3A_1131 : vector<16xf32>
        %get3A_1134 = arith.index_cast %squeeze3A_1103 : i32 to index
        %get3A_1135 = arith.constant 80 : index
        %get3A_1136 = tpu.vector_load %arg4[%get3A_1134, %get3A_1135] {strides = array<i32>} : memref<256x384xf32, #tpu.memory_space<vmem>>, vector<1x16xf32>,
        %get3A_1137 = vector.shape_cast %get3A_1136 : vector<1x16xf32> to vector<16xf32>
        %max3A_1138 = arith.maximumf %max3A_1064, %get3A_1137 : vector<16xf32>
        %min3A_1139 = arith.minimumf %min3A_1065, %get3A_1137 : vector<16xf32>
        %get3A_1140 = arith.index_cast %squeeze3A_1103 : i32 to index
        %get3A_1141 = arith.constant 96 : index
        %get3A_1142 = tpu.vector_load %arg4[%get3A_1140, %get3A_1141] {strides = array<i32>} : memref<256x384xf32, #tpu.memory_space<vmem>>, vector<1x16xf32>,
        %get3A_1143 = vector.shape_cast %get3A_1142 : vector<1x16xf32> to vector<16xf32>
        %max3A_1144 = arith.maximumf %max3A_1070, %get3A_1143 : vector<16xf32>
        %min3A_1145 = arith.minimumf %min3A_1071, %get3A_1143 : vector<16xf32>
        %get3A_1146 = arith.index_cast %squeeze3A_1103 : i32 to index
        %get3A_1147 = arith.constant 112 : index
        %get3A_1148 = tpu.vector_load %arg4[%get3A_1146, %get3A_1147] {strides = array<i32>} : memref<256x384xf32, #tpu.memory_space<vmem>>, vector<1x16xf32>,
        %get3A_1149 = vector.shape_cast %get3A_1148 : vector<1x16xf32> to vector<16xf32>
        %max3A_1150 = arith.maximumf %max3A_1076, %get3A_1149 : vector<16xf32>
        %min3A_1151 = arith.minimumf %min3A_1077, %get3A_1149 : vector<16xf32>
        %get3A_1152 = arith.index_cast %squeeze3A_1103 : i32 to index
        %get3A_1153 = arith.constant 128 : index
        %get3A_1154 = tpu.vector_load %arg4[%get3A_1152, %get3A_1153] {strides = array<i32>} : memref<256x384xf32, #tpu.memory_space<vmem>>, vector<1x16xf32>,
        %get3A_1155 = vector.shape_cast %get3A_1154 : vector<1x16xf32> to vector<16xf32>
        %max3A_1156 = arith.maximumf %max3A_1082, %get3A_1155 : vector<16xf32>
        %min3A_1157 = arith.minimumf %min3A_1083, %get3A_1155 : vector<16xf32>
        %get3A_1158 = arith.index_cast %squeeze3A_1103 : i32 to index
        %get3A_1159 = arith.constant 144 : index
        %get3A_1160 = tpu.vector_load %arg4[%get3A_1158, %get3A_1159] {strides = array<i32>} : memref<256x384xf32, #tpu.memory_space<vmem>>, vector<1x16xf32>,
        %get3A_1161 = vector.shape_cast %get3A_1160 : vector<1x16xf32> to vector<16xf32>
        %max3A_1162 = arith.maximumf %max3A_1088, %get3A_1161 : vector<16xf32>
        %min3A_1163 = arith.minimumf %min3A_1089, %get3A_1161 : vector<16xf32>
        %get3A_1164 = arith.index_cast %squeeze3A_1103 : i32 to index
        %get3A_1165 = arith.constant 160 : index
        %get3A_1166 = tpu.vector_load %arg4[%get3A_1164, %get3A_1165] {strides = array<i32>} : memref<256x384xf32, #tpu.memory_space<vmem>>, vector<1x16xf32>,
        %get3A_1167 = vector.shape_cast %get3A_1166 : vector<1x16xf32> to vector<16xf32>
        %max3A_1168 = arith.maximumf %max3A_1094, %get3A_1167 : vector<16xf32>
        %min3A_1169 = arith.minimumf %min3A_1095, %get3A_1167 : vector<16xf32>
        %get3A_1170 = arith.index_cast %squeeze3A_1103 : i32 to index
        %get3A_1171 = arith.constant 176 : index
        %get3A_1172 = tpu.vector_load %arg4[%get3A_1170, %get3A_1171] {strides = array<i32>} : memref<256x384xf32, #tpu.memory_space<vmem>>, vector<1x16xf32>,
        %get3A_1173 = vector.shape_cast %get3A_1172 : vector<1x16xf32> to vector<16xf32>
        %max3A_1174 = arith.maximumf %max3A_1100, %get3A_1173 : vector<16xf32>
        %min3A_1175 = arith.minimumf %min3A_1101, %get3A_1173 : vector<16xf32>
        %slice3A_1176 = vector.extract_strided_slice %convert_element_type3A {offsets = [15], sizes = [1], strides = [1]} : vector<16xi32> to vector<1xi32>
        %squeeze3A_1177 = vector.extract %slice3A_1176[0] : i32 from vector<1xi32>
        %get3A_1178 = arith.index_cast %squeeze3A_1177 : i32 to index
        %get3A_1179 = arith.constant 0 : index
        %get3A_1180 = tpu.vector_load %arg4[%get3A_1178, %get3A_1179] {strides = array<i32>} : memref<256x384xf32, #tpu.memory_space<vmem>>, vector<1x16xf32>,
        %get3A_1181 = vector.shape_cast %get3A_1180 : vector<1x16xf32> to vector<16xf32>
        %max3A_1182 = arith.maximumf %max3A_1108, %get3A_1181 : vector<16xf32>
        %min3A_1183 = arith.minimumf %min3A_1109, %get3A_1181 : vector<16xf32>
        %get3A_1184 = arith.index_cast %squeeze3A_1177 : i32 to index
        %get3A_1185 = arith.constant 16 : index
        %get3A_1186 = tpu.vector_load %arg4[%get3A_1184, %get3A_1185] {strides = array<i32>} : memref<256x384xf32, #tpu.memory_space<vmem>>, vector<1x16xf32>,
        %get3A_1187 = vector.shape_cast %get3A_1186 : vector<1x16xf32> to vector<16xf32>
        %max3A_1188 = arith.maximumf %max3A_1114, %get3A_1187 : vector<16xf32>
        %min3A_1189 = arith.minimumf %min3A_1115, %get3A_1187 : vector<16xf32>
        %get3A_1190 = arith.index_cast %squeeze3A_1177 : i32 to index
        %get3A_1191 = arith.constant 32 : index
        %get3A_1192 = tpu.vector_load %arg4[%get3A_1190, %get3A_1191] {strides = array<i32>} : memref<256x384xf32, #tpu.memory_space<vmem>>, vector<1x16xf32>,
        %get3A_1193 = vector.shape_cast %get3A_1192 : vector<1x16xf32> to vector<16xf32>
        %max3A_1194 = arith.maximumf %max3A_1120, %get3A_1193 : vector<16xf32>
        %min3A_1195 = arith.minimumf %min3A_1121, %get3A_1193 : vector<16xf32>
        %get3A_1196 = arith.index_cast %squeeze3A_1177 : i32 to index
        %get3A_1197 = arith.constant 48 : index
        %get3A_1198 = tpu.vector_load %arg4[%get3A_1196, %get3A_1197] {strides = array<i32>} : memref<256x384xf32, #tpu.memory_space<vmem>>, vector<1x16xf32>,
        %get3A_1199 = vector.shape_cast %get3A_1198 : vector<1x16xf32> to vector<16xf32>
        %max3A_1200 = arith.maximumf %max3A_1126, %get3A_1199 : vector<16xf32>
        %min3A_1201 = arith.minimumf %min3A_1127, %get3A_1199 : vector<16xf32>
        %get3A_1202 = arith.index_cast %squeeze3A_1177 : i32 to index
        %get3A_1203 = arith.constant 64 : index
        %get3A_1204 = tpu.vector_load %arg4[%get3A_1202, %get3A_1203] {strides = array<i32>} : memref<256x384xf32, #tpu.memory_space<vmem>>, vector<1x16xf32>,
        %get3A_1205 = vector.shape_cast %get3A_1204 : vector<1x16xf32> to vector<16xf32>
        %max3A_1206 = arith.maximumf %max3A_1132, %get3A_1205 : vector<16xf32>
        %min3A_1207 = arith.minimumf %min3A_1133, %get3A_1205 : vector<16xf32>
        %get3A_1208 = arith.index_cast %squeeze3A_1177 : i32 to index
        %get3A_1209 = arith.constant 80 : index
        %get3A_1210 = tpu.vector_load %arg4[%get3A_1208, %get3A_1209] {strides = array<i32>} : memref<256x384xf32, #tpu.memory_space<vmem>>, vector<1x16xf32>,
        %get3A_1211 = vector.shape_cast %get3A_1210 : vector<1x16xf32> to vector<16xf32>
        %max3A_1212 = arith.maximumf %max3A_1138, %get3A_1211 : vector<16xf32>
        %min3A_1213 = arith.minimumf %min3A_1139, %get3A_1211 : vector<16xf32>
        %get3A_1214 = arith.index_cast %squeeze3A_1177 : i32 to index
        %get3A_1215 = arith.constant 96 : index
        %get3A_1216 = tpu.vector_load %arg4[%get3A_1214, %get3A_1215] {strides = array<i32>} : memref<256x384xf32, #tpu.memory_space<vmem>>, vector<1x16xf32>,
        %get3A_1217 = vector.shape_cast %get3A_1216 : vector<1x16xf32> to vector<16xf32>
        %max3A_1218 = arith.maximumf %max3A_1144, %get3A_1217 : vector<16xf32>
        %min3A_1219 = arith.minimumf %min3A_1145, %get3A_1217 : vector<16xf32>
        %get3A_1220 = arith.index_cast %squeeze3A_1177 : i32 to index
        %get3A_1221 = arith.constant 112 : index
        %get3A_1222 = tpu.vector_load %arg4[%get3A_1220, %get3A_1221] {strides = array<i32>} : memref<256x384xf32, #tpu.memory_space<vmem>>, vector<1x16xf32>,
        %get3A_1223 = vector.shape_cast %get3A_1222 : vector<1x16xf32> to vector<16xf32>
        %max3A_1224 = arith.maximumf %max3A_1150, %get3A_1223 : vector<16xf32>
        %min3A_1225 = arith.minimumf %min3A_1151, %get3A_1223 : vector<16xf32>
        %get3A_1226 = arith.index_cast %squeeze3A_1177 : i32 to index
        %get3A_1227 = arith.constant 128 : index
        %get3A_1228 = tpu.vector_load %arg4[%get3A_1226, %get3A_1227] {strides = array<i32>} : memref<256x384xf32, #tpu.memory_space<vmem>>, vector<1x16xf32>,
        %get3A_1229 = vector.shape_cast %get3A_1228 : vector<1x16xf32> to vector<16xf32>
        %max3A_1230 = arith.maximumf %max3A_1156, %get3A_1229 : vector<16xf32>
        %min3A_1231 = arith.minimumf %min3A_1157, %get3A_1229 : vector<16xf32>
        %get3A_1232 = arith.index_cast %squeeze3A_1177 : i32 to index
        %get3A_1233 = arith.constant 144 : index
        %get3A_1234 = tpu.vector_load %arg4[%get3A_1232, %get3A_1233] {strides = array<i32>} : memref<256x384xf32, #tpu.memory_space<vmem>>, vector<1x16xf32>,
        %get3A_1235 = vector.shape_cast %get3A_1234 : vector<1x16xf32> to vector<16xf32>
        %max3A_1236 = arith.maximumf %max3A_1162, %get3A_1235 : vector<16xf32>
        %min3A_1237 = arith.minimumf %min3A_1163, %get3A_1235 : vector<16xf32>
        %get3A_1238 = arith.index_cast %squeeze3A_1177 : i32 to index
        %get3A_1239 = arith.constant 160 : index
        %get3A_1240 = tpu.vector_load %arg4[%get3A_1238, %get3A_1239] {strides = array<i32>} : memref<256x384xf32, #tpu.memory_space<vmem>>, vector<1x16xf32>,
        %get3A_1241 = vector.shape_cast %get3A_1240 : vector<1x16xf32> to vector<16xf32>
        %max3A_1242 = arith.maximumf %max3A_1168, %get3A_1241 : vector<16xf32>
        %min3A_1243 = arith.minimumf %min3A_1169, %get3A_1241 : vector<16xf32>
        %get3A_1244 = arith.index_cast %squeeze3A_1177 : i32 to index
        %get3A_1245 = arith.constant 176 : index
        %get3A_1246 = tpu.vector_load %arg4[%get3A_1244, %get3A_1245] {strides = array<i32>} : memref<256x384xf32, #tpu.memory_space<vmem>>, vector<1x16xf32>,
        %get3A_1247 = vector.shape_cast %get3A_1246 : vector<1x16xf32> to vector<16xf32>
        %max3A_1248 = arith.maximumf %max3A_1174, %get3A_1247 : vector<16xf32>
        %min3A_1249 = arith.minimumf %min3A_1175, %get3A_1247 : vector<16xf32>
        %get3A_1250 = arith.index_cast %add3A_18 : i32 to index
        %get3A_1251 = arith.constant 0 : index
        %get3A_1252 = tpu.vector_load %arg4[%get3A_1250, %get3A_1251] {strides = array<i32>} : memref<256x384xf32, #tpu.memory_space<vmem>>, vector<1x16xf32>,
        %get3A_1253 = vector.shape_cast %get3A_1252 : vector<1x16xf32> to vector<16xf32>
        %sub3A = arith.subf %max3A_1182, %get3A_1253 : vector<16xf32>
        %sub3A_1254 = arith.subf %get3A_1253, %min3A_1183 : vector<16xf32>
        %max3A_1255 = arith.maximumf %sub3A, %sub3A_1254 : vector<16xf32>
        %swap3A = arith.index_cast %scan3A_15 : i32 to index
        %swap3A_1256 = arith.constant 0 : index
        %swap3A_1257 = tpu.vector_load %arg6[%swap3A, %swap3A_1256] {strides = array<i32>} : memref<64x384xf32, #tpu.memory_space<vmem>>, vector<1x16xf32>,
        %swap3A_1258 = vector.shape_cast %swap3A_1257 : vector<1x16xf32> to vector<16xf32>
        %swap3A_1259 = vector.shape_cast %max3A_1255 : vector<16xf32> to vector<1x16xf32>
        tpu.vector_store %arg6[%swap3A, %swap3A_1256], %swap3A_1259 {strides = array<i32>} : memref<64x384xf32, #tpu.memory_space<vmem>>, vector<1x16xf32>,
        %get3A_1260 = arith.index_cast %add3A_18 : i32 to index
        %get3A_1261 = arith.constant 16 : index
        %get3A_1262 = tpu.vector_load %arg4[%get3A_1260, %get3A_1261] {strides = array<i32>} : memref<256x384xf32, #tpu.memory_space<vmem>>, vector<1x16xf32>,
        %get3A_1263 = vector.shape_cast %get3A_1262 : vector<1x16xf32> to vector<16xf32>
        %sub3A_1264 = arith.subf %max3A_1188, %get3A_1263 : vector<16xf32>
        %sub3A_1265 = arith.subf %get3A_1263, %min3A_1189 : vector<16xf32>
        %max3A_1266 = arith.maximumf %sub3A_1264, %sub3A_1265 : vector<16xf32>
        %swap3A_1267 = arith.index_cast %scan3A_15 : i32 to index
        %swap3A_1268 = arith.constant 16 : index
        %swap3A_1269 = tpu.vector_load %arg6[%swap3A_1267, %swap3A_1268] {strides = array<i32>} : memref<64x384xf32, #tpu.memory_space<vmem>>, vector<1x16xf32>,
        %swap3A_1270 = vector.shape_cast %swap3A_1269 : vector<1x16xf32> to vector<16xf32>
        %swap3A_1271 = vector.shape_cast %max3A_1266 : vector<16xf32> to vector<1x16xf32>
        tpu.vector_store %arg6[%swap3A_1267, %swap3A_1268], %swap3A_1271 {strides = array<i32>} : memref<64x384xf32, #tpu.memory_space<vmem>>, vector<1x16xf32>,
        %get3A_1272 = arith.index_cast %add3A_18 : i32 to index
        %get3A_1273 = arith.constant 32 : index
        %get3A_1274 = tpu.vector_load %arg4[%get3A_1272, %get3A_1273] {strides = array<i32>} : memref<256x384xf32, #tpu.memory_space<vmem>>, vector<1x16xf32>,
        %get3A_1275 = vector.shape_cast %get3A_1274 : vector<1x16xf32> to vector<16xf32>
        %sub3A_1276 = arith.subf %max3A_1194, %get3A_1275 : vector<16xf32>
        %sub3A_1277 = arith.subf %get3A_1275, %min3A_1195 : vector<16xf32>
        %max3A_1278 = arith.maximumf %sub3A_1276, %sub3A_1277 : vector<16xf32>
        %swap3A_1279 = arith.index_cast %scan3A_15 : i32 to index
        %swap3A_1280 = arith.constant 32 : index
        %swap3A_1281 = tpu.vector_load %arg6[%swap3A_1279, %swap3A_1280] {strides = array<i32>} : memref<64x384xf32, #tpu.memory_space<vmem>>, vector<1x16xf32>,
        %swap3A_1282 = vector.shape_cast %swap3A_1281 : vector<1x16xf32> to vector<16xf32>
        %swap3A_1283 = vector.shape_cast %max3A_1278 : vector<16xf32> to vector<1x16xf32>
        tpu.vector_store %arg6[%swap3A_1279, %swap3A_1280], %swap3A_1283 {strides = array<i32>} : memref<64x384xf32, #tpu.memory_space<vmem>>, vector<1x16xf32>,
        %get3A_1284 = arith.index_cast %add3A_18 : i32 to index
        %get3A_1285 = arith.constant 48 : index
        %get3A_1286 = tpu.vector_load %arg4[%get3A_1284, %get3A_1285] {strides = array<i32>} : memref<256x384xf32, #tpu.memory_space<vmem>>, vector<1x16xf32>,
        %get3A_1287 = vector.shape_cast %get3A_1286 : vector<1x16xf32> to vector<16xf32>
        %sub3A_1288 = arith.subf %max3A_1200, %get3A_1287 : vector<16xf32>
        %sub3A_1289 = arith.subf %get3A_1287, %min3A_1201 : vector<16xf32>
        %max3A_1290 = arith.maximumf %sub3A_1288, %sub3A_1289 : vector<16xf32>
        %swap3A_1291 = arith.index_cast %scan3A_15 : i32 to index
        %swap3A_1292 = arith.constant 48 : index
        %swap3A_1293 = tpu.vector_load %arg6[%swap3A_1291, %swap3A_1292] {strides = array<i32>} : memref<64x384xf32, #tpu.memory_space<vmem>>, vector<1x16xf32>,
        %swap3A_1294 = vector.shape_cast %swap3A_1293 : vector<1x16xf32> to vector<16xf32>
        %swap3A_1295 = vector.shape_cast %max3A_1290 : vector<16xf32> to vector<1x16xf32>
        tpu.vector_store %arg6[%swap3A_1291, %swap3A_1292], %swap3A_1295 {strides = array<i32>} : memref<64x384xf32, #tpu.memory_space<vmem>>, vector<1x16xf32>,
        %get3A_1296 = arith.index_cast %add3A_18 : i32 to index
        %get3A_1297 = arith.constant 64 : index
        %get3A_1298 = tpu.vector_load %arg4[%get3A_1296, %get3A_1297] {strides = array<i32>} : memref<256x384xf32, #tpu.memory_space<vmem>>, vector<1x16xf32>,
        %get3A_1299 = vector.shape_cast %get3A_1298 : vector<1x16xf32> to vector<16xf32>
        %sub3A_1300 = arith.subf %max3A_1206, %get3A_1299 : vector<16xf32>
        %sub3A_1301 = arith.subf %get3A_1299, %min3A_1207 : vector<16xf32>
        %max3A_1302 = arith.maximumf %sub3A_1300, %sub3A_1301 : vector<16xf32>
        %swap3A_1303 = arith.index_cast %scan3A_15 : i32 to index
        %swap3A_1304 = arith.constant 64 : index
        %swap3A_1305 = tpu.vector_load %arg6[%swap3A_1303, %swap3A_1304] {strides = array<i32>} : memref<64x384xf32, #tpu.memory_space<vmem>>, vector<1x16xf32>,
        %swap3A_1306 = vector.shape_cast %swap3A_1305 : vector<1x16xf32> to vector<16xf32>
        %swap3A_1307 = vector.shape_cast %max3A_1302 : vector<16xf32> to vector<1x16xf32>
        tpu.vector_store %arg6[%swap3A_1303, %swap3A_1304], %swap3A_1307 {strides = array<i32>} : memref<64x384xf32, #tpu.memory_space<vmem>>, vector<1x16xf32>,
        %get3A_1308 = arith.index_cast %add3A_18 : i32 to index
        %get3A_1309 = arith.constant 80 : index
        %get3A_1310 = tpu.vector_load %arg4[%get3A_1308, %get3A_1309] {strides = array<i32>} : memref<256x384xf32, #tpu.memory_space<vmem>>, vector<1x16xf32>,
        %get3A_1311 = vector.shape_cast %get3A_1310 : vector<1x16xf32> to vector<16xf32>
        %sub3A_1312 = arith.subf %max3A_1212, %get3A_1311 : vector<16xf32>
        %sub3A_1313 = arith.subf %get3A_1311, %min3A_1213 : vector<16xf32>
        %max3A_1314 = arith.maximumf %sub3A_1312, %sub3A_1313 : vector<16xf32>
        %swap3A_1315 = arith.index_cast %scan3A_15 : i32 to index
        %swap3A_1316 = arith.constant 80 : index
        %swap3A_1317 = tpu.vector_load %arg6[%swap3A_1315, %swap3A_1316] {strides = array<i32>} : memref<64x384xf32, #tpu.memory_space<vmem>>, vector<1x16xf32>,
        %swap3A_1318 = vector.shape_cast %swap3A_1317 : vector<1x16xf32> to vector<16xf32>
        %swap3A_1319 = vector.shape_cast %max3A_1314 : vector<16xf32> to vector<1x16xf32>
        tpu.vector_store %arg6[%swap3A_1315, %swap3A_1316], %swap3A_1319 {strides = array<i32>} : memref<64x384xf32, #tpu.memory_space<vmem>>, vector<1x16xf32>,
        %get3A_1320 = arith.index_cast %add3A_18 : i32 to index
        %get3A_1321 = arith.constant 96 : index
        %get3A_1322 = tpu.vector_load %arg4[%get3A_1320, %get3A_1321] {strides = array<i32>} : memref<256x384xf32, #tpu.memory_space<vmem>>, vector<1x16xf32>,
        %get3A_1323 = vector.shape_cast %get3A_1322 : vector<1x16xf32> to vector<16xf32>
        %sub3A_1324 = arith.subf %max3A_1218, %get3A_1323 : vector<16xf32>
        %sub3A_1325 = arith.subf %get3A_1323, %min3A_1219 : vector<16xf32>
        %max3A_1326 = arith.maximumf %sub3A_1324, %sub3A_1325 : vector<16xf32>
        %swap3A_1327 = arith.index_cast %scan3A_15 : i32 to index
        %swap3A_1328 = arith.constant 96 : index
        %swap3A_1329 = tpu.vector_load %arg6[%swap3A_1327, %swap3A_1328] {strides = array<i32>} : memref<64x384xf32, #tpu.memory_space<vmem>>, vector<1x16xf32>,
        %swap3A_1330 = vector.shape_cast %swap3A_1329 : vector<1x16xf32> to vector<16xf32>
        %swap3A_1331 = vector.shape_cast %max3A_1326 : vector<16xf32> to vector<1x16xf32>
        tpu.vector_store %arg6[%swap3A_1327, %swap3A_1328], %swap3A_1331 {strides = array<i32>} : memref<64x384xf32, #tpu.memory_space<vmem>>, vector<1x16xf32>,
        %get3A_1332 = arith.index_cast %add3A_18 : i32 to index
        %get3A_1333 = arith.constant 112 : index
        %get3A_1334 = tpu.vector_load %arg4[%get3A_1332, %get3A_1333] {strides = array<i32>} : memref<256x384xf32, #tpu.memory_space<vmem>>, vector<1x16xf32>,
        %get3A_1335 = vector.shape_cast %get3A_1334 : vector<1x16xf32> to vector<16xf32>
        %sub3A_1336 = arith.subf %max3A_1224, %get3A_1335 : vector<16xf32>
        %sub3A_1337 = arith.subf %get3A_1335, %min3A_1225 : vector<16xf32>
        %max3A_1338 = arith.maximumf %sub3A_1336, %sub3A_1337 : vector<16xf32>
        %swap3A_1339 = arith.index_cast %scan3A_15 : i32 to index
        %swap3A_1340 = arith.constant 112 : index
        %swap3A_1341 = tpu.vector_load %arg6[%swap3A_1339, %swap3A_1340] {strides = array<i32>} : memref<64x384xf32, #tpu.memory_space<vmem>>, vector<1x16xf32>,
        %swap3A_1342 = vector.shape_cast %swap3A_1341 : vector<1x16xf32> to vector<16xf32>
        %swap3A_1343 = vector.shape_cast %max3A_1338 : vector<16xf32> to vector<1x16xf32>
        tpu.vector_store %arg6[%swap3A_1339, %swap3A_1340], %swap3A_1343 {strides = array<i32>} : memref<64x384xf32, #tpu.memory_space<vmem>>, vector<1x16xf32>,
        %get3A_1344 = arith.index_cast %add3A_18 : i32 to index
        %get3A_1345 = arith.constant 128 : index
        %get3A_1346 = tpu.vector_load %arg4[%get3A_1344, %get3A_1345] {strides = array<i32>} : memref<256x384xf32, #tpu.memory_space<vmem>>, vector<1x16xf32>,
        %get3A_1347 = vector.shape_cast %get3A_1346 : vector<1x16xf32> to vector<16xf32>
        %sub3A_1348 = arith.subf %max3A_1230, %get3A_1347 : vector<16xf32>
        %sub3A_1349 = arith.subf %get3A_1347, %min3A_1231 : vector<16xf32>
        %max3A_1350 = arith.maximumf %sub3A_1348, %sub3A_1349 : vector<16xf32>
        %swap3A_1351 = arith.index_cast %scan3A_15 : i32 to index
        %swap3A_1352 = arith.constant 128 : index
        %swap3A_1353 = tpu.vector_load %arg6[%swap3A_1351, %swap3A_1352] {strides = array<i32>} : memref<64x384xf32, #tpu.memory_space<vmem>>, vector<1x16xf32>,
        %swap3A_1354 = vector.shape_cast %swap3A_1353 : vector<1x16xf32> to vector<16xf32>
        %swap3A_1355 = vector.shape_cast %max3A_1350 : vector<16xf32> to vector<1x16xf32>
        tpu.vector_store %arg6[%swap3A_1351, %swap3A_1352], %swap3A_1355 {strides = array<i32>} : memref<64x384xf32, #tpu.memory_space<vmem>>, vector<1x16xf32>,
        %get3A_1356 = arith.index_cast %add3A_18 : i32 to index
        %get3A_1357 = arith.constant 144 : index
        %get3A_1358 = tpu.vector_load %arg4[%get3A_1356, %get3A_1357] {strides = array<i32>} : memref<256x384xf32, #tpu.memory_space<vmem>>, vector<1x16xf32>,
        %get3A_1359 = vector.shape_cast %get3A_1358 : vector<1x16xf32> to vector<16xf32>
        %sub3A_1360 = arith.subf %max3A_1236, %get3A_1359 : vector<16xf32>
        %sub3A_1361 = arith.subf %get3A_1359, %min3A_1237 : vector<16xf32>
        %max3A_1362 = arith.maximumf %sub3A_1360, %sub3A_1361 : vector<16xf32>
        %swap3A_1363 = arith.index_cast %scan3A_15 : i32 to index
        %swap3A_1364 = arith.constant 144 : index
        %swap3A_1365 = tpu.vector_load %arg6[%swap3A_1363, %swap3A_1364] {strides = array<i32>} : memref<64x384xf32, #tpu.memory_space<vmem>>, vector<1x16xf32>,
        %swap3A_1366 = vector.shape_cast %swap3A_1365 : vector<1x16xf32> to vector<16xf32>
        %swap3A_1367 = vector.shape_cast %max3A_1362 : vector<16xf32> to vector<1x16xf32>
        tpu.vector_store %arg6[%swap3A_1363, %swap3A_1364], %swap3A_1367 {strides = array<i32>} : memref<64x384xf32, #tpu.memory_space<vmem>>, vector<1x16xf32>,
        %get3A_1368 = arith.index_cast %add3A_18 : i32 to index
        %get3A_1369 = arith.constant 160 : index
        %get3A_1370 = tpu.vector_load %arg4[%get3A_1368, %get3A_1369] {strides = array<i32>} : memref<256x384xf32, #tpu.memory_space<vmem>>, vector<1x16xf32>,
        %get3A_1371 = vector.shape_cast %get3A_1370 : vector<1x16xf32> to vector<16xf32>
        %sub3A_1372 = arith.subf %max3A_1242, %get3A_1371 : vector<16xf32>
        %sub3A_1373 = arith.subf %get3A_1371, %min3A_1243 : vector<16xf32>
        %max3A_1374 = arith.maximumf %sub3A_1372, %sub3A_1373 : vector<16xf32>
        %swap3A_1375 = arith.index_cast %scan3A_15 : i32 to index
        %swap3A_1376 = arith.constant 160 : index
        %swap3A_1377 = tpu.vector_load %arg6[%swap3A_1375, %swap3A_1376] {strides = array<i32>} : memref<64x384xf32, #tpu.memory_space<vmem>>, vector<1x16xf32>,
        %swap3A_1378 = vector.shape_cast %swap3A_1377 : vector<1x16xf32> to vector<16xf32>
        %swap3A_1379 = vector.shape_cast %max3A_1374 : vector<16xf32> to vector<1x16xf32>
        tpu.vector_store %arg6[%swap3A_1375, %swap3A_1376], %swap3A_1379 {strides = array<i32>} : memref<64x384xf32, #tpu.memory_space<vmem>>, vector<1x16xf32>,
        %get3A_1380 = arith.index_cast %add3A_18 : i32 to index
        %get3A_1381 = arith.constant 176 : index
        %get3A_1382 = tpu.vector_load %arg4[%get3A_1380, %get3A_1381] {strides = array<i32>} : memref<256x384xf32, #tpu.memory_space<vmem>>, vector<1x16xf32>,
        %get3A_1383 = vector.shape_cast %get3A_1382 : vector<1x16xf32> to vector<16xf32>
        %sub3A_1384 = arith.subf %max3A_1248, %get3A_1383 : vector<16xf32>
        %sub3A_1385 = arith.subf %get3A_1383, %min3A_1249 : vector<16xf32>
        %max3A_1386 = arith.maximumf %sub3A_1384, %sub3A_1385 : vector<16xf32>
        %swap3A_1387 = arith.index_cast %scan3A_15 : i32 to index
        %swap3A_1388 = arith.constant 176 : index
        %swap3A_1389 = tpu.vector_load %arg6[%swap3A_1387, %swap3A_1388] {strides = array<i32>} : memref<64x384xf32, #tpu.memory_space<vmem>>, vector<1x16xf32>,
        %swap3A_1390 = vector.shape_cast %swap3A_1389 : vector<1x16xf32> to vector<16xf32>
        %swap3A_1391 = vector.shape_cast %max3A_1386 : vector<16xf32> to vector<1x16xf32>
        tpu.vector_store %arg6[%swap3A_1387, %swap3A_1388], %swap3A_1391 {strides = array<i32>} : memref<64x384xf32, #tpu.memory_space<vmem>>, vector<1x16xf32>,
        %get3A_1392 = arith.index_cast %add3A_18 : i32 to index
        %get3A_1393 = arith.constant 192 : index
        %get3A_1394 = tpu.vector_load %arg4[%get3A_1392, %get3A_1393] {strides = array<i32>} : memref<256x384xf32, #tpu.memory_space<vmem>>, vector<1x16xf32>,
        %get3A_1395 = vector.shape_cast %get3A_1394 : vector<1x16xf32> to vector<16xf32>
        %get3A_1396 = arith.index_cast %add3A_18 : i32 to index
        %get3A_1397 = arith.constant 208 : index
        %get3A_1398 = tpu.vector_load %arg4[%get3A_1396, %get3A_1397] {strides = array<i32>} : memref<256x384xf32, #tpu.memory_space<vmem>>, vector<1x16xf32>,
        %get3A_1399 = vector.shape_cast %get3A_1398 : vector<1x16xf32> to vector<16xf32>
        %get3A_1400 = arith.index_cast %add3A_18 : i32 to index
        %get3A_1401 = arith.constant 224 : index
        %get3A_1402 = tpu.vector_load %arg4[%get3A_1400, %get3A_1401] {strides = array<i32>} : memref<256x384xf32, #tpu.memory_space<vmem>>, vector<1x16xf32>,
        %get3A_1403 = vector.shape_cast %get3A_1402 : vector<1x16xf32> to vector<16xf32>
        %get3A_1404 = arith.index_cast %add3A_18 : i32 to index
        %get3A_1405 = arith.constant 240 : index
        %get3A_1406 = tpu.vector_load %arg4[%get3A_1404, %get3A_1405] {strides = array<i32>} : memref<256x384xf32, #tpu.memory_space<vmem>>, vector<1x16xf32>,
        %get3A_1407 = vector.shape_cast %get3A_1406 : vector<1x16xf32> to vector<16xf32>
        %get3A_1408 = arith.index_cast %add3A_18 : i32 to index
        %get3A_1409 = arith.constant 256 : index
        %get3A_1410 = tpu.vector_load %arg4[%get3A_1408, %get3A_1409] {strides = array<i32>} : memref<256x384xf32, #tpu.memory_space<vmem>>, vector<1x16xf32>,
        %get3A_1411 = vector.shape_cast %get3A_1410 : vector<1x16xf32> to vector<16xf32>
        %get3A_1412 = arith.index_cast %add3A_18 : i32 to index
        %get3A_1413 = arith.constant 272 : index
        %get3A_1414 = tpu.vector_load %arg4[%get3A_1412, %get3A_1413] {strides = array<i32>} : memref<256x384xf32, #tpu.memory_space<vmem>>, vector<1x16xf32>,
        %get3A_1415 = vector.shape_cast %get3A_1414 : vector<1x16xf32> to vector<16xf32>
        %get3A_1416 = arith.index_cast %add3A_18 : i32 to index
        %get3A_1417 = arith.constant 288 : index
        %get3A_1418 = tpu.vector_load %arg4[%get3A_1416, %get3A_1417] {strides = array<i32>} : memref<256x384xf32, #tpu.memory_space<vmem>>, vector<1x16xf32>,
        %get3A_1419 = vector.shape_cast %get3A_1418 : vector<1x16xf32> to vector<16xf32>
        %get3A_1420 = arith.index_cast %add3A_18 : i32 to index
        %get3A_1421 = arith.constant 304 : index
        %get3A_1422 = tpu.vector_load %arg4[%get3A_1420, %get3A_1421] {strides = array<i32>} : memref<256x384xf32, #tpu.memory_space<vmem>>, vector<1x16xf32>,
        %get3A_1423 = vector.shape_cast %get3A_1422 : vector<1x16xf32> to vector<16xf32>
        %get3A_1424 = arith.index_cast %add3A_18 : i32 to index
        %get3A_1425 = arith.constant 320 : index
        %get3A_1426 = tpu.vector_load %arg4[%get3A_1424, %get3A_1425] {strides = array<i32>} : memref<256x384xf32, #tpu.memory_space<vmem>>, vector<1x16xf32>,
        %get3A_1427 = vector.shape_cast %get3A_1426 : vector<1x16xf32> to vector<16xf32>
        %get3A_1428 = arith.index_cast %add3A_18 : i32 to index
        %get3A_1429 = arith.constant 336 : index
        %get3A_1430 = tpu.vector_load %arg4[%get3A_1428, %get3A_1429] {strides = array<i32>} : memref<256x384xf32, #tpu.memory_space<vmem>>, vector<1x16xf32>,
        %get3A_1431 = vector.shape_cast %get3A_1430 : vector<1x16xf32> to vector<16xf32>
        %get3A_1432 = arith.index_cast %add3A_18 : i32 to index
        %get3A_1433 = arith.constant 352 : index
        %get3A_1434 = tpu.vector_load %arg4[%get3A_1432, %get3A_1433] {strides = array<i32>} : memref<256x384xf32, #tpu.memory_space<vmem>>, vector<1x16xf32>,
        %get3A_1435 = vector.shape_cast %get3A_1434 : vector<1x16xf32> to vector<16xf32>
        %get3A_1436 = arith.index_cast %add3A_18 : i32 to index
        %get3A_1437 = arith.constant 368 : index
        %get3A_1438 = tpu.vector_load %arg4[%get3A_1436, %get3A_1437] {strides = array<i32>} : memref<256x384xf32, #tpu.memory_space<vmem>>, vector<1x16xf32>,
        %get3A_1439 = vector.shape_cast %get3A_1438 : vector<1x16xf32> to vector<16xf32>
        %slice3A_1440 = vector.extract_strided_slice %convert_element_type3A {offsets = [0], sizes = [1], strides = [1]} : vector<16xi32> to vector<1xi32>
        %squeeze3A_1441 = vector.extract %slice3A_1440[0] : i32 from vector<1xi32>
        %get3A_1442 = arith.index_cast %squeeze3A_1441 : i32 to index
        %get3A_1443 = arith.constant 192 : index
        %get3A_1444 = tpu.vector_load %arg4[%get3A_1442, %get3A_1443] {strides = array<i32>} : memref<256x384xf32, #tpu.memory_space<vmem>>, vector<1x16xf32>,
        %get3A_1445 = vector.shape_cast %get3A_1444 : vector<1x16xf32> to vector<16xf32>
        %max3A_1446 = arith.maximumf %get3A_1395, %get3A_1445 : vector<16xf32>
        %min3A_1447 = arith.minimumf %get3A_1395, %get3A_1445 : vector<16xf32>
        %get3A_1448 = arith.index_cast %squeeze3A_1441 : i32 to index
        %get3A_1449 = arith.constant 208 : index
        %get3A_1450 = tpu.vector_load %arg4[%get3A_1448, %get3A_1449] {strides = array<i32>} : memref<256x384xf32, #tpu.memory_space<vmem>>, vector<1x16xf32>,
        %get3A_1451 = vector.shape_cast %get3A_1450 : vector<1x16xf32> to vector<16xf32>
        %max3A_1452 = arith.maximumf %get3A_1399, %get3A_1451 : vector<16xf32>
        %min3A_1453 = arith.minimumf %get3A_1399, %get3A_1451 : vector<16xf32>
        %get3A_1454 = arith.index_cast %squeeze3A_1441 : i32 to index
        %get3A_1455 = arith.constant 224 : index
        %get3A_1456 = tpu.vector_load %arg4[%get3A_1454, %get3A_1455] {strides = array<i32>} : memref<256x384xf32, #tpu.memory_space<vmem>>, vector<1x16xf32>,
        %get3A_1457 = vector.shape_cast %get3A_1456 : vector<1x16xf32> to vector<16xf32>
        %max3A_1458 = arith.maximumf %get3A_1403, %get3A_1457 : vector<16xf32>
        %min3A_1459 = arith.minimumf %get3A_1403, %get3A_1457 : vector<16xf32>
        %get3A_1460 = arith.index_cast %squeeze3A_1441 : i32 to index
        %get3A_1461 = arith.constant 240 : index
        %get3A_1462 = tpu.vector_load %arg4[%get3A_1460, %get3A_1461] {strides = array<i32>} : memref<256x384xf32, #tpu.memory_space<vmem>>, vector<1x16xf32>,
        %get3A_1463 = vector.shape_cast %get3A_1462 : vector<1x16xf32> to vector<16xf32>
        %max3A_1464 = arith.maximumf %get3A_1407, %get3A_1463 : vector<16xf32>
        %min3A_1465 = arith.minimumf %get3A_1407, %get3A_1463 : vector<16xf32>
        %get3A_1466 = arith.index_cast %squeeze3A_1441 : i32 to index
        %get3A_1467 = arith.constant 256 : index
        %get3A_1468 = tpu.vector_load %arg4[%get3A_1466, %get3A_1467] {strides = array<i32>} : memref<256x384xf32, #tpu.memory_space<vmem>>, vector<1x16xf32>,
        %get3A_1469 = vector.shape_cast %get3A_1468 : vector<1x16xf32> to vector<16xf32>
        %max3A_1470 = arith.maximumf %get3A_1411, %get3A_1469 : vector<16xf32>
        %min3A_1471 = arith.minimumf %get3A_1411, %get3A_1469 : vector<16xf32>
        %get3A_1472 = arith.index_cast %squeeze3A_1441 : i32 to index
        %get3A_1473 = arith.constant 272 : index
        %get3A_1474 = tpu.vector_load %arg4[%get3A_1472, %get3A_1473] {strides = array<i32>} : memref<256x384xf32, #tpu.memory_space<vmem>>, vector<1x16xf32>,
        %get3A_1475 = vector.shape_cast %get3A_1474 : vector<1x16xf32> to vector<16xf32>
        %max3A_1476 = arith.maximumf %get3A_1415, %get3A_1475 : vector<16xf32>
        %min3A_1477 = arith.minimumf %get3A_1415, %get3A_1475 : vector<16xf32>
        %get3A_1478 = arith.index_cast %squeeze3A_1441 : i32 to index
        %get3A_1479 = arith.constant 288 : index
        %get3A_1480 = tpu.vector_load %arg4[%get3A_1478, %get3A_1479] {strides = array<i32>} : memref<256x384xf32, #tpu.memory_space<vmem>>, vector<1x16xf32>,
        %get3A_1481 = vector.shape_cast %get3A_1480 : vector<1x16xf32> to vector<16xf32>
        %max3A_1482 = arith.maximumf %get3A_1419, %get3A_1481 : vector<16xf32>
        %min3A_1483 = arith.minimumf %get3A_1419, %get3A_1481 : vector<16xf32>
        %get3A_1484 = arith.index_cast %squeeze3A_1441 : i32 to index
        %get3A_1485 = arith.constant 304 : index
        %get3A_1486 = tpu.vector_load %arg4[%get3A_1484, %get3A_1485] {strides = array<i32>} : memref<256x384xf32, #tpu.memory_space<vmem>>, vector<1x16xf32>,
        %get3A_1487 = vector.shape_cast %get3A_1486 : vector<1x16xf32> to vector<16xf32>
        %max3A_1488 = arith.maximumf %get3A_1423, %get3A_1487 : vector<16xf32>
        %min3A_1489 = arith.minimumf %get3A_1423, %get3A_1487 : vector<16xf32>
        %get3A_1490 = arith.index_cast %squeeze3A_1441 : i32 to index
        %get3A_1491 = arith.constant 320 : index
        %get3A_1492 = tpu.vector_load %arg4[%get3A_1490, %get3A_1491] {strides = array<i32>} : memref<256x384xf32, #tpu.memory_space<vmem>>, vector<1x16xf32>,
        %get3A_1493 = vector.shape_cast %get3A_1492 : vector<1x16xf32> to vector<16xf32>
        %max3A_1494 = arith.maximumf %get3A_1427, %get3A_1493 : vector<16xf32>
        %min3A_1495 = arith.minimumf %get3A_1427, %get3A_1493 : vector<16xf32>
        %get3A_1496 = arith.index_cast %squeeze3A_1441 : i32 to index
        %get3A_1497 = arith.constant 336 : index
        %get3A_1498 = tpu.vector_load %arg4[%get3A_1496, %get3A_1497] {strides = array<i32>} : memref<256x384xf32, #tpu.memory_space<vmem>>, vector<1x16xf32>,
        %get3A_1499 = vector.shape_cast %get3A_1498 : vector<1x16xf32> to vector<16xf32>
        %max3A_1500 = arith.maximumf %get3A_1431, %get3A_1499 : vector<16xf32>
        %min3A_1501 = arith.minimumf %get3A_1431, %get3A_1499 : vector<16xf32>
        %get3A_1502 = arith.index_cast %squeeze3A_1441 : i32 to index
        %get3A_1503 = arith.constant 352 : index
        %get3A_1504 = tpu.vector_load %arg4[%get3A_1502, %get3A_1503] {strides = array<i32>} : memref<256x384xf32, #tpu.memory_space<vmem>>, vector<1x16xf32>,
        %get3A_1505 = vector.shape_cast %get3A_1504 : vector<1x16xf32> to vector<16xf32>
        %max3A_1506 = arith.maximumf %get3A_1435, %get3A_1505 : vector<16xf32>
        %min3A_1507 = arith.minimumf %get3A_1435, %get3A_1505 : vector<16xf32>
        %get3A_1508 = arith.index_cast %squeeze3A_1441 : i32 to index
        %get3A_1509 = arith.constant 368 : index
        %get3A_1510 = tpu.vector_load %arg4[%get3A_1508, %get3A_1509] {strides = array<i32>} : memref<256x384xf32, #tpu.memory_space<vmem>>, vector<1x16xf32>,
        %get3A_1511 = vector.shape_cast %get3A_1510 : vector<1x16xf32> to vector<16xf32>
        %max3A_1512 = arith.maximumf %get3A_1439, %get3A_1511 : vector<16xf32>
        %min3A_1513 = arith.minimumf %get3A_1439, %get3A_1511 : vector<16xf32>
        %slice3A_1514 = vector.extract_strided_slice %convert_element_type3A {offsets = [1], sizes = [1], strides = [1]} : vector<16xi32> to vector<1xi32>
        %squeeze3A_1515 = vector.extract %slice3A_1514[0] : i32 from vector<1xi32>
        %get3A_1516 = arith.index_cast %squeeze3A_1515 : i32 to index
        %get3A_1517 = arith.constant 192 : index
        %get3A_1518 = tpu.vector_load %arg4[%get3A_1516, %get3A_1517] {strides = array<i32>} : memref<256x384xf32, #tpu.memory_space<vmem>>, vector<1x16xf32>,
        %get3A_1519 = vector.shape_cast %get3A_1518 : vector<1x16xf32> to vector<16xf32>
        %max3A_1520 = arith.maximumf %max3A_1446, %get3A_1519 : vector<16xf32>
        %min3A_1521 = arith.minimumf %min3A_1447, %get3A_1519 : vector<16xf32>
        %get3A_1522 = arith.index_cast %squeeze3A_1515 : i32 to index
        %get3A_1523 = arith.constant 208 : index
        %get3A_1524 = tpu.vector_load %arg4[%get3A_1522, %get3A_1523] {strides = array<i32>} : memref<256x384xf32, #tpu.memory_space<vmem>>, vector<1x16xf32>,
        %get3A_1525 = vector.shape_cast %get3A_1524 : vector<1x16xf32> to vector<16xf32>
        %max3A_1526 = arith.maximumf %max3A_1452, %get3A_1525 : vector<16xf32>
        %min3A_1527 = arith.minimumf %min3A_1453, %get3A_1525 : vector<16xf32>
        %get3A_1528 = arith.index_cast %squeeze3A_1515 : i32 to index
        %get3A_1529 = arith.constant 224 : index
        %get3A_1530 = tpu.vector_load %arg4[%get3A_1528, %get3A_1529] {strides = array<i32>} : memref<256x384xf32, #tpu.memory_space<vmem>>, vector<1x16xf32>,
        %get3A_1531 = vector.shape_cast %get3A_1530 : vector<1x16xf32> to vector<16xf32>
        %max3A_1532 = arith.maximumf %max3A_1458, %get3A_1531 : vector<16xf32>
        %min3A_1533 = arith.minimumf %min3A_1459, %get3A_1531 : vector<16xf32>
        %get3A_1534 = arith.index_cast %squeeze3A_1515 : i32 to index
        %get3A_1535 = arith.constant 240 : index
        %get3A_1536 = tpu.vector_load %arg4[%get3A_1534, %get3A_1535] {strides = array<i32>} : memref<256x384xf32, #tpu.memory_space<vmem>>, vector<1x16xf32>,
        %get3A_1537 = vector.shape_cast %get3A_1536 : vector<1x16xf32> to vector<16xf32>
        %max3A_1538 = arith.maximumf %max3A_1464, %get3A_1537 : vector<16xf32>
        %min3A_1539 = arith.minimumf %min3A_1465, %get3A_1537 : vector<16xf32>
        %get3A_1540 = arith.index_cast %squeeze3A_1515 : i32 to index
        %get3A_1541 = arith.constant 256 : index
        %get3A_1542 = tpu.vector_load %arg4[%get3A_1540, %get3A_1541] {strides = array<i32>} : memref<256x384xf32, #tpu.memory_space<vmem>>, vector<1x16xf32>,
        %get3A_1543 = vector.shape_cast %get3A_1542 : vector<1x16xf32> to vector<16xf32>
        %max3A_1544 = arith.maximumf %max3A_1470, %get3A_1543 : vector<16xf32>
        %min3A_1545 = arith.minimumf %min3A_1471, %get3A_1543 : vector<16xf32>
        %get3A_1546 = arith.index_cast %squeeze3A_1515 : i32 to index
        %get3A_1547 = arith.constant 272 : index
        %get3A_1548 = tpu.vector_load %arg4[%get3A_1546, %get3A_1547] {strides = array<i32>} : memref<256x384xf32, #tpu.memory_space<vmem>>, vector<1x16xf32>,
        %get3A_1549 = vector.shape_cast %get3A_1548 : vector<1x16xf32> to vector<16xf32>
        %max3A_1550 = arith.maximumf %max3A_1476, %get3A_1549 : vector<16xf32>
        %min3A_1551 = arith.minimumf %min3A_1477, %get3A_1549 : vector<16xf32>
        %get3A_1552 = arith.index_cast %squeeze3A_1515 : i32 to index
        %get3A_1553 = arith.constant 288 : index
        %get3A_1554 = tpu.vector_load %arg4[%get3A_1552, %get3A_1553] {strides = array<i32>} : memref<256x384xf32, #tpu.memory_space<vmem>>, vector<1x16xf32>,
        %get3A_1555 = vector.shape_cast %get3A_1554 : vector<1x16xf32> to vector<16xf32>
        %max3A_1556 = arith.maximumf %max3A_1482, %get3A_1555 : vector<16xf32>
        %min3A_1557 = arith.minimumf %min3A_1483, %get3A_1555 : vector<16xf32>
        %get3A_1558 = arith.index_cast %squeeze3A_1515 : i32 to index
        %get3A_1559 = arith.constant 304 : index
        %get3A_1560 = tpu.vector_load %arg4[%get3A_1558, %get3A_1559] {strides = array<i32>} : memref<256x384xf32, #tpu.memory_space<vmem>>, vector<1x16xf32>,
        %get3A_1561 = vector.shape_cast %get3A_1560 : vector<1x16xf32> to vector<16xf32>
        %max3A_1562 = arith.maximumf %max3A_1488, %get3A_1561 : vector<16xf32>
        %min3A_1563 = arith.minimumf %min3A_1489, %get3A_1561 : vector<16xf32>
        %get3A_1564 = arith.index_cast %squeeze3A_1515 : i32 to index
        %get3A_1565 = arith.constant 320 : index
        %get3A_1566 = tpu.vector_load %arg4[%get3A_1564, %get3A_1565] {strides = array<i32>} : memref<256x384xf32, #tpu.memory_space<vmem>>, vector<1x16xf32>,
        %get3A_1567 = vector.shape_cast %get3A_1566 : vector<1x16xf32> to vector<16xf32>
        %max3A_1568 = arith.maximumf %max3A_1494, %get3A_1567 : vector<16xf32>
        %min3A_1569 = arith.minimumf %min3A_1495, %get3A_1567 : vector<16xf32>
        %get3A_1570 = arith.index_cast %squeeze3A_1515 : i32 to index
        %get3A_1571 = arith.constant 336 : index
        %get3A_1572 = tpu.vector_load %arg4[%get3A_1570, %get3A_1571] {strides = array<i32>} : memref<256x384xf32, #tpu.memory_space<vmem>>, vector<1x16xf32>,
        %get3A_1573 = vector.shape_cast %get3A_1572 : vector<1x16xf32> to vector<16xf32>
        %max3A_1574 = arith.maximumf %max3A_1500, %get3A_1573 : vector<16xf32>
        %min3A_1575 = arith.minimumf %min3A_1501, %get3A_1573 : vector<16xf32>
        %get3A_1576 = arith.index_cast %squeeze3A_1515 : i32 to index
        %get3A_1577 = arith.constant 352 : index
        %get3A_1578 = tpu.vector_load %arg4[%get3A_1576, %get3A_1577] {strides = array<i32>} : memref<256x384xf32, #tpu.memory_space<vmem>>, vector<1x16xf32>,
        %get3A_1579 = vector.shape_cast %get3A_1578 : vector<1x16xf32> to vector<16xf32>
        %max3A_1580 = arith.maximumf %max3A_1506, %get3A_1579 : vector<16xf32>
        %min3A_1581 = arith.minimumf %min3A_1507, %get3A_1579 : vector<16xf32>
        %get3A_1582 = arith.index_cast %squeeze3A_1515 : i32 to index
        %get3A_1583 = arith.constant 368 : index
        %get3A_1584 = tpu.vector_load %arg4[%get3A_1582, %get3A_1583] {strides = array<i32>} : memref<256x384xf32, #tpu.memory_space<vmem>>, vector<1x16xf32>,
        %get3A_1585 = vector.shape_cast %get3A_1584 : vector<1x16xf32> to vector<16xf32>
        %max3A_1586 = arith.maximumf %max3A_1512, %get3A_1585 : vector<16xf32>
        %min3A_1587 = arith.minimumf %min3A_1513, %get3A_1585 : vector<16xf32>
        %slice3A_1588 = vector.extract_strided_slice %convert_element_type3A {offsets = [2], sizes = [1], strides = [1]} : vector<16xi32> to vector<1xi32>
        %squeeze3A_1589 = vector.extract %slice3A_1588[0] : i32 from vector<1xi32>
        %get3A_1590 = arith.index_cast %squeeze3A_1589 : i32 to index
        %get3A_1591 = arith.constant 192 : index
        %get3A_1592 = tpu.vector_load %arg4[%get3A_1590, %get3A_1591] {strides = array<i32>} : memref<256x384xf32, #tpu.memory_space<vmem>>, vector<1x16xf32>,
        %get3A_1593 = vector.shape_cast %get3A_1592 : vector<1x16xf32> to vector<16xf32>
        %max3A_1594 = arith.maximumf %max3A_1520, %get3A_1593 : vector<16xf32>
        %min3A_1595 = arith.minimumf %min3A_1521, %get3A_1593 : vector<16xf32>
        %get3A_1596 = arith.index_cast %squeeze3A_1589 : i32 to index
        %get3A_1597 = arith.constant 208 : index
        %get3A_1598 = tpu.vector_load %arg4[%get3A_1596, %get3A_1597] {strides = array<i32>} : memref<256x384xf32, #tpu.memory_space<vmem>>, vector<1x16xf32>,
        %get3A_1599 = vector.shape_cast %get3A_1598 : vector<1x16xf32> to vector<16xf32>
        %max3A_1600 = arith.maximumf %max3A_1526, %get3A_1599 : vector<16xf32>
        %min3A_1601 = arith.minimumf %min3A_1527, %get3A_1599 : vector<16xf32>
        %get3A_1602 = arith.index_cast %squeeze3A_1589 : i32 to index
        %get3A_1603 = arith.constant 224 : index
        %get3A_1604 = tpu.vector_load %arg4[%get3A_1602, %get3A_1603] {strides = array<i32>} : memref<256x384xf32, #tpu.memory_space<vmem>>, vector<1x16xf32>,
        %get3A_1605 = vector.shape_cast %get3A_1604 : vector<1x16xf32> to vector<16xf32>
        %max3A_1606 = arith.maximumf %max3A_1532, %get3A_1605 : vector<16xf32>
        %min3A_1607 = arith.minimumf %min3A_1533, %get3A_1605 : vector<16xf32>
        %get3A_1608 = arith.index_cast %squeeze3A_1589 : i32 to index
        %get3A_1609 = arith.constant 240 : index
        %get3A_1610 = tpu.vector_load %arg4[%get3A_1608, %get3A_1609] {strides = array<i32>} : memref<256x384xf32, #tpu.memory_space<vmem>>, vector<1x16xf32>,
        %get3A_1611 = vector.shape_cast %get3A_1610 : vector<1x16xf32> to vector<16xf32>
        %max3A_1612 = arith.maximumf %max3A_1538, %get3A_1611 : vector<16xf32>
        %min3A_1613 = arith.minimumf %min3A_1539, %get3A_1611 : vector<16xf32>
        %get3A_1614 = arith.index_cast %squeeze3A_1589 : i32 to index
        %get3A_1615 = arith.constant 256 : index
        %get3A_1616 = tpu.vector_load %arg4[%get3A_1614, %get3A_1615] {strides = array<i32>} : memref<256x384xf32, #tpu.memory_space<vmem>>, vector<1x16xf32>,
        %get3A_1617 = vector.shape_cast %get3A_1616 : vector<1x16xf32> to vector<16xf32>
        %max3A_1618 = arith.maximumf %max3A_1544, %get3A_1617 : vector<16xf32>
        %min3A_1619 = arith.minimumf %min3A_1545, %get3A_1617 : vector<16xf32>
        %get3A_1620 = arith.index_cast %squeeze3A_1589 : i32 to index
        %get3A_1621 = arith.constant 272 : index
        %get3A_1622 = tpu.vector_load %arg4[%get3A_1620, %get3A_1621] {strides = array<i32>} : memref<256x384xf32, #tpu.memory_space<vmem>>, vector<1x16xf32>,
        %get3A_1623 = vector.shape_cast %get3A_1622 : vector<1x16xf32> to vector<16xf32>
        %max3A_1624 = arith.maximumf %max3A_1550, %get3A_1623 : vector<16xf32>
        %min3A_1625 = arith.minimumf %min3A_1551, %get3A_1623 : vector<16xf32>
        %get3A_1626 = arith.index_cast %squeeze3A_1589 : i32 to index
        %get3A_1627 = arith.constant 288 : index
        %get3A_1628 = tpu.vector_load %arg4[%get3A_1626, %get3A_1627] {strides = array<i32>} : memref<256x384xf32, #tpu.memory_space<vmem>>, vector<1x16xf32>,
        %get3A_1629 = vector.shape_cast %get3A_1628 : vector<1x16xf32> to vector<16xf32>
        %max3A_1630 = arith.maximumf %max3A_1556, %get3A_1629 : vector<16xf32>
        %min3A_1631 = arith.minimumf %min3A_1557, %get3A_1629 : vector<16xf32>
        %get3A_1632 = arith.index_cast %squeeze3A_1589 : i32 to index
        %get3A_1633 = arith.constant 304 : index
        %get3A_1634 = tpu.vector_load %arg4[%get3A_1632, %get3A_1633] {strides = array<i32>} : memref<256x384xf32, #tpu.memory_space<vmem>>, vector<1x16xf32>,
        %get3A_1635 = vector.shape_cast %get3A_1634 : vector<1x16xf32> to vector<16xf32>
        %max3A_1636 = arith.maximumf %max3A_1562, %get3A_1635 : vector<16xf32>
        %min3A_1637 = arith.minimumf %min3A_1563, %get3A_1635 : vector<16xf32>
        %get3A_1638 = arith.index_cast %squeeze3A_1589 : i32 to index
        %get3A_1639 = arith.constant 320 : index
        %get3A_1640 = tpu.vector_load %arg4[%get3A_1638, %get3A_1639] {strides = array<i32>} : memref<256x384xf32, #tpu.memory_space<vmem>>, vector<1x16xf32>,
        %get3A_1641 = vector.shape_cast %get3A_1640 : vector<1x16xf32> to vector<16xf32>
        %max3A_1642 = arith.maximumf %max3A_1568, %get3A_1641 : vector<16xf32>
        %min3A_1643 = arith.minimumf %min3A_1569, %get3A_1641 : vector<16xf32>
        %get3A_1644 = arith.index_cast %squeeze3A_1589 : i32 to index
        %get3A_1645 = arith.constant 336 : index
        %get3A_1646 = tpu.vector_load %arg4[%get3A_1644, %get3A_1645] {strides = array<i32>} : memref<256x384xf32, #tpu.memory_space<vmem>>, vector<1x16xf32>,
        %get3A_1647 = vector.shape_cast %get3A_1646 : vector<1x16xf32> to vector<16xf32>
        %max3A_1648 = arith.maximumf %max3A_1574, %get3A_1647 : vector<16xf32>
        %min3A_1649 = arith.minimumf %min3A_1575, %get3A_1647 : vector<16xf32>
        %get3A_1650 = arith.index_cast %squeeze3A_1589 : i32 to index
        %get3A_1651 = arith.constant 352 : index
        %get3A_1652 = tpu.vector_load %arg4[%get3A_1650, %get3A_1651] {strides = array<i32>} : memref<256x384xf32, #tpu.memory_space<vmem>>, vector<1x16xf32>,
        %get3A_1653 = vector.shape_cast %get3A_1652 : vector<1x16xf32> to vector<16xf32>
        %max3A_1654 = arith.maximumf %max3A_1580, %get3A_1653 : vector<16xf32>
        %min3A_1655 = arith.minimumf %min3A_1581, %get3A_1653 : vector<16xf32>
        %get3A_1656 = arith.index_cast %squeeze3A_1589 : i32 to index
        %get3A_1657 = arith.constant 368 : index
        %get3A_1658 = tpu.vector_load %arg4[%get3A_1656, %get3A_1657] {strides = array<i32>} : memref<256x384xf32, #tpu.memory_space<vmem>>, vector<1x16xf32>,
        %get3A_1659 = vector.shape_cast %get3A_1658 : vector<1x16xf32> to vector<16xf32>
        %max3A_1660 = arith.maximumf %max3A_1586, %get3A_1659 : vector<16xf32>
        %min3A_1661 = arith.minimumf %min3A_1587, %get3A_1659 : vector<16xf32>
        %slice3A_1662 = vector.extract_strided_slice %convert_element_type3A {offsets = [3], sizes = [1], strides = [1]} : vector<16xi32> to vector<1xi32>
        %squeeze3A_1663 = vector.extract %slice3A_1662[0] : i32 from vector<1xi32>
        %get3A_1664 = arith.index_cast %squeeze3A_1663 : i32 to index
        %get3A_1665 = arith.constant 192 : index
        %get3A_1666 = tpu.vector_load %arg4[%get3A_1664, %get3A_1665] {strides = array<i32>} : memref<256x384xf32, #tpu.memory_space<vmem>>, vector<1x16xf32>,
        %get3A_1667 = vector.shape_cast %get3A_1666 : vector<1x16xf32> to vector<16xf32>
        %max3A_1668 = arith.maximumf %max3A_1594, %get3A_1667 : vector<16xf32>
        %min3A_1669 = arith.minimumf %min3A_1595, %get3A_1667 : vector<16xf32>
        %get3A_1670 = arith.index_cast %squeeze3A_1663 : i32 to index
        %get3A_1671 = arith.constant 208 : index
        %get3A_1672 = tpu.vector_load %arg4[%get3A_1670, %get3A_1671] {strides = array<i32>} : memref<256x384xf32, #tpu.memory_space<vmem>>, vector<1x16xf32>,
        %get3A_1673 = vector.shape_cast %get3A_1672 : vector<1x16xf32> to vector<16xf32>
        %max3A_1674 = arith.maximumf %max3A_1600, %get3A_1673 : vector<16xf32>
        %min3A_1675 = arith.minimumf %min3A_1601, %get3A_1673 : vector<16xf32>
        %get3A_1676 = arith.index_cast %squeeze3A_1663 : i32 to index
        %get3A_1677 = arith.constant 224 : index
        %get3A_1678 = tpu.vector_load %arg4[%get3A_1676, %get3A_1677] {strides = array<i32>} : memref<256x384xf32, #tpu.memory_space<vmem>>, vector<1x16xf32>,
        %get3A_1679 = vector.shape_cast %get3A_1678 : vector<1x16xf32> to vector<16xf32>
        %max3A_1680 = arith.maximumf %max3A_1606, %get3A_1679 : vector<16xf32>
        %min3A_1681 = arith.minimumf %min3A_1607, %get3A_1679 : vector<16xf32>
        %get3A_1682 = arith.index_cast %squeeze3A_1663 : i32 to index
        %get3A_1683 = arith.constant 240 : index
        %get3A_1684 = tpu.vector_load %arg4[%get3A_1682, %get3A_1683] {strides = array<i32>} : memref<256x384xf32, #tpu.memory_space<vmem>>, vector<1x16xf32>,
        %get3A_1685 = vector.shape_cast %get3A_1684 : vector<1x16xf32> to vector<16xf32>
        %max3A_1686 = arith.maximumf %max3A_1612, %get3A_1685 : vector<16xf32>
        %min3A_1687 = arith.minimumf %min3A_1613, %get3A_1685 : vector<16xf32>
        %get3A_1688 = arith.index_cast %squeeze3A_1663 : i32 to index
        %get3A_1689 = arith.constant 256 : index
        %get3A_1690 = tpu.vector_load %arg4[%get3A_1688, %get3A_1689] {strides = array<i32>} : memref<256x384xf32, #tpu.memory_space<vmem>>, vector<1x16xf32>,
        %get3A_1691 = vector.shape_cast %get3A_1690 : vector<1x16xf32> to vector<16xf32>
        %max3A_1692 = arith.maximumf %max3A_1618, %get3A_1691 : vector<16xf32>
        %min3A_1693 = arith.minimumf %min3A_1619, %get3A_1691 : vector<16xf32>
        %get3A_1694 = arith.index_cast %squeeze3A_1663 : i32 to index
        %get3A_1695 = arith.constant 272 : index
        %get3A_1696 = tpu.vector_load %arg4[%get3A_1694, %get3A_1695] {strides = array<i32>} : memref<256x384xf32, #tpu.memory_space<vmem>>, vector<1x16xf32>,
        %get3A_1697 = vector.shape_cast %get3A_1696 : vector<1x16xf32> to vector<16xf32>
        %max3A_1698 = arith.maximumf %max3A_1624, %get3A_1697 : vector<16xf32>
        %min3A_1699 = arith.minimumf %min3A_1625, %get3A_1697 : vector<16xf32>
        %get3A_1700 = arith.index_cast %squeeze3A_1663 : i32 to index
        %get3A_1701 = arith.constant 288 : index
        %get3A_1702 = tpu.vector_load %arg4[%get3A_1700, %get3A_1701] {strides = array<i32>} : memref<256x384xf32, #tpu.memory_space<vmem>>, vector<1x16xf32>,
        %get3A_1703 = vector.shape_cast %get3A_1702 : vector<1x16xf32> to vector<16xf32>
        %max3A_1704 = arith.maximumf %max3A_1630, %get3A_1703 : vector<16xf32>
        %min3A_1705 = arith.minimumf %min3A_1631, %get3A_1703 : vector<16xf32>
        %get3A_1706 = arith.index_cast %squeeze3A_1663 : i32 to index
        %get3A_1707 = arith.constant 304 : index
        %get3A_1708 = tpu.vector_load %arg4[%get3A_1706, %get3A_1707] {strides = array<i32>} : memref<256x384xf32, #tpu.memory_space<vmem>>, vector<1x16xf32>,
        %get3A_1709 = vector.shape_cast %get3A_1708 : vector<1x16xf32> to vector<16xf32>
        %max3A_1710 = arith.maximumf %max3A_1636, %get3A_1709 : vector<16xf32>
        %min3A_1711 = arith.minimumf %min3A_1637, %get3A_1709 : vector<16xf32>
        %get3A_1712 = arith.index_cast %squeeze3A_1663 : i32 to index
        %get3A_1713 = arith.constant 320 : index
        %get3A_1714 = tpu.vector_load %arg4[%get3A_1712, %get3A_1713] {strides = array<i32>} : memref<256x384xf32, #tpu.memory_space<vmem>>, vector<1x16xf32>,
        %get3A_1715 = vector.shape_cast %get3A_1714 : vector<1x16xf32> to vector<16xf32>
        %max3A_1716 = arith.maximumf %max3A_1642, %get3A_1715 : vector<16xf32>
        %min3A_1717 = arith.minimumf %min3A_1643, %get3A_1715 : vector<16xf32>
        %get3A_1718 = arith.index_cast %squeeze3A_1663 : i32 to index
        %get3A_1719 = arith.constant 336 : index
        %get3A_1720 = tpu.vector_load %arg4[%get3A_1718, %get3A_1719] {strides = array<i32>} : memref<256x384xf32, #tpu.memory_space<vmem>>, vector<1x16xf32>,
        %get3A_1721 = vector.shape_cast %get3A_1720 : vector<1x16xf32> to vector<16xf32>
        %max3A_1722 = arith.maximumf %max3A_1648, %get3A_1721 : vector<16xf32>
        %min3A_1723 = arith.minimumf %min3A_1649, %get3A_1721 : vector<16xf32>
        %get3A_1724 = arith.index_cast %squeeze3A_1663 : i32 to index
        %get3A_1725 = arith.constant 352 : index
        %get3A_1726 = tpu.vector_load %arg4[%get3A_1724, %get3A_1725] {strides = array<i32>} : memref<256x384xf32, #tpu.memory_space<vmem>>, vector<1x16xf32>,
        %get3A_1727 = vector.shape_cast %get3A_1726 : vector<1x16xf32> to vector<16xf32>
        %max3A_1728 = arith.maximumf %max3A_1654, %get3A_1727 : vector<16xf32>
        %min3A_1729 = arith.minimumf %min3A_1655, %get3A_1727 : vector<16xf32>
        %get3A_1730 = arith.index_cast %squeeze3A_1663 : i32 to index
        %get3A_1731 = arith.constant 368 : index
        %get3A_1732 = tpu.vector_load %arg4[%get3A_1730, %get3A_1731] {strides = array<i32>} : memref<256x384xf32, #tpu.memory_space<vmem>>, vector<1x16xf32>,
        %get3A_1733 = vector.shape_cast %get3A_1732 : vector<1x16xf32> to vector<16xf32>
        %max3A_1734 = arith.maximumf %max3A_1660, %get3A_1733 : vector<16xf32>
        %min3A_1735 = arith.minimumf %min3A_1661, %get3A_1733 : vector<16xf32>
        %slice3A_1736 = vector.extract_strided_slice %convert_element_type3A {offsets = [4], sizes = [1], strides = [1]} : vector<16xi32> to vector<1xi32>
        %squeeze3A_1737 = vector.extract %slice3A_1736[0] : i32 from vector<1xi32>
        %get3A_1738 = arith.index_cast %squeeze3A_1737 : i32 to index
        %get3A_1739 = arith.constant 192 : index
        %get3A_1740 = tpu.vector_load %arg4[%get3A_1738, %get3A_1739] {strides = array<i32>} : memref<256x384xf32, #tpu.memory_space<vmem>>, vector<1x16xf32>,
        %get3A_1741 = vector.shape_cast %get3A_1740 : vector<1x16xf32> to vector<16xf32>
        %max3A_1742 = arith.maximumf %max3A_1668, %get3A_1741 : vector<16xf32>
        %min3A_1743 = arith.minimumf %min3A_1669, %get3A_1741 : vector<16xf32>
        %get3A_1744 = arith.index_cast %squeeze3A_1737 : i32 to index
        %get3A_1745 = arith.constant 208 : index
        %get3A_1746 = tpu.vector_load %arg4[%get3A_1744, %get3A_1745] {strides = array<i32>} : memref<256x384xf32, #tpu.memory_space<vmem>>, vector<1x16xf32>,
        %get3A_1747 = vector.shape_cast %get3A_1746 : vector<1x16xf32> to vector<16xf32>
        %max3A_1748 = arith.maximumf %max3A_1674, %get3A_1747 : vector<16xf32>
        %min3A_1749 = arith.minimumf %min3A_1675, %get3A_1747 : vector<16xf32>
        %get3A_1750 = arith.index_cast %squeeze3A_1737 : i32 to index
        %get3A_1751 = arith.constant 224 : index
        %get3A_1752 = tpu.vector_load %arg4[%get3A_1750, %get3A_1751] {strides = array<i32>} : memref<256x384xf32, #tpu.memory_space<vmem>>, vector<1x16xf32>,
        %get3A_1753 = vector.shape_cast %get3A_1752 : vector<1x16xf32> to vector<16xf32>
        %max3A_1754 = arith.maximumf %max3A_1680, %get3A_1753 : vector<16xf32>
        %min3A_1755 = arith.minimumf %min3A_1681, %get3A_1753 : vector<16xf32>
        %get3A_1756 = arith.index_cast %squeeze3A_1737 : i32 to index
        %get3A_1757 = arith.constant 240 : index
        %get3A_1758 = tpu.vector_load %arg4[%get3A_1756, %get3A_1757] {strides = array<i32>} : memref<256x384xf32, #tpu.memory_space<vmem>>, vector<1x16xf32>,
        %get3A_1759 = vector.shape_cast %get3A_1758 : vector<1x16xf32> to vector<16xf32>
        %max3A_1760 = arith.maximumf %max3A_1686, %get3A_1759 : vector<16xf32>
        %min3A_1761 = arith.minimumf %min3A_1687, %get3A_1759 : vector<16xf32>
        %get3A_1762 = arith.index_cast %squeeze3A_1737 : i32 to index
        %get3A_1763 = arith.constant 256 : index
        %get3A_1764 = tpu.vector_load %arg4[%get3A_1762, %get3A_1763] {strides = array<i32>} : memref<256x384xf32, #tpu.memory_space<vmem>>, vector<1x16xf32>,
        %get3A_1765 = vector.shape_cast %get3A_1764 : vector<1x16xf32> to vector<16xf32>
        %max3A_1766 = arith.maximumf %max3A_1692, %get3A_1765 : vector<16xf32>
        %min3A_1767 = arith.minimumf %min3A_1693, %get3A_1765 : vector<16xf32>
        %get3A_1768 = arith.index_cast %squeeze3A_1737 : i32 to index
        %get3A_1769 = arith.constant 272 : index
        %get3A_1770 = tpu.vector_load %arg4[%get3A_1768, %get3A_1769] {strides = array<i32>} : memref<256x384xf32, #tpu.memory_space<vmem>>, vector<1x16xf32>,
        %get3A_1771 = vector.shape_cast %get3A_1770 : vector<1x16xf32> to vector<16xf32>
        %max3A_1772 = arith.maximumf %max3A_1698, %get3A_1771 : vector<16xf32>
        %min3A_1773 = arith.minimumf %min3A_1699, %get3A_1771 : vector<16xf32>
        %get3A_1774 = arith.index_cast %squeeze3A_1737 : i32 to index
        %get3A_1775 = arith.constant 288 : index
        %get3A_1776 = tpu.vector_load %arg4[%get3A_1774, %get3A_1775] {strides = array<i32>} : memref<256x384xf32, #tpu.memory_space<vmem>>, vector<1x16xf32>,
        %get3A_1777 = vector.shape_cast %get3A_1776 : vector<1x16xf32> to vector<16xf32>
        %max3A_1778 = arith.maximumf %max3A_1704, %get3A_1777 : vector<16xf32>
        %min3A_1779 = arith.minimumf %min3A_1705, %get3A_1777 : vector<16xf32>
        %get3A_1780 = arith.index_cast %squeeze3A_1737 : i32 to index
        %get3A_1781 = arith.constant 304 : index
        %get3A_1782 = tpu.vector_load %arg4[%get3A_1780, %get3A_1781] {strides = array<i32>} : memref<256x384xf32, #tpu.memory_space<vmem>>, vector<1x16xf32>,
        %get3A_1783 = vector.shape_cast %get3A_1782 : vector<1x16xf32> to vector<16xf32>
        %max3A_1784 = arith.maximumf %max3A_1710, %get3A_1783 : vector<16xf32>
        %min3A_1785 = arith.minimumf %min3A_1711, %get3A_1783 : vector<16xf32>
        %get3A_1786 = arith.index_cast %squeeze3A_1737 : i32 to index
        %get3A_1787 = arith.constant 320 : index
        %get3A_1788 = tpu.vector_load %arg4[%get3A_1786, %get3A_1787] {strides = array<i32>} : memref<256x384xf32, #tpu.memory_space<vmem>>, vector<1x16xf32>,
        %get3A_1789 = vector.shape_cast %get3A_1788 : vector<1x16xf32> to vector<16xf32>
        %max3A_1790 = arith.maximumf %max3A_1716, %get3A_1789 : vector<16xf32>
        %min3A_1791 = arith.minimumf %min3A_1717, %get3A_1789 : vector<16xf32>
        %get3A_1792 = arith.index_cast %squeeze3A_1737 : i32 to index
        %get3A_1793 = arith.constant 336 : index
        %get3A_1794 = tpu.vector_load %arg4[%get3A_1792, %get3A_1793] {strides = array<i32>} : memref<256x384xf32, #tpu.memory_space<vmem>>, vector<1x16xf32>,
        %get3A_1795 = vector.shape_cast %get3A_1794 : vector<1x16xf32> to vector<16xf32>
        %max3A_1796 = arith.maximumf %max3A_1722, %get3A_1795 : vector<16xf32>
        %min3A_1797 = arith.minimumf %min3A_1723, %get3A_1795 : vector<16xf32>
        %get3A_1798 = arith.index_cast %squeeze3A_1737 : i32 to index
        %get3A_1799 = arith.constant 352 : index
        %get3A_1800 = tpu.vector_load %arg4[%get3A_1798, %get3A_1799] {strides = array<i32>} : memref<256x384xf32, #tpu.memory_space<vmem>>, vector<1x16xf32>,
        %get3A_1801 = vector.shape_cast %get3A_1800 : vector<1x16xf32> to vector<16xf32>
        %max3A_1802 = arith.maximumf %max3A_1728, %get3A_1801 : vector<16xf32>
        %min3A_1803 = arith.minimumf %min3A_1729, %get3A_1801 : vector<16xf32>
        %get3A_1804 = arith.index_cast %squeeze3A_1737 : i32 to index
        %get3A_1805 = arith.constant 368 : index
        %get3A_1806 = tpu.vector_load %arg4[%get3A_1804, %get3A_1805] {strides = array<i32>} : memref<256x384xf32, #tpu.memory_space<vmem>>, vector<1x16xf32>,
        %get3A_1807 = vector.shape_cast %get3A_1806 : vector<1x16xf32> to vector<16xf32>
        %max3A_1808 = arith.maximumf %max3A_1734, %get3A_1807 : vector<16xf32>
        %min3A_1809 = arith.minimumf %min3A_1735, %get3A_1807 : vector<16xf32>
        %slice3A_1810 = vector.extract_strided_slice %convert_element_type3A {offsets = [5], sizes = [1], strides = [1]} : vector<16xi32> to vector<1xi32>
        %squeeze3A_1811 = vector.extract %slice3A_1810[0] : i32 from vector<1xi32>
        %get3A_1812 = arith.index_cast %squeeze3A_1811 : i32 to index
        %get3A_1813 = arith.constant 192 : index
        %get3A_1814 = tpu.vector_load %arg4[%get3A_1812, %get3A_1813] {strides = array<i32>} : memref<256x384xf32, #tpu.memory_space<vmem>>, vector<1x16xf32>,
        %get3A_1815 = vector.shape_cast %get3A_1814 : vector<1x16xf32> to vector<16xf32>
        %max3A_1816 = arith.maximumf %max3A_1742, %get3A_1815 : vector<16xf32>
        %min3A_1817 = arith.minimumf %min3A_1743, %get3A_1815 : vector<16xf32>
        %get3A_1818 = arith.index_cast %squeeze3A_1811 : i32 to index
        %get3A_1819 = arith.constant 208 : index
        %get3A_1820 = tpu.vector_load %arg4[%get3A_1818, %get3A_1819] {strides = array<i32>} : memref<256x384xf32, #tpu.memory_space<vmem>>, vector<1x16xf32>,
        %get3A_1821 = vector.shape_cast %get3A_1820 : vector<1x16xf32> to vector<16xf32>
        %max3A_1822 = arith.maximumf %max3A_1748, %get3A_1821 : vector<16xf32>
        %min3A_1823 = arith.minimumf %min3A_1749, %get3A_1821 : vector<16xf32>
        %get3A_1824 = arith.index_cast %squeeze3A_1811 : i32 to index
        %get3A_1825 = arith.constant 224 : index
        %get3A_1826 = tpu.vector_load %arg4[%get3A_1824, %get3A_1825] {strides = array<i32>} : memref<256x384xf32, #tpu.memory_space<vmem>>, vector<1x16xf32>,
        %get3A_1827 = vector.shape_cast %get3A_1826 : vector<1x16xf32> to vector<16xf32>
        %max3A_1828 = arith.maximumf %max3A_1754, %get3A_1827 : vector<16xf32>
        %min3A_1829 = arith.minimumf %min3A_1755, %get3A_1827 : vector<16xf32>
        %get3A_1830 = arith.index_cast %squeeze3A_1811 : i32 to index
        %get3A_1831 = arith.constant 240 : index
        %get3A_1832 = tpu.vector_load %arg4[%get3A_1830, %get3A_1831] {strides = array<i32>} : memref<256x384xf32, #tpu.memory_space<vmem>>, vector<1x16xf32>,
        %get3A_1833 = vector.shape_cast %get3A_1832 : vector<1x16xf32> to vector<16xf32>
        %max3A_1834 = arith.maximumf %max3A_1760, %get3A_1833 : vector<16xf32>
        %min3A_1835 = arith.minimumf %min3A_1761, %get3A_1833 : vector<16xf32>
        %get3A_1836 = arith.index_cast %squeeze3A_1811 : i32 to index
        %get3A_1837 = arith.constant 256 : index
        %get3A_1838 = tpu.vector_load %arg4[%get3A_1836, %get3A_1837] {strides = array<i32>} : memref<256x384xf32, #tpu.memory_space<vmem>>, vector<1x16xf32>,
        %get3A_1839 = vector.shape_cast %get3A_1838 : vector<1x16xf32> to vector<16xf32>
        %max3A_1840 = arith.maximumf %max3A_1766, %get3A_1839 : vector<16xf32>
        %min3A_1841 = arith.minimumf %min3A_1767, %get3A_1839 : vector<16xf32>
        %get3A_1842 = arith.index_cast %squeeze3A_1811 : i32 to index
        %get3A_1843 = arith.constant 272 : index
        %get3A_1844 = tpu.vector_load %arg4[%get3A_1842, %get3A_1843] {strides = array<i32>} : memref<256x384xf32, #tpu.memory_space<vmem>>, vector<1x16xf32>,
        %get3A_1845 = vector.shape_cast %get3A_1844 : vector<1x16xf32> to vector<16xf32>
        %max3A_1846 = arith.maximumf %max3A_1772, %get3A_1845 : vector<16xf32>
        %min3A_1847 = arith.minimumf %min3A_1773, %get3A_1845 : vector<16xf32>
        %get3A_1848 = arith.index_cast %squeeze3A_1811 : i32 to index
        %get3A_1849 = arith.constant 288 : index
        %get3A_1850 = tpu.vector_load %arg4[%get3A_1848, %get3A_1849] {strides = array<i32>} : memref<256x384xf32, #tpu.memory_space<vmem>>, vector<1x16xf32>,
        %get3A_1851 = vector.shape_cast %get3A_1850 : vector<1x16xf32> to vector<16xf32>
        %max3A_1852 = arith.maximumf %max3A_1778, %get3A_1851 : vector<16xf32>
        %min3A_1853 = arith.minimumf %min3A_1779, %get3A_1851 : vector<16xf32>
        %get3A_1854 = arith.index_cast %squeeze3A_1811 : i32 to index
        %get3A_1855 = arith.constant 304 : index
        %get3A_1856 = tpu.vector_load %arg4[%get3A_1854, %get3A_1855] {strides = array<i32>} : memref<256x384xf32, #tpu.memory_space<vmem>>, vector<1x16xf32>,
        %get3A_1857 = vector.shape_cast %get3A_1856 : vector<1x16xf32> to vector<16xf32>
        %max3A_1858 = arith.maximumf %max3A_1784, %get3A_1857 : vector<16xf32>
        %min3A_1859 = arith.minimumf %min3A_1785, %get3A_1857 : vector<16xf32>
        %get3A_1860 = arith.index_cast %squeeze3A_1811 : i32 to index
        %get3A_1861 = arith.constant 320 : index
        %get3A_1862 = tpu.vector_load %arg4[%get3A_1860, %get3A_1861] {strides = array<i32>} : memref<256x384xf32, #tpu.memory_space<vmem>>, vector<1x16xf32>,
        %get3A_1863 = vector.shape_cast %get3A_1862 : vector<1x16xf32> to vector<16xf32>
        %max3A_1864 = arith.maximumf %max3A_1790, %get3A_1863 : vector<16xf32>
        %min3A_1865 = arith.minimumf %min3A_1791, %get3A_1863 : vector<16xf32>
        %get3A_1866 = arith.index_cast %squeeze3A_1811 : i32 to index
        %get3A_1867 = arith.constant 336 : index
        %get3A_1868 = tpu.vector_load %arg4[%get3A_1866, %get3A_1867] {strides = array<i32>} : memref<256x384xf32, #tpu.memory_space<vmem>>, vector<1x16xf32>,
        %get3A_1869 = vector.shape_cast %get3A_1868 : vector<1x16xf32> to vector<16xf32>
        %max3A_1870 = arith.maximumf %max3A_1796, %get3A_1869 : vector<16xf32>
        %min3A_1871 = arith.minimumf %min3A_1797, %get3A_1869 : vector<16xf32>
        %get3A_1872 = arith.index_cast %squeeze3A_1811 : i32 to index
        %get3A_1873 = arith.constant 352 : index
        %get3A_1874 = tpu.vector_load %arg4[%get3A_1872, %get3A_1873] {strides = array<i32>} : memref<256x384xf32, #tpu.memory_space<vmem>>, vector<1x16xf32>,
        %get3A_1875 = vector.shape_cast %get3A_1874 : vector<1x16xf32> to vector<16xf32>
        %max3A_1876 = arith.maximumf %max3A_1802, %get3A_1875 : vector<16xf32>
        %min3A_1877 = arith.minimumf %min3A_1803, %get3A_1875 : vector<16xf32>
        %get3A_1878 = arith.index_cast %squeeze3A_1811 : i32 to index
        %get3A_1879 = arith.constant 368 : index
        %get3A_1880 = tpu.vector_load %arg4[%get3A_1878, %get3A_1879] {strides = array<i32>} : memref<256x384xf32, #tpu.memory_space<vmem>>, vector<1x16xf32>,
        %get3A_1881 = vector.shape_cast %get3A_1880 : vector<1x16xf32> to vector<16xf32>
        %max3A_1882 = arith.maximumf %max3A_1808, %get3A_1881 : vector<16xf32>
        %min3A_1883 = arith.minimumf %min3A_1809, %get3A_1881 : vector<16xf32>
        %slice3A_1884 = vector.extract_strided_slice %convert_element_type3A {offsets = [6], sizes = [1], strides = [1]} : vector<16xi32> to vector<1xi32>
        %squeeze3A_1885 = vector.extract %slice3A_1884[0] : i32 from vector<1xi32>
        %get3A_1886 = arith.index_cast %squeeze3A_1885 : i32 to index
        %get3A_1887 = arith.constant 192 : index
        %get3A_1888 = tpu.vector_load %arg4[%get3A_1886, %get3A_1887] {strides = array<i32>} : memref<256x384xf32, #tpu.memory_space<vmem>>, vector<1x16xf32>,
        %get3A_1889 = vector.shape_cast %get3A_1888 : vector<1x16xf32> to vector<16xf32>
        %max3A_1890 = arith.maximumf %max3A_1816, %get3A_1889 : vector<16xf32>
        %min3A_1891 = arith.minimumf %min3A_1817, %get3A_1889 : vector<16xf32>
        %get3A_1892 = arith.index_cast %squeeze3A_1885 : i32 to index
        %get3A_1893 = arith.constant 208 : index
        %get3A_1894 = tpu.vector_load %arg4[%get3A_1892, %get3A_1893] {strides = array<i32>} : memref<256x384xf32, #tpu.memory_space<vmem>>, vector<1x16xf32>,
        %get3A_1895 = vector.shape_cast %get3A_1894 : vector<1x16xf32> to vector<16xf32>
        %max3A_1896 = arith.maximumf %max3A_1822, %get3A_1895 : vector<16xf32>
        %min3A_1897 = arith.minimumf %min3A_1823, %get3A_1895 : vector<16xf32>
        %get3A_1898 = arith.index_cast %squeeze3A_1885 : i32 to index
        %get3A_1899 = arith.constant 224 : index
        %get3A_1900 = tpu.vector_load %arg4[%get3A_1898, %get3A_1899] {strides = array<i32>} : memref<256x384xf32, #tpu.memory_space<vmem>>, vector<1x16xf32>,
        %get3A_1901 = vector.shape_cast %get3A_1900 : vector<1x16xf32> to vector<16xf32>
        %max3A_1902 = arith.maximumf %max3A_1828, %get3A_1901 : vector<16xf32>
        %min3A_1903 = arith.minimumf %min3A_1829, %get3A_1901 : vector<16xf32>
        %get3A_1904 = arith.index_cast %squeeze3A_1885 : i32 to index
        %get3A_1905 = arith.constant 240 : index
        %get3A_1906 = tpu.vector_load %arg4[%get3A_1904, %get3A_1905] {strides = array<i32>} : memref<256x384xf32, #tpu.memory_space<vmem>>, vector<1x16xf32>,
        %get3A_1907 = vector.shape_cast %get3A_1906 : vector<1x16xf32> to vector<16xf32>
        %max3A_1908 = arith.maximumf %max3A_1834, %get3A_1907 : vector<16xf32>
        %min3A_1909 = arith.minimumf %min3A_1835, %get3A_1907 : vector<16xf32>
        %get3A_1910 = arith.index_cast %squeeze3A_1885 : i32 to index
        %get3A_1911 = arith.constant 256 : index
        %get3A_1912 = tpu.vector_load %arg4[%get3A_1910, %get3A_1911] {strides = array<i32>} : memref<256x384xf32, #tpu.memory_space<vmem>>, vector<1x16xf32>,
        %get3A_1913 = vector.shape_cast %get3A_1912 : vector<1x16xf32> to vector<16xf32>
        %max3A_1914 = arith.maximumf %max3A_1840, %get3A_1913 : vector<16xf32>
        %min3A_1915 = arith.minimumf %min3A_1841, %get3A_1913 : vector<16xf32>
        %get3A_1916 = arith.index_cast %squeeze3A_1885 : i32 to index
        %get3A_1917 = arith.constant 272 : index
        %get3A_1918 = tpu.vector_load %arg4[%get3A_1916, %get3A_1917] {strides = array<i32>} : memref<256x384xf32, #tpu.memory_space<vmem>>, vector<1x16xf32>,
        %get3A_1919 = vector.shape_cast %get3A_1918 : vector<1x16xf32> to vector<16xf32>
        %max3A_1920 = arith.maximumf %max3A_1846, %get3A_1919 : vector<16xf32>
        %min3A_1921 = arith.minimumf %min3A_1847, %get3A_1919 : vector<16xf32>
        %get3A_1922 = arith.index_cast %squeeze3A_1885 : i32 to index
        %get3A_1923 = arith.constant 288 : index
        %get3A_1924 = tpu.vector_load %arg4[%get3A_1922, %get3A_1923] {strides = array<i32>} : memref<256x384xf32, #tpu.memory_space<vmem>>, vector<1x16xf32>,
        %get3A_1925 = vector.shape_cast %get3A_1924 : vector<1x16xf32> to vector<16xf32>
        %max3A_1926 = arith.maximumf %max3A_1852, %get3A_1925 : vector<16xf32>
        %min3A_1927 = arith.minimumf %min3A_1853, %get3A_1925 : vector<16xf32>
        %get3A_1928 = arith.index_cast %squeeze3A_1885 : i32 to index
        %get3A_1929 = arith.constant 304 : index
        %get3A_1930 = tpu.vector_load %arg4[%get3A_1928, %get3A_1929] {strides = array<i32>} : memref<256x384xf32, #tpu.memory_space<vmem>>, vector<1x16xf32>,
        %get3A_1931 = vector.shape_cast %get3A_1930 : vector<1x16xf32> to vector<16xf32>
        %max3A_1932 = arith.maximumf %max3A_1858, %get3A_1931 : vector<16xf32>
        %min3A_1933 = arith.minimumf %min3A_1859, %get3A_1931 : vector<16xf32>
        %get3A_1934 = arith.index_cast %squeeze3A_1885 : i32 to index
        %get3A_1935 = arith.constant 320 : index
        %get3A_1936 = tpu.vector_load %arg4[%get3A_1934, %get3A_1935] {strides = array<i32>} : memref<256x384xf32, #tpu.memory_space<vmem>>, vector<1x16xf32>,
        %get3A_1937 = vector.shape_cast %get3A_1936 : vector<1x16xf32> to vector<16xf32>
        %max3A_1938 = arith.maximumf %max3A_1864, %get3A_1937 : vector<16xf32>
        %min3A_1939 = arith.minimumf %min3A_1865, %get3A_1937 : vector<16xf32>
        %get3A_1940 = arith.index_cast %squeeze3A_1885 : i32 to index
        %get3A_1941 = arith.constant 336 : index
        %get3A_1942 = tpu.vector_load %arg4[%get3A_1940, %get3A_1941] {strides = array<i32>} : memref<256x384xf32, #tpu.memory_space<vmem>>, vector<1x16xf32>,
        %get3A_1943 = vector.shape_cast %get3A_1942 : vector<1x16xf32> to vector<16xf32>
        %max3A_1944 = arith.maximumf %max3A_1870, %get3A_1943 : vector<16xf32>
        %min3A_1945 = arith.minimumf %min3A_1871, %get3A_1943 : vector<16xf32>
        %get3A_1946 = arith.index_cast %squeeze3A_1885 : i32 to index
        %get3A_1947 = arith.constant 352 : index
        %get3A_1948 = tpu.vector_load %arg4[%get3A_1946, %get3A_1947] {strides = array<i32>} : memref<256x384xf32, #tpu.memory_space<vmem>>, vector<1x16xf32>,
        %get3A_1949 = vector.shape_cast %get3A_1948 : vector<1x16xf32> to vector<16xf32>
        %max3A_1950 = arith.maximumf %max3A_1876, %get3A_1949 : vector<16xf32>
        %min3A_1951 = arith.minimumf %min3A_1877, %get3A_1949 : vector<16xf32>
        %get3A_1952 = arith.index_cast %squeeze3A_1885 : i32 to index
        %get3A_1953 = arith.constant 368 : index
        %get3A_1954 = tpu.vector_load %arg4[%get3A_1952, %get3A_1953] {strides = array<i32>} : memref<256x384xf32, #tpu.memory_space<vmem>>, vector<1x16xf32>,
        %get3A_1955 = vector.shape_cast %get3A_1954 : vector<1x16xf32> to vector<16xf32>
        %max3A_1956 = arith.maximumf %max3A_1882, %get3A_1955 : vector<16xf32>
        %min3A_1957 = arith.minimumf %min3A_1883, %get3A_1955 : vector<16xf32>
        %slice3A_1958 = vector.extract_strided_slice %convert_element_type3A {offsets = [7], sizes = [1], strides = [1]} : vector<16xi32> to vector<1xi32>
        %squeeze3A_1959 = vector.extract %slice3A_1958[0] : i32 from vector<1xi32>
        %get3A_1960 = arith.index_cast %squeeze3A_1959 : i32 to index
        %get3A_1961 = arith.constant 192 : index
        %get3A_1962 = tpu.vector_load %arg4[%get3A_1960, %get3A_1961] {strides = array<i32>} : memref<256x384xf32, #tpu.memory_space<vmem>>, vector<1x16xf32>,
        %get3A_1963 = vector.shape_cast %get3A_1962 : vector<1x16xf32> to vector<16xf32>
        %max3A_1964 = arith.maximumf %max3A_1890, %get3A_1963 : vector<16xf32>
        %min3A_1965 = arith.minimumf %min3A_1891, %get3A_1963 : vector<16xf32>
        %get3A_1966 = arith.index_cast %squeeze3A_1959 : i32 to index
        %get3A_1967 = arith.constant 208 : index
        %get3A_1968 = tpu.vector_load %arg4[%get3A_1966, %get3A_1967] {strides = array<i32>} : memref<256x384xf32, #tpu.memory_space<vmem>>, vector<1x16xf32>,
        %get3A_1969 = vector.shape_cast %get3A_1968 : vector<1x16xf32> to vector<16xf32>
        %max3A_1970 = arith.maximumf %max3A_1896, %get3A_1969 : vector<16xf32>
        %min3A_1971 = arith.minimumf %min3A_1897, %get3A_1969 : vector<16xf32>
        %get3A_1972 = arith.index_cast %squeeze3A_1959 : i32 to index
        %get3A_1973 = arith.constant 224 : index
        %get3A_1974 = tpu.vector_load %arg4[%get3A_1972, %get3A_1973] {strides = array<i32>} : memref<256x384xf32, #tpu.memory_space<vmem>>, vector<1x16xf32>,
        %get3A_1975 = vector.shape_cast %get3A_1974 : vector<1x16xf32> to vector<16xf32>
        %max3A_1976 = arith.maximumf %max3A_1902, %get3A_1975 : vector<16xf32>
        %min3A_1977 = arith.minimumf %min3A_1903, %get3A_1975 : vector<16xf32>
        %get3A_1978 = arith.index_cast %squeeze3A_1959 : i32 to index
        %get3A_1979 = arith.constant 240 : index
        %get3A_1980 = tpu.vector_load %arg4[%get3A_1978, %get3A_1979] {strides = array<i32>} : memref<256x384xf32, #tpu.memory_space<vmem>>, vector<1x16xf32>,
        %get3A_1981 = vector.shape_cast %get3A_1980 : vector<1x16xf32> to vector<16xf32>
        %max3A_1982 = arith.maximumf %max3A_1908, %get3A_1981 : vector<16xf32>
        %min3A_1983 = arith.minimumf %min3A_1909, %get3A_1981 : vector<16xf32>
        %get3A_1984 = arith.index_cast %squeeze3A_1959 : i32 to index
        %get3A_1985 = arith.constant 256 : index
        %get3A_1986 = tpu.vector_load %arg4[%get3A_1984, %get3A_1985] {strides = array<i32>} : memref<256x384xf32, #tpu.memory_space<vmem>>, vector<1x16xf32>,
        %get3A_1987 = vector.shape_cast %get3A_1986 : vector<1x16xf32> to vector<16xf32>
        %max3A_1988 = arith.maximumf %max3A_1914, %get3A_1987 : vector<16xf32>
        %min3A_1989 = arith.minimumf %min3A_1915, %get3A_1987 : vector<16xf32>
        %get3A_1990 = arith.index_cast %squeeze3A_1959 : i32 to index
        %get3A_1991 = arith.constant 272 : index
        %get3A_1992 = tpu.vector_load %arg4[%get3A_1990, %get3A_1991] {strides = array<i32>} : memref<256x384xf32, #tpu.memory_space<vmem>>, vector<1x16xf32>,
        %get3A_1993 = vector.shape_cast %get3A_1992 : vector<1x16xf32> to vector<16xf32>
        %max3A_1994 = arith.maximumf %max3A_1920, %get3A_1993 : vector<16xf32>
        %min3A_1995 = arith.minimumf %min3A_1921, %get3A_1993 : vector<16xf32>
        %get3A_1996 = arith.index_cast %squeeze3A_1959 : i32 to index
        %get3A_1997 = arith.constant 288 : index
        %get3A_1998 = tpu.vector_load %arg4[%get3A_1996, %get3A_1997] {strides = array<i32>} : memref<256x384xf32, #tpu.memory_space<vmem>>, vector<1x16xf32>,
        %get3A_1999 = vector.shape_cast %get3A_1998 : vector<1x16xf32> to vector<16xf32>
        %max3A_2000 = arith.maximumf %max3A_1926, %get3A_1999 : vector<16xf32>
        %min3A_2001 = arith.minimumf %min3A_1927, %get3A_1999 : vector<16xf32>
        %get3A_2002 = arith.index_cast %squeeze3A_1959 : i32 to index
        %get3A_2003 = arith.constant 304 : index
        %get3A_2004 = tpu.vector_load %arg4[%get3A_2002, %get3A_2003] {strides = array<i32>} : memref<256x384xf32, #tpu.memory_space<vmem>>, vector<1x16xf32>,
        %get3A_2005 = vector.shape_cast %get3A_2004 : vector<1x16xf32> to vector<16xf32>
        %max3A_2006 = arith.maximumf %max3A_1932, %get3A_2005 : vector<16xf32>
        %min3A_2007 = arith.minimumf %min3A_1933, %get3A_2005 : vector<16xf32>
        %get3A_2008 = arith.index_cast %squeeze3A_1959 : i32 to index
        %get3A_2009 = arith.constant 320 : index
        %get3A_2010 = tpu.vector_load %arg4[%get3A_2008, %get3A_2009] {strides = array<i32>} : memref<256x384xf32, #tpu.memory_space<vmem>>, vector<1x16xf32>,
        %get3A_2011 = vector.shape_cast %get3A_2010 : vector<1x16xf32> to vector<16xf32>
        %max3A_2012 = arith.maximumf %max3A_1938, %get3A_2011 : vector<16xf32>
        %min3A_2013 = arith.minimumf %min3A_1939, %get3A_2011 : vector<16xf32>
        %get3A_2014 = arith.index_cast %squeeze3A_1959 : i32 to index
        %get3A_2015 = arith.constant 336 : index
        %get3A_2016 = tpu.vector_load %arg4[%get3A_2014, %get3A_2015] {strides = array<i32>} : memref<256x384xf32, #tpu.memory_space<vmem>>, vector<1x16xf32>,
        %get3A_2017 = vector.shape_cast %get3A_2016 : vector<1x16xf32> to vector<16xf32>
        %max3A_2018 = arith.maximumf %max3A_1944, %get3A_2017 : vector<16xf32>
        %min3A_2019 = arith.minimumf %min3A_1945, %get3A_2017 : vector<16xf32>
        %get3A_2020 = arith.index_cast %squeeze3A_1959 : i32 to index
        %get3A_2021 = arith.constant 352 : index
        %get3A_2022 = tpu.vector_load %arg4[%get3A_2020, %get3A_2021] {strides = array<i32>} : memref<256x384xf32, #tpu.memory_space<vmem>>, vector<1x16xf32>,
        %get3A_2023 = vector.shape_cast %get3A_2022 : vector<1x16xf32> to vector<16xf32>
        %max3A_2024 = arith.maximumf %max3A_1950, %get3A_2023 : vector<16xf32>
        %min3A_2025 = arith.minimumf %min3A_1951, %get3A_2023 : vector<16xf32>
        %get3A_2026 = arith.index_cast %squeeze3A_1959 : i32 to index
        %get3A_2027 = arith.constant 368 : index
        %get3A_2028 = tpu.vector_load %arg4[%get3A_2026, %get3A_2027] {strides = array<i32>} : memref<256x384xf32, #tpu.memory_space<vmem>>, vector<1x16xf32>,
        %get3A_2029 = vector.shape_cast %get3A_2028 : vector<1x16xf32> to vector<16xf32>
        %max3A_2030 = arith.maximumf %max3A_1956, %get3A_2029 : vector<16xf32>
        %min3A_2031 = arith.minimumf %min3A_1957, %get3A_2029 : vector<16xf32>
        %slice3A_2032 = vector.extract_strided_slice %convert_element_type3A {offsets = [8], sizes = [1], strides = [1]} : vector<16xi32> to vector<1xi32>
        %squeeze3A_2033 = vector.extract %slice3A_2032[0] : i32 from vector<1xi32>
        %get3A_2034 = arith.index_cast %squeeze3A_2033 : i32 to index
        %get3A_2035 = arith.constant 192 : index
        %get3A_2036 = tpu.vector_load %arg4[%get3A_2034, %get3A_2035] {strides = array<i32>} : memref<256x384xf32, #tpu.memory_space<vmem>>, vector<1x16xf32>,
        %get3A_2037 = vector.shape_cast %get3A_2036 : vector<1x16xf32> to vector<16xf32>
        %max3A_2038 = arith.maximumf %max3A_1964, %get3A_2037 : vector<16xf32>
        %min3A_2039 = arith.minimumf %min3A_1965, %get3A_2037 : vector<16xf32>
        %get3A_2040 = arith.index_cast %squeeze3A_2033 : i32 to index
        %get3A_2041 = arith.constant 208 : index
        %get3A_2042 = tpu.vector_load %arg4[%get3A_2040, %get3A_2041] {strides = array<i32>} : memref<256x384xf32, #tpu.memory_space<vmem>>, vector<1x16xf32>,
        %get3A_2043 = vector.shape_cast %get3A_2042 : vector<1x16xf32> to vector<16xf32>
        %max3A_2044 = arith.maximumf %max3A_1970, %get3A_2043 : vector<16xf32>
        %min3A_2045 = arith.minimumf %min3A_1971, %get3A_2043 : vector<16xf32>
        %get3A_2046 = arith.index_cast %squeeze3A_2033 : i32 to index
        %get3A_2047 = arith.constant 224 : index
        %get3A_2048 = tpu.vector_load %arg4[%get3A_2046, %get3A_2047] {strides = array<i32>} : memref<256x384xf32, #tpu.memory_space<vmem>>, vector<1x16xf32>,
        %get3A_2049 = vector.shape_cast %get3A_2048 : vector<1x16xf32> to vector<16xf32>
        %max3A_2050 = arith.maximumf %max3A_1976, %get3A_2049 : vector<16xf32>
        %min3A_2051 = arith.minimumf %min3A_1977, %get3A_2049 : vector<16xf32>
        %get3A_2052 = arith.index_cast %squeeze3A_2033 : i32 to index
        %get3A_2053 = arith.constant 240 : index
        %get3A_2054 = tpu.vector_load %arg4[%get3A_2052, %get3A_2053] {strides = array<i32>} : memref<256x384xf32, #tpu.memory_space<vmem>>, vector<1x16xf32>,
        %get3A_2055 = vector.shape_cast %get3A_2054 : vector<1x16xf32> to vector<16xf32>
        %max3A_2056 = arith.maximumf %max3A_1982, %get3A_2055 : vector<16xf32>
        %min3A_2057 = arith.minimumf %min3A_1983, %get3A_2055 : vector<16xf32>
        %get3A_2058 = arith.index_cast %squeeze3A_2033 : i32 to index
        %get3A_2059 = arith.constant 256 : index
        %get3A_2060 = tpu.vector_load %arg4[%get3A_2058, %get3A_2059] {strides = array<i32>} : memref<256x384xf32, #tpu.memory_space<vmem>>, vector<1x16xf32>,
        %get3A_2061 = vector.shape_cast %get3A_2060 : vector<1x16xf32> to vector<16xf32>
        %max3A_2062 = arith.maximumf %max3A_1988, %get3A_2061 : vector<16xf32>
        %min3A_2063 = arith.minimumf %min3A_1989, %get3A_2061 : vector<16xf32>
        %get3A_2064 = arith.index_cast %squeeze3A_2033 : i32 to index
        %get3A_2065 = arith.constant 272 : index
        %get3A_2066 = tpu.vector_load %arg4[%get3A_2064, %get3A_2065] {strides = array<i32>} : memref<256x384xf32, #tpu.memory_space<vmem>>, vector<1x16xf32>,
        %get3A_2067 = vector.shape_cast %get3A_2066 : vector<1x16xf32> to vector<16xf32>
        %max3A_2068 = arith.maximumf %max3A_1994, %get3A_2067 : vector<16xf32>
        %min3A_2069 = arith.minimumf %min3A_1995, %get3A_2067 : vector<16xf32>
        %get3A_2070 = arith.index_cast %squeeze3A_2033 : i32 to index
        %get3A_2071 = arith.constant 288 : index
        %get3A_2072 = tpu.vector_load %arg4[%get3A_2070, %get3A_2071] {strides = array<i32>} : memref<256x384xf32, #tpu.memory_space<vmem>>, vector<1x16xf32>,
        %get3A_2073 = vector.shape_cast %get3A_2072 : vector<1x16xf32> to vector<16xf32>
        %max3A_2074 = arith.maximumf %max3A_2000, %get3A_2073 : vector<16xf32>
        %min3A_2075 = arith.minimumf %min3A_2001, %get3A_2073 : vector<16xf32>
        %get3A_2076 = arith.index_cast %squeeze3A_2033 : i32 to index
        %get3A_2077 = arith.constant 304 : index
        %get3A_2078 = tpu.vector_load %arg4[%get3A_2076, %get3A_2077] {strides = array<i32>} : memref<256x384xf32, #tpu.memory_space<vmem>>, vector<1x16xf32>,
        %get3A_2079 = vector.shape_cast %get3A_2078 : vector<1x16xf32> to vector<16xf32>
        %max3A_2080 = arith.maximumf %max3A_2006, %get3A_2079 : vector<16xf32>
        %min3A_2081 = arith.minimumf %min3A_2007, %get3A_2079 : vector<16xf32>
        %get3A_2082 = arith.index_cast %squeeze3A_2033 : i32 to index
        %get3A_2083 = arith.constant 320 : index
        %get3A_2084 = tpu.vector_load %arg4[%get3A_2082, %get3A_2083] {strides = array<i32>} : memref<256x384xf32, #tpu.memory_space<vmem>>, vector<1x16xf32>,
        %get3A_2085 = vector.shape_cast %get3A_2084 : vector<1x16xf32> to vector<16xf32>
        %max3A_2086 = arith.maximumf %max3A_2012, %get3A_2085 : vector<16xf32>
        %min3A_2087 = arith.minimumf %min3A_2013, %get3A_2085 : vector<16xf32>
        %get3A_2088 = arith.index_cast %squeeze3A_2033 : i32 to index
        %get3A_2089 = arith.constant 336 : index
        %get3A_2090 = tpu.vector_load %arg4[%get3A_2088, %get3A_2089] {strides = array<i32>} : memref<256x384xf32, #tpu.memory_space<vmem>>, vector<1x16xf32>,
        %get3A_2091 = vector.shape_cast %get3A_2090 : vector<1x16xf32> to vector<16xf32>
        %max3A_2092 = arith.maximumf %max3A_2018, %get3A_2091 : vector<16xf32>
        %min3A_2093 = arith.minimumf %min3A_2019, %get3A_2091 : vector<16xf32>
        %get3A_2094 = arith.index_cast %squeeze3A_2033 : i32 to index
        %get3A_2095 = arith.constant 352 : index
        %get3A_2096 = tpu.vector_load %arg4[%get3A_2094, %get3A_2095] {strides = array<i32>} : memref<256x384xf32, #tpu.memory_space<vmem>>, vector<1x16xf32>,
        %get3A_2097 = vector.shape_cast %get3A_2096 : vector<1x16xf32> to vector<16xf32>
        %max3A_2098 = arith.maximumf %max3A_2024, %get3A_2097 : vector<16xf32>
        %min3A_2099 = arith.minimumf %min3A_2025, %get3A_2097 : vector<16xf32>
        %get3A_2100 = arith.index_cast %squeeze3A_2033 : i32 to index
        %get3A_2101 = arith.constant 368 : index
        %get3A_2102 = tpu.vector_load %arg4[%get3A_2100, %get3A_2101] {strides = array<i32>} : memref<256x384xf32, #tpu.memory_space<vmem>>, vector<1x16xf32>,
        %get3A_2103 = vector.shape_cast %get3A_2102 : vector<1x16xf32> to vector<16xf32>
        %max3A_2104 = arith.maximumf %max3A_2030, %get3A_2103 : vector<16xf32>
        %min3A_2105 = arith.minimumf %min3A_2031, %get3A_2103 : vector<16xf32>
        %slice3A_2106 = vector.extract_strided_slice %convert_element_type3A {offsets = [9], sizes = [1], strides = [1]} : vector<16xi32> to vector<1xi32>
        %squeeze3A_2107 = vector.extract %slice3A_2106[0] : i32 from vector<1xi32>
        %get3A_2108 = arith.index_cast %squeeze3A_2107 : i32 to index
        %get3A_2109 = arith.constant 192 : index
        %get3A_2110 = tpu.vector_load %arg4[%get3A_2108, %get3A_2109] {strides = array<i32>} : memref<256x384xf32, #tpu.memory_space<vmem>>, vector<1x16xf32>,
        %get3A_2111 = vector.shape_cast %get3A_2110 : vector<1x16xf32> to vector<16xf32>
        %max3A_2112 = arith.maximumf %max3A_2038, %get3A_2111 : vector<16xf32>
        %min3A_2113 = arith.minimumf %min3A_2039, %get3A_2111 : vector<16xf32>
        %get3A_2114 = arith.index_cast %squeeze3A_2107 : i32 to index
        %get3A_2115 = arith.constant 208 : index
        %get3A_2116 = tpu.vector_load %arg4[%get3A_2114, %get3A_2115] {strides = array<i32>} : memref<256x384xf32, #tpu.memory_space<vmem>>, vector<1x16xf32>,
        %get3A_2117 = vector.shape_cast %get3A_2116 : vector<1x16xf32> to vector<16xf32>
        %max3A_2118 = arith.maximumf %max3A_2044, %get3A_2117 : vector<16xf32>
        %min3A_2119 = arith.minimumf %min3A_2045, %get3A_2117 : vector<16xf32>
        %get3A_2120 = arith.index_cast %squeeze3A_2107 : i32 to index
        %get3A_2121 = arith.constant 224 : index
        %get3A_2122 = tpu.vector_load %arg4[%get3A_2120, %get3A_2121] {strides = array<i32>} : memref<256x384xf32, #tpu.memory_space<vmem>>, vector<1x16xf32>,
        %get3A_2123 = vector.shape_cast %get3A_2122 : vector<1x16xf32> to vector<16xf32>
        %max3A_2124 = arith.maximumf %max3A_2050, %get3A_2123 : vector<16xf32>
        %min3A_2125 = arith.minimumf %min3A_2051, %get3A_2123 : vector<16xf32>
        %get3A_2126 = arith.index_cast %squeeze3A_2107 : i32 to index
        %get3A_2127 = arith.constant 240 : index
        %get3A_2128 = tpu.vector_load %arg4[%get3A_2126, %get3A_2127] {strides = array<i32>} : memref<256x384xf32, #tpu.memory_space<vmem>>, vector<1x16xf32>,
        %get3A_2129 = vector.shape_cast %get3A_2128 : vector<1x16xf32> to vector<16xf32>
        %max3A_2130 = arith.maximumf %max3A_2056, %get3A_2129 : vector<16xf32>
        %min3A_2131 = arith.minimumf %min3A_2057, %get3A_2129 : vector<16xf32>
        %get3A_2132 = arith.index_cast %squeeze3A_2107 : i32 to index
        %get3A_2133 = arith.constant 256 : index
        %get3A_2134 = tpu.vector_load %arg4[%get3A_2132, %get3A_2133] {strides = array<i32>} : memref<256x384xf32, #tpu.memory_space<vmem>>, vector<1x16xf32>,
        %get3A_2135 = vector.shape_cast %get3A_2134 : vector<1x16xf32> to vector<16xf32>
        %max3A_2136 = arith.maximumf %max3A_2062, %get3A_2135 : vector<16xf32>
        %min3A_2137 = arith.minimumf %min3A_2063, %get3A_2135 : vector<16xf32>
        %get3A_2138 = arith.index_cast %squeeze3A_2107 : i32 to index
        %get3A_2139 = arith.constant 272 : index
        %get3A_2140 = tpu.vector_load %arg4[%get3A_2138, %get3A_2139] {strides = array<i32>} : memref<256x384xf32, #tpu.memory_space<vmem>>, vector<1x16xf32>,
        %get3A_2141 = vector.shape_cast %get3A_2140 : vector<1x16xf32> to vector<16xf32>
        %max3A_2142 = arith.maximumf %max3A_2068, %get3A_2141 : vector<16xf32>
        %min3A_2143 = arith.minimumf %min3A_2069, %get3A_2141 : vector<16xf32>
        %get3A_2144 = arith.index_cast %squeeze3A_2107 : i32 to index
        %get3A_2145 = arith.constant 288 : index
        %get3A_2146 = tpu.vector_load %arg4[%get3A_2144, %get3A_2145] {strides = array<i32>} : memref<256x384xf32, #tpu.memory_space<vmem>>, vector<1x16xf32>,
        %get3A_2147 = vector.shape_cast %get3A_2146 : vector<1x16xf32> to vector<16xf32>
        %max3A_2148 = arith.maximumf %max3A_2074, %get3A_2147 : vector<16xf32>
        %min3A_2149 = arith.minimumf %min3A_2075, %get3A_2147 : vector<16xf32>
        %get3A_2150 = arith.index_cast %squeeze3A_2107 : i32 to index
        %get3A_2151 = arith.constant 304 : index
        %get3A_2152 = tpu.vector_load %arg4[%get3A_2150, %get3A_2151] {strides = array<i32>} : memref<256x384xf32, #tpu.memory_space<vmem>>, vector<1x16xf32>,
        %get3A_2153 = vector.shape_cast %get3A_2152 : vector<1x16xf32> to vector<16xf32>
        %max3A_2154 = arith.maximumf %max3A_2080, %get3A_2153 : vector<16xf32>
        %min3A_2155 = arith.minimumf %min3A_2081, %get3A_2153 : vector<16xf32>
        %get3A_2156 = arith.index_cast %squeeze3A_2107 : i32 to index
        %get3A_2157 = arith.constant 320 : index
        %get3A_2158 = tpu.vector_load %arg4[%get3A_2156, %get3A_2157] {strides = array<i32>} : memref<256x384xf32, #tpu.memory_space<vmem>>, vector<1x16xf32>,
        %get3A_2159 = vector.shape_cast %get3A_2158 : vector<1x16xf32> to vector<16xf32>
        %max3A_2160 = arith.maximumf %max3A_2086, %get3A_2159 : vector<16xf32>
        %min3A_2161 = arith.minimumf %min3A_2087, %get3A_2159 : vector<16xf32>
        %get3A_2162 = arith.index_cast %squeeze3A_2107 : i32 to index
        %get3A_2163 = arith.constant 336 : index
        %get3A_2164 = tpu.vector_load %arg4[%get3A_2162, %get3A_2163] {strides = array<i32>} : memref<256x384xf32, #tpu.memory_space<vmem>>, vector<1x16xf32>,
        %get3A_2165 = vector.shape_cast %get3A_2164 : vector<1x16xf32> to vector<16xf32>
        %max3A_2166 = arith.maximumf %max3A_2092, %get3A_2165 : vector<16xf32>
        %min3A_2167 = arith.minimumf %min3A_2093, %get3A_2165 : vector<16xf32>
        %get3A_2168 = arith.index_cast %squeeze3A_2107 : i32 to index
        %get3A_2169 = arith.constant 352 : index
        %get3A_2170 = tpu.vector_load %arg4[%get3A_2168, %get3A_2169] {strides = array<i32>} : memref<256x384xf32, #tpu.memory_space<vmem>>, vector<1x16xf32>,
        %get3A_2171 = vector.shape_cast %get3A_2170 : vector<1x16xf32> to vector<16xf32>
        %max3A_2172 = arith.maximumf %max3A_2098, %get3A_2171 : vector<16xf32>
        %min3A_2173 = arith.minimumf %min3A_2099, %get3A_2171 : vector<16xf32>
        %get3A_2174 = arith.index_cast %squeeze3A_2107 : i32 to index
        %get3A_2175 = arith.constant 368 : index
        %get3A_2176 = tpu.vector_load %arg4[%get3A_2174, %get3A_2175] {strides = array<i32>} : memref<256x384xf32, #tpu.memory_space<vmem>>, vector<1x16xf32>,
        %get3A_2177 = vector.shape_cast %get3A_2176 : vector<1x16xf32> to vector<16xf32>
        %max3A_2178 = arith.maximumf %max3A_2104, %get3A_2177 : vector<16xf32>
        %min3A_2179 = arith.minimumf %min3A_2105, %get3A_2177 : vector<16xf32>
        %slice3A_2180 = vector.extract_strided_slice %convert_element_type3A {offsets = [10], sizes = [1], strides = [1]} : vector<16xi32> to vector<1xi32>
        %squeeze3A_2181 = vector.extract %slice3A_2180[0] : i32 from vector<1xi32>
        %get3A_2182 = arith.index_cast %squeeze3A_2181 : i32 to index
        %get3A_2183 = arith.constant 192 : index
        %get3A_2184 = tpu.vector_load %arg4[%get3A_2182, %get3A_2183] {strides = array<i32>} : memref<256x384xf32, #tpu.memory_space<vmem>>, vector<1x16xf32>,
        %get3A_2185 = vector.shape_cast %get3A_2184 : vector<1x16xf32> to vector<16xf32>
        %max3A_2186 = arith.maximumf %max3A_2112, %get3A_2185 : vector<16xf32>
        %min3A_2187 = arith.minimumf %min3A_2113, %get3A_2185 : vector<16xf32>
        %get3A_2188 = arith.index_cast %squeeze3A_2181 : i32 to index
        %get3A_2189 = arith.constant 208 : index
        %get3A_2190 = tpu.vector_load %arg4[%get3A_2188, %get3A_2189] {strides = array<i32>} : memref<256x384xf32, #tpu.memory_space<vmem>>, vector<1x16xf32>,
        %get3A_2191 = vector.shape_cast %get3A_2190 : vector<1x16xf32> to vector<16xf32>
        %max3A_2192 = arith.maximumf %max3A_2118, %get3A_2191 : vector<16xf32>
        %min3A_2193 = arith.minimumf %min3A_2119, %get3A_2191 : vector<16xf32>
        %get3A_2194 = arith.index_cast %squeeze3A_2181 : i32 to index
        %get3A_2195 = arith.constant 224 : index
        %get3A_2196 = tpu.vector_load %arg4[%get3A_2194, %get3A_2195] {strides = array<i32>} : memref<256x384xf32, #tpu.memory_space<vmem>>, vector<1x16xf32>,
        %get3A_2197 = vector.shape_cast %get3A_2196 : vector<1x16xf32> to vector<16xf32>
        %max3A_2198 = arith.maximumf %max3A_2124, %get3A_2197 : vector<16xf32>
        %min3A_2199 = arith.minimumf %min3A_2125, %get3A_2197 : vector<16xf32>
        %get3A_2200 = arith.index_cast %squeeze3A_2181 : i32 to index
        %get3A_2201 = arith.constant 240 : index
        %get3A_2202 = tpu.vector_load %arg4[%get3A_2200, %get3A_2201] {strides = array<i32>} : memref<256x384xf32, #tpu.memory_space<vmem>>, vector<1x16xf32>,
        %get3A_2203 = vector.shape_cast %get3A_2202 : vector<1x16xf32> to vector<16xf32>
        %max3A_2204 = arith.maximumf %max3A_2130, %get3A_2203 : vector<16xf32>
        %min3A_2205 = arith.minimumf %min3A_2131, %get3A_2203 : vector<16xf32>
        %get3A_2206 = arith.index_cast %squeeze3A_2181 : i32 to index
        %get3A_2207 = arith.constant 256 : index
        %get3A_2208 = tpu.vector_load %arg4[%get3A_2206, %get3A_2207] {strides = array<i32>} : memref<256x384xf32, #tpu.memory_space<vmem>>, vector<1x16xf32>,
        %get3A_2209 = vector.shape_cast %get3A_2208 : vector<1x16xf32> to vector<16xf32>
        %max3A_2210 = arith.maximumf %max3A_2136, %get3A_2209 : vector<16xf32>
        %min3A_2211 = arith.minimumf %min3A_2137, %get3A_2209 : vector<16xf32>
        %get3A_2212 = arith.index_cast %squeeze3A_2181 : i32 to index
        %get3A_2213 = arith.constant 272 : index
        %get3A_2214 = tpu.vector_load %arg4[%get3A_2212, %get3A_2213] {strides = array<i32>} : memref<256x384xf32, #tpu.memory_space<vmem>>, vector<1x16xf32>,
        %get3A_2215 = vector.shape_cast %get3A_2214 : vector<1x16xf32> to vector<16xf32>
        %max3A_2216 = arith.maximumf %max3A_2142, %get3A_2215 : vector<16xf32>
        %min3A_2217 = arith.minimumf %min3A_2143, %get3A_2215 : vector<16xf32>
        %get3A_2218 = arith.index_cast %squeeze3A_2181 : i32 to index
        %get3A_2219 = arith.constant 288 : index
        %get3A_2220 = tpu.vector_load %arg4[%get3A_2218, %get3A_2219] {strides = array<i32>} : memref<256x384xf32, #tpu.memory_space<vmem>>, vector<1x16xf32>,
        %get3A_2221 = vector.shape_cast %get3A_2220 : vector<1x16xf32> to vector<16xf32>
        %max3A_2222 = arith.maximumf %max3A_2148, %get3A_2221 : vector<16xf32>
        %min3A_2223 = arith.minimumf %min3A_2149, %get3A_2221 : vector<16xf32>
        %get3A_2224 = arith.index_cast %squeeze3A_2181 : i32 to index
        %get3A_2225 = arith.constant 304 : index
        %get3A_2226 = tpu.vector_load %arg4[%get3A_2224, %get3A_2225] {strides = array<i32>} : memref<256x384xf32, #tpu.memory_space<vmem>>, vector<1x16xf32>,
        %get3A_2227 = vector.shape_cast %get3A_2226 : vector<1x16xf32> to vector<16xf32>
        %max3A_2228 = arith.maximumf %max3A_2154, %get3A_2227 : vector<16xf32>
        %min3A_2229 = arith.minimumf %min3A_2155, %get3A_2227 : vector<16xf32>
        %get3A_2230 = arith.index_cast %squeeze3A_2181 : i32 to index
        %get3A_2231 = arith.constant 320 : index
        %get3A_2232 = tpu.vector_load %arg4[%get3A_2230, %get3A_2231] {strides = array<i32>} : memref<256x384xf32, #tpu.memory_space<vmem>>, vector<1x16xf32>,
        %get3A_2233 = vector.shape_cast %get3A_2232 : vector<1x16xf32> to vector<16xf32>
        %max3A_2234 = arith.maximumf %max3A_2160, %get3A_2233 : vector<16xf32>
        %min3A_2235 = arith.minimumf %min3A_2161, %get3A_2233 : vector<16xf32>
        %get3A_2236 = arith.index_cast %squeeze3A_2181 : i32 to index
        %get3A_2237 = arith.constant 336 : index
        %get3A_2238 = tpu.vector_load %arg4[%get3A_2236, %get3A_2237] {strides = array<i32>} : memref<256x384xf32, #tpu.memory_space<vmem>>, vector<1x16xf32>,
        %get3A_2239 = vector.shape_cast %get3A_2238 : vector<1x16xf32> to vector<16xf32>
        %max3A_2240 = arith.maximumf %max3A_2166, %get3A_2239 : vector<16xf32>
        %min3A_2241 = arith.minimumf %min3A_2167, %get3A_2239 : vector<16xf32>
        %get3A_2242 = arith.index_cast %squeeze3A_2181 : i32 to index
        %get3A_2243 = arith.constant 352 : index
        %get3A_2244 = tpu.vector_load %arg4[%get3A_2242, %get3A_2243] {strides = array<i32>} : memref<256x384xf32, #tpu.memory_space<vmem>>, vector<1x16xf32>,
        %get3A_2245 = vector.shape_cast %get3A_2244 : vector<1x16xf32> to vector<16xf32>
        %max3A_2246 = arith.maximumf %max3A_2172, %get3A_2245 : vector<16xf32>
        %min3A_2247 = arith.minimumf %min3A_2173, %get3A_2245 : vector<16xf32>
        %get3A_2248 = arith.index_cast %squeeze3A_2181 : i32 to index
        %get3A_2249 = arith.constant 368 : index
        %get3A_2250 = tpu.vector_load %arg4[%get3A_2248, %get3A_2249] {strides = array<i32>} : memref<256x384xf32, #tpu.memory_space<vmem>>, vector<1x16xf32>,
        %get3A_2251 = vector.shape_cast %get3A_2250 : vector<1x16xf32> to vector<16xf32>
        %max3A_2252 = arith.maximumf %max3A_2178, %get3A_2251 : vector<16xf32>
        %min3A_2253 = arith.minimumf %min3A_2179, %get3A_2251 : vector<16xf32>
        %slice3A_2254 = vector.extract_strided_slice %convert_element_type3A {offsets = [11], sizes = [1], strides = [1]} : vector<16xi32> to vector<1xi32>
        %squeeze3A_2255 = vector.extract %slice3A_2254[0] : i32 from vector<1xi32>
        %get3A_2256 = arith.index_cast %squeeze3A_2255 : i32 to index
        %get3A_2257 = arith.constant 192 : index
        %get3A_2258 = tpu.vector_load %arg4[%get3A_2256, %get3A_2257] {strides = array<i32>} : memref<256x384xf32, #tpu.memory_space<vmem>>, vector<1x16xf32>,
        %get3A_2259 = vector.shape_cast %get3A_2258 : vector<1x16xf32> to vector<16xf32>
        %max3A_2260 = arith.maximumf %max3A_2186, %get3A_2259 : vector<16xf32>
        %min3A_2261 = arith.minimumf %min3A_2187, %get3A_2259 : vector<16xf32>
        %get3A_2262 = arith.index_cast %squeeze3A_2255 : i32 to index
        %get3A_2263 = arith.constant 208 : index
        %get3A_2264 = tpu.vector_load %arg4[%get3A_2262, %get3A_2263] {strides = array<i32>} : memref<256x384xf32, #tpu.memory_space<vmem>>, vector<1x16xf32>,
        %get3A_2265 = vector.shape_cast %get3A_2264 : vector<1x16xf32> to vector<16xf32>
        %max3A_2266 = arith.maximumf %max3A_2192, %get3A_2265 : vector<16xf32>
        %min3A_2267 = arith.minimumf %min3A_2193, %get3A_2265 : vector<16xf32>
        %get3A_2268 = arith.index_cast %squeeze3A_2255 : i32 to index
        %get3A_2269 = arith.constant 224 : index
        %get3A_2270 = tpu.vector_load %arg4[%get3A_2268, %get3A_2269] {strides = array<i32>} : memref<256x384xf32, #tpu.memory_space<vmem>>, vector<1x16xf32>,
        %get3A_2271 = vector.shape_cast %get3A_2270 : vector<1x16xf32> to vector<16xf32>
        %max3A_2272 = arith.maximumf %max3A_2198, %get3A_2271 : vector<16xf32>
        %min3A_2273 = arith.minimumf %min3A_2199, %get3A_2271 : vector<16xf32>
        %get3A_2274 = arith.index_cast %squeeze3A_2255 : i32 to index
        %get3A_2275 = arith.constant 240 : index
        %get3A_2276 = tpu.vector_load %arg4[%get3A_2274, %get3A_2275] {strides = array<i32>} : memref<256x384xf32, #tpu.memory_space<vmem>>, vector<1x16xf32>,
        %get3A_2277 = vector.shape_cast %get3A_2276 : vector<1x16xf32> to vector<16xf32>
        %max3A_2278 = arith.maximumf %max3A_2204, %get3A_2277 : vector<16xf32>
        %min3A_2279 = arith.minimumf %min3A_2205, %get3A_2277 : vector<16xf32>
        %get3A_2280 = arith.index_cast %squeeze3A_2255 : i32 to index
        %get3A_2281 = arith.constant 256 : index
        %get3A_2282 = tpu.vector_load %arg4[%get3A_2280, %get3A_2281] {strides = array<i32>} : memref<256x384xf32, #tpu.memory_space<vmem>>, vector<1x16xf32>,
        %get3A_2283 = vector.shape_cast %get3A_2282 : vector<1x16xf32> to vector<16xf32>
        %max3A_2284 = arith.maximumf %max3A_2210, %get3A_2283 : vector<16xf32>
        %min3A_2285 = arith.minimumf %min3A_2211, %get3A_2283 : vector<16xf32>
        %get3A_2286 = arith.index_cast %squeeze3A_2255 : i32 to index
        %get3A_2287 = arith.constant 272 : index
        %get3A_2288 = tpu.vector_load %arg4[%get3A_2286, %get3A_2287] {strides = array<i32>} : memref<256x384xf32, #tpu.memory_space<vmem>>, vector<1x16xf32>,
        %get3A_2289 = vector.shape_cast %get3A_2288 : vector<1x16xf32> to vector<16xf32>
        %max3A_2290 = arith.maximumf %max3A_2216, %get3A_2289 : vector<16xf32>
        %min3A_2291 = arith.minimumf %min3A_2217, %get3A_2289 : vector<16xf32>
        %get3A_2292 = arith.index_cast %squeeze3A_2255 : i32 to index
        %get3A_2293 = arith.constant 288 : index
        %get3A_2294 = tpu.vector_load %arg4[%get3A_2292, %get3A_2293] {strides = array<i32>} : memref<256x384xf32, #tpu.memory_space<vmem>>, vector<1x16xf32>,
        %get3A_2295 = vector.shape_cast %get3A_2294 : vector<1x16xf32> to vector<16xf32>
        %max3A_2296 = arith.maximumf %max3A_2222, %get3A_2295 : vector<16xf32>
        %min3A_2297 = arith.minimumf %min3A_2223, %get3A_2295 : vector<16xf32>
        %get3A_2298 = arith.index_cast %squeeze3A_2255 : i32 to index
        %get3A_2299 = arith.constant 304 : index
        %get3A_2300 = tpu.vector_load %arg4[%get3A_2298, %get3A_2299] {strides = array<i32>} : memref<256x384xf32, #tpu.memory_space<vmem>>, vector<1x16xf32>,
        %get3A_2301 = vector.shape_cast %get3A_2300 : vector<1x16xf32> to vector<16xf32>
        %max3A_2302 = arith.maximumf %max3A_2228, %get3A_2301 : vector<16xf32>
        %min3A_2303 = arith.minimumf %min3A_2229, %get3A_2301 : vector<16xf32>
        %get3A_2304 = arith.index_cast %squeeze3A_2255 : i32 to index
        %get3A_2305 = arith.constant 320 : index
        %get3A_2306 = tpu.vector_load %arg4[%get3A_2304, %get3A_2305] {strides = array<i32>} : memref<256x384xf32, #tpu.memory_space<vmem>>, vector<1x16xf32>,
        %get3A_2307 = vector.shape_cast %get3A_2306 : vector<1x16xf32> to vector<16xf32>
        %max3A_2308 = arith.maximumf %max3A_2234, %get3A_2307 : vector<16xf32>
        %min3A_2309 = arith.minimumf %min3A_2235, %get3A_2307 : vector<16xf32>
        %get3A_2310 = arith.index_cast %squeeze3A_2255 : i32 to index
        %get3A_2311 = arith.constant 336 : index
        %get3A_2312 = tpu.vector_load %arg4[%get3A_2310, %get3A_2311] {strides = array<i32>} : memref<256x384xf32, #tpu.memory_space<vmem>>, vector<1x16xf32>,
        %get3A_2313 = vector.shape_cast %get3A_2312 : vector<1x16xf32> to vector<16xf32>
        %max3A_2314 = arith.maximumf %max3A_2240, %get3A_2313 : vector<16xf32>
        %min3A_2315 = arith.minimumf %min3A_2241, %get3A_2313 : vector<16xf32>
        %get3A_2316 = arith.index_cast %squeeze3A_2255 : i32 to index
        %get3A_2317 = arith.constant 352 : index
        %get3A_2318 = tpu.vector_load %arg4[%get3A_2316, %get3A_2317] {strides = array<i32>} : memref<256x384xf32, #tpu.memory_space<vmem>>, vector<1x16xf32>,
        %get3A_2319 = vector.shape_cast %get3A_2318 : vector<1x16xf32> to vector<16xf32>
        %max3A_2320 = arith.maximumf %max3A_2246, %get3A_2319 : vector<16xf32>
        %min3A_2321 = arith.minimumf %min3A_2247, %get3A_2319 : vector<16xf32>
        %get3A_2322 = arith.index_cast %squeeze3A_2255 : i32 to index
        %get3A_2323 = arith.constant 368 : index
        %get3A_2324 = tpu.vector_load %arg4[%get3A_2322, %get3A_2323] {strides = array<i32>} : memref<256x384xf32, #tpu.memory_space<vmem>>, vector<1x16xf32>,
        %get3A_2325 = vector.shape_cast %get3A_2324 : vector<1x16xf32> to vector<16xf32>
        %max3A_2326 = arith.maximumf %max3A_2252, %get3A_2325 : vector<16xf32>
        %min3A_2327 = arith.minimumf %min3A_2253, %get3A_2325 : vector<16xf32>
        %slice3A_2328 = vector.extract_strided_slice %convert_element_type3A {offsets = [12], sizes = [1], strides = [1]} : vector<16xi32> to vector<1xi32>
        %squeeze3A_2329 = vector.extract %slice3A_2328[0] : i32 from vector<1xi32>
        %get3A_2330 = arith.index_cast %squeeze3A_2329 : i32 to index
        %get3A_2331 = arith.constant 192 : index
        %get3A_2332 = tpu.vector_load %arg4[%get3A_2330, %get3A_2331] {strides = array<i32>} : memref<256x384xf32, #tpu.memory_space<vmem>>, vector<1x16xf32>,
        %get3A_2333 = vector.shape_cast %get3A_2332 : vector<1x16xf32> to vector<16xf32>
        %max3A_2334 = arith.maximumf %max3A_2260, %get3A_2333 : vector<16xf32>
        %min3A_2335 = arith.minimumf %min3A_2261, %get3A_2333 : vector<16xf32>
        %get3A_2336 = arith.index_cast %squeeze3A_2329 : i32 to index
        %get3A_2337 = arith.constant 208 : index
        %get3A_2338 = tpu.vector_load %arg4[%get3A_2336, %get3A_2337] {strides = array<i32>} : memref<256x384xf32, #tpu.memory_space<vmem>>, vector<1x16xf32>,
        %get3A_2339 = vector.shape_cast %get3A_2338 : vector<1x16xf32> to vector<16xf32>
        %max3A_2340 = arith.maximumf %max3A_2266, %get3A_2339 : vector<16xf32>
        %min3A_2341 = arith.minimumf %min3A_2267, %get3A_2339 : vector<16xf32>
        %get3A_2342 = arith.index_cast %squeeze3A_2329 : i32 to index
        %get3A_2343 = arith.constant 224 : index
        %get3A_2344 = tpu.vector_load %arg4[%get3A_2342, %get3A_2343] {strides = array<i32>} : memref<256x384xf32, #tpu.memory_space<vmem>>, vector<1x16xf32>,
        %get3A_2345 = vector.shape_cast %get3A_2344 : vector<1x16xf32> to vector<16xf32>
        %max3A_2346 = arith.maximumf %max3A_2272, %get3A_2345 : vector<16xf32>
        %min3A_2347 = arith.minimumf %min3A_2273, %get3A_2345 : vector<16xf32>
        %get3A_2348 = arith.index_cast %squeeze3A_2329 : i32 to index
        %get3A_2349 = arith.constant 240 : index
        %get3A_2350 = tpu.vector_load %arg4[%get3A_2348, %get3A_2349] {strides = array<i32>} : memref<256x384xf32, #tpu.memory_space<vmem>>, vector<1x16xf32>,
        %get3A_2351 = vector.shape_cast %get3A_2350 : vector<1x16xf32> to vector<16xf32>
        %max3A_2352 = arith.maximumf %max3A_2278, %get3A_2351 : vector<16xf32>
        %min3A_2353 = arith.minimumf %min3A_2279, %get3A_2351 : vector<16xf32>
        %get3A_2354 = arith.index_cast %squeeze3A_2329 : i32 to index
        %get3A_2355 = arith.constant 256 : index
        %get3A_2356 = tpu.vector_load %arg4[%get3A_2354, %get3A_2355] {strides = array<i32>} : memref<256x384xf32, #tpu.memory_space<vmem>>, vector<1x16xf32>,
        %get3A_2357 = vector.shape_cast %get3A_2356 : vector<1x16xf32> to vector<16xf32>
        %max3A_2358 = arith.maximumf %max3A_2284, %get3A_2357 : vector<16xf32>
        %min3A_2359 = arith.minimumf %min3A_2285, %get3A_2357 : vector<16xf32>
        %get3A_2360 = arith.index_cast %squeeze3A_2329 : i32 to index
        %get3A_2361 = arith.constant 272 : index
        %get3A_2362 = tpu.vector_load %arg4[%get3A_2360, %get3A_2361] {strides = array<i32>} : memref<256x384xf32, #tpu.memory_space<vmem>>, vector<1x16xf32>,
        %get3A_2363 = vector.shape_cast %get3A_2362 : vector<1x16xf32> to vector<16xf32>
        %max3A_2364 = arith.maximumf %max3A_2290, %get3A_2363 : vector<16xf32>
        %min3A_2365 = arith.minimumf %min3A_2291, %get3A_2363 : vector<16xf32>
        %get3A_2366 = arith.index_cast %squeeze3A_2329 : i32 to index
        %get3A_2367 = arith.constant 288 : index
        %get3A_2368 = tpu.vector_load %arg4[%get3A_2366, %get3A_2367] {strides = array<i32>} : memref<256x384xf32, #tpu.memory_space<vmem>>, vector<1x16xf32>,
        %get3A_2369 = vector.shape_cast %get3A_2368 : vector<1x16xf32> to vector<16xf32>
        %max3A_2370 = arith.maximumf %max3A_2296, %get3A_2369 : vector<16xf32>
        %min3A_2371 = arith.minimumf %min3A_2297, %get3A_2369 : vector<16xf32>
        %get3A_2372 = arith.index_cast %squeeze3A_2329 : i32 to index
        %get3A_2373 = arith.constant 304 : index
        %get3A_2374 = tpu.vector_load %arg4[%get3A_2372, %get3A_2373] {strides = array<i32>} : memref<256x384xf32, #tpu.memory_space<vmem>>, vector<1x16xf32>,
        %get3A_2375 = vector.shape_cast %get3A_2374 : vector<1x16xf32> to vector<16xf32>
        %max3A_2376 = arith.maximumf %max3A_2302, %get3A_2375 : vector<16xf32>
        %min3A_2377 = arith.minimumf %min3A_2303, %get3A_2375 : vector<16xf32>
        %get3A_2378 = arith.index_cast %squeeze3A_2329 : i32 to index
        %get3A_2379 = arith.constant 320 : index
        %get3A_2380 = tpu.vector_load %arg4[%get3A_2378, %get3A_2379] {strides = array<i32>} : memref<256x384xf32, #tpu.memory_space<vmem>>, vector<1x16xf32>,
        %get3A_2381 = vector.shape_cast %get3A_2380 : vector<1x16xf32> to vector<16xf32>
        %max3A_2382 = arith.maximumf %max3A_2308, %get3A_2381 : vector<16xf32>
        %min3A_2383 = arith.minimumf %min3A_2309, %get3A_2381 : vector<16xf32>
        %get3A_2384 = arith.index_cast %squeeze3A_2329 : i32 to index
        %get3A_2385 = arith.constant 336 : index
        %get3A_2386 = tpu.vector_load %arg4[%get3A_2384, %get3A_2385] {strides = array<i32>} : memref<256x384xf32, #tpu.memory_space<vmem>>, vector<1x16xf32>,
        %get3A_2387 = vector.shape_cast %get3A_2386 : vector<1x16xf32> to vector<16xf32>
        %max3A_2388 = arith.maximumf %max3A_2314, %get3A_2387 : vector<16xf32>
        %min3A_2389 = arith.minimumf %min3A_2315, %get3A_2387 : vector<16xf32>
        %get3A_2390 = arith.index_cast %squeeze3A_2329 : i32 to index
        %get3A_2391 = arith.constant 352 : index
        %get3A_2392 = tpu.vector_load %arg4[%get3A_2390, %get3A_2391] {strides = array<i32>} : memref<256x384xf32, #tpu.memory_space<vmem>>, vector<1x16xf32>,
        %get3A_2393 = vector.shape_cast %get3A_2392 : vector<1x16xf32> to vector<16xf32>
        %max3A_2394 = arith.maximumf %max3A_2320, %get3A_2393 : vector<16xf32>
        %min3A_2395 = arith.minimumf %min3A_2321, %get3A_2393 : vector<16xf32>
        %get3A_2396 = arith.index_cast %squeeze3A_2329 : i32 to index
        %get3A_2397 = arith.constant 368 : index
        %get3A_2398 = tpu.vector_load %arg4[%get3A_2396, %get3A_2397] {strides = array<i32>} : memref<256x384xf32, #tpu.memory_space<vmem>>, vector<1x16xf32>,
        %get3A_2399 = vector.shape_cast %get3A_2398 : vector<1x16xf32> to vector<16xf32>
        %max3A_2400 = arith.maximumf %max3A_2326, %get3A_2399 : vector<16xf32>
        %min3A_2401 = arith.minimumf %min3A_2327, %get3A_2399 : vector<16xf32>
        %slice3A_2402 = vector.extract_strided_slice %convert_element_type3A {offsets = [13], sizes = [1], strides = [1]} : vector<16xi32> to vector<1xi32>
        %squeeze3A_2403 = vector.extract %slice3A_2402[0] : i32 from vector<1xi32>
        %get3A_2404 = arith.index_cast %squeeze3A_2403 : i32 to index
        %get3A_2405 = arith.constant 192 : index
        %get3A_2406 = tpu.vector_load %arg4[%get3A_2404, %get3A_2405] {strides = array<i32>} : memref<256x384xf32, #tpu.memory_space<vmem>>, vector<1x16xf32>,
        %get3A_2407 = vector.shape_cast %get3A_2406 : vector<1x16xf32> to vector<16xf32>
        %max3A_2408 = arith.maximumf %max3A_2334, %get3A_2407 : vector<16xf32>
        %min3A_2409 = arith.minimumf %min3A_2335, %get3A_2407 : vector<16xf32>
        %get3A_2410 = arith.index_cast %squeeze3A_2403 : i32 to index
        %get3A_2411 = arith.constant 208 : index
        %get3A_2412 = tpu.vector_load %arg4[%get3A_2410, %get3A_2411] {strides = array<i32>} : memref<256x384xf32, #tpu.memory_space<vmem>>, vector<1x16xf32>,
        %get3A_2413 = vector.shape_cast %get3A_2412 : vector<1x16xf32> to vector<16xf32>
        %max3A_2414 = arith.maximumf %max3A_2340, %get3A_2413 : vector<16xf32>
        %min3A_2415 = arith.minimumf %min3A_2341, %get3A_2413 : vector<16xf32>
        %get3A_2416 = arith.index_cast %squeeze3A_2403 : i32 to index
        %get3A_2417 = arith.constant 224 : index
        %get3A_2418 = tpu.vector_load %arg4[%get3A_2416, %get3A_2417] {strides = array<i32>} : memref<256x384xf32, #tpu.memory_space<vmem>>, vector<1x16xf32>,
        %get3A_2419 = vector.shape_cast %get3A_2418 : vector<1x16xf32> to vector<16xf32>
        %max3A_2420 = arith.maximumf %max3A_2346, %get3A_2419 : vector<16xf32>
        %min3A_2421 = arith.minimumf %min3A_2347, %get3A_2419 : vector<16xf32>
        %get3A_2422 = arith.index_cast %squeeze3A_2403 : i32 to index
        %get3A_2423 = arith.constant 240 : index
        %get3A_2424 = tpu.vector_load %arg4[%get3A_2422, %get3A_2423] {strides = array<i32>} : memref<256x384xf32, #tpu.memory_space<vmem>>, vector<1x16xf32>,
        %get3A_2425 = vector.shape_cast %get3A_2424 : vector<1x16xf32> to vector<16xf32>
        %max3A_2426 = arith.maximumf %max3A_2352, %get3A_2425 : vector<16xf32>
        %min3A_2427 = arith.minimumf %min3A_2353, %get3A_2425 : vector<16xf32>
        %get3A_2428 = arith.index_cast %squeeze3A_2403 : i32 to index
        %get3A_2429 = arith.constant 256 : index
        %get3A_2430 = tpu.vector_load %arg4[%get3A_2428, %get3A_2429] {strides = array<i32>} : memref<256x384xf32, #tpu.memory_space<vmem>>, vector<1x16xf32>,
        %get3A_2431 = vector.shape_cast %get3A_2430 : vector<1x16xf32> to vector<16xf32>
        %max3A_2432 = arith.maximumf %max3A_2358, %get3A_2431 : vector<16xf32>
        %min3A_2433 = arith.minimumf %min3A_2359, %get3A_2431 : vector<16xf32>
        %get3A_2434 = arith.index_cast %squeeze3A_2403 : i32 to index
        %get3A_2435 = arith.constant 272 : index
        %get3A_2436 = tpu.vector_load %arg4[%get3A_2434, %get3A_2435] {strides = array<i32>} : memref<256x384xf32, #tpu.memory_space<vmem>>, vector<1x16xf32>,
        %get3A_2437 = vector.shape_cast %get3A_2436 : vector<1x16xf32> to vector<16xf32>
        %max3A_2438 = arith.maximumf %max3A_2364, %get3A_2437 : vector<16xf32>
        %min3A_2439 = arith.minimumf %min3A_2365, %get3A_2437 : vector<16xf32>
        %get3A_2440 = arith.index_cast %squeeze3A_2403 : i32 to index
        %get3A_2441 = arith.constant 288 : index
        %get3A_2442 = tpu.vector_load %arg4[%get3A_2440, %get3A_2441] {strides = array<i32>} : memref<256x384xf32, #tpu.memory_space<vmem>>, vector<1x16xf32>,
        %get3A_2443 = vector.shape_cast %get3A_2442 : vector<1x16xf32> to vector<16xf32>
        %max3A_2444 = arith.maximumf %max3A_2370, %get3A_2443 : vector<16xf32>
        %min3A_2445 = arith.minimumf %min3A_2371, %get3A_2443 : vector<16xf32>
        %get3A_2446 = arith.index_cast %squeeze3A_2403 : i32 to index
        %get3A_2447 = arith.constant 304 : index
        %get3A_2448 = tpu.vector_load %arg4[%get3A_2446, %get3A_2447] {strides = array<i32>} : memref<256x384xf32, #tpu.memory_space<vmem>>, vector<1x16xf32>,
        %get3A_2449 = vector.shape_cast %get3A_2448 : vector<1x16xf32> to vector<16xf32>
        %max3A_2450 = arith.maximumf %max3A_2376, %get3A_2449 : vector<16xf32>
        %min3A_2451 = arith.minimumf %min3A_2377, %get3A_2449 : vector<16xf32>
        %get3A_2452 = arith.index_cast %squeeze3A_2403 : i32 to index
        %get3A_2453 = arith.constant 320 : index
        %get3A_2454 = tpu.vector_load %arg4[%get3A_2452, %get3A_2453] {strides = array<i32>} : memref<256x384xf32, #tpu.memory_space<vmem>>, vector<1x16xf32>,
        %get3A_2455 = vector.shape_cast %get3A_2454 : vector<1x16xf32> to vector<16xf32>
        %max3A_2456 = arith.maximumf %max3A_2382, %get3A_2455 : vector<16xf32>
        %min3A_2457 = arith.minimumf %min3A_2383, %get3A_2455 : vector<16xf32>
        %get3A_2458 = arith.index_cast %squeeze3A_2403 : i32 to index
        %get3A_2459 = arith.constant 336 : index
        %get3A_2460 = tpu.vector_load %arg4[%get3A_2458, %get3A_2459] {strides = array<i32>} : memref<256x384xf32, #tpu.memory_space<vmem>>, vector<1x16xf32>,
        %get3A_2461 = vector.shape_cast %get3A_2460 : vector<1x16xf32> to vector<16xf32>
        %max3A_2462 = arith.maximumf %max3A_2388, %get3A_2461 : vector<16xf32>
        %min3A_2463 = arith.minimumf %min3A_2389, %get3A_2461 : vector<16xf32>
        %get3A_2464 = arith.index_cast %squeeze3A_2403 : i32 to index
        %get3A_2465 = arith.constant 352 : index
        %get3A_2466 = tpu.vector_load %arg4[%get3A_2464, %get3A_2465] {strides = array<i32>} : memref<256x384xf32, #tpu.memory_space<vmem>>, vector<1x16xf32>,
        %get3A_2467 = vector.shape_cast %get3A_2466 : vector<1x16xf32> to vector<16xf32>
        %max3A_2468 = arith.maximumf %max3A_2394, %get3A_2467 : vector<16xf32>
        %min3A_2469 = arith.minimumf %min3A_2395, %get3A_2467 : vector<16xf32>
        %get3A_2470 = arith.index_cast %squeeze3A_2403 : i32 to index
        %get3A_2471 = arith.constant 368 : index
        %get3A_2472 = tpu.vector_load %arg4[%get3A_2470, %get3A_2471] {strides = array<i32>} : memref<256x384xf32, #tpu.memory_space<vmem>>, vector<1x16xf32>,
        %get3A_2473 = vector.shape_cast %get3A_2472 : vector<1x16xf32> to vector<16xf32>
        %max3A_2474 = arith.maximumf %max3A_2400, %get3A_2473 : vector<16xf32>
        %min3A_2475 = arith.minimumf %min3A_2401, %get3A_2473 : vector<16xf32>
        %slice3A_2476 = vector.extract_strided_slice %convert_element_type3A {offsets = [14], sizes = [1], strides = [1]} : vector<16xi32> to vector<1xi32>
        %squeeze3A_2477 = vector.extract %slice3A_2476[0] : i32 from vector<1xi32>
        %get3A_2478 = arith.index_cast %squeeze3A_2477 : i32 to index
        %get3A_2479 = arith.constant 192 : index
        %get3A_2480 = tpu.vector_load %arg4[%get3A_2478, %get3A_2479] {strides = array<i32>} : memref<256x384xf32, #tpu.memory_space<vmem>>, vector<1x16xf32>,
        %get3A_2481 = vector.shape_cast %get3A_2480 : vector<1x16xf32> to vector<16xf32>
        %max3A_2482 = arith.maximumf %max3A_2408, %get3A_2481 : vector<16xf32>
        %min3A_2483 = arith.minimumf %min3A_2409, %get3A_2481 : vector<16xf32>
        %get3A_2484 = arith.index_cast %squeeze3A_2477 : i32 to index
        %get3A_2485 = arith.constant 208 : index
        %get3A_2486 = tpu.vector_load %arg4[%get3A_2484, %get3A_2485] {strides = array<i32>} : memref<256x384xf32, #tpu.memory_space<vmem>>, vector<1x16xf32>,
        %get3A_2487 = vector.shape_cast %get3A_2486 : vector<1x16xf32> to vector<16xf32>
        %max3A_2488 = arith.maximumf %max3A_2414, %get3A_2487 : vector<16xf32>
        %min3A_2489 = arith.minimumf %min3A_2415, %get3A_2487 : vector<16xf32>
        %get3A_2490 = arith.index_cast %squeeze3A_2477 : i32 to index
        %get3A_2491 = arith.constant 224 : index
        %get3A_2492 = tpu.vector_load %arg4[%get3A_2490, %get3A_2491] {strides = array<i32>} : memref<256x384xf32, #tpu.memory_space<vmem>>, vector<1x16xf32>,
        %get3A_2493 = vector.shape_cast %get3A_2492 : vector<1x16xf32> to vector<16xf32>
        %max3A_2494 = arith.maximumf %max3A_2420, %get3A_2493 : vector<16xf32>
        %min3A_2495 = arith.minimumf %min3A_2421, %get3A_2493 : vector<16xf32>
        %get3A_2496 = arith.index_cast %squeeze3A_2477 : i32 to index
        %get3A_2497 = arith.constant 240 : index
        %get3A_2498 = tpu.vector_load %arg4[%get3A_2496, %get3A_2497] {strides = array<i32>} : memref<256x384xf32, #tpu.memory_space<vmem>>, vector<1x16xf32>,
        %get3A_2499 = vector.shape_cast %get3A_2498 : vector<1x16xf32> to vector<16xf32>
        %max3A_2500 = arith.maximumf %max3A_2426, %get3A_2499 : vector<16xf32>
        %min3A_2501 = arith.minimumf %min3A_2427, %get3A_2499 : vector<16xf32>
        %get3A_2502 = arith.index_cast %squeeze3A_2477 : i32 to index
        %get3A_2503 = arith.constant 256 : index
        %get3A_2504 = tpu.vector_load %arg4[%get3A_2502, %get3A_2503] {strides = array<i32>} : memref<256x384xf32, #tpu.memory_space<vmem>>, vector<1x16xf32>,
        %get3A_2505 = vector.shape_cast %get3A_2504 : vector<1x16xf32> to vector<16xf32>
        %max3A_2506 = arith.maximumf %max3A_2432, %get3A_2505 : vector<16xf32>
        %min3A_2507 = arith.minimumf %min3A_2433, %get3A_2505 : vector<16xf32>
        %get3A_2508 = arith.index_cast %squeeze3A_2477 : i32 to index
        %get3A_2509 = arith.constant 272 : index
        %get3A_2510 = tpu.vector_load %arg4[%get3A_2508, %get3A_2509] {strides = array<i32>} : memref<256x384xf32, #tpu.memory_space<vmem>>, vector<1x16xf32>,
        %get3A_2511 = vector.shape_cast %get3A_2510 : vector<1x16xf32> to vector<16xf32>
        %max3A_2512 = arith.maximumf %max3A_2438, %get3A_2511 : vector<16xf32>
        %min3A_2513 = arith.minimumf %min3A_2439, %get3A_2511 : vector<16xf32>
        %get3A_2514 = arith.index_cast %squeeze3A_2477 : i32 to index
        %get3A_2515 = arith.constant 288 : index
        %get3A_2516 = tpu.vector_load %arg4[%get3A_2514, %get3A_2515] {strides = array<i32>} : memref<256x384xf32, #tpu.memory_space<vmem>>, vector<1x16xf32>,
        %get3A_2517 = vector.shape_cast %get3A_2516 : vector<1x16xf32> to vector<16xf32>
        %max3A_2518 = arith.maximumf %max3A_2444, %get3A_2517 : vector<16xf32>
        %min3A_2519 = arith.minimumf %min3A_2445, %get3A_2517 : vector<16xf32>
        %get3A_2520 = arith.index_cast %squeeze3A_2477 : i32 to index
        %get3A_2521 = arith.constant 304 : index
        %get3A_2522 = tpu.vector_load %arg4[%get3A_2520, %get3A_2521] {strides = array<i32>} : memref<256x384xf32, #tpu.memory_space<vmem>>, vector<1x16xf32>,
        %get3A_2523 = vector.shape_cast %get3A_2522 : vector<1x16xf32> to vector<16xf32>
        %max3A_2524 = arith.maximumf %max3A_2450, %get3A_2523 : vector<16xf32>
        %min3A_2525 = arith.minimumf %min3A_2451, %get3A_2523 : vector<16xf32>
        %get3A_2526 = arith.index_cast %squeeze3A_2477 : i32 to index
        %get3A_2527 = arith.constant 320 : index
        %get3A_2528 = tpu.vector_load %arg4[%get3A_2526, %get3A_2527] {strides = array<i32>} : memref<256x384xf32, #tpu.memory_space<vmem>>, vector<1x16xf32>,
        %get3A_2529 = vector.shape_cast %get3A_2528 : vector<1x16xf32> to vector<16xf32>
        %max3A_2530 = arith.maximumf %max3A_2456, %get3A_2529 : vector<16xf32>
        %min3A_2531 = arith.minimumf %min3A_2457, %get3A_2529 : vector<16xf32>
        %get3A_2532 = arith.index_cast %squeeze3A_2477 : i32 to index
        %get3A_2533 = arith.constant 336 : index
        %get3A_2534 = tpu.vector_load %arg4[%get3A_2532, %get3A_2533] {strides = array<i32>} : memref<256x384xf32, #tpu.memory_space<vmem>>, vector<1x16xf32>,
        %get3A_2535 = vector.shape_cast %get3A_2534 : vector<1x16xf32> to vector<16xf32>
        %max3A_2536 = arith.maximumf %max3A_2462, %get3A_2535 : vector<16xf32>
        %min3A_2537 = arith.minimumf %min3A_2463, %get3A_2535 : vector<16xf32>
        %get3A_2538 = arith.index_cast %squeeze3A_2477 : i32 to index
        %get3A_2539 = arith.constant 352 : index
        %get3A_2540 = tpu.vector_load %arg4[%get3A_2538, %get3A_2539] {strides = array<i32>} : memref<256x384xf32, #tpu.memory_space<vmem>>, vector<1x16xf32>,
        %get3A_2541 = vector.shape_cast %get3A_2540 : vector<1x16xf32> to vector<16xf32>
        %max3A_2542 = arith.maximumf %max3A_2468, %get3A_2541 : vector<16xf32>
        %min3A_2543 = arith.minimumf %min3A_2469, %get3A_2541 : vector<16xf32>
        %get3A_2544 = arith.index_cast %squeeze3A_2477 : i32 to index
        %get3A_2545 = arith.constant 368 : index
        %get3A_2546 = tpu.vector_load %arg4[%get3A_2544, %get3A_2545] {strides = array<i32>} : memref<256x384xf32, #tpu.memory_space<vmem>>, vector<1x16xf32>,
        %get3A_2547 = vector.shape_cast %get3A_2546 : vector<1x16xf32> to vector<16xf32>
        %max3A_2548 = arith.maximumf %max3A_2474, %get3A_2547 : vector<16xf32>
        %min3A_2549 = arith.minimumf %min3A_2475, %get3A_2547 : vector<16xf32>
        %slice3A_2550 = vector.extract_strided_slice %convert_element_type3A {offsets = [15], sizes = [1], strides = [1]} : vector<16xi32> to vector<1xi32>
        %squeeze3A_2551 = vector.extract %slice3A_2550[0] : i32 from vector<1xi32>
        %get3A_2552 = arith.index_cast %squeeze3A_2551 : i32 to index
        %get3A_2553 = arith.constant 192 : index
        %get3A_2554 = tpu.vector_load %arg4[%get3A_2552, %get3A_2553] {strides = array<i32>} : memref<256x384xf32, #tpu.memory_space<vmem>>, vector<1x16xf32>,
        %get3A_2555 = vector.shape_cast %get3A_2554 : vector<1x16xf32> to vector<16xf32>
        %max3A_2556 = arith.maximumf %max3A_2482, %get3A_2555 : vector<16xf32>
        %min3A_2557 = arith.minimumf %min3A_2483, %get3A_2555 : vector<16xf32>
        %get3A_2558 = arith.index_cast %squeeze3A_2551 : i32 to index
        %get3A_2559 = arith.constant 208 : index
        %get3A_2560 = tpu.vector_load %arg4[%get3A_2558, %get3A_2559] {strides = array<i32>} : memref<256x384xf32, #tpu.memory_space<vmem>>, vector<1x16xf32>,
        %get3A_2561 = vector.shape_cast %get3A_2560 : vector<1x16xf32> to vector<16xf32>
        %max3A_2562 = arith.maximumf %max3A_2488, %get3A_2561 : vector<16xf32>
        %min3A_2563 = arith.minimumf %min3A_2489, %get3A_2561 : vector<16xf32>
        %get3A_2564 = arith.index_cast %squeeze3A_2551 : i32 to index
        %get3A_2565 = arith.constant 224 : index
        %get3A_2566 = tpu.vector_load %arg4[%get3A_2564, %get3A_2565] {strides = array<i32>} : memref<256x384xf32, #tpu.memory_space<vmem>>, vector<1x16xf32>,
        %get3A_2567 = vector.shape_cast %get3A_2566 : vector<1x16xf32> to vector<16xf32>
        %max3A_2568 = arith.maximumf %max3A_2494, %get3A_2567 : vector<16xf32>
        %min3A_2569 = arith.minimumf %min3A_2495, %get3A_2567 : vector<16xf32>
        %get3A_2570 = arith.index_cast %squeeze3A_2551 : i32 to index
        %get3A_2571 = arith.constant 240 : index
        %get3A_2572 = tpu.vector_load %arg4[%get3A_2570, %get3A_2571] {strides = array<i32>} : memref<256x384xf32, #tpu.memory_space<vmem>>, vector<1x16xf32>,
        %get3A_2573 = vector.shape_cast %get3A_2572 : vector<1x16xf32> to vector<16xf32>
        %max3A_2574 = arith.maximumf %max3A_2500, %get3A_2573 : vector<16xf32>
        %min3A_2575 = arith.minimumf %min3A_2501, %get3A_2573 : vector<16xf32>
        %get3A_2576 = arith.index_cast %squeeze3A_2551 : i32 to index
        %get3A_2577 = arith.constant 256 : index
        %get3A_2578 = tpu.vector_load %arg4[%get3A_2576, %get3A_2577] {strides = array<i32>} : memref<256x384xf32, #tpu.memory_space<vmem>>, vector<1x16xf32>,
        %get3A_2579 = vector.shape_cast %get3A_2578 : vector<1x16xf32> to vector<16xf32>
        %max3A_2580 = arith.maximumf %max3A_2506, %get3A_2579 : vector<16xf32>
        %min3A_2581 = arith.minimumf %min3A_2507, %get3A_2579 : vector<16xf32>
        %get3A_2582 = arith.index_cast %squeeze3A_2551 : i32 to index
        %get3A_2583 = arith.constant 272 : index
        %get3A_2584 = tpu.vector_load %arg4[%get3A_2582, %get3A_2583] {strides = array<i32>} : memref<256x384xf32, #tpu.memory_space<vmem>>, vector<1x16xf32>,
        %get3A_2585 = vector.shape_cast %get3A_2584 : vector<1x16xf32> to vector<16xf32>
        %max3A_2586 = arith.maximumf %max3A_2512, %get3A_2585 : vector<16xf32>
        %min3A_2587 = arith.minimumf %min3A_2513, %get3A_2585 : vector<16xf32>
        %get3A_2588 = arith.index_cast %squeeze3A_2551 : i32 to index
        %get3A_2589 = arith.constant 288 : index
        %get3A_2590 = tpu.vector_load %arg4[%get3A_2588, %get3A_2589] {strides = array<i32>} : memref<256x384xf32, #tpu.memory_space<vmem>>, vector<1x16xf32>,
        %get3A_2591 = vector.shape_cast %get3A_2590 : vector<1x16xf32> to vector<16xf32>
        %max3A_2592 = arith.maximumf %max3A_2518, %get3A_2591 : vector<16xf32>
        %min3A_2593 = arith.minimumf %min3A_2519, %get3A_2591 : vector<16xf32>
        %get3A_2594 = arith.index_cast %squeeze3A_2551 : i32 to index
        %get3A_2595 = arith.constant 304 : index
        %get3A_2596 = tpu.vector_load %arg4[%get3A_2594, %get3A_2595] {strides = array<i32>} : memref<256x384xf32, #tpu.memory_space<vmem>>, vector<1x16xf32>,
        %get3A_2597 = vector.shape_cast %get3A_2596 : vector<1x16xf32> to vector<16xf32>
        %max3A_2598 = arith.maximumf %max3A_2524, %get3A_2597 : vector<16xf32>
        %min3A_2599 = arith.minimumf %min3A_2525, %get3A_2597 : vector<16xf32>
        %get3A_2600 = arith.index_cast %squeeze3A_2551 : i32 to index
        %get3A_2601 = arith.constant 320 : index
        %get3A_2602 = tpu.vector_load %arg4[%get3A_2600, %get3A_2601] {strides = array<i32>} : memref<256x384xf32, #tpu.memory_space<vmem>>, vector<1x16xf32>,
        %get3A_2603 = vector.shape_cast %get3A_2602 : vector<1x16xf32> to vector<16xf32>
        %max3A_2604 = arith.maximumf %max3A_2530, %get3A_2603 : vector<16xf32>
        %min3A_2605 = arith.minimumf %min3A_2531, %get3A_2603 : vector<16xf32>
        %get3A_2606 = arith.index_cast %squeeze3A_2551 : i32 to index
        %get3A_2607 = arith.constant 336 : index
        %get3A_2608 = tpu.vector_load %arg4[%get3A_2606, %get3A_2607] {strides = array<i32>} : memref<256x384xf32, #tpu.memory_space<vmem>>, vector<1x16xf32>,
        %get3A_2609 = vector.shape_cast %get3A_2608 : vector<1x16xf32> to vector<16xf32>
        %max3A_2610 = arith.maximumf %max3A_2536, %get3A_2609 : vector<16xf32>
        %min3A_2611 = arith.minimumf %min3A_2537, %get3A_2609 : vector<16xf32>
        %get3A_2612 = arith.index_cast %squeeze3A_2551 : i32 to index
        %get3A_2613 = arith.constant 352 : index
        %get3A_2614 = tpu.vector_load %arg4[%get3A_2612, %get3A_2613] {strides = array<i32>} : memref<256x384xf32, #tpu.memory_space<vmem>>, vector<1x16xf32>,
        %get3A_2615 = vector.shape_cast %get3A_2614 : vector<1x16xf32> to vector<16xf32>
        %max3A_2616 = arith.maximumf %max3A_2542, %get3A_2615 : vector<16xf32>
        %min3A_2617 = arith.minimumf %min3A_2543, %get3A_2615 : vector<16xf32>
        %get3A_2618 = arith.index_cast %squeeze3A_2551 : i32 to index
        %get3A_2619 = arith.constant 368 : index
        %get3A_2620 = tpu.vector_load %arg4[%get3A_2618, %get3A_2619] {strides = array<i32>} : memref<256x384xf32, #tpu.memory_space<vmem>>, vector<1x16xf32>,
        %get3A_2621 = vector.shape_cast %get3A_2620 : vector<1x16xf32> to vector<16xf32>
        %max3A_2622 = arith.maximumf %max3A_2548, %get3A_2621 : vector<16xf32>
        %min3A_2623 = arith.minimumf %min3A_2549, %get3A_2621 : vector<16xf32>
        %get3A_2624 = arith.index_cast %add3A_18 : i32 to index
        %get3A_2625 = arith.constant 192 : index
        %get3A_2626 = tpu.vector_load %arg4[%get3A_2624, %get3A_2625] {strides = array<i32>} : memref<256x384xf32, #tpu.memory_space<vmem>>, vector<1x16xf32>,
        %get3A_2627 = vector.shape_cast %get3A_2626 : vector<1x16xf32> to vector<16xf32>
        %sub3A_2628 = arith.subf %max3A_2556, %get3A_2627 : vector<16xf32>
        %sub3A_2629 = arith.subf %get3A_2627, %min3A_2557 : vector<16xf32>
        %max3A_2630 = arith.maximumf %sub3A_2628, %sub3A_2629 : vector<16xf32>
        %swap3A_2631 = arith.index_cast %scan3A_15 : i32 to index
        %swap3A_2632 = arith.constant 192 : index
        %swap3A_2633 = tpu.vector_load %arg6[%swap3A_2631, %swap3A_2632] {strides = array<i32>} : memref<64x384xf32, #tpu.memory_space<vmem>>, vector<1x16xf32>,
        %swap3A_2634 = vector.shape_cast %swap3A_2633 : vector<1x16xf32> to vector<16xf32>
        %swap3A_2635 = vector.shape_cast %max3A_2630 : vector<16xf32> to vector<1x16xf32>
        tpu.vector_store %arg6[%swap3A_2631, %swap3A_2632], %swap3A_2635 {strides = array<i32>} : memref<64x384xf32, #tpu.memory_space<vmem>>, vector<1x16xf32>,
        %get3A_2636 = arith.index_cast %add3A_18 : i32 to index
        %get3A_2637 = arith.constant 208 : index
        %get3A_2638 = tpu.vector_load %arg4[%get3A_2636, %get3A_2637] {strides = array<i32>} : memref<256x384xf32, #tpu.memory_space<vmem>>, vector<1x16xf32>,
        %get3A_2639 = vector.shape_cast %get3A_2638 : vector<1x16xf32> to vector<16xf32>
        %sub3A_2640 = arith.subf %max3A_2562, %get3A_2639 : vector<16xf32>
        %sub3A_2641 = arith.subf %get3A_2639, %min3A_2563 : vector<16xf32>
        %max3A_2642 = arith.maximumf %sub3A_2640, %sub3A_2641 : vector<16xf32>
        %swap3A_2643 = arith.index_cast %scan3A_15 : i32 to index
        %swap3A_2644 = arith.constant 208 : index
        %swap3A_2645 = tpu.vector_load %arg6[%swap3A_2643, %swap3A_2644] {strides = array<i32>} : memref<64x384xf32, #tpu.memory_space<vmem>>, vector<1x16xf32>,
        %swap3A_2646 = vector.shape_cast %swap3A_2645 : vector<1x16xf32> to vector<16xf32>
        %swap3A_2647 = vector.shape_cast %max3A_2642 : vector<16xf32> to vector<1x16xf32>
        tpu.vector_store %arg6[%swap3A_2643, %swap3A_2644], %swap3A_2647 {strides = array<i32>} : memref<64x384xf32, #tpu.memory_space<vmem>>, vector<1x16xf32>,
        %get3A_2648 = arith.index_cast %add3A_18 : i32 to index
        %get3A_2649 = arith.constant 224 : index
        %get3A_2650 = tpu.vector_load %arg4[%get3A_2648, %get3A_2649] {strides = array<i32>} : memref<256x384xf32, #tpu.memory_space<vmem>>, vector<1x16xf32>,
        %get3A_2651 = vector.shape_cast %get3A_2650 : vector<1x16xf32> to vector<16xf32>
        %sub3A_2652 = arith.subf %max3A_2568, %get3A_2651 : vector<16xf32>
        %sub3A_2653 = arith.subf %get3A_2651, %min3A_2569 : vector<16xf32>
        %max3A_2654 = arith.maximumf %sub3A_2652, %sub3A_2653 : vector<16xf32>
        %swap3A_2655 = arith.index_cast %scan3A_15 : i32 to index
        %swap3A_2656 = arith.constant 224 : index
        %swap3A_2657 = tpu.vector_load %arg6[%swap3A_2655, %swap3A_2656] {strides = array<i32>} : memref<64x384xf32, #tpu.memory_space<vmem>>, vector<1x16xf32>,
        %swap3A_2658 = vector.shape_cast %swap3A_2657 : vector<1x16xf32> to vector<16xf32>
        %swap3A_2659 = vector.shape_cast %max3A_2654 : vector<16xf32> to vector<1x16xf32>
        tpu.vector_store %arg6[%swap3A_2655, %swap3A_2656], %swap3A_2659 {strides = array<i32>} : memref<64x384xf32, #tpu.memory_space<vmem>>, vector<1x16xf32>,
        %get3A_2660 = arith.index_cast %add3A_18 : i32 to index
        %get3A_2661 = arith.constant 240 : index
        %get3A_2662 = tpu.vector_load %arg4[%get3A_2660, %get3A_2661] {strides = array<i32>} : memref<256x384xf32, #tpu.memory_space<vmem>>, vector<1x16xf32>,
        %get3A_2663 = vector.shape_cast %get3A_2662 : vector<1x16xf32> to vector<16xf32>
        %sub3A_2664 = arith.subf %max3A_2574, %get3A_2663 : vector<16xf32>
        %sub3A_2665 = arith.subf %get3A_2663, %min3A_2575 : vector<16xf32>
        %max3A_2666 = arith.maximumf %sub3A_2664, %sub3A_2665 : vector<16xf32>
        %swap3A_2667 = arith.index_cast %scan3A_15 : i32 to index
        %swap3A_2668 = arith.constant 240 : index
        %swap3A_2669 = tpu.vector_load %arg6[%swap3A_2667, %swap3A_2668] {strides = array<i32>} : memref<64x384xf32, #tpu.memory_space<vmem>>, vector<1x16xf32>,
        %swap3A_2670 = vector.shape_cast %swap3A_2669 : vector<1x16xf32> to vector<16xf32>
        %swap3A_2671 = vector.shape_cast %max3A_2666 : vector<16xf32> to vector<1x16xf32>
        tpu.vector_store %arg6[%swap3A_2667, %swap3A_2668], %swap3A_2671 {strides = array<i32>} : memref<64x384xf32, #tpu.memory_space<vmem>>, vector<1x16xf32>,
        %get3A_2672 = arith.index_cast %add3A_18 : i32 to index
        %get3A_2673 = arith.constant 256 : index
        %get3A_2674 = tpu.vector_load %arg4[%get3A_2672, %get3A_2673] {strides = array<i32>} : memref<256x384xf32, #tpu.memory_space<vmem>>, vector<1x16xf32>,
        %get3A_2675 = vector.shape_cast %get3A_2674 : vector<1x16xf32> to vector<16xf32>
        %sub3A_2676 = arith.subf %max3A_2580, %get3A_2675 : vector<16xf32>
        %sub3A_2677 = arith.subf %get3A_2675, %min3A_2581 : vector<16xf32>
        %max3A_2678 = arith.maximumf %sub3A_2676, %sub3A_2677 : vector<16xf32>
        %swap3A_2679 = arith.index_cast %scan3A_15 : i32 to index
        %swap3A_2680 = arith.constant 256 : index
        %swap3A_2681 = tpu.vector_load %arg6[%swap3A_2679, %swap3A_2680] {strides = array<i32>} : memref<64x384xf32, #tpu.memory_space<vmem>>, vector<1x16xf32>,
        %swap3A_2682 = vector.shape_cast %swap3A_2681 : vector<1x16xf32> to vector<16xf32>
        %swap3A_2683 = vector.shape_cast %max3A_2678 : vector<16xf32> to vector<1x16xf32>
        tpu.vector_store %arg6[%swap3A_2679, %swap3A_2680], %swap3A_2683 {strides = array<i32>} : memref<64x384xf32, #tpu.memory_space<vmem>>, vector<1x16xf32>,
        %get3A_2684 = arith.index_cast %add3A_18 : i32 to index
        %get3A_2685 = arith.constant 272 : index
        %get3A_2686 = tpu.vector_load %arg4[%get3A_2684, %get3A_2685] {strides = array<i32>} : memref<256x384xf32, #tpu.memory_space<vmem>>, vector<1x16xf32>,
        %get3A_2687 = vector.shape_cast %get3A_2686 : vector<1x16xf32> to vector<16xf32>
        %sub3A_2688 = arith.subf %max3A_2586, %get3A_2687 : vector<16xf32>
        %sub3A_2689 = arith.subf %get3A_2687, %min3A_2587 : vector<16xf32>
        %max3A_2690 = arith.maximumf %sub3A_2688, %sub3A_2689 : vector<16xf32>
        %swap3A_2691 = arith.index_cast %scan3A_15 : i32 to index
        %swap3A_2692 = arith.constant 272 : index
        %swap3A_2693 = tpu.vector_load %arg6[%swap3A_2691, %swap3A_2692] {strides = array<i32>} : memref<64x384xf32, #tpu.memory_space<vmem>>, vector<1x16xf32>,
        %swap3A_2694 = vector.shape_cast %swap3A_2693 : vector<1x16xf32> to vector<16xf32>
        %swap3A_2695 = vector.shape_cast %max3A_2690 : vector<16xf32> to vector<1x16xf32>
        tpu.vector_store %arg6[%swap3A_2691, %swap3A_2692], %swap3A_2695 {strides = array<i32>} : memref<64x384xf32, #tpu.memory_space<vmem>>, vector<1x16xf32>,
        %get3A_2696 = arith.index_cast %add3A_18 : i32 to index
        %get3A_2697 = arith.constant 288 : index
        %get3A_2698 = tpu.vector_load %arg4[%get3A_2696, %get3A_2697] {strides = array<i32>} : memref<256x384xf32, #tpu.memory_space<vmem>>, vector<1x16xf32>,
        %get3A_2699 = vector.shape_cast %get3A_2698 : vector<1x16xf32> to vector<16xf32>
        %sub3A_2700 = arith.subf %max3A_2592, %get3A_2699 : vector<16xf32>
        %sub3A_2701 = arith.subf %get3A_2699, %min3A_2593 : vector<16xf32>
        %max3A_2702 = arith.maximumf %sub3A_2700, %sub3A_2701 : vector<16xf32>
        %swap3A_2703 = arith.index_cast %scan3A_15 : i32 to index
        %swap3A_2704 = arith.constant 288 : index
        %swap3A_2705 = tpu.vector_load %arg6[%swap3A_2703, %swap3A_2704] {strides = array<i32>} : memref<64x384xf32, #tpu.memory_space<vmem>>, vector<1x16xf32>,
        %swap3A_2706 = vector.shape_cast %swap3A_2705 : vector<1x16xf32> to vector<16xf32>
        %swap3A_2707 = vector.shape_cast %max3A_2702 : vector<16xf32> to vector<1x16xf32>
        tpu.vector_store %arg6[%swap3A_2703, %swap3A_2704], %swap3A_2707 {strides = array<i32>} : memref<64x384xf32, #tpu.memory_space<vmem>>, vector<1x16xf32>,
        %get3A_2708 = arith.index_cast %add3A_18 : i32 to index
        %get3A_2709 = arith.constant 304 : index
        %get3A_2710 = tpu.vector_load %arg4[%get3A_2708, %get3A_2709] {strides = array<i32>} : memref<256x384xf32, #tpu.memory_space<vmem>>, vector<1x16xf32>,
        %get3A_2711 = vector.shape_cast %get3A_2710 : vector<1x16xf32> to vector<16xf32>
        %sub3A_2712 = arith.subf %max3A_2598, %get3A_2711 : vector<16xf32>
        %sub3A_2713 = arith.subf %get3A_2711, %min3A_2599 : vector<16xf32>
        %max3A_2714 = arith.maximumf %sub3A_2712, %sub3A_2713 : vector<16xf32>
        %swap3A_2715 = arith.index_cast %scan3A_15 : i32 to index
        %swap3A_2716 = arith.constant 304 : index
        %swap3A_2717 = tpu.vector_load %arg6[%swap3A_2715, %swap3A_2716] {strides = array<i32>} : memref<64x384xf32, #tpu.memory_space<vmem>>, vector<1x16xf32>,
        %swap3A_2718 = vector.shape_cast %swap3A_2717 : vector<1x16xf32> to vector<16xf32>
        %swap3A_2719 = vector.shape_cast %max3A_2714 : vector<16xf32> to vector<1x16xf32>
        tpu.vector_store %arg6[%swap3A_2715, %swap3A_2716], %swap3A_2719 {strides = array<i32>} : memref<64x384xf32, #tpu.memory_space<vmem>>, vector<1x16xf32>,
        %get3A_2720 = arith.index_cast %add3A_18 : i32 to index
        %get3A_2721 = arith.constant 320 : index
        %get3A_2722 = tpu.vector_load %arg4[%get3A_2720, %get3A_2721] {strides = array<i32>} : memref<256x384xf32, #tpu.memory_space<vmem>>, vector<1x16xf32>,
        %get3A_2723 = vector.shape_cast %get3A_2722 : vector<1x16xf32> to vector<16xf32>
        %sub3A_2724 = arith.subf %max3A_2604, %get3A_2723 : vector<16xf32>
        %sub3A_2725 = arith.subf %get3A_2723, %min3A_2605 : vector<16xf32>
        %max3A_2726 = arith.maximumf %sub3A_2724, %sub3A_2725 : vector<16xf32>
        %swap3A_2727 = arith.index_cast %scan3A_15 : i32 to index
        %swap3A_2728 = arith.constant 320 : index
        %swap3A_2729 = tpu.vector_load %arg6[%swap3A_2727, %swap3A_2728] {strides = array<i32>} : memref<64x384xf32, #tpu.memory_space<vmem>>, vector<1x16xf32>,
        %swap3A_2730 = vector.shape_cast %swap3A_2729 : vector<1x16xf32> to vector<16xf32>
        %swap3A_2731 = vector.shape_cast %max3A_2726 : vector<16xf32> to vector<1x16xf32>
        tpu.vector_store %arg6[%swap3A_2727, %swap3A_2728], %swap3A_2731 {strides = array<i32>} : memref<64x384xf32, #tpu.memory_space<vmem>>, vector<1x16xf32>,
        %get3A_2732 = arith.index_cast %add3A_18 : i32 to index
        %get3A_2733 = arith.constant 336 : index
        %get3A_2734 = tpu.vector_load %arg4[%get3A_2732, %get3A_2733] {strides = array<i32>} : memref<256x384xf32, #tpu.memory_space<vmem>>, vector<1x16xf32>,
        %get3A_2735 = vector.shape_cast %get3A_2734 : vector<1x16xf32> to vector<16xf32>
        %sub3A_2736 = arith.subf %max3A_2610, %get3A_2735 : vector<16xf32>
        %sub3A_2737 = arith.subf %get3A_2735, %min3A_2611 : vector<16xf32>
        %max3A_2738 = arith.maximumf %sub3A_2736, %sub3A_2737 : vector<16xf32>
        %swap3A_2739 = arith.index_cast %scan3A_15 : i32 to index
        %swap3A_2740 = arith.constant 336 : index
        %swap3A_2741 = tpu.vector_load %arg6[%swap3A_2739, %swap3A_2740] {strides = array<i32>} : memref<64x384xf32, #tpu.memory_space<vmem>>, vector<1x16xf32>,
        %swap3A_2742 = vector.shape_cast %swap3A_2741 : vector<1x16xf32> to vector<16xf32>
        %swap3A_2743 = vector.shape_cast %max3A_2738 : vector<16xf32> to vector<1x16xf32>
        tpu.vector_store %arg6[%swap3A_2739, %swap3A_2740], %swap3A_2743 {strides = array<i32>} : memref<64x384xf32, #tpu.memory_space<vmem>>, vector<1x16xf32>,
        %get3A_2744 = arith.index_cast %add3A_18 : i32 to index
        %get3A_2745 = arith.constant 352 : index
        %get3A_2746 = tpu.vector_load %arg4[%get3A_2744, %get3A_2745] {strides = array<i32>} : memref<256x384xf32, #tpu.memory_space<vmem>>, vector<1x16xf32>,
        %get3A_2747 = vector.shape_cast %get3A_2746 : vector<1x16xf32> to vector<16xf32>
        %sub3A_2748 = arith.subf %max3A_2616, %get3A_2747 : vector<16xf32>
        %sub3A_2749 = arith.subf %get3A_2747, %min3A_2617 : vector<16xf32>
        %max3A_2750 = arith.maximumf %sub3A_2748, %sub3A_2749 : vector<16xf32>
        %swap3A_2751 = arith.index_cast %scan3A_15 : i32 to index
        %swap3A_2752 = arith.constant 352 : index
        %swap3A_2753 = tpu.vector_load %arg6[%swap3A_2751, %swap3A_2752] {strides = array<i32>} : memref<64x384xf32, #tpu.memory_space<vmem>>, vector<1x16xf32>,
        %swap3A_2754 = vector.shape_cast %swap3A_2753 : vector<1x16xf32> to vector<16xf32>
        %swap3A_2755 = vector.shape_cast %max3A_2750 : vector<16xf32> to vector<1x16xf32>
        tpu.vector_store %arg6[%swap3A_2751, %swap3A_2752], %swap3A_2755 {strides = array<i32>} : memref<64x384xf32, #tpu.memory_space<vmem>>, vector<1x16xf32>,
        %get3A_2756 = arith.index_cast %add3A_18 : i32 to index
        %get3A_2757 = arith.constant 368 : index
        %get3A_2758 = tpu.vector_load %arg4[%get3A_2756, %get3A_2757] {strides = array<i32>} : memref<256x384xf32, #tpu.memory_space<vmem>>, vector<1x16xf32>,
        %get3A_2759 = vector.shape_cast %get3A_2758 : vector<1x16xf32> to vector<16xf32>
        %sub3A_2760 = arith.subf %max3A_2622, %get3A_2759 : vector<16xf32>
        %sub3A_2761 = arith.subf %get3A_2759, %min3A_2623 : vector<16xf32>
        %max3A_2762 = arith.maximumf %sub3A_2760, %sub3A_2761 : vector<16xf32>
        %swap3A_2763 = arith.index_cast %scan3A_15 : i32 to index
        %swap3A_2764 = arith.constant 368 : index
        %swap3A_2765 = tpu.vector_load %arg6[%swap3A_2763, %swap3A_2764] {strides = array<i32>} : memref<64x384xf32, #tpu.memory_space<vmem>>, vector<1x16xf32>,
        %swap3A_2766 = vector.shape_cast %swap3A_2765 : vector<1x16xf32> to vector<16xf32>
        %swap3A_2767 = vector.shape_cast %max3A_2762 : vector<16xf32> to vector<1x16xf32>
        tpu.vector_store %arg6[%swap3A_2763, %swap3A_2764], %swap3A_2767 {strides = array<i32>} : memref<64x384xf32, #tpu.memory_space<vmem>>, vector<1x16xf32>,
      }
      %scan3A_12 = arith.constant 64 : i32
      %mul3A_13 = arith.constant 64 : i32
      %mul3A_14 = arith.muli %scan3A_6, %mul3A_13 : i32
      "tpu.region"() ({
        %run_scoped3A = tpu.sem_alloc : memref<!tpu.dma_semaphore, #tpu.memory_space<semaphore_mem>>
        %dma_start3A = arith.constant 0 : i32
        %dma_start3A_15 = tpu.memref_slice %arg3[%add3A, %mul3A_14, %dma_start3A] : memref<32x256x384xf32, #tpu.memory_space<hbm>> -> memref<1x64x384xf32, #tpu.memory_space<hbm>>
        %dma_start3A_16 = tpu.memref_squeeze %dma_start3A_15 : memref<1x64x384xf32, #tpu.memory_space<hbm>> -> memref<64x384xf32, #tpu.memory_space<hbm>>
        %dma_start3A_17 = arith.constant 0 : i32
        %dma_start3A_18 = tpu.memref_slice %arg3[%add3A, %mul3A_14, %dma_start3A_17] : memref<32x256x384xf32, #tpu.memory_space<hbm>> -> memref<1x64x384xf32, #tpu.memory_space<hbm>>
        %dma_start3A_19 = tpu.memref_squeeze %dma_start3A_18 : memref<1x64x384xf32, #tpu.memory_space<hbm>> -> memref<64x384xf32, #tpu.memory_space<hbm>>
        tpu.enqueue_dma source(%arg6 : memref<64x384xf32, #tpu.memory_space<vmem>>) target(%dma_start3A_19 : memref<64x384xf32, #tpu.memory_space<hbm>>) target_semaphore(%run_scoped3A : memref<!tpu.dma_semaphore, #tpu.memory_space<semaphore_mem>>)
        %dma_wait3A = arith.constant 0 : i32
        %dma_wait3A_20 = tpu.memref_slice %arg3[%add3A, %mul3A_14, %dma_wait3A] : memref<32x256x384xf32, #tpu.memory_space<hbm>> -> memref<1x64x384xf32, #tpu.memory_space<hbm>>
        %dma_wait3A_21 = tpu.memref_squeeze %dma_wait3A_20 : memref<1x64x384xf32, #tpu.memory_space<hbm>> -> memref<64x384xf32, #tpu.memory_space<hbm>>
        %dma_wait3A_22 = arith.constant 0 : i32
        %dma_wait3A_23 = tpu.memref_slice %arg3[%add3A, %mul3A_14, %dma_wait3A_22] : memref<32x256x384xf32, #tpu.memory_space<hbm>> -> memref<1x64x384xf32, #tpu.memory_space<hbm>>
        %dma_wait3A_24 = tpu.memref_squeeze %dma_wait3A_23 : memref<1x64x384xf32, #tpu.memory_space<hbm>> -> memref<64x384xf32, #tpu.memory_space<hbm>>
        tpu.wait_dma2 semaphore(%run_scoped3A : memref<!tpu.dma_semaphore, #tpu.memory_space<semaphore_mem>>) src(%arg6 : memref<64x384xf32, #tpu.memory_space<vmem>>) dst(%dma_wait3A_24 : memref<64x384xf32, #tpu.memory_space<hbm>>)
        tpu.yield
      }) : () -> ()
    }
    %scan3A_5 = arith.constant 4 : i32
    return
  }
}

module attributes {stable_mosaic.version = 14 : i64} {
  func.func @_prep_kernel(%arg0: i32, %arg1: memref<1x384x256xf32, #tpu.memory_space<vmem>>, %arg2: memref<1x256x512xf32, #tpu.memory_space<vmem>>) attributes {dimension_semantics = [#tpu.dimension_semantics<arbitrary>], iteration_bounds = array<i64: 32>, scalar_prefetch = 0 : i64, scratch_operands = 0 : i64, tpu.core_type = #tpu.core_type<tc>, window_params = [{transform_indices = @transform_0, window_bounds = array<i64: 1, 384, 256>}, {transform_indices = @transform_1, window_bounds = array<i64: 1, 256, 512>}]} {
    %get3A = arith.constant 0 : index
    %get3A_0 = arith.constant 0 : index
    %get3A_1 = arith.constant 0 : index
    %get3A_2 = vector.load %arg1[%get3A, %get3A_0, %get3A_1] : memref<1x384x256xf32, #tpu.memory_space<vmem>>, vector<1x384x256xf32>
    %get3A_3 = vector.shape_cast %get3A_2 : vector<1x384x256xf32> to vector<384x256xf32>
    %transpose3A = tpu.transpose %get3A_3, [1, 0] : vector<384x256xf32> -> vector<256x384xf32>
    %mul3A = arith.mulf %transpose3A, %transpose3A : vector<256x384xf32>
    %reduce_sum3A = arith.constant dense<0.000000e+00> : vector<256xf32>
    %reduce_sum3A_4 = vector.multi_reduction <add>, %mul3A, %reduce_sum3A [1] : vector<256x384xf32> to vector<256xf32>
    %broadcast_in_dim3A = vector.shape_cast %reduce_sum3A_4 : vector<256xf32> to vector<256x1xf32>
    %sqrt3A = math.sqrt %broadcast_in_dim3A : vector<256x1xf32>
    %max3A = arith.constant 9.99999996E-13 : f32
    %max3A_5 = vector.broadcast %max3A : f32 to vector<256x1xf32>
    %max3A_6 = arith.maximumf %sqrt3A, %max3A_5 : vector<256x1xf32>
    %div3A = arith.constant 1.000000e+00 : f32
    %div3A_7 = vector.broadcast %div3A : f32 to vector<256x1xf32>
    %div3A_8 = arith.divf %div3A_7, %max3A_6 : vector<256x1xf32>
    %mul3A_9 = vector.broadcast %div3A_8 : vector<256x1xf32> to vector<256x384xf32>
    %mul3A_10 = arith.mulf %transpose3A, %mul3A_9 : vector<256x384xf32>
    %mul3A_11 = arith.mulf %mul3A_10, %mul3A_10 : vector<256x384xf32>
    %reduce_sum3A_12 = arith.constant dense<0.000000e+00> : vector<256xf32>
    %reduce_sum3A_13 = vector.multi_reduction <add>, %mul3A_11, %reduce_sum3A_12 [1] : vector<256x384xf32> to vector<256xf32>
    %broadcast_in_dim3A_14 = vector.shape_cast %reduce_sum3A_13 : vector<256xf32> to vector<256x1xf32>
    %dot_general3A = arith.constant dense<0.000000e+00> : vector<256x256xf32>
    %dot_general3A_15 = tpu.matmul %mul3A_10, %mul3A_10, %dot_general3A {dimension_numbers = #tpu.dot_dimension_numbers<[1], [1], [0], [0], [0, 0, 1, 0], [], []>, transpose_lhs_hint = false} : vector<256x384xf32>, vector<256x384xf32>, vector<256x256xf32> -> vector<256x256xf32>
    %transpose3A_16 = tpu.transpose %broadcast_in_dim3A_14, [1, 0] : vector<256x1xf32> -> vector<1x256xf32>
    %add3A = vector.broadcast %broadcast_in_dim3A_14 : vector<256x1xf32> to vector<256x256xf32>
    %add3A_17 = vector.broadcast %transpose3A_16 : vector<1x256xf32> to vector<256x256xf32>
    %add3A_18 = arith.addf %add3A, %add3A_17 : vector<256x256xf32>
    %mul3A_19 = arith.constant 2.000000e+00 : f32
    %mul3A_20 = vector.broadcast %mul3A_19 : f32 to vector<256x256xf32>
    %mul3A_21 = arith.mulf %mul3A_20, %dot_general3A_15 : vector<256x256xf32>
    %sub3A = arith.subf %add3A_18, %mul3A_21 : vector<256x256xf32>
    %max3A_22 = arith.constant 0.000000e+00 : f32
    %max3A_23 = vector.broadcast %max3A_22 : f32 to vector<256x256xf32>
    %max3A_24 = arith.maximumf %sub3A, %max3A_23 : vector<256x256xf32>
    %iota3A = tpu.iota {dimensions = array<i32: 0>} : vector<256x256xi32>
    %iota3A_25 = tpu.iota {dimensions = array<i32: 1>} : vector<256x256xi32>
    %eq3A = arith.cmpi eq, %iota3A, %iota3A_25 : vector<256x256xi32>
    %jit3A = arith.constant 1.000000e+09 : f32
    %broadcast_in_dim3A_26 = vector.broadcast %jit3A : f32 to vector<256x256xf32>
    %select_n3A = arith.select %eq3A, %broadcast_in_dim3A_26, %max3A_24 : vector<256x256xi1>, vector<256x256xf32>
    %reduce_min3A = arith.constant dense<0x7F800000> : vector<256xf32>
    %reduce_min3A_27 = vector.multi_reduction <minimumf>, %select_n3A, %reduce_min3A [0] : vector<256x256xf32> to vector<256xf32>
    %broadcast_in_dim3A_28 = vector.shape_cast %reduce_min3A_27 : vector<256xf32> to vector<1x256xf32>
    %eq3A_29 = vector.broadcast %broadcast_in_dim3A_28 : vector<1x256xf32> to vector<256x256xf32>
    %eq3A_30 = arith.cmpf oeq, %select_n3A, %eq3A_29 : vector<256x256xf32>
    %jit3A_31 = arith.constant 256 : i32
    %broadcast_in_dim3A_32 = vector.broadcast %jit3A_31 : i32 to vector<256x256xi32>
    %select_n3A_33 = arith.select %eq3A_30, %iota3A, %broadcast_in_dim3A_32 : vector<256x256xi1>, vector<256x256xi32>
    %reduce_min3A_34 = arith.constant dense<2147483647> : vector<256xi32>
    %reduce_min3A_35 = vector.multi_reduction <minsi>, %select_n3A_33, %reduce_min3A_34 [0] : vector<256x256xi32> to vector<256xi32>
    %broadcast_in_dim3A_36 = vector.shape_cast %reduce_min3A_35 : vector<256xi32> to vector<1x256xi32>
    %eq3A_37 = vector.broadcast %broadcast_in_dim3A_36 : vector<1x256xi32> to vector<256x256xi32>
    %eq3A_38 = arith.cmpi eq, %iota3A, %eq3A_37 : vector<256x256xi32>
    %jit3A_39 = arith.constant 1.000000e+09 : f32
    %broadcast_in_dim3A_40 = vector.broadcast %jit3A_39 : f32 to vector<256x256xf32>
    %select_n3A_41 = arith.select %eq3A_38, %broadcast_in_dim3A_40, %select_n3A : vector<256x256xi1>, vector<256x256xf32>
    %reduce_min3A_42 = arith.constant dense<0x7F800000> : vector<256xf32>
    %reduce_min3A_43 = vector.multi_reduction <minimumf>, %select_n3A_41, %reduce_min3A_42 [0] : vector<256x256xf32> to vector<256xf32>
    %broadcast_in_dim3A_44 = vector.shape_cast %reduce_min3A_43 : vector<256xf32> to vector<1x256xf32>
    %eq3A_45 = vector.broadcast %broadcast_in_dim3A_44 : vector<1x256xf32> to vector<256x256xf32>
    %eq3A_46 = arith.cmpf oeq, %select_n3A_41, %eq3A_45 : vector<256x256xf32>
    %jit3A_47 = arith.constant 256 : i32
    %broadcast_in_dim3A_48 = vector.broadcast %jit3A_47 : i32 to vector<256x256xi32>
    %select_n3A_49 = arith.select %eq3A_46, %iota3A, %broadcast_in_dim3A_48 : vector<256x256xi1>, vector<256x256xi32>
    %reduce_min3A_50 = arith.constant dense<2147483647> : vector<256xi32>
    %reduce_min3A_51 = vector.multi_reduction <minsi>, %select_n3A_49, %reduce_min3A_50 [0] : vector<256x256xi32> to vector<256xi32>
    %broadcast_in_dim3A_52 = vector.shape_cast %reduce_min3A_51 : vector<256xi32> to vector<1x256xi32>
    %eq3A_53 = vector.broadcast %broadcast_in_dim3A_52 : vector<1x256xi32> to vector<256x256xi32>
    %eq3A_54 = arith.cmpi eq, %iota3A, %eq3A_53 : vector<256x256xi32>
    %jit3A_55 = arith.constant 1.000000e+09 : f32
    %broadcast_in_dim3A_56 = vector.broadcast %jit3A_55 : f32 to vector<256x256xf32>
    %select_n3A_57 = arith.select %eq3A_54, %broadcast_in_dim3A_56, %select_n3A_41 : vector<256x256xi1>, vector<256x256xf32>
    %reduce_min3A_58 = arith.constant dense<0x7F800000> : vector<256xf32>
    %reduce_min3A_59 = vector.multi_reduction <minimumf>, %select_n3A_57, %reduce_min3A_58 [0] : vector<256x256xf32> to vector<256xf32>
    %broadcast_in_dim3A_60 = vector.shape_cast %reduce_min3A_59 : vector<256xf32> to vector<1x256xf32>
    %eq3A_61 = vector.broadcast %broadcast_in_dim3A_60 : vector<1x256xf32> to vector<256x256xf32>
    %eq3A_62 = arith.cmpf oeq, %select_n3A_57, %eq3A_61 : vector<256x256xf32>
    %jit3A_63 = arith.constant 256 : i32
    %broadcast_in_dim3A_64 = vector.broadcast %jit3A_63 : i32 to vector<256x256xi32>
    %select_n3A_65 = arith.select %eq3A_62, %iota3A, %broadcast_in_dim3A_64 : vector<256x256xi1>, vector<256x256xi32>
    %reduce_min3A_66 = arith.constant dense<2147483647> : vector<256xi32>
    %reduce_min3A_67 = vector.multi_reduction <minsi>, %select_n3A_65, %reduce_min3A_66 [0] : vector<256x256xi32> to vector<256xi32>
    %broadcast_in_dim3A_68 = vector.shape_cast %reduce_min3A_67 : vector<256xi32> to vector<1x256xi32>
    %eq3A_69 = vector.broadcast %broadcast_in_dim3A_68 : vector<1x256xi32> to vector<256x256xi32>
    %eq3A_70 = arith.cmpi eq, %iota3A, %eq3A_69 : vector<256x256xi32>
    %jit3A_71 = arith.constant 1.000000e+09 : f32
    %broadcast_in_dim3A_72 = vector.broadcast %jit3A_71 : f32 to vector<256x256xf32>
    %select_n3A_73 = arith.select %eq3A_70, %broadcast_in_dim3A_72, %select_n3A_57 : vector<256x256xi1>, vector<256x256xf32>
    %reduce_min3A_74 = arith.constant dense<0x7F800000> : vector<256xf32>
    %reduce_min3A_75 = vector.multi_reduction <minimumf>, %select_n3A_73, %reduce_min3A_74 [0] : vector<256x256xf32> to vector<256xf32>
    %broadcast_in_dim3A_76 = vector.shape_cast %reduce_min3A_75 : vector<256xf32> to vector<1x256xf32>
    %eq3A_77 = vector.broadcast %broadcast_in_dim3A_76 : vector<1x256xf32> to vector<256x256xf32>
    %eq3A_78 = arith.cmpf oeq, %select_n3A_73, %eq3A_77 : vector<256x256xf32>
    %jit3A_79 = arith.constant 256 : i32
    %broadcast_in_dim3A_80 = vector.broadcast %jit3A_79 : i32 to vector<256x256xi32>
    %select_n3A_81 = arith.select %eq3A_78, %iota3A, %broadcast_in_dim3A_80 : vector<256x256xi1>, vector<256x256xi32>
    %reduce_min3A_82 = arith.constant dense<2147483647> : vector<256xi32>
    %reduce_min3A_83 = vector.multi_reduction <minsi>, %select_n3A_81, %reduce_min3A_82 [0] : vector<256x256xi32> to vector<256xi32>
    %broadcast_in_dim3A_84 = vector.shape_cast %reduce_min3A_83 : vector<256xi32> to vector<1x256xi32>
    %eq3A_85 = vector.broadcast %broadcast_in_dim3A_84 : vector<1x256xi32> to vector<256x256xi32>
    %eq3A_86 = arith.cmpi eq, %iota3A, %eq3A_85 : vector<256x256xi32>
    %jit3A_87 = arith.constant 1.000000e+09 : f32
    %broadcast_in_dim3A_88 = vector.broadcast %jit3A_87 : f32 to vector<256x256xf32>
    %select_n3A_89 = arith.select %eq3A_86, %broadcast_in_dim3A_88, %select_n3A_73 : vector<256x256xi1>, vector<256x256xf32>
    %reduce_min3A_90 = arith.constant dense<0x7F800000> : vector<256xf32>
    %reduce_min3A_91 = vector.multi_reduction <minimumf>, %select_n3A_89, %reduce_min3A_90 [0] : vector<256x256xf32> to vector<256xf32>
    %broadcast_in_dim3A_92 = vector.shape_cast %reduce_min3A_91 : vector<256xf32> to vector<1x256xf32>
    %eq3A_93 = vector.broadcast %broadcast_in_dim3A_92 : vector<1x256xf32> to vector<256x256xf32>
    %eq3A_94 = arith.cmpf oeq, %select_n3A_89, %eq3A_93 : vector<256x256xf32>
    %jit3A_95 = arith.constant 256 : i32
    %broadcast_in_dim3A_96 = vector.broadcast %jit3A_95 : i32 to vector<256x256xi32>
    %select_n3A_97 = arith.select %eq3A_94, %iota3A, %broadcast_in_dim3A_96 : vector<256x256xi1>, vector<256x256xi32>
    %reduce_min3A_98 = arith.constant dense<2147483647> : vector<256xi32>
    %reduce_min3A_99 = vector.multi_reduction <minsi>, %select_n3A_97, %reduce_min3A_98 [0] : vector<256x256xi32> to vector<256xi32>
    %broadcast_in_dim3A_100 = vector.shape_cast %reduce_min3A_99 : vector<256xi32> to vector<1x256xi32>
    %eq3A_101 = vector.broadcast %broadcast_in_dim3A_100 : vector<1x256xi32> to vector<256x256xi32>
    %eq3A_102 = arith.cmpi eq, %iota3A, %eq3A_101 : vector<256x256xi32>
    %jit3A_103 = arith.constant 1.000000e+09 : f32
    %broadcast_in_dim3A_104 = vector.broadcast %jit3A_103 : f32 to vector<256x256xf32>
    %select_n3A_105 = arith.select %eq3A_102, %broadcast_in_dim3A_104, %select_n3A_89 : vector<256x256xi1>, vector<256x256xf32>
    %reduce_min3A_106 = arith.constant dense<0x7F800000> : vector<256xf32>
    %reduce_min3A_107 = vector.multi_reduction <minimumf>, %select_n3A_105, %reduce_min3A_106 [0] : vector<256x256xf32> to vector<256xf32>
    %broadcast_in_dim3A_108 = vector.shape_cast %reduce_min3A_107 : vector<256xf32> to vector<1x256xf32>
    %eq3A_109 = vector.broadcast %broadcast_in_dim3A_108 : vector<1x256xf32> to vector<256x256xf32>
    %eq3A_110 = arith.cmpf oeq, %select_n3A_105, %eq3A_109 : vector<256x256xf32>
    %jit3A_111 = arith.constant 256 : i32
    %broadcast_in_dim3A_112 = vector.broadcast %jit3A_111 : i32 to vector<256x256xi32>
    %select_n3A_113 = arith.select %eq3A_110, %iota3A, %broadcast_in_dim3A_112 : vector<256x256xi1>, vector<256x256xi32>
    %reduce_min3A_114 = arith.constant dense<2147483647> : vector<256xi32>
    %reduce_min3A_115 = vector.multi_reduction <minsi>, %select_n3A_113, %reduce_min3A_114 [0] : vector<256x256xi32> to vector<256xi32>
    %broadcast_in_dim3A_116 = vector.shape_cast %reduce_min3A_115 : vector<256xi32> to vector<1x256xi32>
    %eq3A_117 = vector.broadcast %broadcast_in_dim3A_116 : vector<1x256xi32> to vector<256x256xi32>
    %eq3A_118 = arith.cmpi eq, %iota3A, %eq3A_117 : vector<256x256xi32>
    %jit3A_119 = arith.constant 1.000000e+09 : f32
    %broadcast_in_dim3A_120 = vector.broadcast %jit3A_119 : f32 to vector<256x256xf32>
    %select_n3A_121 = arith.select %eq3A_118, %broadcast_in_dim3A_120, %select_n3A_105 : vector<256x256xi1>, vector<256x256xf32>
    %reduce_min3A_122 = arith.constant dense<0x7F800000> : vector<256xf32>
    %reduce_min3A_123 = vector.multi_reduction <minimumf>, %select_n3A_121, %reduce_min3A_122 [0] : vector<256x256xf32> to vector<256xf32>
    %broadcast_in_dim3A_124 = vector.shape_cast %reduce_min3A_123 : vector<256xf32> to vector<1x256xf32>
    %eq3A_125 = vector.broadcast %broadcast_in_dim3A_124 : vector<1x256xf32> to vector<256x256xf32>
    %eq3A_126 = arith.cmpf oeq, %select_n3A_121, %eq3A_125 : vector<256x256xf32>
    %jit3A_127 = arith.constant 256 : i32
    %broadcast_in_dim3A_128 = vector.broadcast %jit3A_127 : i32 to vector<256x256xi32>
    %select_n3A_129 = arith.select %eq3A_126, %iota3A, %broadcast_in_dim3A_128 : vector<256x256xi1>, vector<256x256xi32>
    %reduce_min3A_130 = arith.constant dense<2147483647> : vector<256xi32>
    %reduce_min3A_131 = vector.multi_reduction <minsi>, %select_n3A_129, %reduce_min3A_130 [0] : vector<256x256xi32> to vector<256xi32>
    %broadcast_in_dim3A_132 = vector.shape_cast %reduce_min3A_131 : vector<256xi32> to vector<1x256xi32>
    %eq3A_133 = vector.broadcast %broadcast_in_dim3A_132 : vector<1x256xi32> to vector<256x256xi32>
    %eq3A_134 = arith.cmpi eq, %iota3A, %eq3A_133 : vector<256x256xi32>
    %jit3A_135 = arith.constant 1.000000e+09 : f32
    %broadcast_in_dim3A_136 = vector.broadcast %jit3A_135 : f32 to vector<256x256xf32>
    %select_n3A_137 = arith.select %eq3A_134, %broadcast_in_dim3A_136, %select_n3A_121 : vector<256x256xi1>, vector<256x256xf32>
    %reduce_min3A_138 = arith.constant dense<0x7F800000> : vector<256xf32>
    %reduce_min3A_139 = vector.multi_reduction <minimumf>, %select_n3A_137, %reduce_min3A_138 [0] : vector<256x256xf32> to vector<256xf32>
    %broadcast_in_dim3A_140 = vector.shape_cast %reduce_min3A_139 : vector<256xf32> to vector<1x256xf32>
    %eq3A_141 = vector.broadcast %broadcast_in_dim3A_140 : vector<1x256xf32> to vector<256x256xf32>
    %eq3A_142 = arith.cmpf oeq, %select_n3A_137, %eq3A_141 : vector<256x256xf32>
    %jit3A_143 = arith.constant 256 : i32
    %broadcast_in_dim3A_144 = vector.broadcast %jit3A_143 : i32 to vector<256x256xi32>
    %select_n3A_145 = arith.select %eq3A_142, %iota3A, %broadcast_in_dim3A_144 : vector<256x256xi1>, vector<256x256xi32>
    %reduce_min3A_146 = arith.constant dense<2147483647> : vector<256xi32>
    %reduce_min3A_147 = vector.multi_reduction <minsi>, %select_n3A_145, %reduce_min3A_146 [0] : vector<256x256xi32> to vector<256xi32>
    %broadcast_in_dim3A_148 = vector.shape_cast %reduce_min3A_147 : vector<256xi32> to vector<1x256xi32>
    %eq3A_149 = vector.broadcast %broadcast_in_dim3A_148 : vector<1x256xi32> to vector<256x256xi32>
    %eq3A_150 = arith.cmpi eq, %iota3A, %eq3A_149 : vector<256x256xi32>
    %jit3A_151 = arith.constant 1.000000e+09 : f32
    %broadcast_in_dim3A_152 = vector.broadcast %jit3A_151 : f32 to vector<256x256xf32>
    %select_n3A_153 = arith.select %eq3A_150, %broadcast_in_dim3A_152, %select_n3A_137 : vector<256x256xi1>, vector<256x256xf32>
    %reduce_min3A_154 = arith.constant dense<0x7F800000> : vector<256xf32>
    %reduce_min3A_155 = vector.multi_reduction <minimumf>, %select_n3A_153, %reduce_min3A_154 [0] : vector<256x256xf32> to vector<256xf32>
    %broadcast_in_dim3A_156 = vector.shape_cast %reduce_min3A_155 : vector<256xf32> to vector<1x256xf32>
    %eq3A_157 = vector.broadcast %broadcast_in_dim3A_156 : vector<1x256xf32> to vector<256x256xf32>
    %eq3A_158 = arith.cmpf oeq, %select_n3A_153, %eq3A_157 : vector<256x256xf32>
    %jit3A_159 = arith.constant 256 : i32
    %broadcast_in_dim3A_160 = vector.broadcast %jit3A_159 : i32 to vector<256x256xi32>
    %select_n3A_161 = arith.select %eq3A_158, %iota3A, %broadcast_in_dim3A_160 : vector<256x256xi1>, vector<256x256xi32>
    %reduce_min3A_162 = arith.constant dense<2147483647> : vector<256xi32>
    %reduce_min3A_163 = vector.multi_reduction <minsi>, %select_n3A_161, %reduce_min3A_162 [0] : vector<256x256xi32> to vector<256xi32>
    %broadcast_in_dim3A_164 = vector.shape_cast %reduce_min3A_163 : vector<256xi32> to vector<1x256xi32>
    %eq3A_165 = vector.broadcast %broadcast_in_dim3A_164 : vector<1x256xi32> to vector<256x256xi32>
    %eq3A_166 = arith.cmpi eq, %iota3A, %eq3A_165 : vector<256x256xi32>
    %jit3A_167 = arith.constant 1.000000e+09 : f32
    %broadcast_in_dim3A_168 = vector.broadcast %jit3A_167 : f32 to vector<256x256xf32>
    %select_n3A_169 = arith.select %eq3A_166, %broadcast_in_dim3A_168, %select_n3A_153 : vector<256x256xi1>, vector<256x256xf32>
    %reduce_min3A_170 = arith.constant dense<0x7F800000> : vector<256xf32>
    %reduce_min3A_171 = vector.multi_reduction <minimumf>, %select_n3A_169, %reduce_min3A_170 [0] : vector<256x256xf32> to vector<256xf32>
    %broadcast_in_dim3A_172 = vector.shape_cast %reduce_min3A_171 : vector<256xf32> to vector<1x256xf32>
    %eq3A_173 = vector.broadcast %broadcast_in_dim3A_172 : vector<1x256xf32> to vector<256x256xf32>
    %eq3A_174 = arith.cmpf oeq, %select_n3A_169, %eq3A_173 : vector<256x256xf32>
    %jit3A_175 = arith.constant 256 : i32
    %broadcast_in_dim3A_176 = vector.broadcast %jit3A_175 : i32 to vector<256x256xi32>
    %select_n3A_177 = arith.select %eq3A_174, %iota3A, %broadcast_in_dim3A_176 : vector<256x256xi1>, vector<256x256xi32>
    %reduce_min3A_178 = arith.constant dense<2147483647> : vector<256xi32>
    %reduce_min3A_179 = vector.multi_reduction <minsi>, %select_n3A_177, %reduce_min3A_178 [0] : vector<256x256xi32> to vector<256xi32>
    %broadcast_in_dim3A_180 = vector.shape_cast %reduce_min3A_179 : vector<256xi32> to vector<1x256xi32>
    %eq3A_181 = vector.broadcast %broadcast_in_dim3A_180 : vector<1x256xi32> to vector<256x256xi32>
    %eq3A_182 = arith.cmpi eq, %iota3A, %eq3A_181 : vector<256x256xi32>
    %jit3A_183 = arith.constant 1.000000e+09 : f32
    %broadcast_in_dim3A_184 = vector.broadcast %jit3A_183 : f32 to vector<256x256xf32>
    %select_n3A_185 = arith.select %eq3A_182, %broadcast_in_dim3A_184, %select_n3A_169 : vector<256x256xi1>, vector<256x256xf32>
    %reduce_min3A_186 = arith.constant dense<0x7F800000> : vector<256xf32>
    %reduce_min3A_187 = vector.multi_reduction <minimumf>, %select_n3A_185, %reduce_min3A_186 [0] : vector<256x256xf32> to vector<256xf32>
    %broadcast_in_dim3A_188 = vector.shape_cast %reduce_min3A_187 : vector<256xf32> to vector<1x256xf32>
    %eq3A_189 = vector.broadcast %broadcast_in_dim3A_188 : vector<1x256xf32> to vector<256x256xf32>
    %eq3A_190 = arith.cmpf oeq, %select_n3A_185, %eq3A_189 : vector<256x256xf32>
    %jit3A_191 = arith.constant 256 : i32
    %broadcast_in_dim3A_192 = vector.broadcast %jit3A_191 : i32 to vector<256x256xi32>
    %select_n3A_193 = arith.select %eq3A_190, %iota3A, %broadcast_in_dim3A_192 : vector<256x256xi1>, vector<256x256xi32>
    %reduce_min3A_194 = arith.constant dense<2147483647> : vector<256xi32>
    %reduce_min3A_195 = vector.multi_reduction <minsi>, %select_n3A_193, %reduce_min3A_194 [0] : vector<256x256xi32> to vector<256xi32>
    %broadcast_in_dim3A_196 = vector.shape_cast %reduce_min3A_195 : vector<256xi32> to vector<1x256xi32>
    %eq3A_197 = vector.broadcast %broadcast_in_dim3A_196 : vector<1x256xi32> to vector<256x256xi32>
    %eq3A_198 = arith.cmpi eq, %iota3A, %eq3A_197 : vector<256x256xi32>
    %jit3A_199 = arith.constant 1.000000e+09 : f32
    %broadcast_in_dim3A_200 = vector.broadcast %jit3A_199 : f32 to vector<256x256xf32>
    %select_n3A_201 = arith.select %eq3A_198, %broadcast_in_dim3A_200, %select_n3A_185 : vector<256x256xi1>, vector<256x256xf32>
    %reduce_min3A_202 = arith.constant dense<0x7F800000> : vector<256xf32>
    %reduce_min3A_203 = vector.multi_reduction <minimumf>, %select_n3A_201, %reduce_min3A_202 [0] : vector<256x256xf32> to vector<256xf32>
    %broadcast_in_dim3A_204 = vector.shape_cast %reduce_min3A_203 : vector<256xf32> to vector<1x256xf32>
    %eq3A_205 = vector.broadcast %broadcast_in_dim3A_204 : vector<1x256xf32> to vector<256x256xf32>
    %eq3A_206 = arith.cmpf oeq, %select_n3A_201, %eq3A_205 : vector<256x256xf32>
    %jit3A_207 = arith.constant 256 : i32
    %broadcast_in_dim3A_208 = vector.broadcast %jit3A_207 : i32 to vector<256x256xi32>
    %select_n3A_209 = arith.select %eq3A_206, %iota3A, %broadcast_in_dim3A_208 : vector<256x256xi1>, vector<256x256xi32>
    %reduce_min3A_210 = arith.constant dense<2147483647> : vector<256xi32>
    %reduce_min3A_211 = vector.multi_reduction <minsi>, %select_n3A_209, %reduce_min3A_210 [0] : vector<256x256xi32> to vector<256xi32>
    %broadcast_in_dim3A_212 = vector.shape_cast %reduce_min3A_211 : vector<256xi32> to vector<1x256xi32>
    %eq3A_213 = vector.broadcast %broadcast_in_dim3A_212 : vector<1x256xi32> to vector<256x256xi32>
    %eq3A_214 = arith.cmpi eq, %iota3A, %eq3A_213 : vector<256x256xi32>
    %jit3A_215 = arith.constant 1.000000e+09 : f32
    %broadcast_in_dim3A_216 = vector.broadcast %jit3A_215 : f32 to vector<256x256xf32>
    %select_n3A_217 = arith.select %eq3A_214, %broadcast_in_dim3A_216, %select_n3A_201 : vector<256x256xi1>, vector<256x256xf32>
    %reduce_min3A_218 = arith.constant dense<0x7F800000> : vector<256xf32>
    %reduce_min3A_219 = vector.multi_reduction <minimumf>, %select_n3A_217, %reduce_min3A_218 [0] : vector<256x256xf32> to vector<256xf32>
    %broadcast_in_dim3A_220 = vector.shape_cast %reduce_min3A_219 : vector<256xf32> to vector<1x256xf32>
    %eq3A_221 = vector.broadcast %broadcast_in_dim3A_220 : vector<1x256xf32> to vector<256x256xf32>
    %eq3A_222 = arith.cmpf oeq, %select_n3A_217, %eq3A_221 : vector<256x256xf32>
    %jit3A_223 = arith.constant 256 : i32
    %broadcast_in_dim3A_224 = vector.broadcast %jit3A_223 : i32 to vector<256x256xi32>
    %select_n3A_225 = arith.select %eq3A_222, %iota3A, %broadcast_in_dim3A_224 : vector<256x256xi1>, vector<256x256xi32>
    %reduce_min3A_226 = arith.constant dense<2147483647> : vector<256xi32>
    %reduce_min3A_227 = vector.multi_reduction <minsi>, %select_n3A_225, %reduce_min3A_226 [0] : vector<256x256xi32> to vector<256xi32>
    %broadcast_in_dim3A_228 = vector.shape_cast %reduce_min3A_227 : vector<256xi32> to vector<1x256xi32>
    %eq3A_229 = vector.broadcast %broadcast_in_dim3A_228 : vector<1x256xi32> to vector<256x256xi32>
    %eq3A_230 = arith.cmpi eq, %iota3A, %eq3A_229 : vector<256x256xi32>
    %jit3A_231 = arith.constant 1.000000e+09 : f32
    %broadcast_in_dim3A_232 = vector.broadcast %jit3A_231 : f32 to vector<256x256xf32>
    %select_n3A_233 = arith.select %eq3A_230, %broadcast_in_dim3A_232, %select_n3A_217 : vector<256x256xi1>, vector<256x256xf32>
    %reduce_min3A_234 = arith.constant dense<0x7F800000> : vector<256xf32>
    %reduce_min3A_235 = vector.multi_reduction <minimumf>, %select_n3A_233, %reduce_min3A_234 [0] : vector<256x256xf32> to vector<256xf32>
    %broadcast_in_dim3A_236 = vector.shape_cast %reduce_min3A_235 : vector<256xf32> to vector<1x256xf32>
    %eq3A_237 = vector.broadcast %broadcast_in_dim3A_236 : vector<1x256xf32> to vector<256x256xf32>
    %eq3A_238 = arith.cmpf oeq, %select_n3A_233, %eq3A_237 : vector<256x256xf32>
    %jit3A_239 = arith.constant 256 : i32
    %broadcast_in_dim3A_240 = vector.broadcast %jit3A_239 : i32 to vector<256x256xi32>
    %select_n3A_241 = arith.select %eq3A_238, %iota3A, %broadcast_in_dim3A_240 : vector<256x256xi1>, vector<256x256xi32>
    %reduce_min3A_242 = arith.constant dense<2147483647> : vector<256xi32>
    %reduce_min3A_243 = vector.multi_reduction <minsi>, %select_n3A_241, %reduce_min3A_242 [0] : vector<256x256xi32> to vector<256xi32>
    %broadcast_in_dim3A_244 = vector.shape_cast %reduce_min3A_243 : vector<256xi32> to vector<1x256xi32>
    %eq3A_245 = vector.broadcast %broadcast_in_dim3A_244 : vector<1x256xi32> to vector<256x256xi32>
    %eq3A_246 = arith.cmpi eq, %iota3A, %eq3A_245 : vector<256x256xi32>
    %jit3A_247 = arith.constant 1.000000e+09 : f32
    %broadcast_in_dim3A_248 = vector.broadcast %jit3A_247 : f32 to vector<256x256xf32>
    %select_n3A_249 = arith.select %eq3A_246, %broadcast_in_dim3A_248, %select_n3A_233 : vector<256x256xi1>, vector<256x256xf32>
    %reduce_min3A_250 = arith.constant dense<0x7F800000> : vector<256xf32>
    %reduce_min3A_251 = vector.multi_reduction <minimumf>, %select_n3A_249, %reduce_min3A_250 [0] : vector<256x256xf32> to vector<256xf32>
    %broadcast_in_dim3A_252 = vector.shape_cast %reduce_min3A_251 : vector<256xf32> to vector<1x256xf32>
    %eq3A_253 = vector.broadcast %broadcast_in_dim3A_252 : vector<1x256xf32> to vector<256x256xf32>
    %eq3A_254 = arith.cmpf oeq, %select_n3A_249, %eq3A_253 : vector<256x256xf32>
    %jit3A_255 = arith.constant 256 : i32
    %broadcast_in_dim3A_256 = vector.broadcast %jit3A_255 : i32 to vector<256x256xi32>
    %select_n3A_257 = arith.select %eq3A_254, %iota3A, %broadcast_in_dim3A_256 : vector<256x256xi1>, vector<256x256xi32>
    %reduce_min3A_258 = arith.constant dense<2147483647> : vector<256xi32>
    %reduce_min3A_259 = vector.multi_reduction <minsi>, %select_n3A_257, %reduce_min3A_258 [0] : vector<256x256xi32> to vector<256xi32>
    %broadcast_in_dim3A_260 = vector.shape_cast %reduce_min3A_259 : vector<256xi32> to vector<1x256xi32>
    %eq3A_261 = vector.broadcast %broadcast_in_dim3A_260 : vector<1x256xi32> to vector<256x256xi32>
    %eq3A_262 = arith.cmpi eq, %iota3A, %eq3A_261 : vector<256x256xi32>
    %jit3A_263 = arith.constant 1.000000e+09 : f32
    %broadcast_in_dim3A_264 = vector.broadcast %jit3A_263 : f32 to vector<256x256xf32>
    %select_n3A_265 = arith.select %eq3A_262, %broadcast_in_dim3A_264, %select_n3A_249 : vector<256x256xi1>, vector<256x256xf32>
    %reduce_min3A_266 = arith.constant dense<0x7F800000> : vector<256xf32>
    %reduce_min3A_267 = vector.multi_reduction <minimumf>, %select_n3A_265, %reduce_min3A_266 [0] : vector<256x256xf32> to vector<256xf32>
    %broadcast_in_dim3A_268 = vector.shape_cast %reduce_min3A_267 : vector<256xf32> to vector<1x256xf32>
    %eq3A_269 = vector.broadcast %broadcast_in_dim3A_268 : vector<1x256xf32> to vector<256x256xf32>
    %eq3A_270 = arith.cmpf oeq, %select_n3A_265, %eq3A_269 : vector<256x256xf32>
    %jit3A_271 = arith.constant 256 : i32
    %broadcast_in_dim3A_272 = vector.broadcast %jit3A_271 : i32 to vector<256x256xi32>
    %select_n3A_273 = arith.select %eq3A_270, %iota3A, %broadcast_in_dim3A_272 : vector<256x256xi1>, vector<256x256xi32>
    %reduce_min3A_274 = arith.constant dense<2147483647> : vector<256xi32>
    %reduce_min3A_275 = vector.multi_reduction <minsi>, %select_n3A_273, %reduce_min3A_274 [0] : vector<256x256xi32> to vector<256xi32>
    %broadcast_in_dim3A_276 = vector.shape_cast %reduce_min3A_275 : vector<256xi32> to vector<1x256xi32>
    %concatenate3A = tpu.concatenate %broadcast_in_dim3A_36, %broadcast_in_dim3A_52, %broadcast_in_dim3A_68, %broadcast_in_dim3A_84, %broadcast_in_dim3A_100, %broadcast_in_dim3A_116, %broadcast_in_dim3A_132, %broadcast_in_dim3A_148, %broadcast_in_dim3A_164, %broadcast_in_dim3A_180, %broadcast_in_dim3A_196, %broadcast_in_dim3A_212, %broadcast_in_dim3A_228, %broadcast_in_dim3A_244, %broadcast_in_dim3A_260, %broadcast_in_dim3A_276 in 0 : vector<1x256xi32>, vector<1x256xi32>, vector<1x256xi32>, vector<1x256xi32>, vector<1x256xi32>, vector<1x256xi32>, vector<1x256xi32>, vector<1x256xi32>, vector<1x256xi32>, vector<1x256xi32>, vector<1x256xi32>, vector<1x256xi32>, vector<1x256xi32>, vector<1x256xi32>, vector<1x256xi32>, vector<1x256xi32> -> vector<16x256xi32>
    %convert_element_type3A = arith.sitofp %concatenate3A : vector<16x256xi32> to vector<16x256xf32>
    %transpose3A_277 = tpu.transpose %convert_element_type3A, [1, 0] : vector<16x256xf32> -> vector<256x16xf32>
    %broadcast_in_dim3A_278 = arith.constant 0.000000e+00 : f32
    %broadcast_in_dim3A_279 = vector.broadcast %broadcast_in_dim3A_278 : f32 to vector<256x112xf32>
    %concatenate3A_280 = tpu.concatenate %mul3A_10, %transpose3A_277, %broadcast_in_dim3A_279 in 1 : vector<256x384xf32>, vector<256x16xf32>, vector<256x112xf32> -> vector<256x512xf32>
    %swap3A = arith.constant 0 : index
    %swap3A_281 = arith.constant 0 : index
    %swap3A_282 = arith.constant 0 : index
    %swap3A_283 = vector.load %arg2[%swap3A, %swap3A_281, %swap3A_282] : memref<1x256x512xf32, #tpu.memory_space<vmem>>, vector<1x256x512xf32>
    %swap3A_284 = vector.shape_cast %swap3A_283 : vector<1x256x512xf32> to vector<256x512xf32>
    %swap3A_285 = vector.shape_cast %concatenate3A_280 : vector<256x512xf32> to vector<1x256x512xf32>
    tpu.vector_store %arg2[%swap3A, %swap3A_281, %swap3A_282], %swap3A_285 {strides = array<i32>} : memref<1x256x512xf32, #tpu.memory_space<vmem>>, vector<1x256x512xf32>,
    return
  }
  func.func @transform_0(%arg0: i32) -> (i32, i32, i32) {
    %c0_i32 = arith.constant 0 : i32
    %c0_i32_0 = arith.constant 0 : i32
    %c0_i32_1 = arith.constant 0 : i32
    return %arg0, %c0_i32, %c0_i32_0 : i32, i32, i32
  }
  func.func @transform_1(%arg0: i32) -> (i32, i32, i32) {
    %c0_i32 = arith.constant 0 : i32
    %c0_i32_0 = arith.constant 0 : i32
    %c0_i32_1 = arith.constant 0 : i32
    return %arg0, %c0_i32, %c0_i32_0 : i32, i32, i32
  }
}

module attributes {stable_mosaic.version = 14 : i64} {
  func.func @_conv_kernel(%arg0: i32, %arg1: memref<768x384xbf16, #tpu.memory_space<vmem>>, %arg2: memref<768x384xbf16, #tpu.memory_space<vmem>>, %arg3: memref<768x1xf32, #tpu.memory_space<vmem>>, %arg4: memref<1x256x512xf32, #tpu.memory_space<vmem>>, %arg5: memref<1x256x384xf32, #tpu.memory_space<vmem>>, %arg6: memref<1x768x256xf32, #tpu.memory_space<vmem>>, %arg7: memref<768x1xf32, #tpu.memory_space<vmem>>, %arg8: memref<768x1xf32, #tpu.memory_space<vmem>>) attributes {dimension_semantics = [#tpu.dimension_semantics<arbitrary>], iteration_bounds = array<i64: 32>, scalar_prefetch = 0 : i64, scratch_operands = 0 : i64, tpu.core_type = #tpu.core_type<tc>, window_params = [{pipeline_mode = #tpu.pipeline_mode<synchronous>, transform_indices = @transform_0, window_bounds = array<i64: 768, 384>}, {pipeline_mode = #tpu.pipeline_mode<synchronous>, transform_indices = @transform_1, window_bounds = array<i64: 768, 384>}, {pipeline_mode = #tpu.pipeline_mode<synchronous>, transform_indices = @transform_2, window_bounds = array<i64: 768, 1>}, {transform_indices = @transform_3, window_bounds = array<i64: 1, 256, 512>}, {transform_indices = @transform_4, window_bounds = array<i64: 1, 256, 384>}, {transform_indices = @transform_5, window_bounds = array<i64: 1, 768, 256>}, {pipeline_mode = #tpu.pipeline_mode<synchronous>, transform_indices = @transform_6, window_bounds = array<i64: 768, 1>}, {pipeline_mode = #tpu.pipeline_mode<synchronous>, transform_indices = @transform_7, window_bounds = array<i64: 768, 1>}]} {
    %get3A = arith.constant 0 : index
    %get3A_0 = arith.constant 0 : index
    %get3A_1 = arith.constant 0 : index
    %get3A_2 = vector.load %arg4[%get3A, %get3A_0, %get3A_1] : memref<1x256x512xf32, #tpu.memory_space<vmem>>, vector<1x256x512xf32>
    %get3A_3 = vector.shape_cast %get3A_2 : vector<1x256x512xf32> to vector<256x512xf32>
    %slice3A = vector.extract_strided_slice %get3A_3 {offsets = [0, 0], sizes = [256, 384], strides = [1, 1]} : vector<256x512xf32> to vector<256x384xf32>
    %convert_element_type3A = arith.truncf %slice3A : vector<256x384xf32> to vector<256x384xbf16>
    %get3A_4 = arith.constant 0 : index
    %get3A_5 = arith.constant 0 : index
    %get3A_6 = arith.constant 0 : index
    %get3A_7 = vector.load %arg5[%get3A_4, %get3A_5, %get3A_6] : memref<1x256x384xf32, #tpu.memory_space<vmem>>, vector<1x256x384xf32>
    %get3A_8 = vector.shape_cast %get3A_7 : vector<1x256x384xf32> to vector<256x384xf32>
    %convert_element_type3A_9 = arith.truncf %get3A_8 : vector<256x384xf32> to vector<256x384xbf16>
    %get3A_10 = arith.constant 0 : index
    %get3A_11 = arith.constant 0 : index
    %get3A_12 = vector.load %arg1[%get3A_10, %get3A_11] : memref<768x384xbf16, #tpu.memory_space<vmem>>, vector<768x384xbf16>
    %dot_general3A = arith.constant dense<0.000000e+00> : vector<768x256xf32>
    %dot_general3A_13 = tpu.matmul %get3A_12, %convert_element_type3A, %dot_general3A {dimension_numbers = #tpu.dot_dimension_numbers<[1], [1], [0], [0], [0, 0, 1, 0], [], []>, transpose_lhs_hint = false} : vector<768x384xbf16>, vector<256x384xbf16>, vector<768x256xf32> -> vector<768x256xf32>
    %get3A_14 = arith.constant 0 : index
    %get3A_15 = arith.constant 0 : index
    %get3A_16 = vector.load %arg2[%get3A_14, %get3A_15] : memref<768x384xbf16, #tpu.memory_space<vmem>>, vector<768x384xbf16>
    %dot_general3A_17 = arith.constant dense<0.000000e+00> : vector<768x256xf32>
    %dot_general3A_18 = tpu.matmul %get3A_16, %convert_element_type3A_9, %dot_general3A_17 {dimension_numbers = #tpu.dot_dimension_numbers<[1], [1], [0], [0], [0, 0, 1, 0], [], []>, transpose_lhs_hint = false} : vector<768x384xbf16>, vector<256x384xbf16>, vector<768x256xf32> -> vector<768x256xf32>
    %add3A = arith.addf %dot_general3A_13, %dot_general3A_18 : vector<768x256xf32>
    %get3A_19 = arith.constant 0 : index
    %get3A_20 = arith.constant 0 : index
    %get3A_21 = vector.load %arg3[%get3A_19, %get3A_20] : memref<768x1xf32, #tpu.memory_space<vmem>>, vector<768x1xf32>
    %add3A_22 = vector.broadcast %get3A_21 : vector<768x1xf32> to vector<768x256xf32>
    %add3A_23 = arith.addf %add3A, %add3A_22 : vector<768x256xf32>
    %swap3A = arith.constant 0 : index
    %swap3A_24 = arith.constant 0 : index
    %swap3A_25 = arith.constant 0 : index
    %swap3A_26 = vector.load %arg6[%swap3A, %swap3A_24, %swap3A_25] : memref<1x768x256xf32, #tpu.memory_space<vmem>>, vector<1x768x256xf32>
    %swap3A_27 = vector.shape_cast %swap3A_26 : vector<1x768x256xf32> to vector<768x256xf32>
    %swap3A_28 = vector.shape_cast %add3A_23 : vector<768x256xf32> to vector<1x768x256xf32>
    tpu.vector_store %arg6[%swap3A, %swap3A_24, %swap3A_25], %swap3A_28 {strides = array<i32>} : memref<1x768x256xf32, #tpu.memory_space<vmem>>, vector<1x768x256xf32>,
    %reduce_sum3A = arith.constant dense<0.000000e+00> : vector<768xf32>
    %reduce_sum3A_29 = vector.multi_reduction <add>, %add3A_23, %reduce_sum3A [1] : vector<768x256xf32> to vector<768xf32>
    %broadcast_in_dim3A = vector.shape_cast %reduce_sum3A_29 : vector<768xf32> to vector<768x1xf32>
    %mul3A = arith.mulf %add3A_23, %add3A_23 : vector<768x256xf32>
    %reduce_sum3A_30 = arith.constant dense<0.000000e+00> : vector<768xf32>
    %reduce_sum3A_31 = vector.multi_reduction <add>, %mul3A, %reduce_sum3A_30 [1] : vector<768x256xf32> to vector<768xf32>
    %broadcast_in_dim3A_32 = vector.shape_cast %reduce_sum3A_31 : vector<768xf32> to vector<768x1xf32>
    %eq3A = arith.constant 0 : i32
    %eq3A_33 = arith.cmpi eq, %arg0, %eq3A : i32
    %convert_element_type3A_34 = arith.extui %eq3A_33 : i1 to i32
    %cond3A = arith.constant 0 : i32
    %cond3A_35 = arith.cmpi ne, %convert_element_type3A_34, %cond3A : i32
    scf.if %cond3A_35 {
      %swap3A_40 = arith.constant 0 : index
      %swap3A_41 = arith.constant 0 : index
      %swap3A_42 = vector.load %arg7[%swap3A_40, %swap3A_41] : memref<768x1xf32, #tpu.memory_space<vmem>>, vector<768x1xf32>
      tpu.vector_store %arg7[%swap3A_40, %swap3A_41], %broadcast_in_dim3A {strides = array<i32>} : memref<768x1xf32, #tpu.memory_space<vmem>>, vector<768x1xf32>,
      %swap3A_43 = arith.constant 0 : index
      %swap3A_44 = arith.constant 0 : index
      %swap3A_45 = vector.load %arg8[%swap3A_43, %swap3A_44] : memref<768x1xf32, #tpu.memory_space<vmem>>, vector<768x1xf32>
      tpu.vector_store %arg8[%swap3A_43, %swap3A_44], %broadcast_in_dim3A_32 {strides = array<i32>} : memref<768x1xf32, #tpu.memory_space<vmem>>, vector<768x1xf32>,
    } else {
    }
    %ne3A = arith.constant 0 : i32
    %ne3A_36 = arith.cmpi ne, %arg0, %ne3A : i32
    %convert_element_type3A_37 = arith.extui %ne3A_36 : i1 to i32
    %cond3A_38 = arith.constant 0 : i32
    %cond3A_39 = arith.cmpi ne, %convert_element_type3A_37, %cond3A_38 : i32
    scf.if %cond3A_39 {
      %get3A_40 = arith.constant 0 : index
      %get3A_41 = arith.constant 0 : index
      %get3A_42 = vector.load %arg7[%get3A_40, %get3A_41] : memref<768x1xf32, #tpu.memory_space<vmem>>, vector<768x1xf32>
      %add3A_43 = arith.addf %get3A_42, %broadcast_in_dim3A : vector<768x1xf32>
      %swap3A_44 = arith.constant 0 : index
      %swap3A_45 = arith.constant 0 : index
      %swap3A_46 = vector.load %arg7[%swap3A_44, %swap3A_45] : memref<768x1xf32, #tpu.memory_space<vmem>>, vector<768x1xf32>
      tpu.vector_store %arg7[%swap3A_44, %swap3A_45], %add3A_43 {strides = array<i32>} : memref<768x1xf32, #tpu.memory_space<vmem>>, vector<768x1xf32>,
      %get3A_47 = arith.constant 0 : index
      %get3A_48 = arith.constant 0 : index
      %get3A_49 = vector.load %arg8[%get3A_47, %get3A_48] : memref<768x1xf32, #tpu.memory_space<vmem>>, vector<768x1xf32>
      %add3A_50 = arith.addf %get3A_49, %broadcast_in_dim3A_32 : vector<768x1xf32>
      %swap3A_51 = arith.constant 0 : index
      %swap3A_52 = arith.constant 0 : index
      %swap3A_53 = vector.load %arg8[%swap3A_51, %swap3A_52] : memref<768x1xf32, #tpu.memory_space<vmem>>, vector<768x1xf32>
      tpu.vector_store %arg8[%swap3A_51, %swap3A_52], %add3A_50 {strides = array<i32>} : memref<768x1xf32, #tpu.memory_space<vmem>>, vector<768x1xf32>,
    } else {
    }
    return
  }
  func.func @transform_0(%arg0: i32) -> (i32, i32) {
    %c0_i32 = arith.constant 0 : i32
    %c0_i32_0 = arith.constant 0 : i32
    %c0_i32_1 = arith.constant 0 : i32
    return %c0_i32, %c0_i32_0 : i32, i32
  }
  func.func @transform_1(%arg0: i32) -> (i32, i32) {
    %c0_i32 = arith.constant 0 : i32
    %c0_i32_0 = arith.constant 0 : i32
    %c0_i32_1 = arith.constant 0 : i32
    return %c0_i32, %c0_i32_0 : i32, i32
  }
  func.func @transform_2(%arg0: i32) -> (i32, i32) {
    %c0_i32 = arith.constant 0 : i32
    %c0_i32_0 = arith.constant 0 : i32
    %c0_i32_1 = arith.constant 0 : i32
    return %c0_i32, %c0_i32_0 : i32, i32
  }
  func.func @transform_3(%arg0: i32) -> (i32, i32, i32) {
    %c0_i32 = arith.constant 0 : i32
    %c0_i32_0 = arith.constant 0 : i32
    %c0_i32_1 = arith.constant 0 : i32
    return %arg0, %c0_i32, %c0_i32_0 : i32, i32, i32
  }
  func.func @transform_4(%arg0: i32) -> (i32, i32, i32) {
    %c0_i32 = arith.constant 0 : i32
    %c0_i32_0 = arith.constant 0 : i32
    %c0_i32_1 = arith.constant 0 : i32
    return %arg0, %c0_i32, %c0_i32_0 : i32, i32, i32
  }
  func.func @transform_5(%arg0: i32) -> (i32, i32, i32) {
    %c0_i32 = arith.constant 0 : i32
    %c0_i32_0 = arith.constant 0 : i32
    %c0_i32_1 = arith.constant 0 : i32
    return %arg0, %c0_i32, %c0_i32_0 : i32, i32, i32
  }
  func.func @transform_6(%arg0: i32) -> (i32, i32) {
    %c0_i32 = arith.constant 0 : i32
    %c0_i32_0 = arith.constant 0 : i32
    %c0_i32_1 = arith.constant 0 : i32
    return %c0_i32, %c0_i32_0 : i32, i32
  }
  func.func @transform_7(%arg0: i32) -> (i32, i32) {
    %c0_i32 = arith.constant 0 : i32
    %c0_i32_0 = arith.constant 0 : i32
    %c0_i32_1 = arith.constant 0 : i32
    return %c0_i32, %c0_i32_0 : i32, i32
  }
}

module attributes {stable_mosaic.version = 14 : i64} {
  func.func @_bn_gelu_kernel(%arg0: i32, %arg1: memref<1x768x256xf32, #tpu.memory_space<vmem>>, %arg2: memref<768x1xf32, #tpu.memory_space<vmem>>, %arg3: memref<768x1xf32, #tpu.memory_space<vmem>>, %arg4: memref<768x1xf32, #tpu.memory_space<vmem>>, %arg5: memref<768x1xf32, #tpu.memory_space<vmem>>, %arg6: memref<1x768x256xf32, #tpu.memory_space<vmem>>) attributes {dimension_semantics = [#tpu.dimension_semantics<arbitrary>], iteration_bounds = array<i64: 32>, scalar_prefetch = 0 : i64, scratch_operands = 0 : i64, tpu.core_type = #tpu.core_type<tc>, window_params = [{transform_indices = @transform_0, window_bounds = array<i64: 1, 768, 256>}, {pipeline_mode = #tpu.pipeline_mode<synchronous>, transform_indices = @transform_1, window_bounds = array<i64: 768, 1>}, {pipeline_mode = #tpu.pipeline_mode<synchronous>, transform_indices = @transform_2, window_bounds = array<i64: 768, 1>}, {pipeline_mode = #tpu.pipeline_mode<synchronous>, transform_indices = @transform_3, window_bounds = array<i64: 768, 1>}, {pipeline_mode = #tpu.pipeline_mode<synchronous>, transform_indices = @transform_4, window_bounds = array<i64: 768, 1>}, {transform_indices = @transform_5, window_bounds = array<i64: 1, 768, 256>}]} {
    %get3A = arith.constant 0 : index
    %get3A_0 = arith.constant 0 : index
    %get3A_1 = vector.load %arg2[%get3A, %get3A_0] : memref<768x1xf32, #tpu.memory_space<vmem>>, vector<768x1xf32>
    %mul3A = arith.constant 1.22070313E-4 : f32
    %mul3A_2 = vector.broadcast %mul3A : f32 to vector<768x1xf32>
    %mul3A_3 = arith.mulf %get3A_1, %mul3A_2 : vector<768x1xf32>
    %get3A_4 = arith.constant 0 : index
    %get3A_5 = arith.constant 0 : index
    %get3A_6 = vector.load %arg3[%get3A_4, %get3A_5] : memref<768x1xf32, #tpu.memory_space<vmem>>, vector<768x1xf32>
    %mul3A_7 = arith.constant 1.22070313E-4 : f32
    %mul3A_8 = vector.broadcast %mul3A_7 : f32 to vector<768x1xf32>
    %mul3A_9 = arith.mulf %get3A_6, %mul3A_8 : vector<768x1xf32>
    %mul3A_10 = arith.mulf %mul3A_3, %mul3A_3 : vector<768x1xf32>
    %sub3A = arith.subf %mul3A_9, %mul3A_10 : vector<768x1xf32>
    %get3A_11 = arith.constant 0 : index
    %get3A_12 = arith.constant 0 : index
    %get3A_13 = vector.load %arg4[%get3A_11, %get3A_12] : memref<768x1xf32, #tpu.memory_space<vmem>>, vector<768x1xf32>
    %add3A = arith.constant 9.99999974E-6 : f32
    %add3A_14 = vector.broadcast %add3A : f32 to vector<768x1xf32>
    %add3A_15 = arith.addf %sub3A, %add3A_14 : vector<768x1xf32>
    %rsqrt3A = math.rsqrt %add3A_15 : vector<768x1xf32>
    %mul3A_16 = arith.mulf %get3A_13, %rsqrt3A : vector<768x1xf32>
    %get3A_17 = arith.constant 0 : index
    %get3A_18 = arith.constant 0 : index
    %get3A_19 = vector.load %arg5[%get3A_17, %get3A_18] : memref<768x1xf32, #tpu.memory_space<vmem>>, vector<768x1xf32>
    %mul3A_20 = arith.mulf %mul3A_3, %mul3A_16 : vector<768x1xf32>
    %sub3A_21 = arith.subf %get3A_19, %mul3A_20 : vector<768x1xf32>
    %get3A_22 = arith.constant 0 : index
    %get3A_23 = arith.constant 0 : index
    %get3A_24 = arith.constant 0 : index
    %get3A_25 = vector.load %arg1[%get3A_22, %get3A_23, %get3A_24] : memref<1x768x256xf32, #tpu.memory_space<vmem>>, vector<1x768x256xf32>
    %get3A_26 = vector.shape_cast %get3A_25 : vector<1x768x256xf32> to vector<768x256xf32>
    %mul3A_27 = vector.broadcast %mul3A_16 : vector<768x1xf32> to vector<768x256xf32>
    %mul3A_28 = arith.mulf %get3A_26, %mul3A_27 : vector<768x256xf32>
    %add3A_29 = vector.broadcast %sub3A_21 : vector<768x1xf32> to vector<768x256xf32>
    %add3A_30 = arith.addf %mul3A_28, %add3A_29 : vector<768x256xf32>
    %mul3A_31 = arith.constant 5.000000e-01 : f32
    %mul3A_32 = vector.broadcast %mul3A_31 : f32 to vector<768x256xf32>
    %mul3A_33 = arith.mulf %add3A_30, %mul3A_32 : vector<768x256xf32>
    %mul3A_34 = arith.constant 0.707106769 : f32
    %mul3A_35 = vector.broadcast %mul3A_34 : f32 to vector<768x256xf32>
    %mul3A_36 = arith.mulf %add3A_30, %mul3A_35 : vector<768x256xf32>
    %erf3A = math.erf %mul3A_36 : vector<768x256xf32>
    %add3A_37 = arith.constant 1.000000e+00 : f32
    %add3A_38 = vector.broadcast %add3A_37 : f32 to vector<768x256xf32>
    %add3A_39 = arith.addf %add3A_38, %erf3A : vector<768x256xf32>
    %mul3A_40 = arith.mulf %mul3A_33, %add3A_39 : vector<768x256xf32>
    %swap3A = arith.constant 0 : index
    %swap3A_41 = arith.constant 0 : index
    %swap3A_42 = arith.constant 0 : index
    %swap3A_43 = vector.load %arg6[%swap3A, %swap3A_41, %swap3A_42] : memref<1x768x256xf32, #tpu.memory_space<vmem>>, vector<1x768x256xf32>
    %swap3A_44 = vector.shape_cast %swap3A_43 : vector<1x768x256xf32> to vector<768x256xf32>
    %swap3A_45 = vector.shape_cast %mul3A_40 : vector<768x256xf32> to vector<1x768x256xf32>
    tpu.vector_store %arg6[%swap3A, %swap3A_41, %swap3A_42], %swap3A_45 {strides = array<i32>} : memref<1x768x256xf32, #tpu.memory_space<vmem>>, vector<1x768x256xf32>,
    return
  }
  func.func @transform_0(%arg0: i32) -> (i32, i32, i32) {
    %c0_i32 = arith.constant 0 : i32
    %c0_i32_0 = arith.constant 0 : i32
    %c0_i32_1 = arith.constant 0 : i32
    return %arg0, %c0_i32, %c0_i32_0 : i32, i32, i32
  }
  func.func @transform_1(%arg0: i32) -> (i32, i32) {
    %c0_i32 = arith.constant 0 : i32
    %c0_i32_0 = arith.constant 0 : i32
    %c0_i32_1 = arith.constant 0 : i32
    return %c0_i32, %c0_i32_0 : i32, i32
  }
  func.func @transform_2(%arg0: i32) -> (i32, i32) {
    %c0_i32 = arith.constant 0 : i32
    %c0_i32_0 = arith.constant 0 : i32
    %c0_i32_1 = arith.constant 0 : i32
    return %c0_i32, %c0_i32_0 : i32, i32
  }
  func.func @transform_3(%arg0: i32) -> (i32, i32) {
    %c0_i32 = arith.constant 0 : i32
    %c0_i32_0 = arith.constant 0 : i32
    %c0_i32_1 = arith.constant 0 : i32
    return %c0_i32, %c0_i32_0 : i32, i32
  }
  func.func @transform_4(%arg0: i32) -> (i32, i32) {
    %c0_i32 = arith.constant 0 : i32
    %c0_i32_0 = arith.constant 0 : i32
    %c0_i32_1 = arith.constant 0 : i32
    return %c0_i32, %c0_i32_0 : i32, i32
  }
  func.func @transform_5(%arg0: i32) -> (i32, i32, i32) {
    %c0_i32 = arith.constant 0 : i32
    %c0_i32_0 = arith.constant 0 : i32
    %c0_i32_1 = arith.constant 0 : i32
    return %arg0, %c0_i32, %c0_i32_0 : i32, i32, i32
  }
}

</mosaic_0001>

<sc_bundles>
// kernel: kernel.6.cloned.1.call-start
scs
__scs_entry_jumppad:
0x0: {  	(pc) =	sbr.rel $0x88, $3  }
0x1: {  	(tag) =	ssettag $0x0;
	lr =	simm.s32 $0x1  }
0x2: {  	[smem:$0x3F9C] =	sst lr;
	_ =	strace $0xD0000000  }
0x3: {  	_ = 	snop  }
0x4: {  	_ = 	snop  }
0x5: {  	_ = 	snop  }
0x6: {  	_ = 	snop  }
0x7: {  	_ = 	snop  }
__scs_overlays_trampoline_lowered:
0x8: {  	[smem:$0x3FAB] =	sst s0  }
0x9: {  	[smem:$0x3FAC] =	sst s1  }
0xa: {  	[smem:$0x3FAD] =	sst s2  }
0xb: {  	[smem:$0x3FAE] =	sst s3  }
0xc: {  	[smem:$0x3FAF] =	sst s4  }
0xd: {  	[smem:$0x3FB0] =	sst s5  }
0xe: {  	[smem:$0x3FB1] =	sst s6  }
0xf: {  	[smem:$0x3FB2] =	sst s7  }
0x10: {  	[smem:$0x3FB3] =	sst s8  }
0x11: {  	[smem:$0x3FB4] =	sst s9;
	s0 =	simm.s32 @!p0 $0x0  }
0x12: {  	s1 =	sld [smem:$0x3F9A];
	s0 =	simm.s32 @p0 $0x1  }
0x13: {  	[smem:$0x3FB5] =	sst s0;
	s0 =	simm.s32 @!p1 $0x0  }
0x14: {  	s2 =	sld [smem:$0x3F99];
	s0 =	simm.s32 @p1 $0x1  }
0x15: {  	[smem:$0x3FB6] =	sst s0;
	s0 =	simm.s32 @!p2 $0x0  }
0x16: {  	s3 =	sld [smem:$0x3FDB];
	s0 =	simm.s32 @p2 $0x1  }
0x17: {  	s4 =	simm.s32 $0x1BF5;
	[smem:$0x3FB8] =	sst s0  }
0x18: {  	s0 =	sld [smem:$0x3F9B];
	_ =	swait.ge [sflag:s4], $0x0  }
0x19: {  	s7 =	sld [smem:$0x3F9C]  }
0x1a: {  	s8 =	sadd.s32 $0xFFFFE003, lr  }
0x1b: {  	s9 =	sadd.s32 $0xFFFFFEF7, lr;
	s5 =	simm.s32 $0xFFFFFFFF;
	p2 =	slt.u32 s8, $0xFFFFF086  }
0x1c: {  	p1 =	slt.u32 s9, $0xF7A;
	s5 =	simm.s32 @!p2 $0x0  }
0x1d: {  	s5 =	simm.s32 @p1 $0x1;
	p0 =	seq.s32 s7, s2  }
0x1e: {  	s7 =	smul.u32 @!p0 $0xF7A, s2;
	p2 =	seq.s32 @!p0 s5, $0x0  }
0x1f: {  	s9 =	smul.u32 $0xF7A, s1;
	s8 =	simm.s32 @!p0 $0x1BF5;
	p2 =	por !p2, p0  }
0x20: {  	[sflag:s8] =	ssyncset.s32 @!p0 $0xFFFFF086;
	s6 =	sadd.s32 @!p0 s3, s7;
	s7 =	simm.s32 @!p0 $0x108  }
0x21: {  	s3 =	sadd.s32 s3, s9;
	s6 =	sadd.s32 @!p0 $0x88, s6;
	s7 =	simm.s32 @p2 $0x1082  }
0x22: {  	[simem:s7], [sflag:s8] =	dma.local @!p0 [hbm:s6], $0xF7A  }
0x23: {  	s9 =	sor.u32 $0xD0000000, s2;
	s6 =	simm.s32 $0x108;
	_ =	swait.ge @!p0 [sflag:s8], $0x0  }
0x24: {  	s3 =	sadd.s32 $0x88, s3;
	s6 =	simm.s32 @!p1 $0x1082;
	[sflag:s4] =	ssyncset.s32 $0xFFFFF086  }
0x25: {  	[simem:s6], [sflag:s4] =	dma.local [hbm:s3], $0xF7A  }
0x26: {  	[smem:$0x3F9C] =	sst s1;
	(tag) =	ssettag s2;
	_ =	strace s9  }
0x27: {  	s1 =	sld [smem:$0x3FAC]  }
0x28: {  	s2 =	sld [smem:$0x3FAD]  }
0x29: {  	s4 =	sld [smem:$0x3FAF]  }
0x2a: {  	p0 =	seq.s32 s5, $0x0;
	s5 =	sld [smem:$0x3FB0]  }
0x2b: {  	s6 =	sld [smem:$0x3FB1]  }
0x2c: {  	s7 =	sld [smem:$0x3FB2]  }
0x2d: {  	s3 =	simm.s32 $0x108;
	s8 =	sld [smem:$0x3FB3]  }
0x2e: {  	s3 =	simm.s32 @!p0 $0x1082;
	s9 =	sld [smem:$0x3FB4]  }
0x2f: {  	lr =	sadd.s32 s0, s3;
	s0 =	sld [smem:$0x3FAB]  }
0x30: {  	s3 =	sld [smem:$0x3FAE]  }
0x31: {  	[smem:$0x3FB7] =	sst s10  }
0x32: {  	s10 =	sld [smem:$0x3FB5];
	_ =	sdelay $0x3  }
0x33: {  	p0 =	seq.s32 s10, $0x1;
	s10 =	sld [smem:$0x3FB7];
	_ =	sdelay $0x3  }
0x34: {  	[smem:$0x3FB7] =	sst s10  }
0x35: {  	s10 =	sld [smem:$0x3FB6];
	_ =	sdelay $0x3  }
0x36: {  	p1 =	seq.s32 s10, $0x1;
	s10 =	sld [smem:$0x3FB7];
	_ =	sdelay $0x3  }
0x37: {  	[smem:$0x3FB7] =	sst s10  }
0x38: {  	s10 =	sld [smem:$0x3FB8]  }
0x39: {  	_ = 	snop;
	(pc) =	sbr.ind lr, $3  }
0x3a: {  	_ = 	snop  }
0x3b: {  	_ = 	snop  }
0x3c: {  	p2 =	seq.s32 s10, $0x1;
	s10 =	sld [smem:$0x3FB7]  }
0x3d: {  	_ =	shalt  }
0x3e: {  	_ =	shalt  }
0x3f: {  	_ =	shalt  }
0x40: {  	_ =	shalt  }
0x41: {  	_ =	shalt  }
0x42: {  	_ =	shalt  }
0x43: {  	_ =	shalt  }
0x44: {  	_ =	shalt  }
0x45: {  	_ =	shalt  }
0x46: {  	_ =	shalt  }
0x47: {  	_ =	shalt  }
0x48: {  	_ =	shalt  }
0x49: {  	_ =	shalt  }
0x4a: {  	_ =	shalt  }
0x4b: {  	_ =	shalt  }
0x4c: {  	_ =	shalt  }
0x4d: {  	_ =	shalt  }
0x4e: {  	_ =	shalt  }
0x4f: {  	_ =	shalt  }
0x50: {  	_ =	shalt  }
0x51: {  	_ =	shalt  }
0x52: {  	_ =	shalt  }
0x53: {  	_ =	shalt  }
0x54: {  	_ =	shalt  }
0x55: {  	_ =	shalt  }
0x56: {  	_ =	shalt  }
0x57: {  	_ =	shalt  }
0x58: {  	_ =	shalt  }
0x59: {  	_ =	shalt  }
0x5a: {  	_ =	shalt  }
0x5b: {  	_ =	shalt  }
0x5c: {  	_ =	shalt  }
0x5d: {  	_ =	shalt  }
0x5e: {  	_ =	shalt  }
0x5f: {  	_ =	shalt  }
0x60: {  	_ =	shalt  }
0x61: {  	_ =	shalt  }
0x62: {  	_ =	shalt  }
0x63: {  	_ =	shalt  }
0x64: {  	_ =	shalt  }
0x65: {  	_ =	shalt  }
0x66: {  	_ =	shalt  }
0x67: {  	_ =	shalt  }
0x68: {  	_ =	shalt  }
0x69: {  	_ =	shalt  }
0x6a: {  	_ =	shalt  }
0x6b: {  	_ =	shalt  }
0x6c: {  	_ =	shalt  }
0x6d: {  	_ =	shalt  }
0x6e: {  	_ =	shalt  }
0x6f: {  	_ =	shalt  }
0x70: {  	_ =	shalt  }
0x71: {  	_ =	shalt  }
0x72: {  	_ =	shalt  }
0x73: {  	_ =	shalt  }
0x74: {  	_ =	shalt  }
0x75: {  	_ =	shalt  }
0x76: {  	_ =	shalt  }
0x77: {  	_ =	shalt  }
0x78: {  	_ =	shalt  }
0x79: {  	_ =	shalt  }
0x7a: {  	_ =	shalt  }
0x7b: {  	_ =	shalt  }
0x7c: {  	_ =	shalt  }
0x7d: {  	_ =	shalt  }
0x7e: {  	_ =	shalt  }
0x7f: {  	_ =	shalt  }
0x80: {  	_ =	shalt  }
0x81: {  	_ =	shalt  }
0x82: {  	_ =	shalt  }
0x83: {  	_ =	shalt  }
0x84: {  	_ =	shalt  }
0x85: {  	_ =	shalt  }
0x86: {  	_ =	shalt  }
0x87: {  	_ =	shalt  }
.Lfunc_end0:
.L_simem_size_0:
called_computation_lowered:
.L_overlay_start_0:
0x88: {  	s2 =	sld [smem:$0x3FD9]  }
0x89: {  	s3 =	sld [smem:$0x3FFE];
	_ =	sdelay $0x1  }
0x8a: {  	s1 =	srdreg.scid  }
0x8b: {  	s0 =	sand.u32 $0x1, s1  }
0x8c: {  	s17 =	sshll.u32 s0, $0xA;
	s2 =	sadd.s32 s3, s2  }
0x8d: {  	s2 =	sadd.s32 s2, s17  }
0x8e: {  	[smem:$0x3FC3] =	sst s2  }
0x8f: {  	_ = 	snop  }
0x90: {  	s2 =	sld [smem:$0x3FD0];
	(tm) =	ssettm $0x1  }
0x91: {  	s18 =	sld [smem:$0x3FFB];
	_ =	sdelay $0x3  }
0x92: {  	_ =	strace s18  }
0x93: {  	s3 =	sld [smem:$0x3FFC];
	_ =	sdelay $0x3  }
0x94: {  	_ =	strace s3  }
0x95: {  	s3 =	sld [smem:$0x3FFD];
	_ =	sdelay $0x3  }
0x96: {  	_ =	strace s3  }
0x97: {  	_ =	strace $0x8FFFFFFF  }
0x98: {  	s19 =	sld [smem:$0x3FDB];
	_ =	sdelay $0x1  }
0x99: {  	s4 =	simm.s32 $_scs_section_size  }
0x9a: {  	s5 =	simm.s32 $_size__tile_overlayer_lowered;
	s6 =	simm.s32 $_tile_overlayer_lowered  }
0x9b: {  	s22 =	simm.s32 $0x1BFF;
	s21 =	sshll.u32 s6, $0x1;
	s3 =	sadd.s32 s4, s19  }
0x9c: {  	s7 =	simm.s32 $0x0;
	s20 =	sshll.u32 s5, $0x1;
	s5 =	sadd.s32 s21, s3  }
0x9d: {  	[timem:s7], [sflag:s22] =	dma.local [hbm:s5], s20  }
0x9e: {  	_ =	swait.ge [sflag:s22], s20  }
0x9f: {  	s4 =	ssub.s32 $0x0, s20;
	[sflag:s22] =	ssyncset.done $0x0  }
0xa0: {  	[sflag:s22] =	ssyncadd.s32 s4;
	_ =	sdelay $0x1  }
0xa1: {  	s23 =	simm.s32 $0x1B8B  }
0xa2: {  	_ =	swait.ge [sflag:s23], $0x1  }
0xa3: {  	[sflag:s23] =	ssyncset.done $0x0  }
0xa4: {  	s25 =	simm.s32 $0x1B8E;
	s24 =	sld [smem:$0x3FFE];
	[sflag:s23] =	ssyncadd.s32 $0xFFFFFFFF  }
0xa5: {  	s26 =	simm.s32 $execute0_lowered;
	[smem:$0x3FD2] =	sst s25  }
0xa6: {  	s5 =	sshll.u32 s26, $0x1;
	_ =	strace $0x80000046;
	[dreg:$0x1] =	wrdreg $0xFFFFFFFF  }
0xa7: {  	s28 =	simm.s32 $_size_execute0_lowered;
	s3 =	sadd.s32 s3, s5;
	[dreg:$0x0] =	wrdreg $0x0  }
0xa8: {  	s5 =	sshll.u32 s28, $0x1;
	[dreg:$0x2] =	wrdreg s3  }
0xa9: {  	[dreg:$0x3] =	wrdreg s5  }
0xaa: {  	[dreg:$0x4] =	wrdreg $0xC0  }
0xab: {  	_ =	task [dreg:s7], $0x5FFFF  }
0xac: {  	[dreg:$0x1] =	wrdreg $0xFFFFFFFF  }
0xad: {  	[dreg:$0x0] =	wrdreg $0x60  }
0xae: {  	[dreg:$0x2] =	wrdreg s2  }
0xaf: {  	[dreg:$0x3] =	wrdreg s24  }
0xb0: {  	[dreg:$0x4] =	wrdreg $0x9  }
0xb1: {  	_ =	task.clear_ibuf [dreg:s7], $0x5FFFF;
	_ =	strace $0x90000046  }
0xb2: {  	s29 =	simm.s32 $0x9;
	_ =	strace $0x80000048  }
0xb3: {  	_ =	swait.ge [sflag:s29], $0x1  }
0xb4: {  	[sflag:s29] =	ssyncadd.s32 $0xFFFFFFFF  }
0xb5: {  	_ =	strace $0x90000048  }
0xb6: {  	_ =	sfence  }
0xb7: {  	s30 =	sld [smem:$0x0];
	_ =	sdelay $0x2  }
0xb8: {  	s31 =	sshll.u32 s1, $0xD;
	s1 =	sshrl.u32 s1, $0x2  }
0xb9: {  	s3 =	sand.u32 $0x4000, s31;
	s1 =	sadd.s32 s1, s30  }
0xba: {  	s0 =	sor.u32 s3, s0;
	s1 =	sshll.u32 s1, $0x11  }
0xbb: {  	s0 =	sor.u32 s1, s0  }
0xbc: {  	s0 =	sadd.s32 $0x8F2B, s0  }
0xbd: {  	[sflag:s0] =	ssyncadd.remote.s32 $0x1  }
0xbe: {  	_ =	sfence.sel $0xFFFF  }
0xbf: {  	[dreg:$0x0] =	wrdreg $0xFFFFFFFF;
	(pc) =	sbr.abs _section_cstart, $3  }
0xc0: {  	[dreg:$0x1] =	wrdreg $0xFFFFFFFF  }
0xc1: {  	_ =	task.clear_ibuf [dreg:s7], $0x2FFFF;
	_ =	strace $0x9FFFFFFF  }
0xc2: {  	(tm) =	ssettm $0x7FFFFFFF  }
0xc3: {  	_ =	shalt  }
tec
execute0_lowered:
.L_overlay_start_1:
0x0: {  	(tag) =	ssettag $0x1  }
0x1: {  	s0 =	rddreg [dreg:$0x0]  }
0x2: {  	s1 =	rddreg [dreg:$0x1]  }
0x3: {  	s3 =	srdreg.scid;
	s4 =	stileid.u32  }
0x4: {  	s2 =	simm.s32 $0x0;
	s10 =	simm.s32 $0x1;
	s12 =	simm.s32 $0x19000  }
0x5: {  	s13 =	simm.s32 $0x0;
	s3 =	sand.u32 $0x1, s3;
	s4 =	sshll.u32 s4, $0x1  }
0x6: {  	[smem:$0x7FF] =	sst s2;
	s5 =	ssub.s32 $0x2, s3;
	s6 =	sor.u32 s3, s4  }
0x7: {  	_ =	strace $0x80000047;
	s30 =	sshrl.u32 s5, $0x1;
	s7 =	sshll.u32 s6, $0xE  }
0x8: {  	s3 =	sadd.s32 $0x81000, s1;
	s31 =	ssub.s32 s5, s30;
	s4 =	sadd.s32 s0, s7  }
0x9: {  	s6 =	smul.u32 $0x18000, s6;
	s5 =	sadd.s32 $0x30, s4;
	s7 =	smax.u32 s31, $0x1  }
.LBB2_1:
0xa: {  	s0 =	simm.s32 $0x180;
	s1 =	simm.s32 $0x200  }
0xb: {  	[tilespmem:s2], [sflag:$0x1] =	stream.strided.gather [hbm4b:s4+s0], $0x18000, s1, s0, $0x38;
	[tilespmem:$0x1F000] =	vst v63  }
0xc: {  	_ =	swait.ge [sflag:s10], $0x18000  }
0xd: {  	[sflag:s10] =	ssyncset.done $0x0  }
0xe: {  	s14 =	simm.s32 $0x18000;
	s31 =	simm.s32 $0x10;
	[sflag:s10] =	ssyncadd.s32 $0xFFFE8000  }
0xf: {  	[tilespmem:s14], [sflag:$0x1] =	stream.strided.gather [hbm4b:s5+s31], $0x1000, s1, s31, $0x38;
	[tilespmem:$0x1F000] =	vst v63  }
0x10: {  	_ =	swait.ge [sflag:s10], $0x1000  }
0x11: {  	[sflag:s10] =	ssyncset.done $0x0  }
0x12: {  	s15 =	simm.s32 $0x0;
	s16 =	simm.s32 $0x0;
	[sflag:s10] =	ssyncadd.s32 $0xFFFFF000  }
.LBB2_2:
0x13: {  	s17 =	simm.s32 $0x0;
	v63 =	vmov s15;
	s18 =	smov.u32 s14  }
.LBB2_3:
0x14: {  	v1 =	vld [tilespmem:s18+$0x0];
	_ =	sdelay $0x4  }
0x15: {  	v1 =	vtrunc.f32 v1  }
0x16: {  	v1 =	vcvt.f32.s32 v1;
	_ =	sdelay $0x1  }
0x17: {  	v1 =	vmul.u32 $0x600, v1;
	_ =	sdelay $0x1  }
0x18: {  	v2 =	vshra.s32 v1, $0x2  }
0x19: {  	(v2sf) =	vpush v2, $0x0;
	_ =	sdelay $0x2  }
0x1a: {  	s19 =	sshra.s32 s17, $0x2  }
0x1b: {  	v58 =	vld.idx.msk [tilespmem:v63+s19+$0x0 ss:$0x1], $0xffff  }
0x1c: {  	v14 =	vld.idx.msk [tilespmem:v63+s19+$0x10 ss:$0x1], $0xffff  }
0x1d: {  	v17 =	vld.idx.msk [tilespmem:v63+s19+$0x20 ss:$0x1], $0xffff  }
0x1e: {  	v18 =	vld.idx.msk [tilespmem:v63+s19+$0x30 ss:$0x1], $0xffff  }
0x1f: {  	v19 =	vld.idx.msk [tilespmem:v63+s19+$0x40 ss:$0x1], $0xffff  }
0x20: {  	v23 =	vld.idx.msk [tilespmem:v63+s19+$0x50 ss:$0x1], $0xffff  }
0x21: {  	v24 =	vld.idx.msk [tilespmem:v63+s19+$0x60 ss:$0x1], $0xffff  }
0x22: {  	v27 =	vld.idx.msk [tilespmem:v63+s19+$0x70 ss:$0x1], $0xffff  }
0x23: {  	v30 =	vld.idx.msk [tilespmem:v63+s19+$0x80 ss:$0x1], $0xffff;
	(v2sf) =	vpush v2, $0x1  }
0x24: {  	v32 =	vld.idx.msk [tilespmem:v63+s19+$0x90 ss:$0x1], $0xffff  }
0x25: {  	v34 =	vld.idx.msk [tilespmem:v63+s19+$0xA0 ss:$0x1], $0xffff  }
0x26: {  	v40 =	vld.idx.msk [tilespmem:v63+s19+$0xB0 ss:$0x1], $0xffff;
	s24 =	spop (v2sf)  }
0x27: {  	v35 =	vld [tilespmem:s24+$0x0]  }
0x28: {  	v5 =	vld [tilespmem:s24+$0x10]  }
0x29: {  	v6 =	vld [tilespmem:s24+$0x20]  }
0x2a: {  	v7 =	vld [tilespmem:s24+$0x30]  }
0x2b: {  	v8 =	vld [tilespmem:s24+$0x40]  }
0x2c: {  	v9 =	vld [tilespmem:s24+$0x50]  }
0x2d: {  	v10 =	vld [tilespmem:s24+$0x60]  }
0x2e: {  	v12 =	vld [tilespmem:s24+$0x70]  }
0x2f: {  	(v2sf) =	vpush v2, $0x2;
	v13 =	vld [tilespmem:s24+$0x80]  }
0x30: {  	v15 =	vld [tilespmem:s24+$0x90]  }
0x31: {  	v16 =	vld [tilespmem:s24+$0xA0]  }
0x32: {  	v21 =	vld [tilespmem:s24+$0xB0];
	s25 =	spop (v2sf)  }
0x33: {  	v22 =	vld [tilespmem:s25+$0x0]  }
0x34: {  	v26 =	vld [tilespmem:s25+$0x10]  }
0x35: {  	v28 =	vld [tilespmem:s25+$0x20]  }
0x36: {  	v29 =	vld [tilespmem:s25+$0x30]  }
0x37: {  	v33 =	vld [tilespmem:s25+$0x40]  }
0x38: {  	v36 =	vld [tilespmem:s25+$0x50]  }
0x39: {  	v37 =	vld [tilespmem:s25+$0x60]  }
0x3a: {  	v38 =	vld [tilespmem:s25+$0x70]  }
0x3b: {  	(v2sf) =	vpush v2, $0x3;
	v41 =	vld [tilespmem:s25+$0x80]  }
0x3c: {  	v42 =	vld [tilespmem:s25+$0x90]  }
0x3d: {  	v46 =	vld [tilespmem:s25+$0xA0]  }
0x3e: {  	v53 =	vld [tilespmem:s25+$0xB0];
	s26 =	spop (v2sf)  }
0x3f: {  	v43 =	vld [tilespmem:s26+$0x0]  }
0x40: {  	v45 =	vld [tilespmem:s26+$0x10]  }
0x41: {  	v48 =	vld [tilespmem:s26+$0x20]  }
0x42: {  	v49 =	vld [tilespmem:s26+$0x30]  }
0x43: {  	v50 =	vld [tilespmem:s26+$0x40]  }
0x44: {  	v52 =	vld [tilespmem:s26+$0x50]  }
0x45: {  	v55 =	vld [tilespmem:s26+$0x60]  }
0x46: {  	v61 =	vld [tilespmem:s26+$0x70]  }
0x47: {  	(v2sf) =	vpush v2, $0x4;
	v57 =	vld [tilespmem:s26+$0x80]  }
0x48: {  	v59 =	vld [tilespmem:s26+$0x90]  }
0x49: {  	v60 =	vld [tilespmem:s26+$0xA0]  }
0x4a: {  	v0 =	vld [tilespmem:s26+$0xB0];
	s28 =	spop (v2sf)  }
0x4b: {  	v47 =	vld [tilespmem:s28+$0x0]  }
0x4c: {  	v51 =	vld [tilespmem:s28+$0x10]  }
0x4d: {  	v54 =	vld [tilespmem:s28+$0x20]  }
0x4e: {  	v56 =	vld [tilespmem:s28+$0x30]  }
0x4f: {  	v62 =	vld [tilespmem:s28+$0x40]  }
0x50: {  	v4 =	vld [tilespmem:s28+$0x50]  }
0x51: {  	v11 =	vld [tilespmem:s28+$0x60]  }
0x52: {  	v20 =	vld [tilespmem:s28+$0x70]  }
0x53: {  	(v2sf) =	vpush v2, $0x5;
	v25 =	vld [tilespmem:s28+$0x80]  }
0x54: {  	v31 =	vld [tilespmem:s28+$0x90]  }
0x55: {  	v39 =	vld [tilespmem:s28+$0xA0]  }
0x56: {  	v44 =	vld [tilespmem:s28+$0xB0];
	s29 =	spop (v2sf)  }
0x57: {  	[tilespmem:$0x1F1E0] =	vst v47;
	v47 =	vld [tilespmem:s29+$0x0]  }
0x58: {  	[tilespmem:$0x1F1F0] =	vst v51;
	v51 =	vld [tilespmem:s29+$0x10]  }
0x59: {  	[tilespmem:$0x1F200] =	vst v54;
	v54 =	vld [tilespmem:s29+$0x20]  }
0x5a: {  	[tilespmem:$0x1F210] =	vst v56;
	v56 =	vld [tilespmem:s29+$0x30]  }
0x5b: {  	[tilespmem:$0x1F220] =	vst v62;
	v62 =	vld [tilespmem:s29+$0x40]  }
0x5c: {  	[tilespmem:$0x1F230] =	vst v4;
	v4 =	vld [tilespmem:s29+$0x50]  }
0x5d: {  	[tilespmem:$0x1F240] =	vst v11;
	v11 =	vld [tilespmem:s29+$0x60]  }
0x5e: {  	[tilespmem:$0x1F250] =	vst v20;
	v20 =	vld [tilespmem:s29+$0x70]  }
0x5f: {  	[tilespmem:$0x1F270] =	vst v25;
	(v2sf) =	vpush v2, $0x6;
	v25 =	vld [tilespmem:s29+$0x80]  }
0x60: {  	[tilespmem:$0x1F290] =	vst v31;
	v31 =	vld [tilespmem:s29+$0x90]  }
0x61: {  	[tilespmem:$0x1F560] =	vst v39;
	v39 =	vld [tilespmem:s29+$0xA0]  }
0x62: {  	[tilespmem:$0x1F610] =	vst v44;
	s30 =	spop (v2sf);
	v44 =	vld [tilespmem:s29+$0xB0]  }
0x63: {  	[tilespmem:$0x1F260] =	vst v47;
	v47 =	vld [tilespmem:s30+$0x0]  }
0x64: {  	[tilespmem:$0x1F2A0] =	vst v51;
	v51 =	vld [tilespmem:s30+$0x10]  }
0x65: {  	[tilespmem:$0x1F2E0] =	vst v54;
	v54 =	vld [tilespmem:s30+$0x20]  }
0x66: {  	[tilespmem:$0x1F330] =	vst v56;
	v56 =	vld [tilespmem:s30+$0x30]  }
0x67: {  	[tilespmem:$0x1F3B0] =	vst v62;
	v62 =	vld [tilespmem:s30+$0x40]  }
0x68: {  	[tilespmem:$0x1F440] =	vst v4;
	v4 =	vld [tilespmem:s30+$0x50]  }
0x69: {  	[tilespmem:$0x1F4D0] =	vst v11;
	v11 =	vld [tilespmem:s30+$0x60]  }
0x6a: {  	[tilespmem:$0x1F590] =	vst v20;
	v20 =	vld [tilespmem:s30+$0x70]  }
0x6b: {  	(v2sf) =	vpush v2, $0x7;
	[tilespmem:$0x1F640] =	vst v25;
	v25 =	vld [tilespmem:s30+$0x80]  }
0x6c: {  	[tilespmem:$0x1F6B0] =	vst v31;
	v31 =	vld [tilespmem:s30+$0x90]  }
0x6d: {  	[tilespmem:$0x1F750] =	vst v39;
	v39 =	vld [tilespmem:s30+$0xA0]  }
0x6e: {  	[tilespmem:$0x1F7F0] =	vst v44;
	v44 =	vld [tilespmem:s30+$0xB0];
	s31 =	spop (v2sf)  }
0x6f: {  	[tilespmem:$0x1F2B0] =	vst v51;
	v51 =	vld [tilespmem:s31+$0x0]  }
0x70: {  	[tilespmem:$0x1F280] =	vst v47;
	v47 =	vld [tilespmem:s31+$0x10]  }
0x71: {  	[tilespmem:$0x1F300] =	vst v54;
	v54 =	vld [tilespmem:s31+$0x20]  }
0x72: {  	[tilespmem:$0x1F370] =	vst v56;
	v56 =	vld [tilespmem:s31+$0x30]  }
0x73: {  	[tilespmem:$0x1F3F0] =	vst v62;
	v62 =	vld [tilespmem:s31+$0x40]  }
0x74: {  	[tilespmem:$0x1F480] =	vst v4;
	v4 =	vld [tilespmem:s31+$0x50]  }
0x75: {  	[tilespmem:$0x1F510] =	vst v11;
	v11 =	vld [tilespmem:s31+$0x60]  }
0x76: {  	[tilespmem:$0x1F830] =	vst v44;
	v44 =	vld [tilespmem:s31+$0xB0]  }
0x77: {  	[tilespmem:$0x1F5C0] =	vst v20;
	(v2sf) =	vpush v2, $0x8;
	v20 =	vld [tilespmem:s31+$0x70]  }
0x78: {  	[tilespmem:$0x1F660] =	vst v25;
	v25 =	vld [tilespmem:s31+$0x80]  }
0x79: {  	[tilespmem:$0x1F6F0] =	vst v31;
	v31 =	vld [tilespmem:s31+$0x90]  }
0x7a: {  	[tilespmem:$0x1F790] =	vst v39;
	v39 =	vld [tilespmem:s31+$0xA0];
	s0 =	spop (v2sf)  }
0x7b: {  	[tilespmem:$0x1F860] =	vst v44;
	v44 =	vld [tilespmem:s0+$0x0]  }
0x7c: {  	[tilespmem:$0x1F2C0] =	vst v47;
	v47 =	vld [tilespmem:s0+$0x10]  }
0x7d: {  	[tilespmem:$0x1F310] =	vst v54;
	v54 =	vld [tilespmem:s0+$0x20]  }
0x7e: {  	[tilespmem:$0x1F390] =	vst v56;
	v56 =	vld [tilespmem:s0+$0x30]  }
0x7f: {  	[tilespmem:$0x1F420] =	vst v62;
	v62 =	vld [tilespmem:s0+$0x40]  }
0x80: {  	[tilespmem:$0x1F4B0] =	vst v4;
	v4 =	vld [tilespmem:s0+$0x50]  }
0x81: {  	[tilespmem:$0x1F540] =	vst v11;
	v11 =	vld [tilespmem:s0+$0x60]  }
0x82: {  	[tilespmem:$0x1F720] =	vst v31;
	v31 =	vld [tilespmem:s0+$0x90]  }
0x83: {  	(v2sf) =	vpush v2, $0x9;
	[tilespmem:$0x1F5F0] =	vst v20;
	v20 =	vld [tilespmem:s0+$0x70]  }
0x84: {  	[tilespmem:$0x1F690] =	vst v25;
	v25 =	vld [tilespmem:s0+$0x80]  }
0x85: {  	[tilespmem:$0x1F7C0] =	vst v39;
	v39 =	vld [tilespmem:s0+$0xA0]  }
0x86: {  	[tilespmem:$0x1F2D0] =	vst v47;
	v47 =	vld [tilespmem:s0+$0xB0];
	s1 =	spop (v2sf)  }
0x87: {  	[tilespmem:$0x1F740] =	vst v31;
	v31 =	vld [tilespmem:s1+$0x0]  }
0x88: {  	[tilespmem:$0x1F320] =	vst v54;
	v54 =	vld [tilespmem:s1+$0x10]  }
0x89: {  	[tilespmem:$0x1F3A0] =	vst v56;
	v56 =	vld [tilespmem:s1+$0x20]  }
0x8a: {  	[tilespmem:$0x1F430] =	vst v62;
	v62 =	vld [tilespmem:s1+$0x30]  }
0x8b: {  	[tilespmem:$0x1F4C0] =	vst v4;
	v4 =	vld [tilespmem:s1+$0x40]  }
0x8c: {  	[tilespmem:$0x1F550] =	vst v11;
	v11 =	vld [tilespmem:s1+$0x50]  }
0x8d: {  	[tilespmem:$0x1F600] =	vst v20;
	v20 =	vld [tilespmem:s1+$0x60]  }
0x8e: {  	[tilespmem:$0x1F6A0] =	vst v25;
	v25 =	vld [tilespmem:s1+$0x70]  }
0x8f: {  	[tilespmem:$0x1F7E0] =	vst v39;
	(v2sf) =	vpush v2, $0xA;
	v39 =	vld [tilespmem:s1+$0x80]  }
0x90: {  	[tilespmem:$0x1F880] =	vst v47;
	v47 =	vld [tilespmem:s1+$0x90]  }
0x91: {  	[tilespmem:$0x1F2F0] =	vst v54;
	v54 =	vld [tilespmem:s1+$0xA0]  }
0x92: {  	s8 =	spop (v2sf);
	[tilespmem:$0x1F340] =	vst v56;
	v56 =	vld [tilespmem:s1+$0xB0]  }
0x93: {  	[tilespmem:$0x1F580] =	vst v20;
	v20 =	vld [tilespmem:s8+$0x0]  }
0x94: {  	[tilespmem:$0x1F3C0] =	vst v62;
	v62 =	vld [tilespmem:s8+$0x20]  }
0x95: {  	[tilespmem:$0x1F4E0] =	vst v11;
	v11 =	vld [tilespmem:s8+$0x40]  }
0x96: {  	(v2sf) =	vpush v2, $0xB;
	[tilespmem:$0x1F450] =	vst v4;
	v4 =	vld [tilespmem:s8+$0x30]  }
0x97: {  	[tilespmem:$0x1F620] =	vst v25;
	v25 =	vld [tilespmem:s8+$0x50]  }
0x98: {  	[tilespmem:$0x1F6C0] =	vst v39;
	v39 =	vld [tilespmem:s8+$0x60]  }
0x99: {  	[tilespmem:$0x1F760] =	vst v47;
	v47 =	vld [tilespmem:s8+$0x70]  }
0x9a: {  	[tilespmem:$0x1F460] =	vst v11;
	v11 =	vld [tilespmem:s8+$0xB0]  }
0x9b: {  	[tilespmem:$0x1F890] =	vst v56;
	v56 =	vld [tilespmem:s8+$0x10]  }
0x9c: {  	[tilespmem:$0x1F800] =	vst v54;
	v54 =	vld [tilespmem:s8+$0x80]  }
0x9d: {  	[tilespmem:$0x1F350] =	vst v62;
	v62 =	vld [tilespmem:s8+$0x90]  }
0x9e: {  	[tilespmem:$0x1F3D0] =	vst v4;
	v4 =	vld [tilespmem:s8+$0xA0];
	s11 =	spop (v2sf)  }
0x9f: {  	[tilespmem:$0x1F8A0] =	vst v11;
	v11 =	vld [tilespmem:s11+$0x0]  }
0xa0: {  	[tilespmem:$0x1F630] =	vst v47;
	v47 =	vld [tilespmem:s11+$0x10]  }
0xa1: {  	[tilespmem:$0x1F4F0] =	vst v25;
	v25 =	vld [tilespmem:s11+$0x20]  }
0xa2: {  	[tilespmem:$0x1F5A0] =	vst v39;
	v39 =	vld [tilespmem:s11+$0x30]  }
0xa3: {  	[tilespmem:$0x1F6D0] =	vst v54;
	v54 =	vld [tilespmem:s11+$0x40]  }
0xa4: {  	[tilespmem:$0x1F770] =	vst v62;
	v62 =	vld [tilespmem:s11+$0x50]  }
0xa5: {  	(v2sf) =	vpush v2, $0xC;
	[tilespmem:$0x1F810] =	vst v4;
	v4 =	vld [tilespmem:s11+$0x60];
	s9 =	spop (v2sf)  }
0xa6: {  	v3 =	vld [tilespmem:s9+$0x0]  }
0xa7: {  	(v2sf) =	vpush v2, $0xD;
	[tilespmem:$0x1F360] =	vst v25;
	v25 =	vld [tilespmem:s11+$0x70]  }
0xa8: {  	[tilespmem:$0x1F470] =	vst v54;
	v54 =	vld [tilespmem:s11+$0x90]  }
0xa9: {  	[tilespmem:$0x1F500] =	vst v62;
	v62 =	vld [tilespmem:s11+$0xA0]  }
0xaa: {  	[tilespmem:$0x1F5B0] =	vst v4;
	v4 =	vld [tilespmem:s11+$0xB0]  }
0xab: {  	[tilespmem:$0x1F3E0] =	vst v39;
	v39 =	vld [tilespmem:s11+$0x80]  }
0xac: {  	[tilespmem:$0x1F650] =	vst v25;
	v25 =	vld [tilespmem:s9+$0x20]  }
0xad: {  	[tilespmem:$0x1F780] =	vst v54;
	v54 =	vld [tilespmem:s9+$0x30]  }
0xae: {  	[tilespmem:$0x1F820] =	vst v62;
	v62 =	vld [tilespmem:s9+$0x40]  }
0xaf: {  	[tilespmem:$0x1F8B0] =	vst v4;
	v4 =	vld [tilespmem:s9+$0x50]  }
0xb0: {  	[tilespmem:$0x1F6E0] =	vst v39;
	v39 =	vld [tilespmem:s9+$0x10]  }
0xb1: {  	[tilespmem:$0x1F380] =	vst v25;
	v25 =	vld [tilespmem:s9+$0x60]  }
0xb2: {  	[tilespmem:$0x1F400] =	vst v54;
	v54 =	vld [tilespmem:s9+$0x70]  }
0xb3: {  	[tilespmem:$0x1F490] =	vst v62;
	v62 =	vld [tilespmem:s9+$0x80]  }
0xb4: {  	v1 =	vmax.f32 v14, v5;
	v5 =	vmin.f32 v14, v5;
	v14 =	vmax.f32 v17, v6;
	s23 =	spop (v2sf);
	[tilespmem:$0x1F520] =	vst v4;
	v4 =	vld [tilespmem:s9+$0x90]  }
0xb5: {  	v6 =	vmin.f32 v17, v6;
	v17 =	vmax.f32 v18, v7;
	v7 =	vmin.f32 v18, v7;
	v18 =	vld [tilespmem:s23+$0x40]  }
0xb6: {  	[tilespmem:$0x1F1D0] =	vst v0;
	v0 =	vmax.f32 v40, v21;
	v21 =	vmin.f32 v40, v21;
	s20 =	spop (v2sf);
	v40 =	vld [tilespmem:s23+$0xB0]  }
0xb7: {  	v1 =	vmax.f32 v1, v26;
	v5 =	vmin.f32 v5, v26;
	v26 =	vld [tilespmem:s20+$0x0]  }
0xb8: {  	v14 =	vmax.f32 v14, v28;
	v17 =	vmax.f32 v17, v29;
	v7 =	vmin.f32 v7, v29;
	v29 =	vld [tilespmem:s20+$0x30]  }
0xb9: {  	v6 =	vmin.f32 v6, v28;
	v0 =	vmax.f32 v0, v53;
	v21 =	vmin.f32 v21, v53;
	v53 =	vld [tilespmem:s20+$0x70]  }
0xba: {  	v1 =	vmax.f32 v1, v45;
	v5 =	vmin.f32 v5, v45;
	(v2sf) =	vpush v2, $0xE;
	v45 =	vld [tilespmem:s20+$0x80]  }
0xbb: {  	v6 =	vmin.f32 v6, v48;
	(v2sf) =	vpush v2, $0xF;
	v2 =	vmax.f32 v14, v48;
	v48 =	vld [tilespmem:s20+$0x90];
	[tilespmem:$0x1F5D0] =	vst v25  }
0xbc: {  	[tilespmem:$0x1F670] =	vst v54;
	v25 =	vld [tilespmem:s9+$0xA0]  }
0xbd: {  	[tilespmem:$0x1F700] =	vst v62;
	v54 =	vld [tilespmem:s9+$0xB0]  }
0xbe: {  	[tilespmem:$0x1F7A0] =	vst v4;
	v4 =	vld [tilespmem:s23+$0x0]  }
0xbf: {  	v62 =	vld [tilespmem:s23+$0x30];
	[tilespmem:$0x1F4A0] =	vst v18;
	v18 =	vmax.f32 v19, v8;
	v8 =	vmin.f32 v19, v8;
	v19 =	vmax.f32 v23, v9  }
0xc0: {  	v9 =	vmin.f32 v23, v9;
	v23 =	vmax.f32 v24, v10;
	v10 =	vmin.f32 v24, v10;
	v24 =	vld [tilespmem:s23+$0x60]  }
0xc1: {  	[tilespmem:$0x1F8D0] =	vst v40;
	v40 =	vld [tilespmem:s20+$0x10]  }
0xc2: {  	v14 =	vmax.f32 v17, v49;
	v19 =	vmax.f32 v19, v36;
	v9 =	vmin.f32 v9, v36;
	v36 =	vld [tilespmem:s20+$0x40]  }
0xc3: {  	v18 =	vmax.f32 v18, v33;
	v8 =	vmin.f32 v8, v33;
	v28 =	vmax.f32 v23, v37;
	v23 =	vld [tilespmem:s20+$0x50]  }
0xc4: {  	v10 =	vmin.f32 v10, v37;
	v17 =	vmax.f32 v18, v50;
	v8 =	vmin.f32 v8, v50;
	v50 =	vld [tilespmem:$0x1F1E0]  }
0xc5: {  	v28 =	vmax.f32 v28, v55;
	v10 =	vmin.f32 v10, v55;
	v55 =	vld [tilespmem:$0x1F200];
	[tilespmem:$0x1F840] =	vst v25  }
0xc6: {  	[tilespmem:$0x1F8C0] =	vst v54;
	v25 =	vld [tilespmem:s23+$0x10]  }
0xc7: {  	v54 =	vld [tilespmem:s23+$0x20];
	[tilespmem:$0x1F5E0] =	vst v24;
	v24 =	vmax.f32 v27, v12;
	v12 =	vmin.f32 v27, v12  }
0xc8: {  	[tilespmem:$0x1F410] =	vst v62;
	v62 =	vld [tilespmem:s23+$0x50];
	v27 =	vmax.f32 v30, v13;
	v30 =	vmin.f32 v30, v13;
	v13 =	vmax.f32 v32, v15  }
0xc9: {  	v15 =	vmin.f32 v32, v15;
	v32 =	vmax.f32 v34, v16;
	v16 =	vmin.f32 v34, v16;
	v34 =	vld [tilespmem:s23+$0x90]  }
0xca: {  	v37 =	vmax.f32 v19, v52;
	v32 =	vmax.f32 v32, v46;
	v16 =	vmin.f32 v16, v46;
	v46 =	vld [tilespmem:s20+$0x60]  }
0xcb: {  	v24 =	vmax.f32 v24, v38;
	v12 =	vmin.f32 v12, v38;
	v38 =	vmin.f32 v9, v52;
	v52 =	vld [tilespmem:$0x1F1F0]  }
0xcc: {  	v27 =	vmax.f32 v27, v41;
	v30 =	vmin.f32 v30, v41;
	v15 =	vmin.f32 v15, v42;
	v9 =	vld [tilespmem:$0x1F220]  }
0xcd: {  	v41 =	vmax.f32 v24, v61;
	v12 =	vmin.f32 v12, v61;
	v61 =	vmax.f32 v32, v60;
	v32 =	vld [tilespmem:$0x1F1D0]  }
0xce: {  	v7 =	vmin.f32 v7, v49;
	v49 =	vmin.f32 v15, v59;
	v15 =	vld [tilespmem:$0x1F240]  }
0xcf: {  	s21 =	spop (v2sf);
	[tilespmem:$0x1F530] =	vst v62;
	v62 =	vld [tilespmem:s23+$0x70]  }
0xd0: {  	[tilespmem:$0x1F730] =	vst v45;
	v13 =	vmax.f32 v13, v42;
	v42 =	vld [tilespmem:s21+$0x0]  }
0xd1: {  	[tilespmem:$0x1F7D0] =	vst v48;
	v45 =	vmin.f32 v30, v57;
	v30 =	vmin.f32 v16, v60;
	v48 =	vld [tilespmem:s21+$0x10]  }
0xd2: {  	[tilespmem:$0x1F570] =	vst v30;
	v30 =	vld [tilespmem:s21+$0x30]  }
0xd3: {  	v19 =	vld [tilespmem:s21+$0x40]  }
0xd4: {  	[tilespmem:$0x1F7B0] =	vst v34;
	v34 =	vmax.f32 v58, v35;
	v35 =	vmin.f32 v58, v35;
	v18 =	vld [tilespmem:s21+$0x50]  }
0xd5: {  	v34 =	vmax.f32 v34, v22;
	v35 =	vmin.f32 v35, v22;
	v22 =	vld [tilespmem:s20+$0x20]  }
0xd6: {  	v13 =	vmax.f32 v13, v59;
	v33 =	vmax.f32 v34, v43;
	v34 =	vmin.f32 v35, v43;
	v35 =	vld [tilespmem:s21+$0x20]  }
0xd7: {  	v6 =	vmin.f32 v6, v55;
	v43 =	vmax.f32 v27, v57;
	v60 =	vmax.f32 v0, v32;
	v57 =	vld [tilespmem:$0x1F210]  }
0xd8: {  	v59 =	vmin.f32 v21, v32;
	v32 =	vmax.f32 v2, v55;
	v55 =	vmax.f32 v17, v9;
	v17 =	vld [tilespmem:$0x1F250]  }
0xd9: {  	v2 =	vld [tilespmem:s21+$0x70]  }
0xda: {  	v24 =	vmax.f32 v28, v15;
	v28 =	vld [tilespmem:$0x1F260]  }
0xdb: {  	[tilespmem:$0x1F680] =	vst v62;
	v62 =	vld [tilespmem:s23+$0x80]  }
0xdc: {  	v16 =	vmax.f32 v33, v50;
	v21 =	vmin.f32 v34, v50;
	v50 =	vmax.f32 v14, v57;
	v14 =	vld [tilespmem:$0x1F230]  }
0xdd: {  	v27 =	vmax.f32 v41, v17;
	v41 =	vld [tilespmem:$0x1F270]  }
0xde: {  	v1 =	vmax.f32 v1, v52;
	v0 =	vmin.f32 v10, v15;
	v15 =	vld [tilespmem:s21+$0x80]  }
0xdf: {  	v5 =	vmin.f32 v5, v52;
	v52 =	vmin.f32 v7, v57;
	v57 =	vmin.f32 v8, v9;
	v9 =	vld [tilespmem:s21+$0x60]  }
0xe0: {  	[tilespmem:$0x1F710] =	vst v62;
	v62 =	vld [tilespmem:s23+$0xA0]  }
0xe1: {  	v33 =	vmax.f32 v37, v14;
	v37 =	vmax.f32 v16, v28;
	v16 =	vld [tilespmem:s21+$0x90]  }
0xe2: {  	v7 =	vmax.f32 v43, v41;
	v43 =	vld [tilespmem:$0x1F280]  }
0xe3: {  	v34 =	vmin.f32 v38, v14;
	v14 =	vmin.f32 v12, v17;
	v12 =	vmin.f32 v45, v41;
	v45 =	vld [tilespmem:$0x1F290]  }
0xe4: {  	v17 =	vld [tilespmem:s21+$0xA0]  }
0xe5: {  	v38 =	vmin.f32 v21, v28;
	v28 =	vld [tilespmem:s21+$0xB0]  }
0xe6: {  	[tilespmem:$0x1F850] =	vst v62;
	v62 =	vld [tilespmem:s20+$0xA0]  }
0xe7: {  	s22 =	spop (v2sf);
	v41 =	vld [tilespmem:$0x1F2C0]  }
0xe8: {  	v8 =	vmax.f32 v37, v43;
	v10 =	vmin.f32 v38, v43;
	v43 =	vmax.f32 v13, v45;
	v13 =	vld [tilespmem:s22+$0x0]  }
0xe9: {  	v21 =	vmin.f32 v49, v45;
	v49 =	vld [tilespmem:$0x1F2A0]  }
0xea: {  	v8 =	vmax.f32 v8, v51;
	v10 =	vmin.f32 v10, v51;
	v51 =	vld [tilespmem:$0x1F2B0]  }
0xeb: {  	v8 =	vmax.f32 v8, v44;
	v10 =	vmin.f32 v10, v44;
	[tilespmem:$0x1F870] =	vst v62;
	v62 =	vld [tilespmem:s20+$0xB0]  }
0xec: {  	v8 =	vmax.f32 v8, v31;
	v10 =	vmin.f32 v10, v31;
	v31 =	vld [tilespmem:s22+$0x10]  }
0xed: {  	v8 =	vmax.f32 v8, v20;
	v10 =	vmin.f32 v10, v20;
	v20 =	vld [tilespmem:s22+$0x20]  }
0xee: {  	v8 =	vmax.f32 v8, v11;
	v10 =	vmin.f32 v10, v11;
	v11 =	vld [tilespmem:s22+$0x30]  }
0xef: {  	v1 =	vmax.f32 v1, v49;
	v5 =	vmin.f32 v5, v49;
	v49 =	vld [tilespmem:$0x1F2D0]  }
0xf0: {  	v8 =	vmax.f32 v8, v3;
	v10 =	vmin.f32 v10, v3;
	v3 =	vld [tilespmem:s22+$0x40]  }
0xf1: {  	v1 =	vmax.f32 v1, v51;
	v5 =	vmin.f32 v5, v51;
	v51 =	vld [tilespmem:$0x1F2E0]  }
0xf2: {  	v44 =	vmax.f32 v1, v41;
	v1 =	vld [tilespmem:s22+$0x50]  }
0xf3: {  	v8 =	vmax.f32 v8, v4;
	v4 =	vmin.f32 v10, v4;
	v37 =	vmin.f32 v5, v41;
	v5 =	vld [tilespmem:s22+$0x60]  }
0xf4: {  	v10 =	vld [tilespmem:s22+$0x80];
	v8 =	vmax.f32 v8, v26;
	v4 =	vmin.f32 v4, v26  }
0xf5: {  	v45 =	vmax.f32 v8, v42;
	v4 =	vmin.f32 v4, v42;
	v8 =	vld [tilespmem:s22+$0x70]  }
0xf6: {  	v38 =	vmax.f32 v44, v49;
	v37 =	vmin.f32 v37, v49;
	v26 =	vmax.f32 v45, v13;
	v49 =	vld [tilespmem:$0x1F2F0]  }
0xf7: {  	v4 =	vmin.f32 v4, v13;
	v44 =	vmax.f32 v32, v51;
	v45 =	vmin.f32 v6, v51;
	v51 =	vld [tilespmem:$0x1F300]  }
0xf8: {  	v13 =	vsub.f32 v26, v58;
	v4 =	vsub.f32 v58, v4;
	v58 =	vld [tilespmem:s22+$0x90]  }
0xf9: {  	v6 =	vld [tilespmem:s22+$0xA0]  }
0xfa: {  	v13 =	vmax.f32 v13, v4;
	v4 =	vld [tilespmem:s22+$0xB0]  }
0xfb: {  	[tilespmem:s19+$0x19000] =	vst v13;
	v38 =	vmax.f32 v38, v49;
	v37 =	vmin.f32 v37, v49;
	v49 =	vld [tilespmem:$0x1F330]  }
0xfc: {  	v38 =	vmax.f32 v38, v56;
	v37 =	vmin.f32 v37, v56;
	v56 =	vmax.f32 v44, v51;
	v44 =	vld.idx.msk [tilespmem:v63+s19+$0x10 ss:$0x1], $0xffff  }
0xfd: {  	v41 =	vmin.f32 v45, v51;
	v45 =	vld [tilespmem:$0x1F310]  }
0xfe: {  	v38 =	vmax.f32 v38, v47;
	v37 =	vmin.f32 v37, v47;
	v47 =	vld [tilespmem:$0x1F320]  }
0xff: {  	v42 =	vmax.f32 v38, v39;
	v37 =	vmin.f32 v37, v39;
	v38 =	vld [tilespmem:$0x1F400]  }
0x100: {  	v32 =	vmax.f32 v42, v25;
	v25 =	vmin.f32 v37, v25;
	v42 =	vld [tilespmem:$0x1F370]  }
0x101: {  	v32 =	vmax.f32 v32, v40;
	v25 =	vmin.f32 v25, v40;
	v40 =	vld [tilespmem:$0x1F350]  }
0x102: {  	v51 =	vmax.f32 v50, v49;
	v37 =	vmin.f32 v52, v49;
	v49 =	vld [tilespmem:$0x1F3A0]  }
0x103: {  	v50 =	vld [tilespmem:$0x1F3B0]  }
0x104: {  	v52 =	vld [tilespmem:$0x1F3C0]  }
0x105: {  	v13 =	vmax.f32 v56, v45;
	v32 =	vmax.f32 v32, v48;
	v25 =	vmin.f32 v25, v48;
	v56 =	vld [tilespmem:$0x1F340]  }
0x106: {  	v26 =	vmin.f32 v41, v45;
	v41 =	vld [tilespmem:$0x1F360];
	v32 =	vmax.f32 v32, v31;
	v25 =	vmin.f32 v25, v31  }
0x107: {  	v45 =	vld [tilespmem:$0x1F380];
	v48 =	vsub.f32 v32, v44;
	v25 =	vsub.f32 v44, v25  }
0x108: {  	v13 =	vmax.f32 v13, v47;
	v32 =	vld [tilespmem:$0x1F3F0]  }
0x109: {  	v26 =	vmin.f32 v26, v47;
	v44 =	vmax.f32 v51, v42;
	v25 =	vmax.f32 v48, v25;
	v48 =	vld [tilespmem:$0x1F390]  }
0x10a: {  	v31 =	vmin.f32 v37, v42;
	v42 =	vld [tilespmem:$0x1F430];
	v13 =	vmax.f32 v13, v56;
	v26 =	vmin.f32 v26, v56  }
0x10b: {  	v51 =	vmax.f32 v55, v50;
	v55 =	vld [tilespmem:$0x1F3E0];
	[tilespmem:s19+$0x19010] =	vst v25;
	v13 =	vmax.f32 v13, v40;
	v26 =	vmin.f32 v26, v40  }
0x10c: {  	v47 =	vld.idx.msk [tilespmem:v63+s19+$0x20 ss:$0x1], $0xffff;
	v13 =	vmax.f32 v13, v41;
	v26 =	vmin.f32 v26, v41  }
0x10d: {  	v40 =	vld [tilespmem:$0x1F410];
	v13 =	vmax.f32 v13, v45;
	v26 =	vmin.f32 v26, v45  }
0x10e: {  	v41 =	vld [tilespmem:$0x1F420];
	v13 =	vmax.f32 v13, v54;
	v26 =	vmin.f32 v26, v54;
	v25 =	vmax.f32 v44, v48  }
0x10f: {  	v31 =	vmin.f32 v31, v48;
	v54 =	vld [tilespmem:$0x1F3D0];
	v13 =	vmax.f32 v13, v22;
	v22 =	vmin.f32 v26, v22  }
0x110: {  	v44 =	vld [tilespmem:$0x1F440];
	v25 =	vmax.f32 v25, v49;
	v13 =	vmax.f32 v13, v35;
	v22 =	vmin.f32 v22, v35  }
0x111: {  	v48 =	vld [tilespmem:$0x1F460];
	v26 =	vmin.f32 v31, v49;
	v13 =	vmax.f32 v13, v20;
	v20 =	vmin.f32 v22, v20  }
0x112: {  	v31 =	vmin.f32 v57, v50;
	v49 =	vld [tilespmem:$0x1F470];
	v13 =	vsub.f32 v13, v47;
	v20 =	vsub.f32 v47, v20  }
0x113: {  	v50 =	vld [tilespmem:$0x1F480];
	v25 =	vmax.f32 v25, v52;
	v26 =	vmin.f32 v26, v52;
	v35 =	vmax.f32 v51, v32  }
0x114: {  	v52 =	vld [tilespmem:$0x1F490];
	v25 =	vmax.f32 v25, v54;
	v26 =	vmin.f32 v26, v54;
	v13 =	vmax.f32 v13, v20  }
0x115: {  	v37 =	vmin.f32 v31, v32;
	v47 =	vld [tilespmem:$0x1F450];
	v56 =	vmax.f32 v25, v55;
	v57 =	vmin.f32 v26, v55;
	[tilespmem:s19+$0x19020] =	vst v13  }
0x116: {  	v22 =	vmin.f32 v37, v41;
	v20 =	vmax.f32 v56, v38;
	v25 =	vmin.f32 v57, v38;
	v39 =	vld.idx.msk [tilespmem:v63+s19+$0x30 ss:$0x1], $0xffff  }
0x117: {  	v31 =	vld [tilespmem:$0x1F4F0];
	v22 =	vmin.f32 v22, v42;
	v20 =	vmax.f32 v20, v40;
	v25 =	vmin.f32 v25, v40  }
0x118: {  	v32 =	vld [tilespmem:$0x1F500];
	v45 =	vmax.f32 v33, v44;
	v20 =	vmax.f32 v20, v29;
	v25 =	vmin.f32 v25, v29  }
0x119: {  	v37 =	vld [tilespmem:$0x1F530];
	v13 =	vmax.f32 v35, v41;
	v20 =	vmax.f32 v20, v30;
	v25 =	vmin.f32 v25, v30  }
0x11a: {  	v55 =	vld [tilespmem:$0x1F4A0];
	v13 =	vmax.f32 v13, v42;
	v20 =	vmax.f32 v20, v11;
	v11 =	vmin.f32 v25, v11  }
0x11b: {  	v33 =	vld [tilespmem:$0x1F510];
	v13 =	vmax.f32 v13, v47;
	v20 =	vsub.f32 v20, v39;
	v11 =	vsub.f32 v39, v11  }
0x11c: {  	v56 =	vld [tilespmem:$0x1F4B0];
	v22 =	vmin.f32 v22, v47;
	v13 =	vmax.f32 v13, v48  }
0x11d: {  	v57 =	vld [tilespmem:$0x1F4C0];
	v22 =	vmin.f32 v22, v48;
	v13 =	vmax.f32 v13, v49;
	v11 =	vmax.f32 v20, v11  }
0x11e: {  	v26 =	vmin.f32 v34, v44;
	v30 =	vld [tilespmem:$0x1F4E0];
	v13 =	vmax.f32 v13, v52;
	v20 =	vmin.f32 v22, v49;
	[tilespmem:s19+$0x19030] =	vst v11  }
0x11f: {  	v51 =	vmax.f32 v45, v50;
	v13 =	vmax.f32 v13, v55;
	v20 =	vmin.f32 v20, v52;
	v54 =	vld.idx.msk [tilespmem:v63+s19+$0x40 ss:$0x1], $0xffff  }
0x120: {  	v44 =	vld [tilespmem:$0x1F590];
	v13 =	vmax.f32 v13, v36;
	v22 =	vmin.f32 v26, v50;
	v20 =	vmin.f32 v20, v55  }
0x121: {  	v13 =	vmax.f32 v13, v19;
	v26 =	vld [tilespmem:$0x1F4D0];
	v11 =	vmax.f32 v51, v56;
	v20 =	vmin.f32 v20, v36  }
0x122: {  	v35 =	vld [tilespmem:$0x1F520];
	v22 =	vmin.f32 v22, v56;
	v11 =	vmax.f32 v11, v57;
	v19 =	vmin.f32 v20, v19  }
0x123: {  	v38 =	vld [tilespmem:$0x1F540];
	v13 =	vmax.f32 v13, v3;
	v11 =	vmax.f32 v11, v30;
	v3 =	vmin.f32 v19, v3  }
0x124: {  	v41 =	vld [tilespmem:$0x1F570];
	v20 =	vmin.f32 v22, v57;
	v13 =	vsub.f32 v13, v54;
	v3 =	vsub.f32 v54, v3  }
0x125: {  	v40 =	vld [tilespmem:$0x1F560];
	v45 =	vmax.f32 v27, v44;
	v11 =	vmax.f32 v11, v31;
	v20 =	vmin.f32 v20, v30  }
0x126: {  	v39 =	vld [tilespmem:$0x1F550];
	v29 =	vmax.f32 v24, v26;
	v20 =	vmin.f32 v20, v31;
	v3 =	vmax.f32 v13, v3  }
0x127: {  	v42 =	vld [tilespmem:$0x1F580];
	v0 =	vmin.f32 v0, v26;
	v11 =	vmax.f32 v11, v32;
	v13 =	vmin.f32 v20, v32;
	[tilespmem:s19+$0x19040] =	vst v3  }
0x128: {  	v34 =	vmax.f32 v29, v33;
	v11 =	vmax.f32 v11, v35;
	v13 =	vmin.f32 v13, v35;
	v36 =	vld.idx.msk [tilespmem:v63+s19+$0x50 ss:$0x1], $0xffff  }
0x129: {  	v47 =	vld [tilespmem:$0x1F5A0];
	v0 =	vmin.f32 v0, v33;
	v11 =	vmax.f32 v11, v37;
	v13 =	vmin.f32 v13, v37  }
0x12a: {  	v48 =	vld [tilespmem:$0x1F5B0];
	v0 =	vmin.f32 v0, v38;
	v11 =	vmax.f32 v11, v23;
	v13 =	vmin.f32 v13, v23  }
0x12b: {  	v27 =	vld [tilespmem:$0x1F660];
	v0 =	vmin.f32 v0, v39;
	v11 =	vmax.f32 v11, v18;
	v13 =	vmin.f32 v13, v18  }
0x12c: {  	v52 =	vld [tilespmem:$0x1F5D0];
	v3 =	vmax.f32 v34, v38;
	v11 =	vmax.f32 v11, v1;
	v1 =	vmin.f32 v13, v1  }
0x12d: {  	v55 =	vld [tilespmem:$0x1F5E0];
	v3 =	vmax.f32 v3, v39;
	v11 =	vsub.f32 v11, v36;
	v1 =	vsub.f32 v36, v1  }
0x12e: {  	v50 =	vld [tilespmem:$0x1F5C0];
	v0 =	vmin.f32 v0, v42;
	v3 =	vmax.f32 v3, v42  }
0x12f: {  	v56 =	vld [tilespmem:$0x1F5F0];
	v0 =	vmin.f32 v0, v47;
	v3 =	vmax.f32 v3, v47;
	v1 =	vmax.f32 v11, v1  }
0x130: {  	v57 =	vld [tilespmem:$0x1F600];
	v0 =	vmin.f32 v0, v48;
	v49 =	vmax.f32 v3, v48;
	[tilespmem:s19+$0x19050] =	vst v1  }
0x131: {  	v0 =	vmin.f32 v0, v52;
	v1 =	vmax.f32 v49, v52;
	v54 =	vld.idx.msk [tilespmem:v63+s19+$0x60 ss:$0x1], $0xffff  }
0x132: {  	v22 =	vld [tilespmem:$0x1F630];
	v0 =	vmin.f32 v0, v55;
	v1 =	vmax.f32 v1, v55  }
0x133: {  	v26 =	vld [tilespmem:$0x1F650];
	v0 =	vmin.f32 v0, v46;
	v1 =	vmax.f32 v1, v46  }
0x134: {  	v30 =	vld [tilespmem:$0x1F670];
	v0 =	vmin.f32 v0, v9;
	v1 =	vmax.f32 v1, v9  }
0x135: {  	v20 =	vld [tilespmem:$0x1F620];
	v0 =	vmin.f32 v0, v5;
	v1 =	vmax.f32 v1, v5  }
0x136: {  	v34 =	vld [tilespmem:$0x1F680];
	v1 =	vsub.f32 v1, v54;
	v0 =	vsub.f32 v54, v0  }
0x137: {  	v35 =	vld [tilespmem:$0x1F690]  }
0x138: {  	v14 =	vmin.f32 v14, v44;
	v51 =	vmax.f32 v45, v50;
	v23 =	vld [tilespmem:$0x1F640];
	v0 =	vmax.f32 v1, v0  }
0x139: {  	v14 =	vmin.f32 v14, v50;
	v13 =	vmax.f32 v61, v40;
	v3 =	vmax.f32 v51, v56;
	v61 =	vld [tilespmem:$0x1F610];
	[tilespmem:s19+$0x19060] =	vst v0  }
0x13a: {  	v14 =	vmin.f32 v14, v56;
	v3 =	vmax.f32 v3, v57;
	v33 =	vld.idx.msk [tilespmem:v63+s19+$0x70 ss:$0x1], $0xffff  }
0x13b: {  	v3 =	vmax.f32 v3, v20;
	v9 =	vmin.f32 v14, v57;
	v36 =	vld [tilespmem:$0x1F6A0]  }
0x13c: {  	v18 =	vmin.f32 v41, v40;
	v3 =	vmax.f32 v3, v22;
	v9 =	vmin.f32 v9, v20;
	v37 =	vld [tilespmem:$0x1F6B0]  }
0x13d: {  	v24 =	vmax.f32 v7, v23;
	v25 =	vmin.f32 v12, v23;
	v9 =	vmin.f32 v9, v22;
	v39 =	vld [tilespmem:$0x1F6C0]  }
0x13e: {  	v3 =	vmax.f32 v3, v26;
	v29 =	vmax.f32 v24, v27;
	v9 =	vmin.f32 v9, v26;
	v40 =	vld [tilespmem:$0x1F6D0]  }
0x13f: {  	v7 =	vmin.f32 v25, v27;
	v31 =	vmax.f32 v3, v30;
	v32 =	vmin.f32 v9, v30;
	v42 =	vld [tilespmem:$0x1F6E0]  }
0x140: {  	v19 =	vmax.f32 v60, v61;
	v1 =	vmax.f32 v31, v34;
	v3 =	vmin.f32 v32, v34;
	v45 =	vld [tilespmem:$0x1F700]  }
0x141: {  	v7 =	vmin.f32 v7, v35;
	v1 =	vmax.f32 v1, v53;
	v3 =	vmin.f32 v3, v53;
	v47 =	vld [tilespmem:$0x1F710]  }
0x142: {  	v0 =	vmax.f32 v29, v35;
	v1 =	vmax.f32 v1, v2;
	v2 =	vmin.f32 v3, v2;
	v48 =	vld [tilespmem:$0x1F720]  }
0x143: {  	v1 =	vmax.f32 v1, v8;
	v2 =	vmin.f32 v2, v8;
	v38 =	vmax.f32 v43, v37;
	v43 =	vld [tilespmem:$0x1F6F0]  }
0x144: {  	v49 =	vld [tilespmem:$0x1F730];
	v0 =	vmax.f32 v0, v36;
	v3 =	vmin.f32 v7, v36;
	v1 =	vsub.f32 v1, v33  }
0x145: {  	v50 =	vld [tilespmem:$0x1F740];
	v2 =	vsub.f32 v33, v2;
	v0 =	vmax.f32 v0, v39;
	v3 =	vmin.f32 v3, v39  }
0x146: {  	v53 =	vld [tilespmem:$0x1F760];
	v41 =	vmin.f32 v21, v37;
	v0 =	vmax.f32 v0, v40;
	v3 =	vmin.f32 v3, v40  }
0x147: {  	v54 =	vld [tilespmem:$0x1F770];
	v1 =	vmax.f32 v1, v2;
	v0 =	vmax.f32 v0, v42;
	v3 =	vmin.f32 v3, v42  }
0x148: {  	v56 =	vld [tilespmem:$0x1F780];
	v0 =	vmax.f32 v0, v45;
	v3 =	vmin.f32 v3, v45;
	v44 =	vmax.f32 v38, v43  }
0x149: {  	v60 =	vld [tilespmem:$0x1F7A0];
	v2 =	vmin.f32 v41, v43;
	v0 =	vmax.f32 v0, v47;
	v3 =	vmin.f32 v3, v47  }
0x14a: {  	v12 =	vld [tilespmem:$0x1F7B0];
	[tilespmem:s19+$0x19070] =	vst v1;
	v1 =	vmax.f32 v44, v48;
	v0 =	vmax.f32 v0, v49;
	v2 =	vmin.f32 v2, v48  }
0x14b: {  	v46 =	vld.idx.msk [tilespmem:v63+s19+$0x80 ss:$0x1], $0xffff;
	v3 =	vmin.f32 v3, v49;
	v1 =	vmax.f32 v1, v50;
	v2 =	vmin.f32 v2, v50  }
0x14c: {  	v14 =	vld [tilespmem:$0x1F7D0];
	v0 =	vmax.f32 v0, v15;
	v1 =	vmax.f32 v1, v53;
	v2 =	vmin.f32 v2, v53  }
0x14d: {  	v3 =	vmin.f32 v3, v15;
	v1 =	vmax.f32 v1, v54;
	v2 =	vmin.f32 v2, v54  }
0x14e: {  	v51 =	vld [tilespmem:$0x1F750];
	v0 =	vmax.f32 v0, v10;
	v1 =	vmax.f32 v1, v56;
	v2 =	vmin.f32 v2, v56  }
0x14f: {  	v57 =	vld [tilespmem:$0x1F790];
	v3 =	vmin.f32 v3, v10;
	v1 =	vmax.f32 v1, v60;
	v2 =	vmin.f32 v2, v60  }
0x150: {  	v22 =	vld [tilespmem:$0x1F830];
	v0 =	vsub.f32 v0, v46;
	v1 =	vmax.f32 v1, v12;
	v2 =	vmin.f32 v2, v12  }
0x151: {  	v24 =	vld [tilespmem:$0x1F840];
	v3 =	vsub.f32 v46, v3;
	v1 =	vmax.f32 v1, v14;
	v2 =	vmin.f32 v2, v14  }
0x152: {  	v1 =	vmax.f32 v1, v16;
	v2 =	vmin.f32 v2, v16;
	v16 =	vld [tilespmem:$0x1F7F0]  }
0x153: {  	v52 =	vmax.f32 v13, v51;
	v13 =	vld [tilespmem:$0x1F7C0];
	v0 =	vmax.f32 v0, v3  }
0x154: {  	v15 =	vld [tilespmem:$0x1F7E0];
	[tilespmem:s19+$0x19080] =	vst v0  }
0x155: {  	v11 =	vmin.f32 v59, v61;
	v61 =	vld.idx.msk [tilespmem:v63+s19+$0x90 ss:$0x1], $0xffff  }
0x156: {  	v55 =	vmin.f32 v18, v51;
	v18 =	vld [tilespmem:$0x1F800]  }
0x157: {  	v59 =	vmax.f32 v52, v57;
	v3 =	vmin.f32 v55, v57;
	v5 =	vmax.f32 v19, v16;
	v19 =	vld [tilespmem:$0x1F810]  }
0x158: {  	v21 =	vld [tilespmem:$0x1F820];
	v0 =	vmax.f32 v59, v13;
	v3 =	vmin.f32 v3, v13  }
0x159: {  	v26 =	vld [tilespmem:$0x1F850];
	v0 =	vmax.f32 v0, v15;
	v1 =	vmax.f32 v1, v58;
	v2 =	vmin.f32 v2, v58  }
0x15a: {  	v27 =	vld [tilespmem:$0x1F860];
	v3 =	vmin.f32 v3, v15;
	v1 =	vsub.f32 v1, v61;
	v2 =	vsub.f32 v61, v2  }
0x15b: {  	v29 =	vld [tilespmem:$0x1F870];
	v0 =	vmax.f32 v0, v18;
	v3 =	vmin.f32 v3, v18  }
0x15c: {  	v1 =	vmax.f32 v1, v2;
	v0 =	vmax.f32 v0, v19;
	v3 =	vmin.f32 v3, v19  }
0x15d: {  	v30 =	vld [tilespmem:$0x1F880];
	v20 =	vmin.f32 v11, v16;
	[tilespmem:s19+$0x19090] =	vst v1;
	v0 =	vmax.f32 v0, v21;
	v3 =	vmin.f32 v3, v21  }
0x15e: {  	v23 =	vmax.f32 v5, v22;
	v25 =	vld.idx.msk [tilespmem:v63+s19+$0xA0 ss:$0x1], $0xffff;
	v0 =	vmax.f32 v0, v24;
	v3 =	vmin.f32 v3, v24  }
0x15f: {  	v31 =	vld [tilespmem:$0x1F890];
	v2 =	vmin.f32 v20, v22;
	v0 =	vmax.f32 v0, v26;
	v3 =	vmin.f32 v3, v26  }
0x160: {  	v32 =	vld [tilespmem:$0x1F8A0];
	v1 =	vmax.f32 v23, v27;
	v0 =	vmax.f32 v0, v29;
	v3 =	vmin.f32 v3, v29  }
0x161: {  	v33 =	vld [tilespmem:$0x1F8B0];
	v2 =	vmin.f32 v2, v27;
	v0 =	vmax.f32 v0, v17;
	v3 =	vmin.f32 v3, v17  }
0x162: {  	v34 =	vld [tilespmem:$0x1F8C0];
	v1 =	vmax.f32 v1, v30;
	v0 =	vmax.f32 v0, v6;
	v3 =	vmin.f32 v3, v6  }
0x163: {  	v38 =	vld [tilespmem:$0x1F8D0];
	v2 =	vmin.f32 v2, v30;
	v0 =	vsub.f32 v0, v25;
	v3 =	vsub.f32 v25, v3  }
0x164: {  	v1 =	vmax.f32 v1, v31;
	v2 =	vmin.f32 v2, v31  }
0x165: {  	v1 =	vmax.f32 v1, v32;
	v2 =	vmin.f32 v2, v32;
	v0 =	vmax.f32 v0, v3  }
0x166: {  	v1 =	vmax.f32 v1, v33;
	v2 =	vmin.f32 v2, v33;
	[tilespmem:s19+$0x190A0] =	vst v0  }
0x167: {  	v35 =	vmax.f32 v1, v34;
	v36 =	vmin.f32 v2, v34;
	v37 =	vld.idx.msk [tilespmem:v63+s19+$0xB0 ss:$0x1], $0xffff  }
0x168: {  	v1 =	vmin.f32 v36, v38;
	v0 =	vmax.f32 v35, v38  }
0x169: {  	v1 =	vmin.f32 v1, v62;
	v0 =	vmax.f32 v0, v62  }
0x16a: {  	v1 =	vmin.f32 v1, v28;
	v0 =	vmax.f32 v0, v28  }
0x16b: {  	v1 =	vmin.f32 v1, v4;
	v0 =	vmax.f32 v0, v4  }
0x16c: {  	v0 =	vsub.f32 v0, v37;
	v1 =	vsub.f32 v37, v1;
	_ =	sdelay $0x1  }
0x16d: {  	v0 =	vmax.f32 v0, v1  }
0x16e: {  	[tilespmem:s19+$0x190B0] =	vst v0  }
0x16f: {  	v38 =	vld.idx.msk [tilespmem:v63+s19+$0xC0 ss:$0x1], $0xffff  }
0x170: {  	v10 =	vld.idx.msk [tilespmem:v63+s19+$0xD0 ss:$0x1], $0xffff  }
0x171: {  	v11 =	vld.idx.msk [tilespmem:v63+s19+$0xE0 ss:$0x1], $0xffff  }
0x172: {  	v13 =	vld.idx.msk [tilespmem:v63+s19+$0xF0 ss:$0x1], $0xffff  }
0x173: {  	v16 =	vld.idx.msk [tilespmem:v63+s19+$0x100 ss:$0x1], $0xffff  }
0x174: {  	v17 =	vld.idx.msk [tilespmem:v63+s19+$0x110 ss:$0x1], $0xffff  }
0x175: {  	v19 =	vld.idx.msk [tilespmem:v63+s19+$0x120 ss:$0x1], $0xffff  }
0x176: {  	v22 =	vld.idx.msk [tilespmem:v63+s19+$0x130 ss:$0x1], $0xffff  }
0x177: {  	v24 =	vld.idx.msk [tilespmem:v63+s19+$0x140 ss:$0x1], $0xffff  }
0x178: {  	v26 =	vld.idx.msk [tilespmem:v63+s19+$0x150 ss:$0x1], $0xffff  }
0x179: {  	v27 =	vld.idx.msk [tilespmem:v63+s19+$0x160 ss:$0x1], $0xffff  }
0x17a: {  	v32 =	vld.idx.msk [tilespmem:v63+s19+$0x170 ss:$0x1], $0xffff  }
0x17b: {  	v33 =	vld [tilespmem:s24+$0xC0]  }
0x17c: {  	v1 =	vld [tilespmem:s24+$0xD0]  }
0x17d: {  	v2 =	vld [tilespmem:s24+$0xE0]  }
0x17e: {  	v3 =	vld [tilespmem:s24+$0xF0]  }
0x17f: {  	v4 =	vld [tilespmem:s24+$0x100]  }
0x180: {  	v5 =	vld [tilespmem:s24+$0x110]  }
0x181: {  	v7 =	vld [tilespmem:s24+$0x120]  }
0x182: {  	v8 =	vld [tilespmem:s24+$0x130]  }
0x183: {  	v9 =	vld [tilespmem:s24+$0x140]  }
0x184: {  	v12 =	vld [tilespmem:s24+$0x150]  }
0x185: {  	v14 =	vld [tilespmem:s24+$0x160]  }
0x186: {  	v20 =	vld [tilespmem:s24+$0x170]  }
0x187: {  	v21 =	vld [tilespmem:s25+$0xC0]  }
0x188: {  	v23 =	vld [tilespmem:s25+$0xD0]  }
0x189: {  	v25 =	vld [tilespmem:s25+$0xE0]  }
0x18a: {  	v28 =	vld [tilespmem:s25+$0xF0]  }
0x18b: {  	v30 =	vld [tilespmem:s25+$0x100]  }
0x18c: {  	v31 =	vld [tilespmem:s25+$0x110]  }
0x18d: {  	v34 =	vld [tilespmem:s25+$0x120]  }
0x18e: {  	v36 =	vld [tilespmem:s25+$0x130]  }
0x18f: {  	v43 =	vld [tilespmem:s25+$0x140]  }
0x190: {  	v37 =	vld [tilespmem:s25+$0x150]  }
0x191: {  	v55 =	vld [tilespmem:s25+$0x160]  }
0x192: {  	v40 =	vld [tilespmem:s25+$0x170]  }
0x193: {  	v42 =	vld [tilespmem:s26+$0xC0]  }
0x194: {  	v44 =	vld [tilespmem:s26+$0xD0]  }
0x195: {  	v45 =	vld [tilespmem:s26+$0xE0]  }
0x196: {  	v46 =	vld [tilespmem:s26+$0xF0]  }
0x197: {  	v48 =	vld [tilespmem:s26+$0x100]  }
0x198: {  	v49 =	vld [tilespmem:s26+$0x110]  }
0x199: {  	v51 =	vld [tilespmem:s26+$0x120]  }
0x19a: {  	v52 =	vld [tilespmem:s26+$0x130]  }
0x19b: {  	v54 =	vld [tilespmem:s26+$0x140]  }
0x19c: {  	v56 =	vld [tilespmem:s26+$0x150]  }
0x19d: {  	v58 =	vld [tilespmem:s26+$0x160]  }
0x19e: {  	v59 =	vld [tilespmem:s26+$0x170]  }
0x19f: {  	v60 =	vld [tilespmem:s28+$0xC0]  }
0x1a0: {  	v61 =	vld [tilespmem:s28+$0xD0]  }
0x1a1: {  	v0 =	vld [tilespmem:s28+$0xE0]  }
0x1a2: {  	v39 =	vld [tilespmem:s28+$0xF0]  }
0x1a3: {  	v41 =	vld [tilespmem:s28+$0x100]  }
0x1a4: {  	v47 =	vld [tilespmem:s28+$0x110]  }
0x1a5: {  	v50 =	vld [tilespmem:s28+$0x120]  }
0x1a6: {  	v53 =	vld [tilespmem:s28+$0x130]  }
0x1a7: {  	v57 =	vld [tilespmem:s28+$0x140]  }
0x1a8: {  	v62 =	vld [tilespmem:s28+$0x150]  }
0x1a9: {  	v6 =	vld [tilespmem:s28+$0x160]  }
0x1aa: {  	v15 =	vld [tilespmem:s28+$0x170]  }
0x1ab: {  	v18 =	vld [tilespmem:s29+$0xC0]  }
0x1ac: {  	v29 =	vld [tilespmem:s29+$0xD0]  }
0x1ad: {  	v35 =	vld [tilespmem:s29+$0xE0];
	[tilespmem:$0x1F8E0] =	vst v0  }
0x1ae: {  	[tilespmem:$0x1F8F0] =	vst v39;
	v39 =	vld [tilespmem:s29+$0xF0]  }
0x1af: {  	[tilespmem:$0x1F900] =	vst v41;
	v41 =	vld [tilespmem:s29+$0x100]  }
0x1b0: {  	[tilespmem:$0x1F910] =	vst v47;
	v47 =	vld [tilespmem:s29+$0x110]  }
0x1b1: {  	[tilespmem:$0x1F920] =	vst v50;
	v50 =	vld [tilespmem:s29+$0x120]  }
0x1b2: {  	[tilespmem:$0x1F930] =	vst v53;
	v53 =	vld [tilespmem:s29+$0x130]  }
0x1b3: {  	[tilespmem:$0x1F950] =	vst v57;
	v57 =	vld [tilespmem:s29+$0x140]  }
0x1b4: {  	[tilespmem:$0x1F970] =	vst v62;
	v62 =	vld [tilespmem:s29+$0x150]  }
0x1b5: {  	[tilespmem:$0x1FD90] =	vst v6;
	v6 =	vld [tilespmem:s29+$0x160]  }
0x1b6: {  	[tilespmem:$0x1FE60] =	vst v15;
	v15 =	vld [tilespmem:s29+$0x170]  }
0x1b7: {  	[tilespmem:$0x1F940] =	vst v18;
	v18 =	vld [tilespmem:s30+$0xC0]  }
0x1b8: {  	[tilespmem:$0x1F980] =	vst v29;
	v29 =	vld [tilespmem:s30+$0xD0]  }
0x1b9: {  	[tilespmem:$0x1F9C0] =	vst v35;
	v35 =	vld [tilespmem:s30+$0xE0];
	v0 =	vmax.f32 v32, v20;
	v20 =	vmin.f32 v32, v20  }
0x1ba: {  	v0 =	vmax.f32 v0, v40;
	v20 =	vmin.f32 v20, v40;
	v40 =	vld [tilespmem:s20+$0x130];
	[tilespmem:$0x1FA20] =	vst v39  }
0x1bb: {  	[tilespmem:$0x1FAB0] =	vst v41;
	v39 =	vld [tilespmem:s30+$0xF0]  }
0x1bc: {  	[tilespmem:$0x1FB40] =	vst v47;
	v41 =	vld [tilespmem:s30+$0x100]  }
0x1bd: {  	[tilespmem:$0x1FBD0] =	vst v50;
	v47 =	vld [tilespmem:s30+$0x110]  }
0x1be: {  	[tilespmem:$0x1FC60] =	vst v53;
	v50 =	vld [tilespmem:s30+$0x120]  }
0x1bf: {  	[tilespmem:$0x1FCF0] =	vst v57;
	v53 =	vld [tilespmem:s30+$0x130]  }
0x1c0: {  	[tilespmem:$0x1FDD0] =	vst v62;
	v57 =	vld [tilespmem:s30+$0x140]  }
0x1c1: {  	[tilespmem:$0x1FE90] =	vst v6;
	v62 =	vld [tilespmem:s30+$0x150]  }
0x1c2: {  	[tilespmem:$0x1FF10] =	vst v15;
	v6 =	vld [tilespmem:s30+$0x160]  }
0x1c3: {  	[tilespmem:$0x1F960] =	vst v18;
	v15 =	vld [tilespmem:s30+$0x170]  }
0x1c4: {  	[tilespmem:$0x1F990] =	vst v29;
	v18 =	vld [tilespmem:s31+$0xD0]  }
0x1c5: {  	[tilespmem:$0x1F9F0] =	vst v35;
	v29 =	vld [tilespmem:s31+$0xE0]  }
0x1c6: {  	v35 =	vld [tilespmem:s31+$0xF0];
	[tilespmem:$0x1FA60] =	vst v39  }
0x1c7: {  	[tilespmem:$0x1FCA0] =	vst v53;
	v53 =	vld [tilespmem:s31+$0xC0]  }
0x1c8: {  	[tilespmem:$0x1FAF0] =	vst v41;
	v39 =	vld [tilespmem:s31+$0x100]  }
0x1c9: {  	[tilespmem:$0x1FB80] =	vst v47;
	v41 =	vld [tilespmem:s31+$0x110]  }
0x1ca: {  	[tilespmem:$0x1FC10] =	vst v50;
	v47 =	vld [tilespmem:s31+$0x120]  }
0x1cb: {  	[tilespmem:$0x1FD30] =	vst v57;
	v50 =	vld [tilespmem:s31+$0x130]  }
0x1cc: {  	[tilespmem:$0x1FE00] =	vst v62;
	v57 =	vld [tilespmem:s31+$0x140]  }
0x1cd: {  	[tilespmem:$0x1FEB0] =	vst v6;
	v62 =	vld [tilespmem:s31+$0x150]  }
0x1ce: {  	[tilespmem:$0x1FF50] =	vst v15;
	v6 =	vld [tilespmem:s31+$0x160]  }
0x1cf: {  	[tilespmem:$0x1F9A0] =	vst v18;
	v15 =	vld [tilespmem:s31+$0x170]  }
0x1d0: {  	[tilespmem:$0x1FA00] =	vst v29;
	v18 =	vld [tilespmem:s0+$0xD0]  }
0x1d1: {  	[tilespmem:$0x1FA90] =	vst v35;
	v29 =	vld [tilespmem:s0+$0xE0]  }
0x1d2: {  	v35 =	vld [tilespmem:s0+$0xF0];
	[tilespmem:$0x1FB20] =	vst v39  }
0x1d3: {  	[tilespmem:$0x1FC40] =	vst v47;
	v47 =	vld [tilespmem:s0+$0xC0]  }
0x1d4: {  	[tilespmem:$0x1FBB0] =	vst v41;
	v39 =	vld [tilespmem:s0+$0x100]  }
0x1d5: {  	[tilespmem:$0x1FCD0] =	vst v50;
	v41 =	vld [tilespmem:s0+$0x110]  }
0x1d6: {  	[tilespmem:$0x1FD60] =	vst v57;
	v50 =	vld [tilespmem:s0+$0x120]  }
0x1d7: {  	[tilespmem:$0x1FE30] =	vst v62;
	v57 =	vld [tilespmem:s0+$0x130]  }
0x1d8: {  	[tilespmem:$0x1FEF0] =	vst v6;
	v62 =	vld [tilespmem:s0+$0x140]  }
0x1d9: {  	[tilespmem:$0x1FF80] =	vst v15;
	v6 =	vld [tilespmem:s0+$0x150]  }
0x1da: {  	[tilespmem:$0x1F9B0] =	vst v18;
	v15 =	vld [tilespmem:s0+$0x160]  }
0x1db: {  	[tilespmem:$0x1FA10] =	vst v29;
	v18 =	vld [tilespmem:s0+$0x170]  }
0x1dc: {  	[tilespmem:$0x1FAA0] =	vst v35;
	v29 =	vld [tilespmem:s1+$0xD0]  }
0x1dd: {  	v35 =	vld [tilespmem:s1+$0xE0];
	[tilespmem:$0x1FB30] =	vst v39  }
0x1de: {  	[tilespmem:$0x1FD80] =	vst v62;
	v62 =	vld [tilespmem:s1+$0x120]  }
0x1df: {  	[tilespmem:$0x1FBC0] =	vst v41;
	v39 =	vld [tilespmem:s1+$0xC0]  }
0x1e0: {  	[tilespmem:$0x1FC50] =	vst v50;
	v41 =	vld [tilespmem:s1+$0xF0]  }
0x1e1: {  	[tilespmem:$0x1FCE0] =	vst v57;
	v50 =	vld [tilespmem:s1+$0x100]  }
0x1e2: {  	[tilespmem:$0x1FE50] =	vst v6;
	v57 =	vld [tilespmem:s1+$0x110]  }
0x1e3: {  	[tilespmem:$0x1FC70] =	vst v62;
	v62 =	vld [tilespmem:s8+$0x100]  }
0x1e4: {  	[tilespmem:$0x1FF00] =	vst v15;
	v6 =	vld [tilespmem:s1+$0x130]  }
0x1e5: {  	[tilespmem:$0x1FFA0] =	vst v18;
	v15 =	vld [tilespmem:s1+$0x140]  }
0x1e6: {  	[tilespmem:$0x1FA30] =	vst v35;
	v35 =	vld [tilespmem:s1+$0x170]  }
0x1e7: {  	[tilespmem:$0x1F9D0] =	vst v29;
	v18 =	vld [tilespmem:s1+$0x150]  }
0x1e8: {  	[tilespmem:$0x1FB60] =	vst v62;
	v62 =	vld [tilespmem:s11+$0xE0]  }
0x1e9: {  	[tilespmem:$0x1FD00] =	vst v6;
	v6 =	vld [tilespmem:s8+$0x110]  }
0x1ea: {  	v29 =	vld [tilespmem:s1+$0x160];
	[tilespmem:$0x1FAC0] =	vst v41  }
0x1eb: {  	[tilespmem:$0x1FFB0] =	vst v35;
	v35 =	vld [tilespmem:s8+$0xC0]  }
0x1ec: {  	[tilespmem:$0x1FB50] =	vst v50;
	v41 =	vld [tilespmem:s8+$0xD0]  }
0x1ed: {  	[tilespmem:$0x1FA50] =	vst v62;
	v62 =	vld [tilespmem:s11+$0x140]  }
0x1ee: {  	[tilespmem:$0x1FBF0] =	vst v6;
	v6 =	vld [tilespmem:s11+$0xF0]  }
0x1ef: {  	[tilespmem:$0x1FBE0] =	vst v57;
	v50 =	vld [tilespmem:s8+$0xE0]  }
0x1f0: {  	[tilespmem:$0x1FDC0] =	vst v15;
	v57 =	vld [tilespmem:s8+$0xF0]  }
0x1f1: {  	[tilespmem:$0x1FE70] =	vst v18;
	v15 =	vld [tilespmem:s8+$0x120]  }
0x1f2: {  	[tilespmem:$0x1FDF0] =	vst v62;
	v62 =	vld [tilespmem:s9+$0xF0]  }
0x1f3: {  	[tilespmem:$0x1FAE0] =	vst v6;
	v6 =	vld [tilespmem:s11+$0x150]  }
0x1f4: {  	[tilespmem:$0x1FF20] =	vst v29;
	v18 =	vld [tilespmem:s8+$0x130]  }
0x1f5: {  	v29 =	vld [tilespmem:s8+$0x140];
	[tilespmem:$0x1F9E0] =	vst v41  }
0x1f6: {  	[tilespmem:$0x1FA40] =	vst v50;
	v41 =	vld [tilespmem:s8+$0x150]  }
0x1f7: {  	[tilespmem:$0x1FB00] =	vst v62;
	v62 =	vld [tilespmem:s9+$0x130]  }
0x1f8: {  	[tilespmem:$0x1FEA0] =	vst v6;
	v6 =	vld [tilespmem:s9+$0x100]  }
0x1f9: {  	[tilespmem:$0x1FAD0] =	vst v57;
	v50 =	vld [tilespmem:s8+$0x160]  }
0x1fa: {  	[tilespmem:$0x1FC80] =	vst v15;
	v57 =	vld [tilespmem:s8+$0x170]  }
0x1fb: {  	[tilespmem:$0x1FD10] =	vst v18;
	v18 =	vld [tilespmem:s11+$0x110]  }
0x1fc: {  	[tilespmem:$0x1FD40] =	vst v62;
	v62 =	vld [tilespmem:s9+$0x170]  }
0x1fd: {  	[tilespmem:$0x1FB90] =	vst v6;
	v6 =	vld [tilespmem:s9+$0x140]  }
0x1fe: {  	[tilespmem:$0x1FDE0] =	vst v29;
	v29 =	vld [tilespmem:s11+$0xC0]  }
0x1ff: {  	[tilespmem:$0x1FE80] =	vst v41;
	v41 =	vld [tilespmem:s11+$0x120]  }
0x200: {  	[tilespmem:$0x1FC00] =	vst v18;
	v18 =	vld [tilespmem:s11+$0x170]  }
0x201: {  	[tilespmem:$0x1FFE0] =	vst v62;
	v62 =	vld [tilespmem:s23+$0xF0]  }
0x202: {  	[tilespmem:$0x1FE10] =	vst v6;
	v6 =	vld [tilespmem:s23+$0xE0]  }
0x203: {  	v15 =	vld [tilespmem:s11+$0x100];
	[tilespmem:$0x1FFC0] =	vst v57  }
0x204: {  	v57 =	vld [tilespmem:s11+$0xD0];
	[tilespmem:$0x1FC90] =	vst v41  }
0x205: {  	[tilespmem:$0x1FFD0] =	vst v18;
	v41 =	vld [tilespmem:s9+$0xE0]  }
0x206: {  	[tilespmem:$0x1FB10] =	vst v62;
	v62 =	vld [tilespmem:s23+$0x110]  }
0x207: {  	v18 =	vld [tilespmem:s9+$0x110];
	[tilespmem:$0x1FA80] =	vst v6;
	v6 =	vmax.f32 v10, v1  }
0x208: {  	[tilespmem:$0x1FF30] =	vst v50;
	v1 =	vmin.f32 v10, v1;
	v10 =	vmax.f32 v11, v2;
	v2 =	vmin.f32 v11, v2;
	v11 =	vld [tilespmem:s23+$0x100]  }
0x209: {  	[tilespmem:$0x1FB70] =	vst v15;
	v50 =	vld [tilespmem:s11+$0x130]  }
0x20a: {  	v15 =	vld [tilespmem:s11+$0x160];
	[tilespmem:$0x1FA70] =	vst v41  }
0x20b: {  	[tilespmem:$0x1FC30] =	vst v62;
	v62 =	vld [tilespmem:s23+$0x130]  }
0x20c: {  	[tilespmem:$0x1FC20] =	vst v18;
	v41 =	vld [tilespmem:s9+$0x120]  }
0x20d: {  	v18 =	vld [tilespmem:s9+$0x150];
	[tilespmem:$0x1FBA0] =	vst v11;
	v11 =	vmax.f32 v13, v3;
	v3 =	vmin.f32 v13, v3;
	v13 =	vmax.f32 v16, v4  }
0x20e: {  	[tilespmem:$0x1FD20] =	vst v50;
	v4 =	vmin.f32 v16, v4;
	v16 =	vmax.f32 v17, v5;
	v5 =	vmin.f32 v17, v5;
	v17 =	vld [tilespmem:s23+$0x120]  }
0x20f: {  	[tilespmem:$0x1FF40] =	vst v15;
	v15 =	vld [tilespmem:s9+$0xC0]  }
0x210: {  	[tilespmem:$0x1FD50] =	vst v62;
	v62 =	vld [tilespmem:s23+$0x150]  }
0x211: {  	[tilespmem:$0x1FCB0] =	vst v41;
	v41 =	vld [tilespmem:s9+$0x160]  }
0x212: {  	v32 =	vmin.f32 v38, v33;
	v50 =	vld [tilespmem:s9+$0xD0];
	[tilespmem:$0x1FEC0] =	vst v18;
	v6 =	vmax.f32 v6, v23;
	v1 =	vmin.f32 v1, v23  }
0x213: {  	v18 =	vld [tilespmem:s23+$0xC0];
	[tilespmem:$0x1FCC0] =	vst v17;
	v17 =	vmax.f32 v19, v7;
	v7 =	vmin.f32 v19, v7;
	v19 =	vmax.f32 v22, v8  }
0x214: {  	v8 =	vmin.f32 v22, v8;
	v22 =	vmax.f32 v24, v9;
	v24 =	vmin.f32 v24, v9;
	v9 =	vld [tilespmem:s23+$0x140]  }
0x215: {  	v10 =	vmax.f32 v10, v25;
	v2 =	vmin.f32 v2, v25;
	v6 =	vmax.f32 v6, v44;
	[tilespmem:$0x1FED0] =	vst v62;
	v62 =	vld [tilespmem:s23+$0x160]  }
0x216: {  	[tilespmem:$0x1FF60] =	vst v41;
	v41 =	vld [tilespmem:s23+$0xD0];
	v1 =	vmin.f32 v1, v44;
	v10 =	vmax.f32 v10, v45;
	v2 =	vmin.f32 v2, v45  }
0x217: {  	v23 =	vld [tilespmem:s20+$0xC0];
	v6 =	vmax.f32 v6, v61;
	v1 =	vmin.f32 v1, v61;
	v11 =	vmax.f32 v11, v28  }
0x218: {  	v25 =	vld [tilespmem:s21+$0xF0];
	v3 =	vmin.f32 v3, v28;
	v13 =	vmax.f32 v13, v30;
	v16 =	vmax.f32 v16, v31  }
0x219: {  	v45 =	vld [tilespmem:s20+$0x150];
	v5 =	vmin.f32 v5, v31;
	v11 =	vmax.f32 v11, v46;
	v3 =	vmin.f32 v3, v46;
	[tilespmem:$0x1FE20] =	vst v9  }
0x21a: {  	v13 =	vmax.f32 v13, v48;
	v9 =	vmax.f32 v26, v12;
	v12 =	vmin.f32 v26, v12;
	[tilespmem:$0x1FF70] =	vst v62;
	v62 =	vld [tilespmem:s23+$0x170]  }
0x21b: {  	v44 =	vld [tilespmem:s20+$0x140];
	v26 =	vmax.f32 v27, v14;
	v14 =	vmin.f32 v27, v14;
	v27 =	vmax.f32 v38, v33  }
0x21c: {  	v61 =	vld [tilespmem:s22+$0xC0];
	v33 =	vmax.f32 v27, v21;
	v21 =	vmin.f32 v32, v21;
	v9 =	vmax.f32 v9, v37  }
0x21d: {  	v28 =	vld [tilespmem:s20+$0xE0];
	v12 =	vmin.f32 v12, v37;
	v26 =	vmax.f32 v26, v55;
	v14 =	vmin.f32 v14, v55  }
0x21e: {  	v31 =	vld [tilespmem:s21+$0xE0];
	[tilespmem:$0x1FEE0] =	vst v45;
	v21 =	vmin.f32 v21, v42;
	v45 =	vmax.f32 v9, v56;
	v12 =	vmin.f32 v12, v56  }
0x21f: {  	v46 =	vld [tilespmem:s21+$0xD0];
	v56 =	vmax.f32 v26, v58;
	v58 =	vmin.f32 v14, v58;
	[tilespmem:$0x1FFF0] =	vst v62;
	v62 =	vmin.f32 v4, v30  }
0x220: {  	[tilespmem:$0x1FDB0] =	vst v58;
	v58 =	vmax.f32 v0, v59;
	v30 =	vmax.f32 v33, v42;
	v33 =	vmin.f32 v62, v48;
	v48 =	vld [tilespmem:s20+$0x160]  }
0x221: {  	[tilespmem:$0x1FDA0] =	vst v56;
	v56 =	vmin.f32 v20, v59;
	v59 =	vmax.f32 v30, v60;
	v60 =	vmin.f32 v21, v60;
	v21 =	vld [tilespmem:$0x1F8E0]  }
0x222: {  	v30 =	vld [tilespmem:$0x1F910]  }
0x223: {  	v22 =	vmax.f32 v22, v43;
	v24 =	vmin.f32 v24, v43;
	v43 =	vld [tilespmem:s20+$0x110]  }
0x224: {  	v17 =	vmax.f32 v17, v34;
	v7 =	vmin.f32 v7, v34;
	v34 =	vmax.f32 v16, v49;
	v16 =	vld [tilespmem:s21+$0x100]  }
0x225: {  	[tilespmem:$0x1FE40] =	vst v44;
	v5 =	vmin.f32 v5, v49;
	v44 =	vmin.f32 v24, v54;
	v24 =	vld [tilespmem:$0x1F8F0]  }
0x226: {  	v19 =	vmax.f32 v19, v36;
	v8 =	vmin.f32 v8, v36;
	v36 =	vmin.f32 v7, v51;
	v7 =	vld [tilespmem:s21+$0x110]  }
0x227: {  	[tilespmem:$0x1FF90] =	vst v48;
	v48 =	vmax.f32 v10, v21;
	v49 =	vmin.f32 v2, v21;
	v21 =	vmax.f32 v34, v30;
	v34 =	vld [tilespmem:$0x1F920]  }
0x228: {  	v27 =	vld [tilespmem:s20+$0xD0]  }
0x229: {  	v32 =	vld [tilespmem:s20+$0x100]  }
0x22a: {  	v55 =	vld [tilespmem:s20+$0x120]  }
0x22b: {  	v26 =	vld [tilespmem:$0x1F900]  }
0x22c: {  	v17 =	vmax.f32 v17, v51;
	v37 =	vmax.f32 v19, v52;
	v19 =	vmin.f32 v36, v34;
	v36 =	vld [tilespmem:$0x1F930]  }
0x22d: {  	[tilespmem:$0x1FD70] =	vst v40;
	v40 =	vmin.f32 v8, v52;
	v51 =	vmax.f32 v11, v24;
	v52 =	vmin.f32 v3, v24;
	v24 =	vld [tilespmem:s21+$0x130]  }
0x22e: {  	v9 =	vld [tilespmem:s21+$0x140]  }
0x22f: {  	v14 =	vld [tilespmem:s21+$0x150]  }
0x230: {  	v11 =	vld [tilespmem:s22+$0x120]  }
0x231: {  	v22 =	vmax.f32 v22, v54;
	v54 =	vmax.f32 v13, v26;
	v13 =	vmin.f32 v40, v36;
	v40 =	vld [tilespmem:$0x1F950]  }
0x232: {  	v8 =	vmax.f32 v37, v36;
	v37 =	vld [tilespmem:$0x1F940]  }
0x233: {  	v20 =	vld [tilespmem:s21+$0x120]  }
0x234: {  	v4 =	vld [tilespmem:s20+$0xF0]  }
0x235: {  	v42 =	vld [tilespmem:s21+$0xC0]  }
0x236: {  	v3 =	vmax.f32 v22, v40;
	v22 =	vmin.f32 v44, v40;
	v44 =	vld [tilespmem:$0x1F960]  }
0x237: {  	v2 =	vmin.f32 v60, v37;
	v60 =	vld [tilespmem:$0x1F970]  }
0x238: {  	v62 =	vld [tilespmem:s20+$0x170]  }
0x239: {  	v10 =	vld [tilespmem:s22+$0x130]  }
0x23a: {  	v33 =	vmin.f32 v33, v26;
	v26 =	vmax.f32 v17, v34;
	v17 =	vld [tilespmem:s21+$0x160]  }
0x23b: {  	v36 =	vld [tilespmem:s22+$0xD0];
	v0 =	vmax.f32 v59, v37  }
0x23c: {  	v0 =	vmax.f32 v0, v44;
	v2 =	vmin.f32 v2, v44;
	v44 =	vmin.f32 v12, v60;
	v12 =	vld [tilespmem:$0x1F980]  }
0x23d: {  	v40 =	vmax.f32 v45, v60;
	v45 =	vld [tilespmem:$0x1F990]  }
0x23e: {  	v59 =	vmax.f32 v0, v53;
	v0 =	vld [tilespmem:s21+$0x170]  }
0x23f: {  	v30 =	vmin.f32 v5, v30;
	v2 =	vmin.f32 v2, v53;
	v53 =	vld [tilespmem:$0x1F9B0];
	v5 =	vmax.f32 v59, v47  }
0x240: {  	v2 =	vmin.f32 v2, v47;
	v47 =	vld [tilespmem:$0x1F9A0];
	v5 =	vmax.f32 v5, v39  }
0x241: {  	v2 =	vmin.f32 v2, v39;
	v39 =	vld [tilespmem:$0x1FAA0];
	v5 =	vmax.f32 v5, v35  }
0x242: {  	v2 =	vmin.f32 v2, v35;
	v35 =	vld [tilespmem:s22+$0xE0];
	v6 =	vmax.f32 v6, v12;
	v1 =	vmin.f32 v1, v12  }
0x243: {  	v5 =	vmax.f32 v5, v29;
	v2 =	vmin.f32 v2, v29;
	v29 =	vld [tilespmem:s22+$0xF0];
	v6 =	vmax.f32 v6, v45  }
0x244: {  	v12 =	vld [tilespmem:s22+$0x110];
	v1 =	vmin.f32 v1, v45;
	v5 =	vmax.f32 v5, v15;
	v2 =	vmin.f32 v2, v15  }
0x245: {  	v15 =	vld [tilespmem:s22+$0x100];
	v5 =	vmax.f32 v5, v18;
	v2 =	vmin.f32 v2, v18;
	v6 =	vmax.f32 v6, v47  }
0x246: {  	v1 =	vmin.f32 v1, v47;
	v47 =	vld [tilespmem:$0x1F9D0];
	v5 =	vmax.f32 v5, v23;
	v2 =	vmin.f32 v2, v23  }
0x247: {  	v5 =	vmax.f32 v5, v42;
	v2 =	vmin.f32 v2, v42;
	v42 =	vld [tilespmem:$0x1F9C0]  }
0x248: {  	v18 =	vmin.f32 v1, v53;
	v1 =	vld [tilespmem:s22+$0x150];
	v59 =	vmax.f32 v5, v61;
	v60 =	vmin.f32 v2, v61  }
0x249: {  	v6 =	vmax.f32 v6, v53;
	v53 =	vld [tilespmem:$0x1F9F0];
	v61 =	vsub.f32 v59, v38;
	v5 =	vsub.f32 v38, v60  }
0x24a: {  	v2 =	vld [tilespmem:s22+$0x140]  }
0x24b: {  	v23 =	vmax.f32 v61, v5;
	v5 =	vld [tilespmem:s22+$0x170]  }
0x24c: {  	v37 =	vmin.f32 v49, v42;
	v49 =	vld [tilespmem:$0x1F9E0]  }
0x24d: {  	v18 =	vmin.f32 v18, v47;
	v45 =	vmax.f32 v48, v42;
	v48 =	vmax.f32 v6, v47;
	v47 =	vld [tilespmem:$0x1FA20]  }
0x24e: {  	v6 =	vld [tilespmem:s22+$0x160]  }
0x24f: {  	[tilespmem:s19+$0x190C0] =	vst v23;
	v42 =	vld [tilespmem:$0x1FA00]  }
0x250: {  	v61 =	vld.idx.msk [tilespmem:v63+s19+$0xD0 ss:$0x1], $0xffff  }
0x251: {  	v38 =	vmax.f32 v48, v49;
	v18 =	vmin.f32 v18, v49;
	v49 =	vld [tilespmem:$0x1FA30]  }
0x252: {  	v48 =	vmax.f32 v51, v47;
	v51 =	vld [tilespmem:$0x1FA50];
	v38 =	vmax.f32 v38, v57;
	v18 =	vmin.f32 v18, v57  }
0x253: {  	v57 =	vmax.f32 v45, v53;
	v60 =	vmax.f32 v38, v50;
	v18 =	vmin.f32 v18, v50;
	v50 =	vld [tilespmem:$0x1FA40]  }
0x254: {  	v23 =	vmax.f32 v57, v42;
	v57 =	vld [tilespmem:$0x1FA70]  }
0x255: {  	v59 =	vmin.f32 v37, v53;
	v37 =	vmax.f32 v60, v41;
	v18 =	vmin.f32 v18, v41;
	v60 =	vld [tilespmem:$0x1FA80]  }
0x256: {  	v41 =	vld [tilespmem:$0x1FAB0];
	v37 =	vmax.f32 v37, v27;
	v18 =	vmin.f32 v18, v27  }
0x257: {  	v45 =	vmax.f32 v37, v46;
	v18 =	vmin.f32 v18, v46;
	v46 =	vld [tilespmem:$0x1FA10]  }
0x258: {  	v37 =	vmin.f32 v52, v47;
	v52 =	vld [tilespmem:$0x1FA60]  }
0x259: {  	v47 =	vld [tilespmem:$0x1FAE0]  }
0x25a: {  	v27 =	vmax.f32 v45, v36;
	v18 =	vmin.f32 v18, v36;
	v45 =	vld [tilespmem:$0x1FAC0]  }
0x25b: {  	v27 =	vsub.f32 v27, v61;
	v18 =	vsub.f32 v61, v18;
	v61 =	vld [tilespmem:$0x1FA90]  }
0x25c: {  	v34 =	vmin.f32 v59, v42;
	v42 =	vmax.f32 v54, v41;
	v54 =	vld [tilespmem:$0x1FB30]  }
0x25d: {  	v33 =	vmin.f32 v33, v41;
	v41 =	vld [tilespmem:$0x1FBB0]  }
0x25e: {  	v18 =	vmax.f32 v27, v18;
	v23 =	vmax.f32 v23, v46;
	v34 =	vmin.f32 v34, v46;
	v46 =	vld [tilespmem:$0x1FAD0]  }
0x25f: {  	[tilespmem:s19+$0x190D0] =	vst v18;
	v53 =	vmax.f32 v48, v52;
	v48 =	vld [tilespmem:$0x1FAF0]  }
0x260: {  	v23 =	vmax.f32 v23, v49;
	v34 =	vmin.f32 v34, v49;
	v59 =	vld.idx.msk [tilespmem:v63+s19+$0xE0 ss:$0x1], $0xffff  }
0x261: {  	v23 =	vmax.f32 v23, v50;
	v34 =	vmin.f32 v34, v50;
	v50 =	vld [tilespmem:$0x1FB00]  }
0x262: {  	v18 =	vmax.f32 v53, v61;
	v53 =	vld [tilespmem:$0x1FB20]  }
0x263: {  	v27 =	vmin.f32 v34, v51;
	v34 =	vmin.f32 v37, v52;
	v52 =	vld [tilespmem:$0x1FB10]  }
0x264: {  	v23 =	vmax.f32 v23, v51;
	v37 =	vld [tilespmem:$0x1FB90]  }
0x265: {  	v18 =	vmax.f32 v18, v39;
	v23 =	vmax.f32 v23, v57;
	v27 =	vmin.f32 v27, v57;
	v57 =	vld [tilespmem:$0x1FB40]  }
0x266: {  	v34 =	vmin.f32 v34, v61;
	v18 =	vmax.f32 v18, v45;
	v61 =	vld [tilespmem:$0x1FB70]  }
0x267: {  	v23 =	vmax.f32 v23, v60;
	v27 =	vmin.f32 v27, v60;
	v18 =	vmax.f32 v18, v46;
	v60 =	vld [tilespmem:$0x1FB60]  }
0x268: {  	v49 =	vmax.f32 v42, v48;
	v42 =	vld [tilespmem:$0x1FBC0];
	v23 =	vmax.f32 v23, v28;
	v27 =	vmin.f32 v27, v28  }
0x269: {  	v28 =	vmin.f32 v34, v39;
	v34 =	vld [tilespmem:$0x1FB80];
	v23 =	vmax.f32 v23, v31;
	v27 =	vmin.f32 v27, v31  }
0x26a: {  	v39 =	vld [tilespmem:$0x1FBA0];
	v28 =	vmin.f32 v28, v45;
	v23 =	vmax.f32 v23, v35;
	v27 =	vmin.f32 v27, v35  }
0x26b: {  	v28 =	vmin.f32 v28, v46;
	v46 =	vld [tilespmem:$0x1FBD0];
	v23 =	vsub.f32 v23, v59;
	v27 =	vsub.f32 v59, v27  }
0x26c: {  	v18 =	vmax.f32 v18, v47;
	v59 =	vld [tilespmem:$0x1FB50]  }
0x26d: {  	v23 =	vmax.f32 v23, v27;
	v27 =	vmin.f32 v28, v47;
	v28 =	vmin.f32 v33, v48;
	v48 =	vld [tilespmem:$0x1FBE0]  }
0x26e: {  	v18 =	vmax.f32 v18, v50;
	[tilespmem:s19+$0x190E0] =	vst v23;
	v23 =	vmax.f32 v49, v53;
	v49 =	vld [tilespmem:$0x1FBF0]  }
0x26f: {  	v18 =	vmax.f32 v18, v52;
	v27 =	vmin.f32 v27, v50;
	v50 =	vld [tilespmem:$0x1FC00]  }
0x270: {  	v18 =	vmax.f32 v18, v4;
	v51 =	vld.idx.msk [tilespmem:v63+s19+$0xF0 ss:$0x1], $0xffff  }
0x271: {  	v18 =	vmax.f32 v18, v25;
	v27 =	vmin.f32 v27, v52;
	v47 =	vmax.f32 v26, v46;
	v26 =	vld [tilespmem:$0x1FC80]  }
0x272: {  	v28 =	vmin.f32 v28, v53;
	v4 =	vmin.f32 v27, v4;
	v27 =	vmin.f32 v30, v57;
	v30 =	vld [tilespmem:$0x1FCA0]  }
0x273: {  	v23 =	vmax.f32 v23, v54;
	v4 =	vmin.f32 v4, v25;
	v25 =	vmin.f32 v28, v54;
	v54 =	vld [tilespmem:$0x1FC20]  }
0x274: {  	v36 =	vmin.f32 v27, v34;
	v27 =	vld [tilespmem:$0x1FC90]  }
0x275: {  	v21 =	vmax.f32 v21, v57;
	v23 =	vmax.f32 v23, v59;
	v25 =	vmin.f32 v25, v59;
	v59 =	vld [tilespmem:$0x1FC30]  }
0x276: {  	v18 =	vmax.f32 v18, v29;
	v35 =	vmax.f32 v21, v34;
	v21 =	vmin.f32 v36, v41;
	v36 =	vld [tilespmem:$0x1FCD0]  }
0x277: {  	v23 =	vmax.f32 v23, v60;
	v4 =	vmin.f32 v4, v29;
	v25 =	vmin.f32 v25, v60;
	v60 =	vld [tilespmem:$0x1FC40]  }
0x278: {  	v18 =	vsub.f32 v18, v51;
	v4 =	vsub.f32 v51, v4;
	v51 =	vld [tilespmem:$0x1FC10]  }
0x279: {  	v31 =	vmax.f32 v23, v61;
	v33 =	vmin.f32 v25, v61;
	v61 =	vld [tilespmem:$0x1FC50]  }
0x27a: {  	v23 =	vmin.f32 v33, v37;
	v33 =	vld [tilespmem:$0x1FCB0];
	v4 =	vmax.f32 v18, v4  }
0x27b: {  	v18 =	vmax.f32 v31, v37;
	v37 =	vld [tilespmem:$0x1FCE0];
	[tilespmem:s19+$0x190F0] =	vst v4  }
0x27c: {  	v19 =	vmin.f32 v19, v46;
	v21 =	vmin.f32 v21, v42;
	v38 =	vld.idx.msk [tilespmem:v63+s19+$0x100 ss:$0x1], $0xffff  }
0x27d: {  	v23 =	vmin.f32 v23, v39;
	v18 =	vmax.f32 v18, v39;
	v4 =	vmax.f32 v35, v41;
	v35 =	vld [tilespmem:$0x1FCC0]  }
0x27e: {  	v21 =	vmin.f32 v21, v48;
	v23 =	vmin.f32 v23, v32;
	v39 =	vld [tilespmem:$0x1FD00];
	v18 =	vmax.f32 v18, v32  }
0x27f: {  	v41 =	vld [tilespmem:$0x1FD10];
	v4 =	vmax.f32 v4, v42;
	v18 =	vmax.f32 v18, v16;
	v16 =	vmin.f32 v23, v16  }
0x280: {  	v42 =	vld [tilespmem:$0x1FD20];
	v4 =	vmax.f32 v4, v48;
	v18 =	vmax.f32 v18, v15;
	v15 =	vmin.f32 v16, v15  }
0x281: {  	v53 =	vmin.f32 v19, v51;
	v19 =	vld [tilespmem:$0x1FC60];
	v45 =	vsub.f32 v18, v38;
	v15 =	vsub.f32 v38, v15  }
0x282: {  	v21 =	vmin.f32 v21, v49;
	v52 =	vmax.f32 v47, v51;
	v47 =	vld [tilespmem:$0x1FD50];
	v4 =	vmax.f32 v4, v49  }
0x283: {  	v48 =	vld [tilespmem:$0x1FD60];
	v16 =	vmin.f32 v21, v50;
	v4 =	vmax.f32 v4, v50;
	v15 =	vmax.f32 v45, v15  }
0x284: {  	v21 =	vld [tilespmem:$0x1FC70];
	v16 =	vmin.f32 v16, v54;
	v4 =	vmax.f32 v4, v54;
	[tilespmem:s19+$0x19100] =	vst v15  }
0x285: {  	v16 =	vmin.f32 v16, v59;
	v4 =	vmax.f32 v4, v59;
	v18 =	vmin.f32 v53, v60;
	v57 =	vld.idx.msk [tilespmem:v63+s19+$0x110 ss:$0x1], $0xffff  }
0x286: {  	v51 =	vld [tilespmem:$0x1FD90];
	v16 =	vmin.f32 v16, v43;
	v4 =	vmax.f32 v4, v43;
	v8 =	vmax.f32 v8, v19  }
0x287: {  	v49 =	vld [tilespmem:$0x1FD70];
	v4 =	vmax.f32 v4, v7;
	v7 =	vmin.f32 v16, v7;
	v16 =	vmin.f32 v18, v61  }
0x288: {  	v38 =	vld [tilespmem:$0x1FCF0];
	v31 =	vmax.f32 v8, v30;
	v15 =	vmax.f32 v52, v60;
	v4 =	vmax.f32 v4, v12  }
0x289: {  	v50 =	vld [tilespmem:$0x1FD80];
	v7 =	vmin.f32 v7, v12;
	v12 =	vmin.f32 v13, v19;
	v25 =	vmin.f32 v16, v21  }
0x28a: {  	v43 =	vld [tilespmem:$0x1FD30];
	v15 =	vmax.f32 v15, v61;
	v4 =	vsub.f32 v4, v57;
	v7 =	vsub.f32 v57, v7  }
0x28b: {  	v54 =	vld [tilespmem:$0x1FDC0];
	v32 =	vmin.f32 v12, v30;
	v23 =	vmax.f32 v15, v21;
	v15 =	vmin.f32 v25, v26  }
0x28c: {  	v53 =	vld [tilespmem:$0x1FDB0];
	v8 =	vmin.f32 v32, v36;
	v13 =	vmax.f32 v23, v26;
	v4 =	vmax.f32 v4, v7  }
0x28d: {  	v59 =	vld [tilespmem:$0x1FDE0];
	v3 =	vmax.f32 v3, v38;
	v29 =	vmin.f32 v15, v27;
	v28 =	vmax.f32 v13, v27;
	[tilespmem:s19+$0x19110] =	vst v4  }
0x28e: {  	v8 =	vmin.f32 v8, v37;
	v12 =	vmin.f32 v29, v33;
	v7 =	vmax.f32 v28, v33;
	v34 =	vld.idx.msk [tilespmem:v63+s19+$0x120 ss:$0x1], $0xffff  }
0x28f: {  	v45 =	vld [tilespmem:$0x1FD40];
	v3 =	vmax.f32 v3, v43;
	v12 =	vmin.f32 v12, v35;
	v7 =	vmax.f32 v7, v35  }
0x290: {  	v52 =	vld [tilespmem:$0x1FDA0];
	v8 =	vmin.f32 v8, v39;
	v12 =	vmin.f32 v12, v55;
	v7 =	vmax.f32 v7, v55  }
0x291: {  	v60 =	vld [tilespmem:$0x1FDF0];
	v3 =	vmax.f32 v3, v48;
	v12 =	vmin.f32 v12, v20;
	v7 =	vmax.f32 v7, v20  }
0x292: {  	v19 =	vld [tilespmem:$0x1FE10];
	v4 =	vmax.f32 v31, v36;
	v7 =	vmax.f32 v7, v11;
	v11 =	vmin.f32 v12, v11  }
0x293: {  	v61 =	vld [tilespmem:$0x1FE00];
	v4 =	vmax.f32 v4, v37;
	v7 =	vsub.f32 v7, v34;
	v11 =	vsub.f32 v34, v11  }
0x294: {  	v21 =	vld [tilespmem:$0x1FE20];
	v8 =	vmin.f32 v8, v41;
	v3 =	vmax.f32 v3, v50;
	v4 =	vmax.f32 v4, v39  }
0x295: {  	v25 =	vld [tilespmem:$0x1FE60];
	v8 =	vmin.f32 v8, v42;
	v4 =	vmax.f32 v4, v41;
	v7 =	vmax.f32 v7, v11  }
0x296: {  	v32 =	vld [tilespmem:$0x1FEA0];
	v3 =	vmax.f32 v3, v54;
	v8 =	vmin.f32 v8, v45;
	v4 =	vmax.f32 v4, v42;
	[tilespmem:s19+$0x19120] =	vst v7  }
0x297: {  	v3 =	vmax.f32 v3, v59;
	v8 =	vmin.f32 v8, v47;
	v4 =	vmax.f32 v4, v45;
	v46 =	vld.idx.msk [tilespmem:v63+s19+$0x130 ss:$0x1], $0xffff  }
0x298: {  	v23 =	vld [tilespmem:$0x1FE40];
	v3 =	vmax.f32 v3, v60;
	v8 =	vmin.f32 v8, v49;
	v4 =	vmax.f32 v4, v47  }
0x299: {  	v27 =	vld [tilespmem:$0x1FE70];
	v3 =	vmax.f32 v3, v19;
	v12 =	vmin.f32 v22, v38;
	v4 =	vmax.f32 v4, v49  }
0x29a: {  	v8 =	vmin.f32 v8, v24;
	v55 =	vld [tilespmem:$0x1FDD0];
	v4 =	vmax.f32 v4, v24;
	v7 =	vmin.f32 v12, v43  }
0x29b: {  	v29 =	vld [tilespmem:$0x1FE90];
	v8 =	vmin.f32 v8, v10;
	v4 =	vmax.f32 v4, v10;
	v7 =	vmin.f32 v7, v48  }
0x29c: {  	v28 =	vld [tilespmem:$0x1FE80];
	v7 =	vmin.f32 v7, v50;
	v4 =	vsub.f32 v4, v46;
	v8 =	vsub.f32 v46, v8  }
0x29d: {  	v26 =	vmax.f32 v58, v25;
	v33 =	vld [tilespmem:$0x1FEB0];
	v3 =	vmax.f32 v3, v21;
	v7 =	vmin.f32 v7, v54  }
0x29e: {  	v3 =	vmax.f32 v3, v23;
	v22 =	vld [tilespmem:$0x1FE30];
	v7 =	vmin.f32 v7, v59;
	v4 =	vmax.f32 v4, v8  }
0x29f: {  	v3 =	vmax.f32 v3, v9;
	v57 =	vmax.f32 v40, v55;
	v24 =	vld [tilespmem:$0x1FE50];
	v7 =	vmin.f32 v7, v60;
	[tilespmem:s19+$0x19130] =	vst v4  }
0x2a0: {  	v3 =	vmax.f32 v3, v2;
	v18 =	vmax.f32 v57, v61;
	v7 =	vmin.f32 v7, v19;
	v20 =	vld.idx.msk [tilespmem:v63+s19+$0x140 ss:$0x1], $0xffff  }
0x2a1: {  	v35 =	vld [tilespmem:$0x1FEC0];
	v11 =	vmin.f32 v53, v51;
	v12 =	vmin.f32 v44, v55;
	v7 =	vmin.f32 v7, v21  }
0x2a2: {  	v39 =	vld [tilespmem:$0x1FED0];
	v10 =	vmax.f32 v52, v51;
	v12 =	vmin.f32 v12, v61;
	v7 =	vmin.f32 v7, v23  }
0x2a3: {  	v41 =	vld [tilespmem:$0x1FEF0];
	v31 =	vmin.f32 v11, v29;
	v12 =	vmin.f32 v12, v22;
	v7 =	vmin.f32 v7, v9  }
0x2a4: {  	v42 =	vld [tilespmem:$0x1FF00];
	v4 =	vmax.f32 v18, v22;
	v9 =	vmin.f32 v12, v24;
	v2 =	vmin.f32 v7, v2  }
0x2a5: {  	v45 =	vld [tilespmem:$0x1FF30];
	v4 =	vmax.f32 v4, v24;
	v3 =	vsub.f32 v3, v20;
	v2 =	vsub.f32 v20, v2  }
0x2a6: {  	v40 =	vld [tilespmem:$0x1FEE0];
	v30 =	vmax.f32 v10, v29;
	v9 =	vmin.f32 v9, v27;
	v4 =	vmax.f32 v4, v27  }
0x2a7: {  	v47 =	vld [tilespmem:$0x1FF40];
	v9 =	vmin.f32 v9, v28;
	v4 =	vmax.f32 v4, v28;
	v2 =	vmax.f32 v3, v2  }
0x2a8: {  	v44 =	vld [tilespmem:$0x1FF20];
	v10 =	vmin.f32 v31, v33;
	v9 =	vmin.f32 v9, v32;
	v4 =	vmax.f32 v4, v32;
	[tilespmem:s19+$0x19140] =	vst v2  }
0x2a9: {  	v34 =	vmax.f32 v30, v33;
	v37 =	vmin.f32 v9, v35;
	v36 =	vmax.f32 v4, v35;
	v38 =	vld.idx.msk [tilespmem:v63+s19+$0x150 ss:$0x1], $0xffff  }
0x2aa: {  	v43 =	vld [tilespmem:$0x1FF10];
	v10 =	vmin.f32 v10, v41;
	v4 =	vmin.f32 v37, v39;
	v3 =	vmax.f32 v36, v39  }
0x2ab: {  	v52 =	vld [tilespmem:$0x1FF70];
	v4 =	vmin.f32 v4, v40;
	v3 =	vmax.f32 v3, v40;
	v2 =	vmax.f32 v34, v41  }
0x2ac: {  	v50 =	vld [tilespmem:$0x1FF60];
	v4 =	vmin.f32 v4, v14;
	v3 =	vmax.f32 v3, v14;
	v2 =	vmax.f32 v2, v42  }
0x2ad: {  	v48 =	vld [tilespmem:$0x1FF50];
	v3 =	vmax.f32 v3, v1;
	v1 =	vmin.f32 v4, v1;
	v4 =	vmin.f32 v10, v42  }
0x2ae: {  	v54 =	vld [tilespmem:$0x1FF90];
	v2 =	vmax.f32 v2, v44;
	v3 =	vsub.f32 v3, v38;
	v1 =	vsub.f32 v38, v1  }
0x2af: {  	v8 =	vmin.f32 v56, v25;
	v4 =	vmin.f32 v4, v44;
	v2 =	vmax.f32 v2, v45  }
0x2b0: {  	v53 =	vld [tilespmem:$0x1FF80];
	v4 =	vmin.f32 v4, v45;
	v2 =	vmax.f32 v2, v47;
	v1 =	vmax.f32 v3, v1  }
0x2b1: {  	v55 =	vld [tilespmem:$0x1FFA0];
	v46 =	vmin.f32 v8, v43;
	v4 =	vmin.f32 v4, v47;
	v2 =	vmax.f32 v2, v50;
	[tilespmem:s19+$0x19150] =	vst v1  }
0x2b2: {  	v7 =	vmax.f32 v26, v43;
	v4 =	vmin.f32 v4, v50;
	v2 =	vmax.f32 v2, v52;
	v51 =	vld.idx.msk [tilespmem:v63+s19+$0x160 ss:$0x1], $0xffff  }
0x2b3: {  	v56 =	vld [tilespmem:$0x1FFB0];
	v49 =	vmax.f32 v7, v48;
	v4 =	vmin.f32 v4, v52;
	v2 =	vmax.f32 v2, v54  }
0x2b4: {  	v57 =	vld [tilespmem:$0x1FFC0];
	v3 =	vmin.f32 v46, v48;
	v4 =	vmin.f32 v4, v54;
	v2 =	vmax.f32 v2, v17  }
0x2b5: {  	v58 =	vld [tilespmem:$0x1FFD0];
	v1 =	vmax.f32 v49, v53;
	v3 =	vmin.f32 v3, v53;
	v4 =	vmin.f32 v4, v17  }
0x2b6: {  	v59 =	vld [tilespmem:$0x1FFE0];
	v2 =	vmax.f32 v2, v6;
	v1 =	vmax.f32 v1, v55;
	v4 =	vmin.f32 v4, v6  }
0x2b7: {  	v61 =	vld [tilespmem:$0x1FFF0];
	v3 =	vmin.f32 v3, v55;
	v2 =	vsub.f32 v2, v51;
	v4 =	vsub.f32 v51, v4  }
0x2b8: {  	v1 =	vmax.f32 v1, v56;
	v3 =	vmin.f32 v3, v56  }
0x2b9: {  	v1 =	vmax.f32 v1, v57;
	v3 =	vmin.f32 v3, v57;
	v2 =	vmax.f32 v2, v4  }
0x2ba: {  	v1 =	vmax.f32 v1, v58;
	v3 =	vmin.f32 v3, v58;
	[tilespmem:s19+$0x19160] =	vst v2  }
0x2bb: {  	v1 =	vmax.f32 v1, v59;
	v2 =	vmin.f32 v3, v59;
	v60 =	vld.idx.msk [tilespmem:v63+s19+$0x170 ss:$0x1], $0xffff  }
0x2bc: {  	v1 =	vmax.f32 v1, v61;
	v2 =	vmin.f32 v2, v61  }
0x2bd: {  	v1 =	vmax.f32 v1, v62;
	v2 =	vmin.f32 v2, v62  }
0x2be: {  	p0 =	sne.s32 s17, $0x17A00;
	v1 =	vmax.f32 v1, v0;
	v0 =	vmin.f32 v2, v0  }
.Ltmp0:
0x2bf: {  	v1 =	vmax.f32 v1, v5;
	v0 =	vmin.f32 v0, v5;
	(pc) =	sbr.rel @p0 .LBB2_3-.Ltmp0, $3  }
0x2c0: {  	v1 =	vsub.f32 v1, v60;
	v0 =	vsub.f32 v60, v0;
	_ =	sdelay $0x1  }
0x2c1: {  	v0 =	vmax.f32 v1, v0  }
0x2c2: {  	s18 =	sadd.s32 $0x10, s18;
	s17 =	sadd.s32 $0x600, s17;
	[tilespmem:s19+$0x19170] =	vst v0  }
0x2c3: {  	s0 =	smul.u32 $0x6000, s16;
	_ =	sdelay $0x1  }
0x2c4: {  	s16 =	sadd.s32 $0x1, s16;
	s0 =	sadd.s32 s6, s0  }
0x2c5: {  	p0 =	sne.s32 s16, $0x4;
	s0 =	sshrl.u32 s0, $0x3  }
.Ltmp1:
0x2c6: {  	s0 =	sadd.s32 s3, s0;
	(pc) =	sbr.rel @p0 .LBB2_2-.Ltmp1, $4  }
0x2c7: {  	[hbm4b:s0+s2] =	stream.linear.scatter [tilespmem:s12], [sflag:$0x1], $0x6000, $0x38;
	[tilespmem:$0x1F000] =	vst v63  }
0x2c8: {  	_ =	swait.ge [sflag:s10], $0x6000  }
0x2c9: {  	[sflag:s10] =	ssyncset.done $0x0  }
0x2ca: {  	s15 =	sadd.s32 $0x6000, s15;
	s14 =	sadd.s32 $0x400, s14;
	[sflag:s10] =	ssyncadd.s32 $0xFFFFA000  }
0x2cb: {  	s13 =	sadd.s32 $0x1, s13  }
0x2cc: {  	p0 =	sne.s32 s13, s7  }
.Ltmp2:
0x2cd: {  	_ = 	snop;
	(pc) =	sbr.rel @p0 .LBB2_1-.Ltmp2, $1  }
0x2ce: {  	_ =	sdelay $0x3  }
0x2cf: {  	_ =	sfence.sel $0x180000  }
0x2d0: {  	[bflag:$0x0] =	sbarrier.arrive $0xFFFF  }
0x2d1: {  	_ =	strace $0x90000047  }
0x2d2: {  	s0 =	stileid.u32;
	[bflag:$0x2] =	sbarrier.arrive $0xFFFF  }
0x2d3: {  	p0 =	sne.s32 s0, $0x0;
	s0 =	rddreg [dreg:$0x2]  }
0x2d4: {  	s0 =	sadd.s32 @!p0 $0x100000, s0  }
0x2d5: {  	[sflag:s0] =	ssyncadd.tile.s32 @!p0 $0x1;
	_ =	shalt  }
.Lfunc_end2:
_tile_overlayer_lowered:
.L_overlay_start_2:
0x2d6: {  	(tag) =	ssettag $0x2  }
0x2d7: {  	s0 =	rddreg [dreg:$0x0];
	s2 =	stileid.u32  }
0x2d8: {  	s1 =	rddreg [dreg:$0x1];
	p0 =	sne.s32 s2, $0x0  }
0x2d9: {  	s3 =	rddreg [dreg:$0x2];
	[bflag:$0x3] =	sbarrier.arrive $0xFFFF;
	s2 =	simm.s32 @!p0 $0x1C01  }
0x2da: {  	[timem:s3], [sflag:s2] =	dma.local @!p0 [hbm:s0], s1  }
0x2db: {  	s0 =	simm.s32 @!p0 $0x1  }
0x2dc: {  	_ =	swait.ge @!p0 [sflag:s0], s1  }
0x2dd: {  	s1 =	ssub.s32 @!p0 $0x0, s1;
	[sflag:s0] =	ssyncset.done @!p0 $0x0  }
0x2de: {  	[sflag:s0] =	ssyncadd.s32 @!p0 s1  }
0x2df: {  	[bflag:$0x3] =	sbarrier.arrive $0xFFFF  }
0x2e0: {  	_ =	shalt  }

</sc_bundles>
